<compile_context>
chip_gen: v7x
topology: tpu7x:2x2x1
jax: 0.10.2.dev20260603
libtpu: 0.0.44.dev20260713+nightly
codegen_flags: <defaults>
</compile_context>

<pallas_src>
import functools

import jax
import jax.numpy as jnp
from jax import lax
from jax.experimental import pallas as pl
from jax.experimental.pallas import tpu as pltpu
from jax.experimental.pallas import tpu_sc as plsc

B, NN, F, V, D = 16384, 13, 26, 100000, 32
NC, NS = 2, 16
NW = NC * NS
RPW = B // NW
GCH = 128
NCH = RPW // GCH
T = 1 + NN + F
H = D // 16


def _sc_body(tab, xcat, xnum, wts, bias, cls, out,
             idxb, xcb, rows, numbuf, xnb, wbuf, bbuf, clsb, sem):
    wid = lax.axis_index("s") * NC + lax.axis_index("c")
    base = wid * RPW

    pltpu.sync_copy(xcat.at[pl.ds(base, RPW)], xcb)
    basev = lax.iota(jnp.int32, 16)

    def f_body(f, carry):
        fv16 = jnp.full((16,), f, jnp.int32)
        for j in range(RPW // 16):
            iv = basev + (j * 16)
            idxb[pl.ds(j * 16, 16)] = plsc.load_gather(xcb, [iv, fv16]) * 4
        pltpu.async_copy(tab.at[f].at[idxb], rows, sem).wait()
        pltpu.sync_copy(rows, out.at[pl.ds(base, RPW), 1 + NN + f, pl.ds(0, D)])
        return carry

    lax.fori_loop(0, F, f_body, 0)

    pltpu.sync_copy(wts, wbuf)
    pltpu.sync_copy(bias, bbuf)
    pltpu.sync_copy(cls, clsb)

    for c in range(NCH):
        pltpu.sync_copy(xnum.at[pl.ds(base + c * GCH, GCH)], xnb)

        cv = [clsb[0, pl.ds(h * 16, 16)] for h in range(H)]

        def cls_iter(i, carry, cv=cv):
            for h in range(H):
                numbuf[i, 0, pl.ds(h * 16, 16)] = cv[h]
            return carry

        lax.fori_loop(0, GCH, cls_iter, 0)

        for n in range(NN):
            wv = [wbuf[n, pl.ds(h * 16, 16)] for h in range(H)]
            bv = [bbuf[n, pl.ds(h * 16, 16)] for h in range(H)]
            nv = jnp.full((16,), n, jnp.int32)

            def num_iter(i, carry, wv=wv, bv=bv, nv=nv, n=n):
                iv = jnp.full((16,), i, jnp.int32)
                sv = plsc.load_gather(xnb, [iv, nv])
                for h in range(H):
                    numbuf[i, 1 + n, pl.ds(h * 16, 16)] = sv * wv[h] + bv[h]
                return carry

            lax.fori_loop(0, GCH, num_iter, 0)

        pltpu.sync_copy(numbuf, out.at[pl.ds(base + c * GCH, GCH), pl.ds(0, 1 + NN),
                                       pl.ds(0, D)])


@functools.cache
def _sc_call():
    mesh = plsc.VectorSubcoreMesh(core_axis_name="c", subcore_axis_name="s")
    return pl.kernel(
        _sc_body,
        mesh=mesh,
        compiler_params=pltpu.CompilerParams(use_tc_tiling_on_sc=False,
                                             needs_layout_passes=False),
        out_type=jax.ShapeDtypeStruct((B, T, 128), jnp.float32),
        scratch_types=[
            pltpu.VMEM((RPW,), jnp.int32),
            pltpu.VMEM((RPW, F), jnp.int32),
            pltpu.VMEM((RPW, D), jnp.float32),
            pltpu.VMEM((GCH, 1 + NN, D), jnp.float32),
            pltpu.VMEM((GCH, NN), jnp.float32),
            pltpu.VMEM((NN, D), jnp.float32),
            pltpu.VMEM((NN, D), jnp.float32),
            pltpu.VMEM((1, D), jnp.float32),
            pltpu.SemaphoreType.DMA,
        ],
    )


@jax.jit
def _impl(x_num, x_cat, num_weights, num_bias, cat_tables, cls_token):
    cls = cls_token.reshape(1, D)
    tabp = jnp.pad(cat_tables, ((0, 0), (0, 0), (0, 128 - D))).reshape(F, V * 4, D)
    outp = _sc_call()(tabp, x_cat, x_num, num_weights, num_bias, cls)
    return outp[:, :, :D]


def kernel(x_num, x_cat, num_weights, num_bias, cat_tables, cls_token):
    return _impl(x_num, x_cat, num_weights, num_bias, cat_tables, cls_token)

# --- scband reference (transcript-rebuilt; emitter-appended) ---
"""Pipeline reference for scband-feature-tokenizer-65893388255538 (READ-ONLY COPY).

The authoritative reference and input builder live on the scoring server;
editing this copy changes nothing except your own understanding.
"""

import jax, jax.numpy as jnp
import numpy as np

B, NN, F, V, D = 16384, 13, 26, 100000, 32

def setup_inputs(seed: int = 0) -> dict:
    key = jax.random.key(seed)
    k0, k1, k2, k3, k4, k5 = jax.random.split(key, 6)
    x_num = jax.random.normal(k0, (B, NN), dtype=jnp.float32)
    x_cat = jax.random.randint(k1, (B, F), 0, V, dtype=jnp.int32)
    num_weights = jax.random.normal(k2, (NN, D), dtype=jnp.float32)
    num_bias = jax.random.normal(k3, (NN, D), dtype=jnp.float32)
    cat_tables = jax.random.normal(k4, (F, V, D), dtype=jnp.float32)
    cls_token = jax.random.normal(k5, (1, 1, D), dtype=jnp.float32)
    return {
        "x_num": x_num,
        "x_cat": x_cat,
        "num_weights": num_weights,
        "num_bias": num_bias,
        "cat_tables": cat_tables,
        "cls_token": cls_token,
    }

def reference(x_num, x_cat, num_weights, num_bias, cat_tables, cls_token):
    b = x_num.shape[0]
    d = cls_token.shape[-1]
    # numeric feature tokenization: elementwise scale + bias per feature
    x_num_emb = x_num[:, :, None] * num_weights[None, :, :] + num_bias[None, :, :]
    # categorical embedding lookup: per-field gather from stacked tables
    f_idx = jnp.arange(cat_tables.shape[0], dtype=jnp.int32)
    x_cat_emb = cat_tables[f_idx[None, :], x_cat]  # [B, F, D]
    cls = jnp.broadcast_to(cls_token, (b, 1, d))
    return jnp.concatenate([cls, x_num_emb, x_cat_emb], axis=1)

if __name__ == "__main__":
    import jax
    _d = setup_inputs()
    print(jax.jit(kernel)(*tuple(_d.values())))

</pallas_src>

<mosaic_0001>
#map = affine_map<(d0, d1) -> (0, 0, 0)>
#map1 = affine_map<(d0, d1) -> (0, 0)>
module attributes {stable_mosaic.version = 14 : i64} {
  func.func @_sc_body(%arg0: i32, %arg1: i32, %arg2: memref<26x400000x32xf32, #tpu.memory_space<hbm>>, %arg3: memref<16384x26xi32, #tpu.memory_space<hbm>>, %arg4: memref<16384x13xf32, #tpu.memory_space<hbm>>, %arg5: memref<13x32xf32, #tpu.memory_space<hbm>>, %arg6: memref<13x32xf32, #tpu.memory_space<hbm>>, %arg7: memref<1x32xf32, #tpu.memory_space<hbm>>, %arg8: memref<16384x40x128xf32, #tpu.memory_space<hbm>>, %arg9: memref<512xi32, #tpu.memory_space<vmem>>, %arg10: memref<512x26xi32, #tpu.memory_space<vmem>>, %arg11: memref<512x32xf32, #tpu.memory_space<vmem>>, %arg12: memref<128x14x32xf32, #tpu.memory_space<vmem>>, %arg13: memref<128x13xf32, #tpu.memory_space<vmem>>, %arg14: memref<13x32xf32, #tpu.memory_space<vmem>>, %arg15: memref<13x32xf32, #tpu.memory_space<vmem>>, %arg16: memref<1x32xf32, #tpu.memory_space<vmem>>, %arg17: memref<!tpu.dma_semaphore, #tpu.memory_space<semaphore_mem>>) attributes {dimension_semantics = [#tpu.dimension_semantics<core_parallel>, #tpu.dimension_semantics<subcore_parallel>], iteration_bounds = array<i64: 2, 16>, scalar_prefetch = 0 : i64, scratch_operands = 9 : i64, tpu.core_type = #tpu.core_type<sc_vector_subcore>, window_params = [{transform_indices = #map}, {transform_indices = #map1}, {transform_indices = #map1}, {transform_indices = #map1}, {transform_indices = #map1}, {transform_indices = #map1}, {transform_indices = #map}]} {
    %mul3A = arith.constant 2 : i32
    %mul3A_0 = arith.muli %arg1, %mul3A : i32
    %add3A = arith.addi %mul3A_0, %arg0 : i32
    %mul3A_1 = arith.constant 512 : i32
    %mul3A_2 = arith.muli %add3A, %mul3A_1 : i32
    "tpu.region"() ({
      %run_scoped3A = tpu.sem_alloc : memref<!tpu.dma_semaphore, #tpu.memory_space<semaphore_mem>>
      %dma_start3A = arith.constant 0 : i32
      %dma_start3A_1326 = tpu.memref_slice %arg3[%mul3A_2, %dma_start3A] : memref<16384x26xi32, #tpu.memory_space<hbm>> -> memref<512x26xi32, #tpu.memory_space<hbm>>
      %dma_start3A_1327 = arith.constant 0 : i32
      %dma_start3A_1328 = tpu.memref_slice %arg3[%mul3A_2, %dma_start3A_1327] : memref<16384x26xi32, #tpu.memory_space<hbm>> -> memref<512x26xi32, #tpu.memory_space<hbm>>
      tpu.enqueue_dma source(%dma_start3A_1328 : memref<512x26xi32, #tpu.memory_space<hbm>>) target(%arg10 : memref<512x26xi32, #tpu.memory_space<vmem>>) target_semaphore(%run_scoped3A : memref<!tpu.dma_semaphore, #tpu.memory_space<semaphore_mem>>)
      %dma_wait3A = arith.constant 0 : i32
      %dma_wait3A_1329 = tpu.memref_slice %arg3[%mul3A_2, %dma_wait3A] : memref<16384x26xi32, #tpu.memory_space<hbm>> -> memref<512x26xi32, #tpu.memory_space<hbm>>
      %dma_wait3A_1330 = arith.constant 0 : i32
      %dma_wait3A_1331 = tpu.memref_slice %arg3[%mul3A_2, %dma_wait3A_1330] : memref<16384x26xi32, #tpu.memory_space<hbm>> -> memref<512x26xi32, #tpu.memory_space<hbm>>
      tpu.wait_dma2 semaphore(%run_scoped3A : memref<!tpu.dma_semaphore, #tpu.memory_space<semaphore_mem>>) src(%dma_wait3A_1331 : memref<512x26xi32, #tpu.memory_space<hbm>>) dst(%arg10 : memref<512x26xi32, #tpu.memory_space<vmem>>)
      tpu.yield
    }) : () -> ()
    %iota3A = tpu.iota {dimensions = array<i32: 0>} : vector<16xi32>
    %scan3A = arith.constant 0 : i32
    %scan3A_3 = arith.constant 0 : i32
    %scan3A_4 = arith.constant 26 : i32
    %scan3A_5 = arith.addi %scan3A_3, %scan3A_4 : i32
    %scan3A_6 = arith.constant 1 : i32
    scf.for %scan3A_1326 = %scan3A_3 to %scan3A_5 step %scan3A_6  : i32 {
      %broadcast_in_dim3A_1327 = vector.broadcast %scan3A_1326 : i32 to vector<16xi32>
      %add3A_1328 = arith.constant 0 : i32
      %add3A_1329 = vector.broadcast %add3A_1328 : i32 to vector<16xi32>
      %add3A_1330 = arith.addi %iota3A, %add3A_1329 : vector<16xi32>
      %gather3A = tpu.vector_load_idx %arg10[%add3A_1330, %broadcast_in_dim3A_1327] : memref<512x26xi32, #tpu.memory_space<vmem>>[vector<16xi32>, vector<16xi32>], vector<16xi32>,
      %mul3A_1331 = arith.constant 4 : i32
      %mul3A_1332 = vector.broadcast %mul3A_1331 : i32 to vector<16xi32>
      %mul3A_1333 = arith.muli %gather3A, %mul3A_1332 : vector<16xi32>
      %swap3A = arith.constant 0 : index
      %swap3A_1334 = tpu.vector_load %arg9[%swap3A] {strides = array<i32>} : memref<512xi32, #tpu.memory_space<vmem>>, vector<16xi32>,
      tpu.vector_store %arg9[%swap3A], %mul3A_1333 {strides = array<i32>} : memref<512xi32, #tpu.memory_space<vmem>>, vector<16xi32>,
      %add3A_1335 = arith.constant 16 : i32
      %add3A_1336 = vector.broadcast %add3A_1335 : i32 to vector<16xi32>
      %add3A_1337 = arith.addi %iota3A, %add3A_1336 : vector<16xi32>
      %gather3A_1338 = tpu.vector_load_idx %arg10[%add3A_1337, %broadcast_in_dim3A_1327] : memref<512x26xi32, #tpu.memory_space<vmem>>[vector<16xi32>, vector<16xi32>], vector<16xi32>,
      %mul3A_1339 = arith.constant 4 : i32
      %mul3A_1340 = vector.broadcast %mul3A_1339 : i32 to vector<16xi32>
      %mul3A_1341 = arith.muli %gather3A_1338, %mul3A_1340 : vector<16xi32>
      %swap3A_1342 = arith.constant 16 : index
      %swap3A_1343 = tpu.vector_load %arg9[%swap3A_1342] {strides = array<i32>} : memref<512xi32, #tpu.memory_space<vmem>>, vector<16xi32>,
      tpu.vector_store %arg9[%swap3A_1342], %mul3A_1341 {strides = array<i32>} : memref<512xi32, #tpu.memory_space<vmem>>, vector<16xi32>,
      %add3A_1344 = arith.constant 32 : i32
      %add3A_1345 = vector.broadcast %add3A_1344 : i32 to vector<16xi32>
      %add3A_1346 = arith.addi %iota3A, %add3A_1345 : vector<16xi32>
      %gather3A_1347 = tpu.vector_load_idx %arg10[%add3A_1346, %broadcast_in_dim3A_1327] : memref<512x26xi32, #tpu.memory_space<vmem>>[vector<16xi32>, vector<16xi32>], vector<16xi32>,
      %mul3A_1348 = arith.constant 4 : i32
      %mul3A_1349 = vector.broadcast %mul3A_1348 : i32 to vector<16xi32>
      %mul3A_1350 = arith.muli %gather3A_1347, %mul3A_1349 : vector<16xi32>
      %swap3A_1351 = arith.constant 32 : index
      %swap3A_1352 = tpu.vector_load %arg9[%swap3A_1351] {strides = array<i32>} : memref<512xi32, #tpu.memory_space<vmem>>, vector<16xi32>,
      tpu.vector_store %arg9[%swap3A_1351], %mul3A_1350 {strides = array<i32>} : memref<512xi32, #tpu.memory_space<vmem>>, vector<16xi32>,
      %add3A_1353 = arith.constant 48 : i32
      %add3A_1354 = vector.broadcast %add3A_1353 : i32 to vector<16xi32>
      %add3A_1355 = arith.addi %iota3A, %add3A_1354 : vector<16xi32>
      %gather3A_1356 = tpu.vector_load_idx %arg10[%add3A_1355, %broadcast_in_dim3A_1327] : memref<512x26xi32, #tpu.memory_space<vmem>>[vector<16xi32>, vector<16xi32>], vector<16xi32>,
      %mul3A_1357 = arith.constant 4 : i32
      %mul3A_1358 = vector.broadcast %mul3A_1357 : i32 to vector<16xi32>
      %mul3A_1359 = arith.muli %gather3A_1356, %mul3A_1358 : vector<16xi32>
      %swap3A_1360 = arith.constant 48 : index
      %swap3A_1361 = tpu.vector_load %arg9[%swap3A_1360] {strides = array<i32>} : memref<512xi32, #tpu.memory_space<vmem>>, vector<16xi32>,
      tpu.vector_store %arg9[%swap3A_1360], %mul3A_1359 {strides = array<i32>} : memref<512xi32, #tpu.memory_space<vmem>>, vector<16xi32>,
      %add3A_1362 = arith.constant 64 : i32
      %add3A_1363 = vector.broadcast %add3A_1362 : i32 to vector<16xi32>
      %add3A_1364 = arith.addi %iota3A, %add3A_1363 : vector<16xi32>
      %gather3A_1365 = tpu.vector_load_idx %arg10[%add3A_1364, %broadcast_in_dim3A_1327] : memref<512x26xi32, #tpu.memory_space<vmem>>[vector<16xi32>, vector<16xi32>], vector<16xi32>,
      %mul3A_1366 = arith.constant 4 : i32
      %mul3A_1367 = vector.broadcast %mul3A_1366 : i32 to vector<16xi32>
      %mul3A_1368 = arith.muli %gather3A_1365, %mul3A_1367 : vector<16xi32>
      %swap3A_1369 = arith.constant 64 : index
      %swap3A_1370 = tpu.vector_load %arg9[%swap3A_1369] {strides = array<i32>} : memref<512xi32, #tpu.memory_space<vmem>>, vector<16xi32>,
      tpu.vector_store %arg9[%swap3A_1369], %mul3A_1368 {strides = array<i32>} : memref<512xi32, #tpu.memory_space<vmem>>, vector<16xi32>,
      %add3A_1371 = arith.constant 80 : i32
      %add3A_1372 = vector.broadcast %add3A_1371 : i32 to vector<16xi32>
      %add3A_1373 = arith.addi %iota3A, %add3A_1372 : vector<16xi32>
      %gather3A_1374 = tpu.vector_load_idx %arg10[%add3A_1373, %broadcast_in_dim3A_1327] : memref<512x26xi32, #tpu.memory_space<vmem>>[vector<16xi32>, vector<16xi32>], vector<16xi32>,
      %mul3A_1375 = arith.constant 4 : i32
      %mul3A_1376 = vector.broadcast %mul3A_1375 : i32 to vector<16xi32>
      %mul3A_1377 = arith.muli %gather3A_1374, %mul3A_1376 : vector<16xi32>
      %swap3A_1378 = arith.constant 80 : index
      %swap3A_1379 = tpu.vector_load %arg9[%swap3A_1378] {strides = array<i32>} : memref<512xi32, #tpu.memory_space<vmem>>, vector<16xi32>,
      tpu.vector_store %arg9[%swap3A_1378], %mul3A_1377 {strides = array<i32>} : memref<512xi32, #tpu.memory_space<vmem>>, vector<16xi32>,
      %add3A_1380 = arith.constant 96 : i32
      %add3A_1381 = vector.broadcast %add3A_1380 : i32 to vector<16xi32>
      %add3A_1382 = arith.addi %iota3A, %add3A_1381 : vector<16xi32>
      %gather3A_1383 = tpu.vector_load_idx %arg10[%add3A_1382, %broadcast_in_dim3A_1327] : memref<512x26xi32, #tpu.memory_space<vmem>>[vector<16xi32>, vector<16xi32>], vector<16xi32>,
      %mul3A_1384 = arith.constant 4 : i32
      %mul3A_1385 = vector.broadcast %mul3A_1384 : i32 to vector<16xi32>
      %mul3A_1386 = arith.muli %gather3A_1383, %mul3A_1385 : vector<16xi32>
      %swap3A_1387 = arith.constant 96 : index
      %swap3A_1388 = tpu.vector_load %arg9[%swap3A_1387] {strides = array<i32>} : memref<512xi32, #tpu.memory_space<vmem>>, vector<16xi32>,
      tpu.vector_store %arg9[%swap3A_1387], %mul3A_1386 {strides = array<i32>} : memref<512xi32, #tpu.memory_space<vmem>>, vector<16xi32>,
      %add3A_1389 = arith.constant 112 : i32
      %add3A_1390 = vector.broadcast %add3A_1389 : i32 to vector<16xi32>
      %add3A_1391 = arith.addi %iota3A, %add3A_1390 : vector<16xi32>
      %gather3A_1392 = tpu.vector_load_idx %arg10[%add3A_1391, %broadcast_in_dim3A_1327] : memref<512x26xi32, #tpu.memory_space<vmem>>[vector<16xi32>, vector<16xi32>], vector<16xi32>,
      %mul3A_1393 = arith.constant 4 : i32
      %mul3A_1394 = vector.broadcast %mul3A_1393 : i32 to vector<16xi32>
      %mul3A_1395 = arith.muli %gather3A_1392, %mul3A_1394 : vector<16xi32>
      %swap3A_1396 = arith.constant 112 : index
      %swap3A_1397 = tpu.vector_load %arg9[%swap3A_1396] {strides = array<i32>} : memref<512xi32, #tpu.memory_space<vmem>>, vector<16xi32>,
      tpu.vector_store %arg9[%swap3A_1396], %mul3A_1395 {strides = array<i32>} : memref<512xi32, #tpu.memory_space<vmem>>, vector<16xi32>,
      %add3A_1398 = arith.constant 128 : i32
      %add3A_1399 = vector.broadcast %add3A_1398 : i32 to vector<16xi32>
      %add3A_1400 = arith.addi %iota3A, %add3A_1399 : vector<16xi32>
      %gather3A_1401 = tpu.vector_load_idx %arg10[%add3A_1400, %broadcast_in_dim3A_1327] : memref<512x26xi32, #tpu.memory_space<vmem>>[vector<16xi32>, vector<16xi32>], vector<16xi32>,
      %mul3A_1402 = arith.constant 4 : i32
      %mul3A_1403 = vector.broadcast %mul3A_1402 : i32 to vector<16xi32>
      %mul3A_1404 = arith.muli %gather3A_1401, %mul3A_1403 : vector<16xi32>
      %swap3A_1405 = arith.constant 128 : index
      %swap3A_1406 = tpu.vector_load %arg9[%swap3A_1405] {strides = array<i32>} : memref<512xi32, #tpu.memory_space<vmem>>, vector<16xi32>,
      tpu.vector_store %arg9[%swap3A_1405], %mul3A_1404 {strides = array<i32>} : memref<512xi32, #tpu.memory_space<vmem>>, vector<16xi32>,
      %add3A_1407 = arith.constant 144 : i32
      %add3A_1408 = vector.broadcast %add3A_1407 : i32 to vector<16xi32>
      %add3A_1409 = arith.addi %iota3A, %add3A_1408 : vector<16xi32>
      %gather3A_1410 = tpu.vector_load_idx %arg10[%add3A_1409, %broadcast_in_dim3A_1327] : memref<512x26xi32, #tpu.memory_space<vmem>>[vector<16xi32>, vector<16xi32>], vector<16xi32>,
      %mul3A_1411 = arith.constant 4 : i32
      %mul3A_1412 = vector.broadcast %mul3A_1411 : i32 to vector<16xi32>
      %mul3A_1413 = arith.muli %gather3A_1410, %mul3A_1412 : vector<16xi32>
      %swap3A_1414 = arith.constant 144 : index
      %swap3A_1415 = tpu.vector_load %arg9[%swap3A_1414] {strides = array<i32>} : memref<512xi32, #tpu.memory_space<vmem>>, vector<16xi32>,
      tpu.vector_store %arg9[%swap3A_1414], %mul3A_1413 {strides = array<i32>} : memref<512xi32, #tpu.memory_space<vmem>>, vector<16xi32>,
      %add3A_1416 = arith.constant 160 : i32
      %add3A_1417 = vector.broadcast %add3A_1416 : i32 to vector<16xi32>
      %add3A_1418 = arith.addi %iota3A, %add3A_1417 : vector<16xi32>
      %gather3A_1419 = tpu.vector_load_idx %arg10[%add3A_1418, %broadcast_in_dim3A_1327] : memref<512x26xi32, #tpu.memory_space<vmem>>[vector<16xi32>, vector<16xi32>], vector<16xi32>,
      %mul3A_1420 = arith.constant 4 : i32
      %mul3A_1421 = vector.broadcast %mul3A_1420 : i32 to vector<16xi32>
      %mul3A_1422 = arith.muli %gather3A_1419, %mul3A_1421 : vector<16xi32>
      %swap3A_1423 = arith.constant 160 : index
      %swap3A_1424 = tpu.vector_load %arg9[%swap3A_1423] {strides = array<i32>} : memref<512xi32, #tpu.memory_space<vmem>>, vector<16xi32>,
      tpu.vector_store %arg9[%swap3A_1423], %mul3A_1422 {strides = array<i32>} : memref<512xi32, #tpu.memory_space<vmem>>, vector<16xi32>,
      %add3A_1425 = arith.constant 176 : i32
      %add3A_1426 = vector.broadcast %add3A_1425 : i32 to vector<16xi32>
      %add3A_1427 = arith.addi %iota3A, %add3A_1426 : vector<16xi32>
      %gather3A_1428 = tpu.vector_load_idx %arg10[%add3A_1427, %broadcast_in_dim3A_1327] : memref<512x26xi32, #tpu.memory_space<vmem>>[vector<16xi32>, vector<16xi32>], vector<16xi32>,
      %mul3A_1429 = arith.constant 4 : i32
      %mul3A_1430 = vector.broadcast %mul3A_1429 : i32 to vector<16xi32>
      %mul3A_1431 = arith.muli %gather3A_1428, %mul3A_1430 : vector<16xi32>
      %swap3A_1432 = arith.constant 176 : index
      %swap3A_1433 = tpu.vector_load %arg9[%swap3A_1432] {strides = array<i32>} : memref<512xi32, #tpu.memory_space<vmem>>, vector<16xi32>,
      tpu.vector_store %arg9[%swap3A_1432], %mul3A_1431 {strides = array<i32>} : memref<512xi32, #tpu.memory_space<vmem>>, vector<16xi32>,
      %add3A_1434 = arith.constant 192 : i32
      %add3A_1435 = vector.broadcast %add3A_1434 : i32 to vector<16xi32>
      %add3A_1436 = arith.addi %iota3A, %add3A_1435 : vector<16xi32>
      %gather3A_1437 = tpu.vector_load_idx %arg10[%add3A_1436, %broadcast_in_dim3A_1327] : memref<512x26xi32, #tpu.memory_space<vmem>>[vector<16xi32>, vector<16xi32>], vector<16xi32>,
      %mul3A_1438 = arith.constant 4 : i32
      %mul3A_1439 = vector.broadcast %mul3A_1438 : i32 to vector<16xi32>
      %mul3A_1440 = arith.muli %gather3A_1437, %mul3A_1439 : vector<16xi32>
      %swap3A_1441 = arith.constant 192 : index
      %swap3A_1442 = tpu.vector_load %arg9[%swap3A_1441] {strides = array<i32>} : memref<512xi32, #tpu.memory_space<vmem>>, vector<16xi32>,
      tpu.vector_store %arg9[%swap3A_1441], %mul3A_1440 {strides = array<i32>} : memref<512xi32, #tpu.memory_space<vmem>>, vector<16xi32>,
      %add3A_1443 = arith.constant 208 : i32
      %add3A_1444 = vector.broadcast %add3A_1443 : i32 to vector<16xi32>
      %add3A_1445 = arith.addi %iota3A, %add3A_1444 : vector<16xi32>
      %gather3A_1446 = tpu.vector_load_idx %arg10[%add3A_1445, %broadcast_in_dim3A_1327] : memref<512x26xi32, #tpu.memory_space<vmem>>[vector<16xi32>, vector<16xi32>], vector<16xi32>,
      %mul3A_1447 = arith.constant 4 : i32
      %mul3A_1448 = vector.broadcast %mul3A_1447 : i32 to vector<16xi32>
      %mul3A_1449 = arith.muli %gather3A_1446, %mul3A_1448 : vector<16xi32>
      %swap3A_1450 = arith.constant 208 : index
      %swap3A_1451 = tpu.vector_load %arg9[%swap3A_1450] {strides = array<i32>} : memref<512xi32, #tpu.memory_space<vmem>>, vector<16xi32>,
      tpu.vector_store %arg9[%swap3A_1450], %mul3A_1449 {strides = array<i32>} : memref<512xi32, #tpu.memory_space<vmem>>, vector<16xi32>,
      %add3A_1452 = arith.constant 224 : i32
      %add3A_1453 = vector.broadcast %add3A_1452 : i32 to vector<16xi32>
      %add3A_1454 = arith.addi %iota3A, %add3A_1453 : vector<16xi32>
      %gather3A_1455 = tpu.vector_load_idx %arg10[%add3A_1454, %broadcast_in_dim3A_1327] : memref<512x26xi32, #tpu.memory_space<vmem>>[vector<16xi32>, vector<16xi32>], vector<16xi32>,
      %mul3A_1456 = arith.constant 4 : i32
      %mul3A_1457 = vector.broadcast %mul3A_1456 : i32 to vector<16xi32>
      %mul3A_1458 = arith.muli %gather3A_1455, %mul3A_1457 : vector<16xi32>
      %swap3A_1459 = arith.constant 224 : index
      %swap3A_1460 = tpu.vector_load %arg9[%swap3A_1459] {strides = array<i32>} : memref<512xi32, #tpu.memory_space<vmem>>, vector<16xi32>,
      tpu.vector_store %arg9[%swap3A_1459], %mul3A_1458 {strides = array<i32>} : memref<512xi32, #tpu.memory_space<vmem>>, vector<16xi32>,
      %add3A_1461 = arith.constant 240 : i32
      %add3A_1462 = vector.broadcast %add3A_1461 : i32 to vector<16xi32>
      %add3A_1463 = arith.addi %iota3A, %add3A_1462 : vector<16xi32>
      %gather3A_1464 = tpu.vector_load_idx %arg10[%add3A_1463, %broadcast_in_dim3A_1327] : memref<512x26xi32, #tpu.memory_space<vmem>>[vector<16xi32>, vector<16xi32>], vector<16xi32>,
      %mul3A_1465 = arith.constant 4 : i32
      %mul3A_1466 = vector.broadcast %mul3A_1465 : i32 to vector<16xi32>
      %mul3A_1467 = arith.muli %gather3A_1464, %mul3A_1466 : vector<16xi32>
      %swap3A_1468 = arith.constant 240 : index
      %swap3A_1469 = tpu.vector_load %arg9[%swap3A_1468] {strides = array<i32>} : memref<512xi32, #tpu.memory_space<vmem>>, vector<16xi32>,
      tpu.vector_store %arg9[%swap3A_1468], %mul3A_1467 {strides = array<i32>} : memref<512xi32, #tpu.memory_space<vmem>>, vector<16xi32>,
      %add3A_1470 = arith.constant 256 : i32
      %add3A_1471 = vector.broadcast %add3A_1470 : i32 to vector<16xi32>
      %add3A_1472 = arith.addi %iota3A, %add3A_1471 : vector<16xi32>
      %gather3A_1473 = tpu.vector_load_idx %arg10[%add3A_1472, %broadcast_in_dim3A_1327] : memref<512x26xi32, #tpu.memory_space<vmem>>[vector<16xi32>, vector<16xi32>], vector<16xi32>,
      %mul3A_1474 = arith.constant 4 : i32
      %mul3A_1475 = vector.broadcast %mul3A_1474 : i32 to vector<16xi32>
      %mul3A_1476 = arith.muli %gather3A_1473, %mul3A_1475 : vector<16xi32>
      %swap3A_1477 = arith.constant 256 : index
      %swap3A_1478 = tpu.vector_load %arg9[%swap3A_1477] {strides = array<i32>} : memref<512xi32, #tpu.memory_space<vmem>>, vector<16xi32>,
      tpu.vector_store %arg9[%swap3A_1477], %mul3A_1476 {strides = array<i32>} : memref<512xi32, #tpu.memory_space<vmem>>, vector<16xi32>,
      %add3A_1479 = arith.constant 272 : i32
      %add3A_1480 = vector.broadcast %add3A_1479 : i32 to vector<16xi32>
      %add3A_1481 = arith.addi %iota3A, %add3A_1480 : vector<16xi32>
      %gather3A_1482 = tpu.vector_load_idx %arg10[%add3A_1481, %broadcast_in_dim3A_1327] : memref<512x26xi32, #tpu.memory_space<vmem>>[vector<16xi32>, vector<16xi32>], vector<16xi32>,
      %mul3A_1483 = arith.constant 4 : i32
      %mul3A_1484 = vector.broadcast %mul3A_1483 : i32 to vector<16xi32>
      %mul3A_1485 = arith.muli %gather3A_1482, %mul3A_1484 : vector<16xi32>
      %swap3A_1486 = arith.constant 272 : index
      %swap3A_1487 = tpu.vector_load %arg9[%swap3A_1486] {strides = array<i32>} : memref<512xi32, #tpu.memory_space<vmem>>, vector<16xi32>,
      tpu.vector_store %arg9[%swap3A_1486], %mul3A_1485 {strides = array<i32>} : memref<512xi32, #tpu.memory_space<vmem>>, vector<16xi32>,
      %add3A_1488 = arith.constant 288 : i32
      %add3A_1489 = vector.broadcast %add3A_1488 : i32 to vector<16xi32>
      %add3A_1490 = arith.addi %iota3A, %add3A_1489 : vector<16xi32>
      %gather3A_1491 = tpu.vector_load_idx %arg10[%add3A_1490, %broadcast_in_dim3A_1327] : memref<512x26xi32, #tpu.memory_space<vmem>>[vector<16xi32>, vector<16xi32>], vector<16xi32>,
      %mul3A_1492 = arith.constant 4 : i32
      %mul3A_1493 = vector.broadcast %mul3A_1492 : i32 to vector<16xi32>
      %mul3A_1494 = arith.muli %gather3A_1491, %mul3A_1493 : vector<16xi32>
      %swap3A_1495 = arith.constant 288 : index
      %swap3A_1496 = tpu.vector_load %arg9[%swap3A_1495] {strides = array<i32>} : memref<512xi32, #tpu.memory_space<vmem>>, vector<16xi32>,
      tpu.vector_store %arg9[%swap3A_1495], %mul3A_1494 {strides = array<i32>} : memref<512xi32, #tpu.memory_space<vmem>>, vector<16xi32>,
      %add3A_1497 = arith.constant 304 : i32
      %add3A_1498 = vector.broadcast %add3A_1497 : i32 to vector<16xi32>
      %add3A_1499 = arith.addi %iota3A, %add3A_1498 : vector<16xi32>
      %gather3A_1500 = tpu.vector_load_idx %arg10[%add3A_1499, %broadcast_in_dim3A_1327] : memref<512x26xi32, #tpu.memory_space<vmem>>[vector<16xi32>, vector<16xi32>], vector<16xi32>,
      %mul3A_1501 = arith.constant 4 : i32
      %mul3A_1502 = vector.broadcast %mul3A_1501 : i32 to vector<16xi32>
      %mul3A_1503 = arith.muli %gather3A_1500, %mul3A_1502 : vector<16xi32>
      %swap3A_1504 = arith.constant 304 : index
      %swap3A_1505 = tpu.vector_load %arg9[%swap3A_1504] {strides = array<i32>} : memref<512xi32, #tpu.memory_space<vmem>>, vector<16xi32>,
      tpu.vector_store %arg9[%swap3A_1504], %mul3A_1503 {strides = array<i32>} : memref<512xi32, #tpu.memory_space<vmem>>, vector<16xi32>,
      %add3A_1506 = arith.constant 320 : i32
      %add3A_1507 = vector.broadcast %add3A_1506 : i32 to vector<16xi32>
      %add3A_1508 = arith.addi %iota3A, %add3A_1507 : vector<16xi32>
      %gather3A_1509 = tpu.vector_load_idx %arg10[%add3A_1508, %broadcast_in_dim3A_1327] : memref<512x26xi32, #tpu.memory_space<vmem>>[vector<16xi32>, vector<16xi32>], vector<16xi32>,
      %mul3A_1510 = arith.constant 4 : i32
      %mul3A_1511 = vector.broadcast %mul3A_1510 : i32 to vector<16xi32>
      %mul3A_1512 = arith.muli %gather3A_1509, %mul3A_1511 : vector<16xi32>
      %swap3A_1513 = arith.constant 320 : index
      %swap3A_1514 = tpu.vector_load %arg9[%swap3A_1513] {strides = array<i32>} : memref<512xi32, #tpu.memory_space<vmem>>, vector<16xi32>,
      tpu.vector_store %arg9[%swap3A_1513], %mul3A_1512 {strides = array<i32>} : memref<512xi32, #tpu.memory_space<vmem>>, vector<16xi32>,
      %add3A_1515 = arith.constant 336 : i32
      %add3A_1516 = vector.broadcast %add3A_1515 : i32 to vector<16xi32>
      %add3A_1517 = arith.addi %iota3A, %add3A_1516 : vector<16xi32>
      %gather3A_1518 = tpu.vector_load_idx %arg10[%add3A_1517, %broadcast_in_dim3A_1327] : memref<512x26xi32, #tpu.memory_space<vmem>>[vector<16xi32>, vector<16xi32>], vector<16xi32>,
      %mul3A_1519 = arith.constant 4 : i32
      %mul3A_1520 = vector.broadcast %mul3A_1519 : i32 to vector<16xi32>
      %mul3A_1521 = arith.muli %gather3A_1518, %mul3A_1520 : vector<16xi32>
      %swap3A_1522 = arith.constant 336 : index
      %swap3A_1523 = tpu.vector_load %arg9[%swap3A_1522] {strides = array<i32>} : memref<512xi32, #tpu.memory_space<vmem>>, vector<16xi32>,
      tpu.vector_store %arg9[%swap3A_1522], %mul3A_1521 {strides = array<i32>} : memref<512xi32, #tpu.memory_space<vmem>>, vector<16xi32>,
      %add3A_1524 = arith.constant 352 : i32
      %add3A_1525 = vector.broadcast %add3A_1524 : i32 to vector<16xi32>
      %add3A_1526 = arith.addi %iota3A, %add3A_1525 : vector<16xi32>
      %gather3A_1527 = tpu.vector_load_idx %arg10[%add3A_1526, %broadcast_in_dim3A_1327] : memref<512x26xi32, #tpu.memory_space<vmem>>[vector<16xi32>, vector<16xi32>], vector<16xi32>,
      %mul3A_1528 = arith.constant 4 : i32
      %mul3A_1529 = vector.broadcast %mul3A_1528 : i32 to vector<16xi32>
      %mul3A_1530 = arith.muli %gather3A_1527, %mul3A_1529 : vector<16xi32>
      %swap3A_1531 = arith.constant 352 : index
      %swap3A_1532 = tpu.vector_load %arg9[%swap3A_1531] {strides = array<i32>} : memref<512xi32, #tpu.memory_space<vmem>>, vector<16xi32>,
      tpu.vector_store %arg9[%swap3A_1531], %mul3A_1530 {strides = array<i32>} : memref<512xi32, #tpu.memory_space<vmem>>, vector<16xi32>,
      %add3A_1533 = arith.constant 368 : i32
      %add3A_1534 = vector.broadcast %add3A_1533 : i32 to vector<16xi32>
      %add3A_1535 = arith.addi %iota3A, %add3A_1534 : vector<16xi32>
      %gather3A_1536 = tpu.vector_load_idx %arg10[%add3A_1535, %broadcast_in_dim3A_1327] : memref<512x26xi32, #tpu.memory_space<vmem>>[vector<16xi32>, vector<16xi32>], vector<16xi32>,
      %mul3A_1537 = arith.constant 4 : i32
      %mul3A_1538 = vector.broadcast %mul3A_1537 : i32 to vector<16xi32>
      %mul3A_1539 = arith.muli %gather3A_1536, %mul3A_1538 : vector<16xi32>
      %swap3A_1540 = arith.constant 368 : index
      %swap3A_1541 = tpu.vector_load %arg9[%swap3A_1540] {strides = array<i32>} : memref<512xi32, #tpu.memory_space<vmem>>, vector<16xi32>,
      tpu.vector_store %arg9[%swap3A_1540], %mul3A_1539 {strides = array<i32>} : memref<512xi32, #tpu.memory_space<vmem>>, vector<16xi32>,
      %add3A_1542 = arith.constant 384 : i32
      %add3A_1543 = vector.broadcast %add3A_1542 : i32 to vector<16xi32>
      %add3A_1544 = arith.addi %iota3A, %add3A_1543 : vector<16xi32>
      %gather3A_1545 = tpu.vector_load_idx %arg10[%add3A_1544, %broadcast_in_dim3A_1327] : memref<512x26xi32, #tpu.memory_space<vmem>>[vector<16xi32>, vector<16xi32>], vector<16xi32>,
      %mul3A_1546 = arith.constant 4 : i32
      %mul3A_1547 = vector.broadcast %mul3A_1546 : i32 to vector<16xi32>
      %mul3A_1548 = arith.muli %gather3A_1545, %mul3A_1547 : vector<16xi32>
      %swap3A_1549 = arith.constant 384 : index
      %swap3A_1550 = tpu.vector_load %arg9[%swap3A_1549] {strides = array<i32>} : memref<512xi32, #tpu.memory_space<vmem>>, vector<16xi32>,
      tpu.vector_store %arg9[%swap3A_1549], %mul3A_1548 {strides = array<i32>} : memref<512xi32, #tpu.memory_space<vmem>>, vector<16xi32>,
      %add3A_1551 = arith.constant 400 : i32
      %add3A_1552 = vector.broadcast %add3A_1551 : i32 to vector<16xi32>
      %add3A_1553 = arith.addi %iota3A, %add3A_1552 : vector<16xi32>
      %gather3A_1554 = tpu.vector_load_idx %arg10[%add3A_1553, %broadcast_in_dim3A_1327] : memref<512x26xi32, #tpu.memory_space<vmem>>[vector<16xi32>, vector<16xi32>], vector<16xi32>,
      %mul3A_1555 = arith.constant 4 : i32
      %mul3A_1556 = vector.broadcast %mul3A_1555 : i32 to vector<16xi32>
      %mul3A_1557 = arith.muli %gather3A_1554, %mul3A_1556 : vector<16xi32>
      %swap3A_1558 = arith.constant 400 : index
      %swap3A_1559 = tpu.vector_load %arg9[%swap3A_1558] {strides = array<i32>} : memref<512xi32, #tpu.memory_space<vmem>>, vector<16xi32>,
      tpu.vector_store %arg9[%swap3A_1558], %mul3A_1557 {strides = array<i32>} : memref<512xi32, #tpu.memory_space<vmem>>, vector<16xi32>,
      %add3A_1560 = arith.constant 416 : i32
      %add3A_1561 = vector.broadcast %add3A_1560 : i32 to vector<16xi32>
      %add3A_1562 = arith.addi %iota3A, %add3A_1561 : vector<16xi32>
      %gather3A_1563 = tpu.vector_load_idx %arg10[%add3A_1562, %broadcast_in_dim3A_1327] : memref<512x26xi32, #tpu.memory_space<vmem>>[vector<16xi32>, vector<16xi32>], vector<16xi32>,
      %mul3A_1564 = arith.constant 4 : i32
      %mul3A_1565 = vector.broadcast %mul3A_1564 : i32 to vector<16xi32>
      %mul3A_1566 = arith.muli %gather3A_1563, %mul3A_1565 : vector<16xi32>
      %swap3A_1567 = arith.constant 416 : index
      %swap3A_1568 = tpu.vector_load %arg9[%swap3A_1567] {strides = array<i32>} : memref<512xi32, #tpu.memory_space<vmem>>, vector<16xi32>,
      tpu.vector_store %arg9[%swap3A_1567], %mul3A_1566 {strides = array<i32>} : memref<512xi32, #tpu.memory_space<vmem>>, vector<16xi32>,
      %add3A_1569 = arith.constant 432 : i32
      %add3A_1570 = vector.broadcast %add3A_1569 : i32 to vector<16xi32>
      %add3A_1571 = arith.addi %iota3A, %add3A_1570 : vector<16xi32>
      %gather3A_1572 = tpu.vector_load_idx %arg10[%add3A_1571, %broadcast_in_dim3A_1327] : memref<512x26xi32, #tpu.memory_space<vmem>>[vector<16xi32>, vector<16xi32>], vector<16xi32>,
      %mul3A_1573 = arith.constant 4 : i32
      %mul3A_1574 = vector.broadcast %mul3A_1573 : i32 to vector<16xi32>
      %mul3A_1575 = arith.muli %gather3A_1572, %mul3A_1574 : vector<16xi32>
      %swap3A_1576 = arith.constant 432 : index
      %swap3A_1577 = tpu.vector_load %arg9[%swap3A_1576] {strides = array<i32>} : memref<512xi32, #tpu.memory_space<vmem>>, vector<16xi32>,
      tpu.vector_store %arg9[%swap3A_1576], %mul3A_1575 {strides = array<i32>} : memref<512xi32, #tpu.memory_space<vmem>>, vector<16xi32>,
      %add3A_1578 = arith.constant 448 : i32
      %add3A_1579 = vector.broadcast %add3A_1578 : i32 to vector<16xi32>
      %add3A_1580 = arith.addi %iota3A, %add3A_1579 : vector<16xi32>
      %gather3A_1581 = tpu.vector_load_idx %arg10[%add3A_1580, %broadcast_in_dim3A_1327] : memref<512x26xi32, #tpu.memory_space<vmem>>[vector<16xi32>, vector<16xi32>], vector<16xi32>,
      %mul3A_1582 = arith.constant 4 : i32
      %mul3A_1583 = vector.broadcast %mul3A_1582 : i32 to vector<16xi32>
      %mul3A_1584 = arith.muli %gather3A_1581, %mul3A_1583 : vector<16xi32>
      %swap3A_1585 = arith.constant 448 : index
      %swap3A_1586 = tpu.vector_load %arg9[%swap3A_1585] {strides = array<i32>} : memref<512xi32, #tpu.memory_space<vmem>>, vector<16xi32>,
      tpu.vector_store %arg9[%swap3A_1585], %mul3A_1584 {strides = array<i32>} : memref<512xi32, #tpu.memory_space<vmem>>, vector<16xi32>,
      %add3A_1587 = arith.constant 464 : i32
      %add3A_1588 = vector.broadcast %add3A_1587 : i32 to vector<16xi32>
      %add3A_1589 = arith.addi %iota3A, %add3A_1588 : vector<16xi32>
      %gather3A_1590 = tpu.vector_load_idx %arg10[%add3A_1589, %broadcast_in_dim3A_1327] : memref<512x26xi32, #tpu.memory_space<vmem>>[vector<16xi32>, vector<16xi32>], vector<16xi32>,
      %mul3A_1591 = arith.constant 4 : i32
      %mul3A_1592 = vector.broadcast %mul3A_1591 : i32 to vector<16xi32>
      %mul3A_1593 = arith.muli %gather3A_1590, %mul3A_1592 : vector<16xi32>
      %swap3A_1594 = arith.constant 464 : index
      %swap3A_1595 = tpu.vector_load %arg9[%swap3A_1594] {strides = array<i32>} : memref<512xi32, #tpu.memory_space<vmem>>, vector<16xi32>,
      tpu.vector_store %arg9[%swap3A_1594], %mul3A_1593 {strides = array<i32>} : memref<512xi32, #tpu.memory_space<vmem>>, vector<16xi32>,
      %add3A_1596 = arith.constant 480 : i32
      %add3A_1597 = vector.broadcast %add3A_1596 : i32 to vector<16xi32>
      %add3A_1598 = arith.addi %iota3A, %add3A_1597 : vector<16xi32>
      %gather3A_1599 = tpu.vector_load_idx %arg10[%add3A_1598, %broadcast_in_dim3A_1327] : memref<512x26xi32, #tpu.memory_space<vmem>>[vector<16xi32>, vector<16xi32>], vector<16xi32>,
      %mul3A_1600 = arith.constant 4 : i32
      %mul3A_1601 = vector.broadcast %mul3A_1600 : i32 to vector<16xi32>
      %mul3A_1602 = arith.muli %gather3A_1599, %mul3A_1601 : vector<16xi32>
      %swap3A_1603 = arith.constant 480 : index
      %swap3A_1604 = tpu.vector_load %arg9[%swap3A_1603] {strides = array<i32>} : memref<512xi32, #tpu.memory_space<vmem>>, vector<16xi32>,
      tpu.vector_store %arg9[%swap3A_1603], %mul3A_1602 {strides = array<i32>} : memref<512xi32, #tpu.memory_space<vmem>>, vector<16xi32>,
      %add3A_1605 = arith.constant 496 : i32
      %add3A_1606 = vector.broadcast %add3A_1605 : i32 to vector<16xi32>
      %add3A_1607 = arith.addi %iota3A, %add3A_1606 : vector<16xi32>
      %gather3A_1608 = tpu.vector_load_idx %arg10[%add3A_1607, %broadcast_in_dim3A_1327] : memref<512x26xi32, #tpu.memory_space<vmem>>[vector<16xi32>, vector<16xi32>], vector<16xi32>,
      %mul3A_1609 = arith.constant 4 : i32
      %mul3A_1610 = vector.broadcast %mul3A_1609 : i32 to vector<16xi32>
      %mul3A_1611 = arith.muli %gather3A_1608, %mul3A_1610 : vector<16xi32>
      %swap3A_1612 = arith.constant 496 : index
      %swap3A_1613 = tpu.vector_load %arg9[%swap3A_1612] {strides = array<i32>} : memref<512xi32, #tpu.memory_space<vmem>>, vector<16xi32>,
      tpu.vector_store %arg9[%swap3A_1612], %mul3A_1611 {strides = array<i32>} : memref<512xi32, #tpu.memory_space<vmem>>, vector<16xi32>,
      %dma_start3A = arith.constant 0 : i32
      %dma_start3A_1614 = arith.constant 0 : i32
      %dma_start3A_1615 = tpu.memref_slice %arg2[%scan3A_1326, %dma_start3A, %dma_start3A_1614] : memref<26x400000x32xf32, #tpu.memory_space<hbm>> -> memref<1x400000x32xf32, #tpu.memory_space<hbm>>
      %dma_start3A_1616 = tpu.memref_squeeze %dma_start3A_1615 : memref<1x400000x32xf32, #tpu.memory_space<hbm>> -> memref<400000x32xf32, #tpu.memory_space<hbm>>
      %dma_start3A_1617 = arith.constant 0 : i32
      %dma_start3A_1618 = arith.constant 0 : i32
      %dma_start3A_1619 = tpu.memref_slice %dma_start3A_1616[%dma_start3A_1617, %dma_start3A_1618] : memref<400000x32xf32, #tpu.memory_space<hbm>> -> memref<400000x32xf32, #tpu.memory_space<hbm>>
      tpu.enqueue_indirect_dma source(%dma_start3A_1619 : memref<400000x32xf32, #tpu.memory_space<hbm>>) target(%arg11 : memref<512x32xf32, #tpu.memory_space<vmem>>) offsets(%arg9 : memref<512xi32, #tpu.memory_space<vmem>>) semaphore(%arg17 : memref<!tpu.dma_semaphore, #tpu.memory_space<semaphore_mem>>)
      %dma_wait3A = arith.constant 0 : i32
      %dma_wait3A_1620 = arith.constant 0 : i32
      %dma_wait3A_1621 = tpu.memref_slice %arg2[%scan3A_1326, %dma_wait3A, %dma_wait3A_1620] : memref<26x400000x32xf32, #tpu.memory_space<hbm>> -> memref<1x400000x32xf32, #tpu.memory_space<hbm>>
      %dma_wait3A_1622 = tpu.memref_squeeze %dma_wait3A_1621 : memref<1x400000x32xf32, #tpu.memory_space<hbm>> -> memref<400000x32xf32, #tpu.memory_space<hbm>>
      %dma_wait3A_1623 = arith.constant 0 : i32
      %dma_wait3A_1624 = arith.constant 0 : i32
      %dma_wait3A_1625 = tpu.memref_slice %dma_wait3A_1622[%dma_wait3A_1623, %dma_wait3A_1624] : memref<400000x32xf32, #tpu.memory_space<hbm>> -> memref<400000x32xf32, #tpu.memory_space<hbm>>
      tpu.wait_indirect_dma semaphore(%arg17 : memref<!tpu.dma_semaphore, #tpu.memory_space<semaphore_mem>>) src(%dma_wait3A_1625 : memref<400000x32xf32, #tpu.memory_space<hbm>>) dst(%arg11 : memref<512x32xf32, #tpu.memory_space<vmem>>)
      %add3A_1626 = arith.constant 14 : i32
      %add3A_1627 = arith.addi %add3A_1626, %scan3A_1326 : i32
      "tpu.region"() ({
        %run_scoped3A = tpu.sem_alloc : memref<!tpu.dma_semaphore, #tpu.memory_space<semaphore_mem>>
        %dma_start3A_1628 = arith.constant 0 : i32
        %dma_start3A_1629 = tpu.memref_slice %arg8[%mul3A_2, %add3A_1627, %dma_start3A_1628] : memref<16384x40x128xf32, #tpu.memory_space<hbm>> -> memref<512x1x32xf32, #tpu.memory_space<hbm>>
        %dma_start3A_1630 = tpu.memref_squeeze %dma_start3A_1629 : memref<512x1x32xf32, #tpu.memory_space<hbm>> -> memref<512x32xf32, #tpu.memory_space<hbm>>
        %dma_start3A_1631 = arith.constant 0 : i32
        %dma_start3A_1632 = tpu.memref_slice %arg8[%mul3A_2, %add3A_1627, %dma_start3A_1631] : memref<16384x40x128xf32, #tpu.memory_space<hbm>> -> memref<512x1x32xf32, #tpu.memory_space<hbm>>
        %dma_start3A_1633 = tpu.memref_squeeze %dma_start3A_1632 : memref<512x1x32xf32, #tpu.memory_space<hbm>> -> memref<512x32xf32, #tpu.memory_space<hbm>>
        tpu.enqueue_dma source(%arg11 : memref<512x32xf32, #tpu.memory_space<vmem>>) target(%dma_start3A_1633 : memref<512x32xf32, #tpu.memory_space<hbm>>) target_semaphore(%run_scoped3A : memref<!tpu.dma_semaphore, #tpu.memory_space<semaphore_mem>>)
        %dma_wait3A_1634 = arith.constant 0 : i32
        %dma_wait3A_1635 = tpu.memref_slice %arg8[%mul3A_2, %add3A_1627, %dma_wait3A_1634] : memref<16384x40x128xf32, #tpu.memory_space<hbm>> -> memref<512x1x32xf32, #tpu.memory_space<hbm>>
        %dma_wait3A_1636 = tpu.memref_squeeze %dma_wait3A_1635 : memref<512x1x32xf32, #tpu.memory_space<hbm>> -> memref<512x32xf32, #tpu.memory_space<hbm>>
        %dma_wait3A_1637 = arith.constant 0 : i32
        %dma_wait3A_1638 = tpu.memref_slice %arg8[%mul3A_2, %add3A_1627, %dma_wait3A_1637] : memref<16384x40x128xf32, #tpu.memory_space<hbm>> -> memref<512x1x32xf32, #tpu.memory_space<hbm>>
        %dma_wait3A_1639 = tpu.memref_squeeze %dma_wait3A_1638 : memref<512x1x32xf32, #tpu.memory_space<hbm>> -> memref<512x32xf32, #tpu.memory_space<hbm>>
        tpu.wait_dma2 semaphore(%run_scoped3A : memref<!tpu.dma_semaphore, #tpu.memory_space<semaphore_mem>>) src(%arg11 : memref<512x32xf32, #tpu.memory_space<vmem>>) dst(%dma_wait3A_1639 : memref<512x32xf32, #tpu.memory_space<hbm>>)
        tpu.yield
      }) : () -> ()
    }
    %scan3A_7 = arith.constant 26 : i32
    "tpu.region"() ({
      %run_scoped3A = tpu.sem_alloc : memref<!tpu.dma_semaphore, #tpu.memory_space<semaphore_mem>>
      tpu.enqueue_dma source(%arg5 : memref<13x32xf32, #tpu.memory_space<hbm>>) target(%arg14 : memref<13x32xf32, #tpu.memory_space<vmem>>) target_semaphore(%run_scoped3A : memref<!tpu.dma_semaphore, #tpu.memory_space<semaphore_mem>>)
      tpu.wait_dma2 semaphore(%run_scoped3A : memref<!tpu.dma_semaphore, #tpu.memory_space<semaphore_mem>>) src(%arg5 : memref<13x32xf32, #tpu.memory_space<hbm>>) dst(%arg14 : memref<13x32xf32, #tpu.memory_space<vmem>>)
      tpu.yield
    }) : () -> ()
    "tpu.region"() ({
      %run_scoped3A = tpu.sem_alloc : memref<!tpu.dma_semaphore, #tpu.memory_space<semaphore_mem>>
      tpu.enqueue_dma source(%arg6 : memref<13x32xf32, #tpu.memory_space<hbm>>) target(%arg15 : memref<13x32xf32, #tpu.memory_space<vmem>>) target_semaphore(%run_scoped3A : memref<!tpu.dma_semaphore, #tpu.memory_space<semaphore_mem>>)
      tpu.wait_dma2 semaphore(%run_scoped3A : memref<!tpu.dma_semaphore, #tpu.memory_space<semaphore_mem>>) src(%arg6 : memref<13x32xf32, #tpu.memory_space<hbm>>) dst(%arg15 : memref<13x32xf32, #tpu.memory_space<vmem>>)
      tpu.yield
    }) : () -> ()
    "tpu.region"() ({
      %run_scoped3A = tpu.sem_alloc : memref<!tpu.dma_semaphore, #tpu.memory_space<semaphore_mem>>
      tpu.enqueue_dma source(%arg7 : memref<1x32xf32, #tpu.memory_space<hbm>>) target(%arg16 : memref<1x32xf32, #tpu.memory_space<vmem>>) target_semaphore(%run_scoped3A : memref<!tpu.dma_semaphore, #tpu.memory_space<semaphore_mem>>)
      tpu.wait_dma2 semaphore(%run_scoped3A : memref<!tpu.dma_semaphore, #tpu.memory_space<semaphore_mem>>) src(%arg7 : memref<1x32xf32, #tpu.memory_space<hbm>>) dst(%arg16 : memref<1x32xf32, #tpu.memory_space<vmem>>)
      tpu.yield
    }) : () -> ()
    %add3A_8 = arith.constant 0 : i32
    %add3A_9 = arith.addi %mul3A_2, %add3A_8 : i32
    "tpu.region"() ({
      %run_scoped3A = tpu.sem_alloc : memref<!tpu.dma_semaphore, #tpu.memory_space<semaphore_mem>>
      %dma_start3A = arith.constant 0 : i32
      %dma_start3A_1326 = tpu.memref_slice %arg4[%add3A_9, %dma_start3A] : memref<16384x13xf32, #tpu.memory_space<hbm>> -> memref<128x13xf32, #tpu.memory_space<hbm>>
      %dma_start3A_1327 = arith.constant 0 : i32
      %dma_start3A_1328 = tpu.memref_slice %arg4[%add3A_9, %dma_start3A_1327] : memref<16384x13xf32, #tpu.memory_space<hbm>> -> memref<128x13xf32, #tpu.memory_space<hbm>>
      tpu.enqueue_dma source(%dma_start3A_1328 : memref<128x13xf32, #tpu.memory_space<hbm>>) target(%arg13 : memref<128x13xf32, #tpu.memory_space<vmem>>) target_semaphore(%run_scoped3A : memref<!tpu.dma_semaphore, #tpu.memory_space<semaphore_mem>>)
      %dma_wait3A = arith.constant 0 : i32
      %dma_wait3A_1329 = tpu.memref_slice %arg4[%add3A_9, %dma_wait3A] : memref<16384x13xf32, #tpu.memory_space<hbm>> -> memref<128x13xf32, #tpu.memory_space<hbm>>
      %dma_wait3A_1330 = arith.constant 0 : i32
      %dma_wait3A_1331 = tpu.memref_slice %arg4[%add3A_9, %dma_wait3A_1330] : memref<16384x13xf32, #tpu.memory_space<hbm>> -> memref<128x13xf32, #tpu.memory_space<hbm>>
      tpu.wait_dma2 semaphore(%run_scoped3A : memref<!tpu.dma_semaphore, #tpu.memory_space<semaphore_mem>>) src(%dma_wait3A_1331 : memref<128x13xf32, #tpu.memory_space<hbm>>) dst(%arg13 : memref<128x13xf32, #tpu.memory_space<vmem>>)
      tpu.yield
    }) : () -> ()
    %get3A = arith.constant 0 : i32
    %get3A_10 = arith.index_cast %get3A : i32 to index
    %get3A_11 = arith.constant 0 : index
    %get3A_12 = tpu.vector_load %arg16[%get3A_10, %get3A_11] {strides = array<i32>} : memref<1x32xf32, #tpu.memory_space<vmem>>, vector<16xf32>,
    %get3A_13 = arith.constant 0 : i32
    %get3A_14 = arith.index_cast %get3A_13 : i32 to index
    %get3A_15 = arith.constant 16 : index
    %get3A_16 = tpu.vector_load %arg16[%get3A_14, %get3A_15] {strides = array<i32>} : memref<1x32xf32, #tpu.memory_space<vmem>>, vector<16xf32>,
    %scan3A_17 = arith.constant 0 : i32
    %scan3A_18 = arith.constant 0 : i32
    %scan3A_19 = arith.constant 128 : i32
    %scan3A_20 = arith.addi %scan3A_18, %scan3A_19 : i32
    %scan3A_21 = arith.constant 1 : i32
    scf.for %scan3A_1326 = %scan3A_18 to %scan3A_20 step %scan3A_21  : i32 {
      %swap3A = arith.constant 0 : i32
      %swap3A_1327 = arith.index_cast %scan3A_1326 : i32 to index
      %swap3A_1328 = arith.index_cast %swap3A : i32 to index
      %swap3A_1329 = arith.constant 0 : index
      %swap3A_1330 = tpu.vector_load %arg12[%swap3A_1327, %swap3A_1328, %swap3A_1329] {strides = array<i32>} : memref<128x14x32xf32, #tpu.memory_space<vmem>>, vector<16xf32>,
      tpu.vector_store %arg12[%swap3A_1327, %swap3A_1328, %swap3A_1329], %get3A_12 {strides = array<i32>} : memref<128x14x32xf32, #tpu.memory_space<vmem>>, vector<16xf32>,
      %swap3A_1331 = arith.constant 0 : i32
      %swap3A_1332 = arith.index_cast %scan3A_1326 : i32 to index
      %swap3A_1333 = arith.index_cast %swap3A_1331 : i32 to index
      %swap3A_1334 = arith.constant 16 : index
      %swap3A_1335 = tpu.vector_load %arg12[%swap3A_1332, %swap3A_1333, %swap3A_1334] {strides = array<i32>} : memref<128x14x32xf32, #tpu.memory_space<vmem>>, vector<16xf32>,
      tpu.vector_store %arg12[%swap3A_1332, %swap3A_1333, %swap3A_1334], %get3A_16 {strides = array<i32>} : memref<128x14x32xf32, #tpu.memory_space<vmem>>, vector<16xf32>,
    }
    %scan3A_22 = arith.constant 128 : i32
    %get3A_23 = arith.constant 0 : i32
    %get3A_24 = arith.index_cast %get3A_23 : i32 to index
    %get3A_25 = arith.constant 0 : index
    %get3A_26 = tpu.vector_load %arg14[%get3A_24, %get3A_25] {strides = array<i32>} : memref<13x32xf32, #tpu.memory_space<vmem>>, vector<16xf32>,
    %get3A_27 = arith.constant 0 : i32
    %get3A_28 = arith.index_cast %get3A_27 : i32 to index
    %get3A_29 = arith.constant 16 : index
    %get3A_30 = tpu.vector_load %arg14[%get3A_28, %get3A_29] {strides = array<i32>} : memref<13x32xf32, #tpu.memory_space<vmem>>, vector<16xf32>,
    %get3A_31 = arith.constant 0 : i32
    %get3A_32 = arith.index_cast %get3A_31 : i32 to index
    %get3A_33 = arith.constant 0 : index
    %get3A_34 = tpu.vector_load %arg15[%get3A_32, %get3A_33] {strides = array<i32>} : memref<13x32xf32, #tpu.memory_space<vmem>>, vector<16xf32>,
    %get3A_35 = arith.constant 0 : i32
    %get3A_36 = arith.index_cast %get3A_35 : i32 to index
    %get3A_37 = arith.constant 16 : index
    %get3A_38 = tpu.vector_load %arg15[%get3A_36, %get3A_37] {strides = array<i32>} : memref<13x32xf32, #tpu.memory_space<vmem>>, vector<16xf32>,
    %broadcast_in_dim3A = arith.constant 0 : i32
    %broadcast_in_dim3A_39 = vector.broadcast %broadcast_in_dim3A : i32 to vector<16xi32>
    %scan3A_40 = arith.constant 0 : i32
    %scan3A_41 = arith.constant 0 : i32
    %scan3A_42 = arith.constant 128 : i32
    %scan3A_43 = arith.addi %scan3A_41, %scan3A_42 : i32
    %scan3A_44 = arith.constant 1 : i32
    scf.for %scan3A_1326 = %scan3A_41 to %scan3A_43 step %scan3A_44  : i32 {
      %broadcast_in_dim3A_1327 = vector.broadcast %scan3A_1326 : i32 to vector<16xi32>
      %gather3A = tpu.vector_load_idx %arg13[%broadcast_in_dim3A_1327, %broadcast_in_dim3A_39] : memref<128x13xf32, #tpu.memory_space<vmem>>[vector<16xi32>, vector<16xi32>], vector<16xf32>,
      %mul3A_1328 = arith.mulf %gather3A, %get3A_26 : vector<16xf32>
      %add3A_1329 = arith.addf %mul3A_1328, %get3A_34 : vector<16xf32>
      %swap3A = arith.constant 1 : i32
      %swap3A_1330 = arith.index_cast %scan3A_1326 : i32 to index
      %swap3A_1331 = arith.index_cast %swap3A : i32 to index
      %swap3A_1332 = arith.constant 0 : index
      %swap3A_1333 = tpu.vector_load %arg12[%swap3A_1330, %swap3A_1331, %swap3A_1332] {strides = array<i32>} : memref<128x14x32xf32, #tpu.memory_space<vmem>>, vector<16xf32>,
      tpu.vector_store %arg12[%swap3A_1330, %swap3A_1331, %swap3A_1332], %add3A_1329 {strides = array<i32>} : memref<128x14x32xf32, #tpu.memory_space<vmem>>, vector<16xf32>,
      %mul3A_1334 = arith.mulf %gather3A, %get3A_30 : vector<16xf32>
      %add3A_1335 = arith.addf %mul3A_1334, %get3A_38 : vector<16xf32>
      %swap3A_1336 = arith.constant 1 : i32
      %swap3A_1337 = arith.index_cast %scan3A_1326 : i32 to index
      %swap3A_1338 = arith.index_cast %swap3A_1336 : i32 to index
      %swap3A_1339 = arith.constant 16 : index
      %swap3A_1340 = tpu.vector_load %arg12[%swap3A_1337, %swap3A_1338, %swap3A_1339] {strides = array<i32>} : memref<128x14x32xf32, #tpu.memory_space<vmem>>, vector<16xf32>,
      tpu.vector_store %arg12[%swap3A_1337, %swap3A_1338, %swap3A_1339], %add3A_1335 {strides = array<i32>} : memref<128x14x32xf32, #tpu.memory_space<vmem>>, vector<16xf32>,
    }
    %scan3A_45 = arith.constant 128 : i32
    %get3A_46 = arith.constant 1 : i32
    %get3A_47 = arith.index_cast %get3A_46 : i32 to index
    %get3A_48 = arith.constant 0 : index
    %get3A_49 = tpu.vector_load %arg14[%get3A_47, %get3A_48] {strides = array<i32>} : memref<13x32xf32, #tpu.memory_space<vmem>>, vector<16xf32>,
    %get3A_50 = arith.constant 1 : i32
    %get3A_51 = arith.index_cast %get3A_50 : i32 to index
    %get3A_52 = arith.constant 16 : index
    %get3A_53 = tpu.vector_load %arg14[%get3A_51, %get3A_52] {strides = array<i32>} : memref<13x32xf32, #tpu.memory_space<vmem>>, vector<16xf32>,
    %get3A_54 = arith.constant 1 : i32
    %get3A_55 = arith.index_cast %get3A_54 : i32 to index
    %get3A_56 = arith.constant 0 : index
    %get3A_57 = tpu.vector_load %arg15[%get3A_55, %get3A_56] {strides = array<i32>} : memref<13x32xf32, #tpu.memory_space<vmem>>, vector<16xf32>,
    %get3A_58 = arith.constant 1 : i32
    %get3A_59 = arith.index_cast %get3A_58 : i32 to index
    %get3A_60 = arith.constant 16 : index
    %get3A_61 = tpu.vector_load %arg15[%get3A_59, %get3A_60] {strides = array<i32>} : memref<13x32xf32, #tpu.memory_space<vmem>>, vector<16xf32>,
    %broadcast_in_dim3A_62 = arith.constant 1 : i32
    %broadcast_in_dim3A_63 = vector.broadcast %broadcast_in_dim3A_62 : i32 to vector<16xi32>
    %scan3A_64 = arith.constant 0 : i32
    %scan3A_65 = arith.constant 0 : i32
    %scan3A_66 = arith.constant 128 : i32
    %scan3A_67 = arith.addi %scan3A_65, %scan3A_66 : i32
    %scan3A_68 = arith.constant 1 : i32
    scf.for %scan3A_1326 = %scan3A_65 to %scan3A_67 step %scan3A_68  : i32 {
      %broadcast_in_dim3A_1327 = vector.broadcast %scan3A_1326 : i32 to vector<16xi32>
      %gather3A = tpu.vector_load_idx %arg13[%broadcast_in_dim3A_1327, %broadcast_in_dim3A_63] : memref<128x13xf32, #tpu.memory_space<vmem>>[vector<16xi32>, vector<16xi32>], vector<16xf32>,
      %mul3A_1328 = arith.mulf %gather3A, %get3A_49 : vector<16xf32>
      %add3A_1329 = arith.addf %mul3A_1328, %get3A_57 : vector<16xf32>
      %swap3A = arith.constant 2 : i32
      %swap3A_1330 = arith.index_cast %scan3A_1326 : i32 to index
      %swap3A_1331 = arith.index_cast %swap3A : i32 to index
      %swap3A_1332 = arith.constant 0 : index
      %swap3A_1333 = tpu.vector_load %arg12[%swap3A_1330, %swap3A_1331, %swap3A_1332] {strides = array<i32>} : memref<128x14x32xf32, #tpu.memory_space<vmem>>, vector<16xf32>,
      tpu.vector_store %arg12[%swap3A_1330, %swap3A_1331, %swap3A_1332], %add3A_1329 {strides = array<i32>} : memref<128x14x32xf32, #tpu.memory_space<vmem>>, vector<16xf32>,
      %mul3A_1334 = arith.mulf %gather3A, %get3A_53 : vector<16xf32>
      %add3A_1335 = arith.addf %mul3A_1334, %get3A_61 : vector<16xf32>
      %swap3A_1336 = arith.constant 2 : i32
      %swap3A_1337 = arith.index_cast %scan3A_1326 : i32 to index
      %swap3A_1338 = arith.index_cast %swap3A_1336 : i32 to index
      %swap3A_1339 = arith.constant 16 : index
      %swap3A_1340 = tpu.vector_load %arg12[%swap3A_1337, %swap3A_1338, %swap3A_1339] {strides = array<i32>} : memref<128x14x32xf32, #tpu.memory_space<vmem>>, vector<16xf32>,
      tpu.vector_store %arg12[%swap3A_1337, %swap3A_1338, %swap3A_1339], %add3A_1335 {strides = array<i32>} : memref<128x14x32xf32, #tpu.memory_space<vmem>>, vector<16xf32>,
    }
    %scan3A_69 = arith.constant 128 : i32
    %get3A_70 = arith.constant 2 : i32
    %get3A_71 = arith.index_cast %get3A_70 : i32 to index
    %get3A_72 = arith.constant 0 : index
    %get3A_73 = tpu.vector_load %arg14[%get3A_71, %get3A_72] {strides = array<i32>} : memref<13x32xf32, #tpu.memory_space<vmem>>, vector<16xf32>,
    %get3A_74 = arith.constant 2 : i32
    %get3A_75 = arith.index_cast %get3A_74 : i32 to index
    %get3A_76 = arith.constant 16 : index
    %get3A_77 = tpu.vector_load %arg14[%get3A_75, %get3A_76] {strides = array<i32>} : memref<13x32xf32, #tpu.memory_space<vmem>>, vector<16xf32>,
    %get3A_78 = arith.constant 2 : i32
    %get3A_79 = arith.index_cast %get3A_78 : i32 to index
    %get3A_80 = arith.constant 0 : index
    %get3A_81 = tpu.vector_load %arg15[%get3A_79, %get3A_80] {strides = array<i32>} : memref<13x32xf32, #tpu.memory_space<vmem>>, vector<16xf32>,
    %get3A_82 = arith.constant 2 : i32
    %get3A_83 = arith.index_cast %get3A_82 : i32 to index
    %get3A_84 = arith.constant 16 : index
    %get3A_85 = tpu.vector_load %arg15[%get3A_83, %get3A_84] {strides = array<i32>} : memref<13x32xf32, #tpu.memory_space<vmem>>, vector<16xf32>,
    %broadcast_in_dim3A_86 = arith.constant 2 : i32
    %broadcast_in_dim3A_87 = vector.broadcast %broadcast_in_dim3A_86 : i32 to vector<16xi32>
    %scan3A_88 = arith.constant 0 : i32
    %scan3A_89 = arith.constant 0 : i32
    %scan3A_90 = arith.constant 128 : i32
    %scan3A_91 = arith.addi %scan3A_89, %scan3A_90 : i32
    %scan3A_92 = arith.constant 1 : i32
    scf.for %scan3A_1326 = %scan3A_89 to %scan3A_91 step %scan3A_92  : i32 {
      %broadcast_in_dim3A_1327 = vector.broadcast %scan3A_1326 : i32 to vector<16xi32>
      %gather3A = tpu.vector_load_idx %arg13[%broadcast_in_dim3A_1327, %broadcast_in_dim3A_87] : memref<128x13xf32, #tpu.memory_space<vmem>>[vector<16xi32>, vector<16xi32>], vector<16xf32>,
      %mul3A_1328 = arith.mulf %gather3A, %get3A_73 : vector<16xf32>
      %add3A_1329 = arith.addf %mul3A_1328, %get3A_81 : vector<16xf32>
      %swap3A = arith.constant 3 : i32
      %swap3A_1330 = arith.index_cast %scan3A_1326 : i32 to index
      %swap3A_1331 = arith.index_cast %swap3A : i32 to index
      %swap3A_1332 = arith.constant 0 : index
      %swap3A_1333 = tpu.vector_load %arg12[%swap3A_1330, %swap3A_1331, %swap3A_1332] {strides = array<i32>} : memref<128x14x32xf32, #tpu.memory_space<vmem>>, vector<16xf32>,
      tpu.vector_store %arg12[%swap3A_1330, %swap3A_1331, %swap3A_1332], %add3A_1329 {strides = array<i32>} : memref<128x14x32xf32, #tpu.memory_space<vmem>>, vector<16xf32>,
      %mul3A_1334 = arith.mulf %gather3A, %get3A_77 : vector<16xf32>
      %add3A_1335 = arith.addf %mul3A_1334, %get3A_85 : vector<16xf32>
      %swap3A_1336 = arith.constant 3 : i32
      %swap3A_1337 = arith.index_cast %scan3A_1326 : i32 to index
      %swap3A_1338 = arith.index_cast %swap3A_1336 : i32 to index
      %swap3A_1339 = arith.constant 16 : index
      %swap3A_1340 = tpu.vector_load %arg12[%swap3A_1337, %swap3A_1338, %swap3A_1339] {strides = array<i32>} : memref<128x14x32xf32, #tpu.memory_space<vmem>>, vector<16xf32>,
      tpu.vector_store %arg12[%swap3A_1337, %swap3A_1338, %swap3A_1339], %add3A_1335 {strides = array<i32>} : memref<128x14x32xf32, #tpu.memory_space<vmem>>, vector<16xf32>,
    }
    %scan3A_93 = arith.constant 128 : i32
    %get3A_94 = arith.constant 3 : i32
    %get3A_95 = arith.index_cast %get3A_94 : i32 to index
    %get3A_96 = arith.constant 0 : index
    %get3A_97 = tpu.vector_load %arg14[%get3A_95, %get3A_96] {strides = array<i32>} : memref<13x32xf32, #tpu.memory_space<vmem>>, vector<16xf32>,
    %get3A_98 = arith.constant 3 : i32
    %get3A_99 = arith.index_cast %get3A_98 : i32 to index
    %get3A_100 = arith.constant 16 : index
    %get3A_101 = tpu.vector_load %arg14[%get3A_99, %get3A_100] {strides = array<i32>} : memref<13x32xf32, #tpu.memory_space<vmem>>, vector<16xf32>,
    %get3A_102 = arith.constant 3 : i32
    %get3A_103 = arith.index_cast %get3A_102 : i32 to index
    %get3A_104 = arith.constant 0 : index
    %get3A_105 = tpu.vector_load %arg15[%get3A_103, %get3A_104] {strides = array<i32>} : memref<13x32xf32, #tpu.memory_space<vmem>>, vector<16xf32>,
    %get3A_106 = arith.constant 3 : i32
    %get3A_107 = arith.index_cast %get3A_106 : i32 to index
    %get3A_108 = arith.constant 16 : index
    %get3A_109 = tpu.vector_load %arg15[%get3A_107, %get3A_108] {strides = array<i32>} : memref<13x32xf32, #tpu.memory_space<vmem>>, vector<16xf32>,
    %broadcast_in_dim3A_110 = arith.constant 3 : i32
    %broadcast_in_dim3A_111 = vector.broadcast %broadcast_in_dim3A_110 : i32 to vector<16xi32>
    %scan3A_112 = arith.constant 0 : i32
    %scan3A_113 = arith.constant 0 : i32
    %scan3A_114 = arith.constant 128 : i32
    %scan3A_115 = arith.addi %scan3A_113, %scan3A_114 : i32
    %scan3A_116 = arith.constant 1 : i32
    scf.for %scan3A_1326 = %scan3A_113 to %scan3A_115 step %scan3A_116  : i32 {
      %broadcast_in_dim3A_1327 = vector.broadcast %scan3A_1326 : i32 to vector<16xi32>
      %gather3A = tpu.vector_load_idx %arg13[%broadcast_in_dim3A_1327, %broadcast_in_dim3A_111] : memref<128x13xf32, #tpu.memory_space<vmem>>[vector<16xi32>, vector<16xi32>], vector<16xf32>,
      %mul3A_1328 = arith.mulf %gather3A, %get3A_97 : vector<16xf32>
      %add3A_1329 = arith.addf %mul3A_1328, %get3A_105 : vector<16xf32>
      %swap3A = arith.constant 4 : i32
      %swap3A_1330 = arith.index_cast %scan3A_1326 : i32 to index
      %swap3A_1331 = arith.index_cast %swap3A : i32 to index
      %swap3A_1332 = arith.constant 0 : index
      %swap3A_1333 = tpu.vector_load %arg12[%swap3A_1330, %swap3A_1331, %swap3A_1332] {strides = array<i32>} : memref<128x14x32xf32, #tpu.memory_space<vmem>>, vector<16xf32>,
      tpu.vector_store %arg12[%swap3A_1330, %swap3A_1331, %swap3A_1332], %add3A_1329 {strides = array<i32>} : memref<128x14x32xf32, #tpu.memory_space<vmem>>, vector<16xf32>,
      %mul3A_1334 = arith.mulf %gather3A, %get3A_101 : vector<16xf32>
      %add3A_1335 = arith.addf %mul3A_1334, %get3A_109 : vector<16xf32>
      %swap3A_1336 = arith.constant 4 : i32
      %swap3A_1337 = arith.index_cast %scan3A_1326 : i32 to index
      %swap3A_1338 = arith.index_cast %swap3A_1336 : i32 to index
      %swap3A_1339 = arith.constant 16 : index
      %swap3A_1340 = tpu.vector_load %arg12[%swap3A_1337, %swap3A_1338, %swap3A_1339] {strides = array<i32>} : memref<128x14x32xf32, #tpu.memory_space<vmem>>, vector<16xf32>,
      tpu.vector_store %arg12[%swap3A_1337, %swap3A_1338, %swap3A_1339], %add3A_1335 {strides = array<i32>} : memref<128x14x32xf32, #tpu.memory_space<vmem>>, vector<16xf32>,
    }
    %scan3A_117 = arith.constant 128 : i32
    %get3A_118 = arith.constant 4 : i32
    %get3A_119 = arith.index_cast %get3A_118 : i32 to index
    %get3A_120 = arith.constant 0 : index
    %get3A_121 = tpu.vector_load %arg14[%get3A_119, %get3A_120] {strides = array<i32>} : memref<13x32xf32, #tpu.memory_space<vmem>>, vector<16xf32>,
    %get3A_122 = arith.constant 4 : i32
    %get3A_123 = arith.index_cast %get3A_122 : i32 to index
    %get3A_124 = arith.constant 16 : index
    %get3A_125 = tpu.vector_load %arg14[%get3A_123, %get3A_124] {strides = array<i32>} : memref<13x32xf32, #tpu.memory_space<vmem>>, vector<16xf32>,
    %get3A_126 = arith.constant 4 : i32
    %get3A_127 = arith.index_cast %get3A_126 : i32 to index
    %get3A_128 = arith.constant 0 : index
    %get3A_129 = tpu.vector_load %arg15[%get3A_127, %get3A_128] {strides = array<i32>} : memref<13x32xf32, #tpu.memory_space<vmem>>, vector<16xf32>,
    %get3A_130 = arith.constant 4 : i32
    %get3A_131 = arith.index_cast %get3A_130 : i32 to index
    %get3A_132 = arith.constant 16 : index
    %get3A_133 = tpu.vector_load %arg15[%get3A_131, %get3A_132] {strides = array<i32>} : memref<13x32xf32, #tpu.memory_space<vmem>>, vector<16xf32>,
    %broadcast_in_dim3A_134 = arith.constant 4 : i32
    %broadcast_in_dim3A_135 = vector.broadcast %broadcast_in_dim3A_134 : i32 to vector<16xi32>
    %scan3A_136 = arith.constant 0 : i32
    %scan3A_137 = arith.constant 0 : i32
    %scan3A_138 = arith.constant 128 : i32
    %scan3A_139 = arith.addi %scan3A_137, %scan3A_138 : i32
    %scan3A_140 = arith.constant 1 : i32
    scf.for %scan3A_1326 = %scan3A_137 to %scan3A_139 step %scan3A_140  : i32 {
      %broadcast_in_dim3A_1327 = vector.broadcast %scan3A_1326 : i32 to vector<16xi32>
      %gather3A = tpu.vector_load_idx %arg13[%broadcast_in_dim3A_1327, %broadcast_in_dim3A_135] : memref<128x13xf32, #tpu.memory_space<vmem>>[vector<16xi32>, vector<16xi32>], vector<16xf32>,
      %mul3A_1328 = arith.mulf %gather3A, %get3A_121 : vector<16xf32>
      %add3A_1329 = arith.addf %mul3A_1328, %get3A_129 : vector<16xf32>
      %swap3A = arith.constant 5 : i32
      %swap3A_1330 = arith.index_cast %scan3A_1326 : i32 to index
      %swap3A_1331 = arith.index_cast %swap3A : i32 to index
      %swap3A_1332 = arith.constant 0 : index
      %swap3A_1333 = tpu.vector_load %arg12[%swap3A_1330, %swap3A_1331, %swap3A_1332] {strides = array<i32>} : memref<128x14x32xf32, #tpu.memory_space<vmem>>, vector<16xf32>,
      tpu.vector_store %arg12[%swap3A_1330, %swap3A_1331, %swap3A_1332], %add3A_1329 {strides = array<i32>} : memref<128x14x32xf32, #tpu.memory_space<vmem>>, vector<16xf32>,
      %mul3A_1334 = arith.mulf %gather3A, %get3A_125 : vector<16xf32>
      %add3A_1335 = arith.addf %mul3A_1334, %get3A_133 : vector<16xf32>
      %swap3A_1336 = arith.constant 5 : i32
      %swap3A_1337 = arith.index_cast %scan3A_1326 : i32 to index
      %swap3A_1338 = arith.index_cast %swap3A_1336 : i32 to index
      %swap3A_1339 = arith.constant 16 : index
      %swap3A_1340 = tpu.vector_load %arg12[%swap3A_1337, %swap3A_1338, %swap3A_1339] {strides = array<i32>} : memref<128x14x32xf32, #tpu.memory_space<vmem>>, vector<16xf32>,
      tpu.vector_store %arg12[%swap3A_1337, %swap3A_1338, %swap3A_1339], %add3A_1335 {strides = array<i32>} : memref<128x14x32xf32, #tpu.memory_space<vmem>>, vector<16xf32>,
    }
    %scan3A_141 = arith.constant 128 : i32
    %get3A_142 = arith.constant 5 : i32
    %get3A_143 = arith.index_cast %get3A_142 : i32 to index
    %get3A_144 = arith.constant 0 : index
    %get3A_145 = tpu.vector_load %arg14[%get3A_143, %get3A_144] {strides = array<i32>} : memref<13x32xf32, #tpu.memory_space<vmem>>, vector<16xf32>,
    %get3A_146 = arith.constant 5 : i32
    %get3A_147 = arith.index_cast %get3A_146 : i32 to index
    %get3A_148 = arith.constant 16 : index
    %get3A_149 = tpu.vector_load %arg14[%get3A_147, %get3A_148] {strides = array<i32>} : memref<13x32xf32, #tpu.memory_space<vmem>>, vector<16xf32>,
    %get3A_150 = arith.constant 5 : i32
    %get3A_151 = arith.index_cast %get3A_150 : i32 to index
    %get3A_152 = arith.constant 0 : index
    %get3A_153 = tpu.vector_load %arg15[%get3A_151, %get3A_152] {strides = array<i32>} : memref<13x32xf32, #tpu.memory_space<vmem>>, vector<16xf32>,
    %get3A_154 = arith.constant 5 : i32
    %get3A_155 = arith.index_cast %get3A_154 : i32 to index
    %get3A_156 = arith.constant 16 : index
    %get3A_157 = tpu.vector_load %arg15[%get3A_155, %get3A_156] {strides = array<i32>} : memref<13x32xf32, #tpu.memory_space<vmem>>, vector<16xf32>,
    %broadcast_in_dim3A_158 = arith.constant 5 : i32
    %broadcast_in_dim3A_159 = vector.broadcast %broadcast_in_dim3A_158 : i32 to vector<16xi32>
    %scan3A_160 = arith.constant 0 : i32
    %scan3A_161 = arith.constant 0 : i32
    %scan3A_162 = arith.constant 128 : i32
    %scan3A_163 = arith.addi %scan3A_161, %scan3A_162 : i32
    %scan3A_164 = arith.constant 1 : i32
    scf.for %scan3A_1326 = %scan3A_161 to %scan3A_163 step %scan3A_164  : i32 {
      %broadcast_in_dim3A_1327 = vector.broadcast %scan3A_1326 : i32 to vector<16xi32>
      %gather3A = tpu.vector_load_idx %arg13[%broadcast_in_dim3A_1327, %broadcast_in_dim3A_159] : memref<128x13xf32, #tpu.memory_space<vmem>>[vector<16xi32>, vector<16xi32>], vector<16xf32>,
      %mul3A_1328 = arith.mulf %gather3A, %get3A_145 : vector<16xf32>
      %add3A_1329 = arith.addf %mul3A_1328, %get3A_153 : vector<16xf32>
      %swap3A = arith.constant 6 : i32
      %swap3A_1330 = arith.index_cast %scan3A_1326 : i32 to index
      %swap3A_1331 = arith.index_cast %swap3A : i32 to index
      %swap3A_1332 = arith.constant 0 : index
      %swap3A_1333 = tpu.vector_load %arg12[%swap3A_1330, %swap3A_1331, %swap3A_1332] {strides = array<i32>} : memref<128x14x32xf32, #tpu.memory_space<vmem>>, vector<16xf32>,
      tpu.vector_store %arg12[%swap3A_1330, %swap3A_1331, %swap3A_1332], %add3A_1329 {strides = array<i32>} : memref<128x14x32xf32, #tpu.memory_space<vmem>>, vector<16xf32>,
      %mul3A_1334 = arith.mulf %gather3A, %get3A_149 : vector<16xf32>
      %add3A_1335 = arith.addf %mul3A_1334, %get3A_157 : vector<16xf32>
      %swap3A_1336 = arith.constant 6 : i32
      %swap3A_1337 = arith.index_cast %scan3A_1326 : i32 to index
      %swap3A_1338 = arith.index_cast %swap3A_1336 : i32 to index
      %swap3A_1339 = arith.constant 16 : index
      %swap3A_1340 = tpu.vector_load %arg12[%swap3A_1337, %swap3A_1338, %swap3A_1339] {strides = array<i32>} : memref<128x14x32xf32, #tpu.memory_space<vmem>>, vector<16xf32>,
      tpu.vector_store %arg12[%swap3A_1337, %swap3A_1338, %swap3A_1339], %add3A_1335 {strides = array<i32>} : memref<128x14x32xf32, #tpu.memory_space<vmem>>, vector<16xf32>,
    }
    %scan3A_165 = arith.constant 128 : i32
    %get3A_166 = arith.constant 6 : i32
    %get3A_167 = arith.index_cast %get3A_166 : i32 to index
    %get3A_168 = arith.constant 0 : index
    %get3A_169 = tpu.vector_load %arg14[%get3A_167, %get3A_168] {strides = array<i32>} : memref<13x32xf32, #tpu.memory_space<vmem>>, vector<16xf32>,
    %get3A_170 = arith.constant 6 : i32
    %get3A_171 = arith.index_cast %get3A_170 : i32 to index
    %get3A_172 = arith.constant 16 : index
    %get3A_173 = tpu.vector_load %arg14[%get3A_171, %get3A_172] {strides = array<i32>} : memref<13x32xf32, #tpu.memory_space<vmem>>, vector<16xf32>,
    %get3A_174 = arith.constant 6 : i32
    %get3A_175 = arith.index_cast %get3A_174 : i32 to index
    %get3A_176 = arith.constant 0 : index
    %get3A_177 = tpu.vector_load %arg15[%get3A_175, %get3A_176] {strides = array<i32>} : memref<13x32xf32, #tpu.memory_space<vmem>>, vector<16xf32>,
    %get3A_178 = arith.constant 6 : i32
    %get3A_179 = arith.index_cast %get3A_178 : i32 to index
    %get3A_180 = arith.constant 16 : index
    %get3A_181 = tpu.vector_load %arg15[%get3A_179, %get3A_180] {strides = array<i32>} : memref<13x32xf32, #tpu.memory_space<vmem>>, vector<16xf32>,
    %broadcast_in_dim3A_182 = arith.constant 6 : i32
    %broadcast_in_dim3A_183 = vector.broadcast %broadcast_in_dim3A_182 : i32 to vector<16xi32>
    %scan3A_184 = arith.constant 0 : i32
    %scan3A_185 = arith.constant 0 : i32
    %scan3A_186 = arith.constant 128 : i32
    %scan3A_187 = arith.addi %scan3A_185, %scan3A_186 : i32
    %scan3A_188 = arith.constant 1 : i32
    scf.for %scan3A_1326 = %scan3A_185 to %scan3A_187 step %scan3A_188  : i32 {
      %broadcast_in_dim3A_1327 = vector.broadcast %scan3A_1326 : i32 to vector<16xi32>
      %gather3A = tpu.vector_load_idx %arg13[%broadcast_in_dim3A_1327, %broadcast_in_dim3A_183] : memref<128x13xf32, #tpu.memory_space<vmem>>[vector<16xi32>, vector<16xi32>], vector<16xf32>,
      %mul3A_1328 = arith.mulf %gather3A, %get3A_169 : vector<16xf32>
      %add3A_1329 = arith.addf %mul3A_1328, %get3A_177 : vector<16xf32>
      %swap3A = arith.constant 7 : i32
      %swap3A_1330 = arith.index_cast %scan3A_1326 : i32 to index
      %swap3A_1331 = arith.index_cast %swap3A : i32 to index
      %swap3A_1332 = arith.constant 0 : index
      %swap3A_1333 = tpu.vector_load %arg12[%swap3A_1330, %swap3A_1331, %swap3A_1332] {strides = array<i32>} : memref<128x14x32xf32, #tpu.memory_space<vmem>>, vector<16xf32>,
      tpu.vector_store %arg12[%swap3A_1330, %swap3A_1331, %swap3A_1332], %add3A_1329 {strides = array<i32>} : memref<128x14x32xf32, #tpu.memory_space<vmem>>, vector<16xf32>,
      %mul3A_1334 = arith.mulf %gather3A, %get3A_173 : vector<16xf32>
      %add3A_1335 = arith.addf %mul3A_1334, %get3A_181 : vector<16xf32>
      %swap3A_1336 = arith.constant 7 : i32
      %swap3A_1337 = arith.index_cast %scan3A_1326 : i32 to index
      %swap3A_1338 = arith.index_cast %swap3A_1336 : i32 to index
      %swap3A_1339 = arith.constant 16 : index
      %swap3A_1340 = tpu.vector_load %arg12[%swap3A_1337, %swap3A_1338, %swap3A_1339] {strides = array<i32>} : memref<128x14x32xf32, #tpu.memory_space<vmem>>, vector<16xf32>,
      tpu.vector_store %arg12[%swap3A_1337, %swap3A_1338, %swap3A_1339], %add3A_1335 {strides = array<i32>} : memref<128x14x32xf32, #tpu.memory_space<vmem>>, vector<16xf32>,
    }
    %scan3A_189 = arith.constant 128 : i32
    %get3A_190 = arith.constant 7 : i32
    %get3A_191 = arith.index_cast %get3A_190 : i32 to index
    %get3A_192 = arith.constant 0 : index
    %get3A_193 = tpu.vector_load %arg14[%get3A_191, %get3A_192] {strides = array<i32>} : memref<13x32xf32, #tpu.memory_space<vmem>>, vector<16xf32>,
    %get3A_194 = arith.constant 7 : i32
    %get3A_195 = arith.index_cast %get3A_194 : i32 to index
    %get3A_196 = arith.constant 16 : index
    %get3A_197 = tpu.vector_load %arg14[%get3A_195, %get3A_196] {strides = array<i32>} : memref<13x32xf32, #tpu.memory_space<vmem>>, vector<16xf32>,
    %get3A_198 = arith.constant 7 : i32
    %get3A_199 = arith.index_cast %get3A_198 : i32 to index
    %get3A_200 = arith.constant 0 : index
    %get3A_201 = tpu.vector_load %arg15[%get3A_199, %get3A_200] {strides = array<i32>} : memref<13x32xf32, #tpu.memory_space<vmem>>, vector<16xf32>,
    %get3A_202 = arith.constant 7 : i32
    %get3A_203 = arith.index_cast %get3A_202 : i32 to index
    %get3A_204 = arith.constant 16 : index
    %get3A_205 = tpu.vector_load %arg15[%get3A_203, %get3A_204] {strides = array<i32>} : memref<13x32xf32, #tpu.memory_space<vmem>>, vector<16xf32>,
    %broadcast_in_dim3A_206 = arith.constant 7 : i32
    %broadcast_in_dim3A_207 = vector.broadcast %broadcast_in_dim3A_206 : i32 to vector<16xi32>
    %scan3A_208 = arith.constant 0 : i32
    %scan3A_209 = arith.constant 0 : i32
    %scan3A_210 = arith.constant 128 : i32
    %scan3A_211 = arith.addi %scan3A_209, %scan3A_210 : i32
    %scan3A_212 = arith.constant 1 : i32
    scf.for %scan3A_1326 = %scan3A_209 to %scan3A_211 step %scan3A_212  : i32 {
      %broadcast_in_dim3A_1327 = vector.broadcast %scan3A_1326 : i32 to vector<16xi32>
      %gather3A = tpu.vector_load_idx %arg13[%broadcast_in_dim3A_1327, %broadcast_in_dim3A_207] : memref<128x13xf32, #tpu.memory_space<vmem>>[vector<16xi32>, vector<16xi32>], vector<16xf32>,
      %mul3A_1328 = arith.mulf %gather3A, %get3A_193 : vector<16xf32>
      %add3A_1329 = arith.addf %mul3A_1328, %get3A_201 : vector<16xf32>
      %swap3A = arith.constant 8 : i32
      %swap3A_1330 = arith.index_cast %scan3A_1326 : i32 to index
      %swap3A_1331 = arith.index_cast %swap3A : i32 to index
      %swap3A_1332 = arith.constant 0 : index
      %swap3A_1333 = tpu.vector_load %arg12[%swap3A_1330, %swap3A_1331, %swap3A_1332] {strides = array<i32>} : memref<128x14x32xf32, #tpu.memory_space<vmem>>, vector<16xf32>,
      tpu.vector_store %arg12[%swap3A_1330, %swap3A_1331, %swap3A_1332], %add3A_1329 {strides = array<i32>} : memref<128x14x32xf32, #tpu.memory_space<vmem>>, vector<16xf32>,
      %mul3A_1334 = arith.mulf %gather3A, %get3A_197 : vector<16xf32>
      %add3A_1335 = arith.addf %mul3A_1334, %get3A_205 : vector<16xf32>
      %swap3A_1336 = arith.constant 8 : i32
      %swap3A_1337 = arith.index_cast %scan3A_1326 : i32 to index
      %swap3A_1338 = arith.index_cast %swap3A_1336 : i32 to index
      %swap3A_1339 = arith.constant 16 : index
      %swap3A_1340 = tpu.vector_load %arg12[%swap3A_1337, %swap3A_1338, %swap3A_1339] {strides = array<i32>} : memref<128x14x32xf32, #tpu.memory_space<vmem>>, vector<16xf32>,
      tpu.vector_store %arg12[%swap3A_1337, %swap3A_1338, %swap3A_1339], %add3A_1335 {strides = array<i32>} : memref<128x14x32xf32, #tpu.memory_space<vmem>>, vector<16xf32>,
    }
    %scan3A_213 = arith.constant 128 : i32
    %get3A_214 = arith.constant 8 : i32
    %get3A_215 = arith.index_cast %get3A_214 : i32 to index
    %get3A_216 = arith.constant 0 : index
    %get3A_217 = tpu.vector_load %arg14[%get3A_215, %get3A_216] {strides = array<i32>} : memref<13x32xf32, #tpu.memory_space<vmem>>, vector<16xf32>,
    %get3A_218 = arith.constant 8 : i32
    %get3A_219 = arith.index_cast %get3A_218 : i32 to index
    %get3A_220 = arith.constant 16 : index
    %get3A_221 = tpu.vector_load %arg14[%get3A_219, %get3A_220] {strides = array<i32>} : memref<13x32xf32, #tpu.memory_space<vmem>>, vector<16xf32>,
    %get3A_222 = arith.constant 8 : i32
    %get3A_223 = arith.index_cast %get3A_222 : i32 to index
    %get3A_224 = arith.constant 0 : index
    %get3A_225 = tpu.vector_load %arg15[%get3A_223, %get3A_224] {strides = array<i32>} : memref<13x32xf32, #tpu.memory_space<vmem>>, vector<16xf32>,
    %get3A_226 = arith.constant 8 : i32
    %get3A_227 = arith.index_cast %get3A_226 : i32 to index
    %get3A_228 = arith.constant 16 : index
    %get3A_229 = tpu.vector_load %arg15[%get3A_227, %get3A_228] {strides = array<i32>} : memref<13x32xf32, #tpu.memory_space<vmem>>, vector<16xf32>,
    %broadcast_in_dim3A_230 = arith.constant 8 : i32
    %broadcast_in_dim3A_231 = vector.broadcast %broadcast_in_dim3A_230 : i32 to vector<16xi32>
    %scan3A_232 = arith.constant 0 : i32
    %scan3A_233 = arith.constant 0 : i32
    %scan3A_234 = arith.constant 128 : i32
    %scan3A_235 = arith.addi %scan3A_233, %scan3A_234 : i32
    %scan3A_236 = arith.constant 1 : i32
    scf.for %scan3A_1326 = %scan3A_233 to %scan3A_235 step %scan3A_236  : i32 {
      %broadcast_in_dim3A_1327 = vector.broadcast %scan3A_1326 : i32 to vector<16xi32>
      %gather3A = tpu.vector_load_idx %arg13[%broadcast_in_dim3A_1327, %broadcast_in_dim3A_231] : memref<128x13xf32, #tpu.memory_space<vmem>>[vector<16xi32>, vector<16xi32>], vector<16xf32>,
      %mul3A_1328 = arith.mulf %gather3A, %get3A_217 : vector<16xf32>
      %add3A_1329 = arith.addf %mul3A_1328, %get3A_225 : vector<16xf32>
      %swap3A = arith.constant 9 : i32
      %swap3A_1330 = arith.index_cast %scan3A_1326 : i32 to index
      %swap3A_1331 = arith.index_cast %swap3A : i32 to index
      %swap3A_1332 = arith.constant 0 : index
      %swap3A_1333 = tpu.vector_load %arg12[%swap3A_1330, %swap3A_1331, %swap3A_1332] {strides = array<i32>} : memref<128x14x32xf32, #tpu.memory_space<vmem>>, vector<16xf32>,
      tpu.vector_store %arg12[%swap3A_1330, %swap3A_1331, %swap3A_1332], %add3A_1329 {strides = array<i32>} : memref<128x14x32xf32, #tpu.memory_space<vmem>>, vector<16xf32>,
      %mul3A_1334 = arith.mulf %gather3A, %get3A_221 : vector<16xf32>
      %add3A_1335 = arith.addf %mul3A_1334, %get3A_229 : vector<16xf32>
      %swap3A_1336 = arith.constant 9 : i32
      %swap3A_1337 = arith.index_cast %scan3A_1326 : i32 to index
      %swap3A_1338 = arith.index_cast %swap3A_1336 : i32 to index
      %swap3A_1339 = arith.constant 16 : index
      %swap3A_1340 = tpu.vector_load %arg12[%swap3A_1337, %swap3A_1338, %swap3A_1339] {strides = array<i32>} : memref<128x14x32xf32, #tpu.memory_space<vmem>>, vector<16xf32>,
      tpu.vector_store %arg12[%swap3A_1337, %swap3A_1338, %swap3A_1339], %add3A_1335 {strides = array<i32>} : memref<128x14x32xf32, #tpu.memory_space<vmem>>, vector<16xf32>,
    }
    %scan3A_237 = arith.constant 128 : i32
    %get3A_238 = arith.constant 9 : i32
    %get3A_239 = arith.index_cast %get3A_238 : i32 to index
    %get3A_240 = arith.constant 0 : index
    %get3A_241 = tpu.vector_load %arg14[%get3A_239, %get3A_240] {strides = array<i32>} : memref<13x32xf32, #tpu.memory_space<vmem>>, vector<16xf32>,
    %get3A_242 = arith.constant 9 : i32
    %get3A_243 = arith.index_cast %get3A_242 : i32 to index
    %get3A_244 = arith.constant 16 : index
    %get3A_245 = tpu.vector_load %arg14[%get3A_243, %get3A_244] {strides = array<i32>} : memref<13x32xf32, #tpu.memory_space<vmem>>, vector<16xf32>,
    %get3A_246 = arith.constant 9 : i32
    %get3A_247 = arith.index_cast %get3A_246 : i32 to index
    %get3A_248 = arith.constant 0 : index
    %get3A_249 = tpu.vector_load %arg15[%get3A_247, %get3A_248] {strides = array<i32>} : memref<13x32xf32, #tpu.memory_space<vmem>>, vector<16xf32>,
    %get3A_250 = arith.constant 9 : i32
    %get3A_251 = arith.index_cast %get3A_250 : i32 to index
    %get3A_252 = arith.constant 16 : index
    %get3A_253 = tpu.vector_load %arg15[%get3A_251, %get3A_252] {strides = array<i32>} : memref<13x32xf32, #tpu.memory_space<vmem>>, vector<16xf32>,
    %broadcast_in_dim3A_254 = arith.constant 9 : i32
    %broadcast_in_dim3A_255 = vector.broadcast %broadcast_in_dim3A_254 : i32 to vector<16xi32>
    %scan3A_256 = arith.constant 0 : i32
    %scan3A_257 = arith.constant 0 : i32
    %scan3A_258 = arith.constant 128 : i32
    %scan3A_259 = arith.addi %scan3A_257, %scan3A_258 : i32
    %scan3A_260 = arith.constant 1 : i32
    scf.for %scan3A_1326 = %scan3A_257 to %scan3A_259 step %scan3A_260  : i32 {
      %broadcast_in_dim3A_1327 = vector.broadcast %scan3A_1326 : i32 to vector<16xi32>
      %gather3A = tpu.vector_load_idx %arg13[%broadcast_in_dim3A_1327, %broadcast_in_dim3A_255] : memref<128x13xf32, #tpu.memory_space<vmem>>[vector<16xi32>, vector<16xi32>], vector<16xf32>,
      %mul3A_1328 = arith.mulf %gather3A, %get3A_241 : vector<16xf32>
      %add3A_1329 = arith.addf %mul3A_1328, %get3A_249 : vector<16xf32>
      %swap3A = arith.constant 10 : i32
      %swap3A_1330 = arith.index_cast %scan3A_1326 : i32 to index
      %swap3A_1331 = arith.index_cast %swap3A : i32 to index
      %swap3A_1332 = arith.constant 0 : index
      %swap3A_1333 = tpu.vector_load %arg12[%swap3A_1330, %swap3A_1331, %swap3A_1332] {strides = array<i32>} : memref<128x14x32xf32, #tpu.memory_space<vmem>>, vector<16xf32>,
      tpu.vector_store %arg12[%swap3A_1330, %swap3A_1331, %swap3A_1332], %add3A_1329 {strides = array<i32>} : memref<128x14x32xf32, #tpu.memory_space<vmem>>, vector<16xf32>,
      %mul3A_1334 = arith.mulf %gather3A, %get3A_245 : vector<16xf32>
      %add3A_1335 = arith.addf %mul3A_1334, %get3A_253 : vector<16xf32>
      %swap3A_1336 = arith.constant 10 : i32
      %swap3A_1337 = arith.index_cast %scan3A_1326 : i32 to index
      %swap3A_1338 = arith.index_cast %swap3A_1336 : i32 to index
      %swap3A_1339 = arith.constant 16 : index
      %swap3A_1340 = tpu.vector_load %arg12[%swap3A_1337, %swap3A_1338, %swap3A_1339] {strides = array<i32>} : memref<128x14x32xf32, #tpu.memory_space<vmem>>, vector<16xf32>,
      tpu.vector_store %arg12[%swap3A_1337, %swap3A_1338, %swap3A_1339], %add3A_1335 {strides = array<i32>} : memref<128x14x32xf32, #tpu.memory_space<vmem>>, vector<16xf32>,
    }
    %scan3A_261 = arith.constant 128 : i32
    %get3A_262 = arith.constant 10 : i32
    %get3A_263 = arith.index_cast %get3A_262 : i32 to index
    %get3A_264 = arith.constant 0 : index
    %get3A_265 = tpu.vector_load %arg14[%get3A_263, %get3A_264] {strides = array<i32>} : memref<13x32xf32, #tpu.memory_space<vmem>>, vector<16xf32>,
    %get3A_266 = arith.constant 10 : i32
    %get3A_267 = arith.index_cast %get3A_266 : i32 to index
    %get3A_268 = arith.constant 16 : index
    %get3A_269 = tpu.vector_load %arg14[%get3A_267, %get3A_268] {strides = array<i32>} : memref<13x32xf32, #tpu.memory_space<vmem>>, vector<16xf32>,
    %get3A_270 = arith.constant 10 : i32
    %get3A_271 = arith.index_cast %get3A_270 : i32 to index
    %get3A_272 = arith.constant 0 : index
    %get3A_273 = tpu.vector_load %arg15[%get3A_271, %get3A_272] {strides = array<i32>} : memref<13x32xf32, #tpu.memory_space<vmem>>, vector<16xf32>,
    %get3A_274 = arith.constant 10 : i32
    %get3A_275 = arith.index_cast %get3A_274 : i32 to index
    %get3A_276 = arith.constant 16 : index
    %get3A_277 = tpu.vector_load %arg15[%get3A_275, %get3A_276] {strides = array<i32>} : memref<13x32xf32, #tpu.memory_space<vmem>>, vector<16xf32>,
    %broadcast_in_dim3A_278 = arith.constant 10 : i32
    %broadcast_in_dim3A_279 = vector.broadcast %broadcast_in_dim3A_278 : i32 to vector<16xi32>
    %scan3A_280 = arith.constant 0 : i32
    %scan3A_281 = arith.constant 0 : i32
    %scan3A_282 = arith.constant 128 : i32
    %scan3A_283 = arith.addi %scan3A_281, %scan3A_282 : i32
    %scan3A_284 = arith.constant 1 : i32
    scf.for %scan3A_1326 = %scan3A_281 to %scan3A_283 step %scan3A_284  : i32 {
      %broadcast_in_dim3A_1327 = vector.broadcast %scan3A_1326 : i32 to vector<16xi32>
      %gather3A = tpu.vector_load_idx %arg13[%broadcast_in_dim3A_1327, %broadcast_in_dim3A_279] : memref<128x13xf32, #tpu.memory_space<vmem>>[vector<16xi32>, vector<16xi32>], vector<16xf32>,
      %mul3A_1328 = arith.mulf %gather3A, %get3A_265 : vector<16xf32>
      %add3A_1329 = arith.addf %mul3A_1328, %get3A_273 : vector<16xf32>
      %swap3A = arith.constant 11 : i32
      %swap3A_1330 = arith.index_cast %scan3A_1326 : i32 to index
      %swap3A_1331 = arith.index_cast %swap3A : i32 to index
      %swap3A_1332 = arith.constant 0 : index
      %swap3A_1333 = tpu.vector_load %arg12[%swap3A_1330, %swap3A_1331, %swap3A_1332] {strides = array<i32>} : memref<128x14x32xf32, #tpu.memory_space<vmem>>, vector<16xf32>,
      tpu.vector_store %arg12[%swap3A_1330, %swap3A_1331, %swap3A_1332], %add3A_1329 {strides = array<i32>} : memref<128x14x32xf32, #tpu.memory_space<vmem>>, vector<16xf32>,
      %mul3A_1334 = arith.mulf %gather3A, %get3A_269 : vector<16xf32>
      %add3A_1335 = arith.addf %mul3A_1334, %get3A_277 : vector<16xf32>
      %swap3A_1336 = arith.constant 11 : i32
      %swap3A_1337 = arith.index_cast %scan3A_1326 : i32 to index
      %swap3A_1338 = arith.index_cast %swap3A_1336 : i32 to index
      %swap3A_1339 = arith.constant 16 : index
      %swap3A_1340 = tpu.vector_load %arg12[%swap3A_1337, %swap3A_1338, %swap3A_1339] {strides = array<i32>} : memref<128x14x32xf32, #tpu.memory_space<vmem>>, vector<16xf32>,
      tpu.vector_store %arg12[%swap3A_1337, %swap3A_1338, %swap3A_1339], %add3A_1335 {strides = array<i32>} : memref<128x14x32xf32, #tpu.memory_space<vmem>>, vector<16xf32>,
    }
    %scan3A_285 = arith.constant 128 : i32
    %get3A_286 = arith.constant 11 : i32
    %get3A_287 = arith.index_cast %get3A_286 : i32 to index
    %get3A_288 = arith.constant 0 : index
    %get3A_289 = tpu.vector_load %arg14[%get3A_287, %get3A_288] {strides = array<i32>} : memref<13x32xf32, #tpu.memory_space<vmem>>, vector<16xf32>,
    %get3A_290 = arith.constant 11 : i32
    %get3A_291 = arith.index_cast %get3A_290 : i32 to index
    %get3A_292 = arith.constant 16 : index
    %get3A_293 = tpu.vector_load %arg14[%get3A_291, %get3A_292] {strides = array<i32>} : memref<13x32xf32, #tpu.memory_space<vmem>>, vector<16xf32>,
    %get3A_294 = arith.constant 11 : i32
    %get3A_295 = arith.index_cast %get3A_294 : i32 to index
    %get3A_296 = arith.constant 0 : index
    %get3A_297 = tpu.vector_load %arg15[%get3A_295, %get3A_296] {strides = array<i32>} : memref<13x32xf32, #tpu.memory_space<vmem>>, vector<16xf32>,
    %get3A_298 = arith.constant 11 : i32
    %get3A_299 = arith.index_cast %get3A_298 : i32 to index
    %get3A_300 = arith.constant 16 : index
    %get3A_301 = tpu.vector_load %arg15[%get3A_299, %get3A_300] {strides = array<i32>} : memref<13x32xf32, #tpu.memory_space<vmem>>, vector<16xf32>,
    %broadcast_in_dim3A_302 = arith.constant 11 : i32
    %broadcast_in_dim3A_303 = vector.broadcast %broadcast_in_dim3A_302 : i32 to vector<16xi32>
    %scan3A_304 = arith.constant 0 : i32
    %scan3A_305 = arith.constant 0 : i32
    %scan3A_306 = arith.constant 128 : i32
    %scan3A_307 = arith.addi %scan3A_305, %scan3A_306 : i32
    %scan3A_308 = arith.constant 1 : i32
    scf.for %scan3A_1326 = %scan3A_305 to %scan3A_307 step %scan3A_308  : i32 {
      %broadcast_in_dim3A_1327 = vector.broadcast %scan3A_1326 : i32 to vector<16xi32>
      %gather3A = tpu.vector_load_idx %arg13[%broadcast_in_dim3A_1327, %broadcast_in_dim3A_303] : memref<128x13xf32, #tpu.memory_space<vmem>>[vector<16xi32>, vector<16xi32>], vector<16xf32>,
      %mul3A_1328 = arith.mulf %gather3A, %get3A_289 : vector<16xf32>
      %add3A_1329 = arith.addf %mul3A_1328, %get3A_297 : vector<16xf32>
      %swap3A = arith.constant 12 : i32
      %swap3A_1330 = arith.index_cast %scan3A_1326 : i32 to index
      %swap3A_1331 = arith.index_cast %swap3A : i32 to index
      %swap3A_1332 = arith.constant 0 : index
      %swap3A_1333 = tpu.vector_load %arg12[%swap3A_1330, %swap3A_1331, %swap3A_1332] {strides = array<i32>} : memref<128x14x32xf32, #tpu.memory_space<vmem>>, vector<16xf32>,
      tpu.vector_store %arg12[%swap3A_1330, %swap3A_1331, %swap3A_1332], %add3A_1329 {strides = array<i32>} : memref<128x14x32xf32, #tpu.memory_space<vmem>>, vector<16xf32>,
      %mul3A_1334 = arith.mulf %gather3A, %get3A_293 : vector<16xf32>
      %add3A_1335 = arith.addf %mul3A_1334, %get3A_301 : vector<16xf32>
      %swap3A_1336 = arith.constant 12 : i32
      %swap3A_1337 = arith.index_cast %scan3A_1326 : i32 to index
      %swap3A_1338 = arith.index_cast %swap3A_1336 : i32 to index
      %swap3A_1339 = arith.constant 16 : index
      %swap3A_1340 = tpu.vector_load %arg12[%swap3A_1337, %swap3A_1338, %swap3A_1339] {strides = array<i32>} : memref<128x14x32xf32, #tpu.memory_space<vmem>>, vector<16xf32>,
      tpu.vector_store %arg12[%swap3A_1337, %swap3A_1338, %swap3A_1339], %add3A_1335 {strides = array<i32>} : memref<128x14x32xf32, #tpu.memory_space<vmem>>, vector<16xf32>,
    }
    %scan3A_309 = arith.constant 128 : i32
    %get3A_310 = arith.constant 12 : i32
    %get3A_311 = arith.index_cast %get3A_310 : i32 to index
    %get3A_312 = arith.constant 0 : index
    %get3A_313 = tpu.vector_load %arg14[%get3A_311, %get3A_312] {strides = array<i32>} : memref<13x32xf32, #tpu.memory_space<vmem>>, vector<16xf32>,
    %get3A_314 = arith.constant 12 : i32
    %get3A_315 = arith.index_cast %get3A_314 : i32 to index
    %get3A_316 = arith.constant 16 : index
    %get3A_317 = tpu.vector_load %arg14[%get3A_315, %get3A_316] {strides = array<i32>} : memref<13x32xf32, #tpu.memory_space<vmem>>, vector<16xf32>,
    %get3A_318 = arith.constant 12 : i32
    %get3A_319 = arith.index_cast %get3A_318 : i32 to index
    %get3A_320 = arith.constant 0 : index
    %get3A_321 = tpu.vector_load %arg15[%get3A_319, %get3A_320] {strides = array<i32>} : memref<13x32xf32, #tpu.memory_space<vmem>>, vector<16xf32>,
    %get3A_322 = arith.constant 12 : i32
    %get3A_323 = arith.index_cast %get3A_322 : i32 to index
    %get3A_324 = arith.constant 16 : index
    %get3A_325 = tpu.vector_load %arg15[%get3A_323, %get3A_324] {strides = array<i32>} : memref<13x32xf32, #tpu.memory_space<vmem>>, vector<16xf32>,
    %broadcast_in_dim3A_326 = arith.constant 12 : i32
    %broadcast_in_dim3A_327 = vector.broadcast %broadcast_in_dim3A_326 : i32 to vector<16xi32>
    %scan3A_328 = arith.constant 0 : i32
    %scan3A_329 = arith.constant 0 : i32
    %scan3A_330 = arith.constant 128 : i32
    %scan3A_331 = arith.addi %scan3A_329, %scan3A_330 : i32
    %scan3A_332 = arith.constant 1 : i32
    scf.for %scan3A_1326 = %scan3A_329 to %scan3A_331 step %scan3A_332  : i32 {
      %broadcast_in_dim3A_1327 = vector.broadcast %scan3A_1326 : i32 to vector<16xi32>
      %gather3A = tpu.vector_load_idx %arg13[%broadcast_in_dim3A_1327, %broadcast_in_dim3A_327] : memref<128x13xf32, #tpu.memory_space<vmem>>[vector<16xi32>, vector<16xi32>], vector<16xf32>,
      %mul3A_1328 = arith.mulf %gather3A, %get3A_313 : vector<16xf32>
      %add3A_1329 = arith.addf %mul3A_1328, %get3A_321 : vector<16xf32>
      %swap3A = arith.constant 13 : i32
      %swap3A_1330 = arith.index_cast %scan3A_1326 : i32 to index
      %swap3A_1331 = arith.index_cast %swap3A : i32 to index
      %swap3A_1332 = arith.constant 0 : index
      %swap3A_1333 = tpu.vector_load %arg12[%swap3A_1330, %swap3A_1331, %swap3A_1332] {strides = array<i32>} : memref<128x14x32xf32, #tpu.memory_space<vmem>>, vector<16xf32>,
      tpu.vector_store %arg12[%swap3A_1330, %swap3A_1331, %swap3A_1332], %add3A_1329 {strides = array<i32>} : memref<128x14x32xf32, #tpu.memory_space<vmem>>, vector<16xf32>,
      %mul3A_1334 = arith.mulf %gather3A, %get3A_317 : vector<16xf32>
      %add3A_1335 = arith.addf %mul3A_1334, %get3A_325 : vector<16xf32>
      %swap3A_1336 = arith.constant 13 : i32
      %swap3A_1337 = arith.index_cast %scan3A_1326 : i32 to index
      %swap3A_1338 = arith.index_cast %swap3A_1336 : i32 to index
      %swap3A_1339 = arith.constant 16 : index
      %swap3A_1340 = tpu.vector_load %arg12[%swap3A_1337, %swap3A_1338, %swap3A_1339] {strides = array<i32>} : memref<128x14x32xf32, #tpu.memory_space<vmem>>, vector<16xf32>,
      tpu.vector_store %arg12[%swap3A_1337, %swap3A_1338, %swap3A_1339], %add3A_1335 {strides = array<i32>} : memref<128x14x32xf32, #tpu.memory_space<vmem>>, vector<16xf32>,
    }
    %scan3A_333 = arith.constant 128 : i32
    %add3A_334 = arith.constant 0 : i32
    %add3A_335 = arith.addi %mul3A_2, %add3A_334 : i32
    "tpu.region"() ({
      %run_scoped3A = tpu.sem_alloc : memref<!tpu.dma_semaphore, #tpu.memory_space<semaphore_mem>>
      %dma_start3A = arith.constant 0 : i32
      %dma_start3A_1326 = arith.constant 0 : i32
      %dma_start3A_1327 = tpu.memref_slice %arg8[%add3A_335, %dma_start3A, %dma_start3A_1326] : memref<16384x40x128xf32, #tpu.memory_space<hbm>> -> memref<128x14x32xf32, #tpu.memory_space<hbm>>
      %dma_start3A_1328 = arith.constant 0 : i32
      %dma_start3A_1329 = arith.constant 0 : i32
      %dma_start3A_1330 = tpu.memref_slice %arg8[%add3A_335, %dma_start3A_1328, %dma_start3A_1329] : memref<16384x40x128xf32, #tpu.memory_space<hbm>> -> memref<128x14x32xf32, #tpu.memory_space<hbm>>
      tpu.enqueue_dma source(%arg12 : memref<128x14x32xf32, #tpu.memory_space<vmem>>) target(%dma_start3A_1330 : memref<128x14x32xf32, #tpu.memory_space<hbm>>) target_semaphore(%run_scoped3A : memref<!tpu.dma_semaphore, #tpu.memory_space<semaphore_mem>>)
      %dma_wait3A = arith.constant 0 : i32
      %dma_wait3A_1331 = arith.constant 0 : i32
      %dma_wait3A_1332 = tpu.memref_slice %arg8[%add3A_335, %dma_wait3A, %dma_wait3A_1331] : memref<16384x40x128xf32, #tpu.memory_space<hbm>> -> memref<128x14x32xf32, #tpu.memory_space<hbm>>
      %dma_wait3A_1333 = arith.constant 0 : i32
      %dma_wait3A_1334 = arith.constant 0 : i32
      %dma_wait3A_1335 = tpu.memref_slice %arg8[%add3A_335, %dma_wait3A_1333, %dma_wait3A_1334] : memref<16384x40x128xf32, #tpu.memory_space<hbm>> -> memref<128x14x32xf32, #tpu.memory_space<hbm>>
      tpu.wait_dma2 semaphore(%run_scoped3A : memref<!tpu.dma_semaphore, #tpu.memory_space<semaphore_mem>>) src(%arg12 : memref<128x14x32xf32, #tpu.memory_space<vmem>>) dst(%dma_wait3A_1335 : memref<128x14x32xf32, #tpu.memory_space<hbm>>)
      tpu.yield
    }) : () -> ()
    %add3A_336 = arith.constant 128 : i32
    %add3A_337 = arith.addi %mul3A_2, %add3A_336 : i32
    "tpu.region"() ({
      %run_scoped3A = tpu.sem_alloc : memref<!tpu.dma_semaphore, #tpu.memory_space<semaphore_mem>>
      %dma_start3A = arith.constant 0 : i32
      %dma_start3A_1326 = tpu.memref_slice %arg4[%add3A_337, %dma_start3A] : memref<16384x13xf32, #tpu.memory_space<hbm>> -> memref<128x13xf32, #tpu.memory_space<hbm>>
      %dma_start3A_1327 = arith.constant 0 : i32
      %dma_start3A_1328 = tpu.memref_slice %arg4[%add3A_337, %dma_start3A_1327] : memref<16384x13xf32, #tpu.memory_space<hbm>> -> memref<128x13xf32, #tpu.memory_space<hbm>>
      tpu.enqueue_dma source(%dma_start3A_1328 : memref<128x13xf32, #tpu.memory_space<hbm>>) target(%arg13 : memref<128x13xf32, #tpu.memory_space<vmem>>) target_semaphore(%run_scoped3A : memref<!tpu.dma_semaphore, #tpu.memory_space<semaphore_mem>>)
      %dma_wait3A = arith.constant 0 : i32
      %dma_wait3A_1329 = tpu.memref_slice %arg4[%add3A_337, %dma_wait3A] : memref<16384x13xf32, #tpu.memory_space<hbm>> -> memref<128x13xf32, #tpu.memory_space<hbm>>
      %dma_wait3A_1330 = arith.constant 0 : i32
      %dma_wait3A_1331 = tpu.memref_slice %arg4[%add3A_337, %dma_wait3A_1330] : memref<16384x13xf32, #tpu.memory_space<hbm>> -> memref<128x13xf32, #tpu.memory_space<hbm>>
      tpu.wait_dma2 semaphore(%run_scoped3A : memref<!tpu.dma_semaphore, #tpu.memory_space<semaphore_mem>>) src(%dma_wait3A_1331 : memref<128x13xf32, #tpu.memory_space<hbm>>) dst(%arg13 : memref<128x13xf32, #tpu.memory_space<vmem>>)
      tpu.yield
    }) : () -> ()
    %get3A_338 = arith.constant 0 : i32
    %get3A_339 = arith.index_cast %get3A_338 : i32 to index
    %get3A_340 = arith.constant 0 : index
    %get3A_341 = tpu.vector_load %arg16[%get3A_339, %get3A_340] {strides = array<i32>} : memref<1x32xf32, #tpu.memory_space<vmem>>, vector<16xf32>,
    %get3A_342 = arith.constant 0 : i32
    %get3A_343 = arith.index_cast %get3A_342 : i32 to index
    %get3A_344 = arith.constant 16 : index
    %get3A_345 = tpu.vector_load %arg16[%get3A_343, %get3A_344] {strides = array<i32>} : memref<1x32xf32, #tpu.memory_space<vmem>>, vector<16xf32>,
    %scan3A_346 = arith.constant 0 : i32
    %scan3A_347 = arith.constant 0 : i32
    %scan3A_348 = arith.constant 128 : i32
    %scan3A_349 = arith.addi %scan3A_347, %scan3A_348 : i32
    %scan3A_350 = arith.constant 1 : i32
    scf.for %scan3A_1326 = %scan3A_347 to %scan3A_349 step %scan3A_350  : i32 {
      %swap3A = arith.constant 0 : i32
      %swap3A_1327 = arith.index_cast %scan3A_1326 : i32 to index
      %swap3A_1328 = arith.index_cast %swap3A : i32 to index
      %swap3A_1329 = arith.constant 0 : index
      %swap3A_1330 = tpu.vector_load %arg12[%swap3A_1327, %swap3A_1328, %swap3A_1329] {strides = array<i32>} : memref<128x14x32xf32, #tpu.memory_space<vmem>>, vector<16xf32>,
      tpu.vector_store %arg12[%swap3A_1327, %swap3A_1328, %swap3A_1329], %get3A_341 {strides = array<i32>} : memref<128x14x32xf32, #tpu.memory_space<vmem>>, vector<16xf32>,
      %swap3A_1331 = arith.constant 0 : i32
      %swap3A_1332 = arith.index_cast %scan3A_1326 : i32 to index
      %swap3A_1333 = arith.index_cast %swap3A_1331 : i32 to index
      %swap3A_1334 = arith.constant 16 : index
      %swap3A_1335 = tpu.vector_load %arg12[%swap3A_1332, %swap3A_1333, %swap3A_1334] {strides = array<i32>} : memref<128x14x32xf32, #tpu.memory_space<vmem>>, vector<16xf32>,
      tpu.vector_store %arg12[%swap3A_1332, %swap3A_1333, %swap3A_1334], %get3A_345 {strides = array<i32>} : memref<128x14x32xf32, #tpu.memory_space<vmem>>, vector<16xf32>,
    }
    %scan3A_351 = arith.constant 128 : i32
    %get3A_352 = arith.constant 0 : i32
    %get3A_353 = arith.index_cast %get3A_352 : i32 to index
    %get3A_354 = arith.constant 0 : index
    %get3A_355 = tpu.vector_load %arg14[%get3A_353, %get3A_354] {strides = array<i32>} : memref<13x32xf32, #tpu.memory_space<vmem>>, vector<16xf32>,
    %get3A_356 = arith.constant 0 : i32
    %get3A_357 = arith.index_cast %get3A_356 : i32 to index
    %get3A_358 = arith.constant 16 : index
    %get3A_359 = tpu.vector_load %arg14[%get3A_357, %get3A_358] {strides = array<i32>} : memref<13x32xf32, #tpu.memory_space<vmem>>, vector<16xf32>,
    %get3A_360 = arith.constant 0 : i32
    %get3A_361 = arith.index_cast %get3A_360 : i32 to index
    %get3A_362 = arith.constant 0 : index
    %get3A_363 = tpu.vector_load %arg15[%get3A_361, %get3A_362] {strides = array<i32>} : memref<13x32xf32, #tpu.memory_space<vmem>>, vector<16xf32>,
    %get3A_364 = arith.constant 0 : i32
    %get3A_365 = arith.index_cast %get3A_364 : i32 to index
    %get3A_366 = arith.constant 16 : index
    %get3A_367 = tpu.vector_load %arg15[%get3A_365, %get3A_366] {strides = array<i32>} : memref<13x32xf32, #tpu.memory_space<vmem>>, vector<16xf32>,
    %broadcast_in_dim3A_368 = arith.constant 0 : i32
    %broadcast_in_dim3A_369 = vector.broadcast %broadcast_in_dim3A_368 : i32 to vector<16xi32>
    %scan3A_370 = arith.constant 0 : i32
    %scan3A_371 = arith.constant 0 : i32
    %scan3A_372 = arith.constant 128 : i32
    %scan3A_373 = arith.addi %scan3A_371, %scan3A_372 : i32
    %scan3A_374 = arith.constant 1 : i32
    scf.for %scan3A_1326 = %scan3A_371 to %scan3A_373 step %scan3A_374  : i32 {
      %broadcast_in_dim3A_1327 = vector.broadcast %scan3A_1326 : i32 to vector<16xi32>
      %gather3A = tpu.vector_load_idx %arg13[%broadcast_in_dim3A_1327, %broadcast_in_dim3A_369] : memref<128x13xf32, #tpu.memory_space<vmem>>[vector<16xi32>, vector<16xi32>], vector<16xf32>,
      %mul3A_1328 = arith.mulf %gather3A, %get3A_355 : vector<16xf32>
      %add3A_1329 = arith.addf %mul3A_1328, %get3A_363 : vector<16xf32>
      %swap3A = arith.constant 1 : i32
      %swap3A_1330 = arith.index_cast %scan3A_1326 : i32 to index
      %swap3A_1331 = arith.index_cast %swap3A : i32 to index
      %swap3A_1332 = arith.constant 0 : index
      %swap3A_1333 = tpu.vector_load %arg12[%swap3A_1330, %swap3A_1331, %swap3A_1332] {strides = array<i32>} : memref<128x14x32xf32, #tpu.memory_space<vmem>>, vector<16xf32>,
      tpu.vector_store %arg12[%swap3A_1330, %swap3A_1331, %swap3A_1332], %add3A_1329 {strides = array<i32>} : memref<128x14x32xf32, #tpu.memory_space<vmem>>, vector<16xf32>,
      %mul3A_1334 = arith.mulf %gather3A, %get3A_359 : vector<16xf32>
      %add3A_1335 = arith.addf %mul3A_1334, %get3A_367 : vector<16xf32>
      %swap3A_1336 = arith.constant 1 : i32
      %swap3A_1337 = arith.index_cast %scan3A_1326 : i32 to index
      %swap3A_1338 = arith.index_cast %swap3A_1336 : i32 to index
      %swap3A_1339 = arith.constant 16 : index
      %swap3A_1340 = tpu.vector_load %arg12[%swap3A_1337, %swap3A_1338, %swap3A_1339] {strides = array<i32>} : memref<128x14x32xf32, #tpu.memory_space<vmem>>, vector<16xf32>,
      tpu.vector_store %arg12[%swap3A_1337, %swap3A_1338, %swap3A_1339], %add3A_1335 {strides = array<i32>} : memref<128x14x32xf32, #tpu.memory_space<vmem>>, vector<16xf32>,
    }
    %scan3A_375 = arith.constant 128 : i32
    %get3A_376 = arith.constant 1 : i32
    %get3A_377 = arith.index_cast %get3A_376 : i32 to index
    %get3A_378 = arith.constant 0 : index
    %get3A_379 = tpu.vector_load %arg14[%get3A_377, %get3A_378] {strides = array<i32>} : memref<13x32xf32, #tpu.memory_space<vmem>>, vector<16xf32>,
    %get3A_380 = arith.constant 1 : i32
    %get3A_381 = arith.index_cast %get3A_380 : i32 to index
    %get3A_382 = arith.constant 16 : index
    %get3A_383 = tpu.vector_load %arg14[%get3A_381, %get3A_382] {strides = array<i32>} : memref<13x32xf32, #tpu.memory_space<vmem>>, vector<16xf32>,
    %get3A_384 = arith.constant 1 : i32
    %get3A_385 = arith.index_cast %get3A_384 : i32 to index
    %get3A_386 = arith.constant 0 : index
    %get3A_387 = tpu.vector_load %arg15[%get3A_385, %get3A_386] {strides = array<i32>} : memref<13x32xf32, #tpu.memory_space<vmem>>, vector<16xf32>,
    %get3A_388 = arith.constant 1 : i32
    %get3A_389 = arith.index_cast %get3A_388 : i32 to index
    %get3A_390 = arith.constant 16 : index
    %get3A_391 = tpu.vector_load %arg15[%get3A_389, %get3A_390] {strides = array<i32>} : memref<13x32xf32, #tpu.memory_space<vmem>>, vector<16xf32>,
    %broadcast_in_dim3A_392 = arith.constant 1 : i32
    %broadcast_in_dim3A_393 = vector.broadcast %broadcast_in_dim3A_392 : i32 to vector<16xi32>
    %scan3A_394 = arith.constant 0 : i32
    %scan3A_395 = arith.constant 0 : i32
    %scan3A_396 = arith.constant 128 : i32
    %scan3A_397 = arith.addi %scan3A_395, %scan3A_396 : i32
    %scan3A_398 = arith.constant 1 : i32
    scf.for %scan3A_1326 = %scan3A_395 to %scan3A_397 step %scan3A_398  : i32 {
      %broadcast_in_dim3A_1327 = vector.broadcast %scan3A_1326 : i32 to vector<16xi32>
      %gather3A = tpu.vector_load_idx %arg13[%broadcast_in_dim3A_1327, %broadcast_in_dim3A_393] : memref<128x13xf32, #tpu.memory_space<vmem>>[vector<16xi32>, vector<16xi32>], vector<16xf32>,
      %mul3A_1328 = arith.mulf %gather3A, %get3A_379 : vector<16xf32>
      %add3A_1329 = arith.addf %mul3A_1328, %get3A_387 : vector<16xf32>
      %swap3A = arith.constant 2 : i32
      %swap3A_1330 = arith.index_cast %scan3A_1326 : i32 to index
      %swap3A_1331 = arith.index_cast %swap3A : i32 to index
      %swap3A_1332 = arith.constant 0 : index
      %swap3A_1333 = tpu.vector_load %arg12[%swap3A_1330, %swap3A_1331, %swap3A_1332] {strides = array<i32>} : memref<128x14x32xf32, #tpu.memory_space<vmem>>, vector<16xf32>,
      tpu.vector_store %arg12[%swap3A_1330, %swap3A_1331, %swap3A_1332], %add3A_1329 {strides = array<i32>} : memref<128x14x32xf32, #tpu.memory_space<vmem>>, vector<16xf32>,
      %mul3A_1334 = arith.mulf %gather3A, %get3A_383 : vector<16xf32>
      %add3A_1335 = arith.addf %mul3A_1334, %get3A_391 : vector<16xf32>
      %swap3A_1336 = arith.constant 2 : i32
      %swap3A_1337 = arith.index_cast %scan3A_1326 : i32 to index
      %swap3A_1338 = arith.index_cast %swap3A_1336 : i32 to index
      %swap3A_1339 = arith.constant 16 : index
      %swap3A_1340 = tpu.vector_load %arg12[%swap3A_1337, %swap3A_1338, %swap3A_1339] {strides = array<i32>} : memref<128x14x32xf32, #tpu.memory_space<vmem>>, vector<16xf32>,
      tpu.vector_store %arg12[%swap3A_1337, %swap3A_1338, %swap3A_1339], %add3A_1335 {strides = array<i32>} : memref<128x14x32xf32, #tpu.memory_space<vmem>>, vector<16xf32>,
    }
    %scan3A_399 = arith.constant 128 : i32
    %get3A_400 = arith.constant 2 : i32
    %get3A_401 = arith.index_cast %get3A_400 : i32 to index
    %get3A_402 = arith.constant 0 : index
    %get3A_403 = tpu.vector_load %arg14[%get3A_401, %get3A_402] {strides = array<i32>} : memref<13x32xf32, #tpu.memory_space<vmem>>, vector<16xf32>,
    %get3A_404 = arith.constant 2 : i32
    %get3A_405 = arith.index_cast %get3A_404 : i32 to index
    %get3A_406 = arith.constant 16 : index
    %get3A_407 = tpu.vector_load %arg14[%get3A_405, %get3A_406] {strides = array<i32>} : memref<13x32xf32, #tpu.memory_space<vmem>>, vector<16xf32>,
    %get3A_408 = arith.constant 2 : i32
    %get3A_409 = arith.index_cast %get3A_408 : i32 to index
    %get3A_410 = arith.constant 0 : index
    %get3A_411 = tpu.vector_load %arg15[%get3A_409, %get3A_410] {strides = array<i32>} : memref<13x32xf32, #tpu.memory_space<vmem>>, vector<16xf32>,
    %get3A_412 = arith.constant 2 : i32
    %get3A_413 = arith.index_cast %get3A_412 : i32 to index
    %get3A_414 = arith.constant 16 : index
    %get3A_415 = tpu.vector_load %arg15[%get3A_413, %get3A_414] {strides = array<i32>} : memref<13x32xf32, #tpu.memory_space<vmem>>, vector<16xf32>,
    %broadcast_in_dim3A_416 = arith.constant 2 : i32
    %broadcast_in_dim3A_417 = vector.broadcast %broadcast_in_dim3A_416 : i32 to vector<16xi32>
    %scan3A_418 = arith.constant 0 : i32
    %scan3A_419 = arith.constant 0 : i32
    %scan3A_420 = arith.constant 128 : i32
    %scan3A_421 = arith.addi %scan3A_419, %scan3A_420 : i32
    %scan3A_422 = arith.constant 1 : i32
    scf.for %scan3A_1326 = %scan3A_419 to %scan3A_421 step %scan3A_422  : i32 {
      %broadcast_in_dim3A_1327 = vector.broadcast %scan3A_1326 : i32 to vector<16xi32>
      %gather3A = tpu.vector_load_idx %arg13[%broadcast_in_dim3A_1327, %broadcast_in_dim3A_417] : memref<128x13xf32, #tpu.memory_space<vmem>>[vector<16xi32>, vector<16xi32>], vector<16xf32>,
      %mul3A_1328 = arith.mulf %gather3A, %get3A_403 : vector<16xf32>
      %add3A_1329 = arith.addf %mul3A_1328, %get3A_411 : vector<16xf32>
      %swap3A = arith.constant 3 : i32
      %swap3A_1330 = arith.index_cast %scan3A_1326 : i32 to index
      %swap3A_1331 = arith.index_cast %swap3A : i32 to index
      %swap3A_1332 = arith.constant 0 : index
      %swap3A_1333 = tpu.vector_load %arg12[%swap3A_1330, %swap3A_1331, %swap3A_1332] {strides = array<i32>} : memref<128x14x32xf32, #tpu.memory_space<vmem>>, vector<16xf32>,
      tpu.vector_store %arg12[%swap3A_1330, %swap3A_1331, %swap3A_1332], %add3A_1329 {strides = array<i32>} : memref<128x14x32xf32, #tpu.memory_space<vmem>>, vector<16xf32>,
      %mul3A_1334 = arith.mulf %gather3A, %get3A_407 : vector<16xf32>
      %add3A_1335 = arith.addf %mul3A_1334, %get3A_415 : vector<16xf32>
      %swap3A_1336 = arith.constant 3 : i32
      %swap3A_1337 = arith.index_cast %scan3A_1326 : i32 to index
      %swap3A_1338 = arith.index_cast %swap3A_1336 : i32 to index
      %swap3A_1339 = arith.constant 16 : index
      %swap3A_1340 = tpu.vector_load %arg12[%swap3A_1337, %swap3A_1338, %swap3A_1339] {strides = array<i32>} : memref<128x14x32xf32, #tpu.memory_space<vmem>>, vector<16xf32>,
      tpu.vector_store %arg12[%swap3A_1337, %swap3A_1338, %swap3A_1339], %add3A_1335 {strides = array<i32>} : memref<128x14x32xf32, #tpu.memory_space<vmem>>, vector<16xf32>,
    }
    %scan3A_423 = arith.constant 128 : i32
    %get3A_424 = arith.constant 3 : i32
    %get3A_425 = arith.index_cast %get3A_424 : i32 to index
    %get3A_426 = arith.constant 0 : index
    %get3A_427 = tpu.vector_load %arg14[%get3A_425, %get3A_426] {strides = array<i32>} : memref<13x32xf32, #tpu.memory_space<vmem>>, vector<16xf32>,
    %get3A_428 = arith.constant 3 : i32
    %get3A_429 = arith.index_cast %get3A_428 : i32 to index
    %get3A_430 = arith.constant 16 : index
    %get3A_431 = tpu.vector_load %arg14[%get3A_429, %get3A_430] {strides = array<i32>} : memref<13x32xf32, #tpu.memory_space<vmem>>, vector<16xf32>,
    %get3A_432 = arith.constant 3 : i32
    %get3A_433 = arith.index_cast %get3A_432 : i32 to index
    %get3A_434 = arith.constant 0 : index
    %get3A_435 = tpu.vector_load %arg15[%get3A_433, %get3A_434] {strides = array<i32>} : memref<13x32xf32, #tpu.memory_space<vmem>>, vector<16xf32>,
    %get3A_436 = arith.constant 3 : i32
    %get3A_437 = arith.index_cast %get3A_436 : i32 to index
    %get3A_438 = arith.constant 16 : index
    %get3A_439 = tpu.vector_load %arg15[%get3A_437, %get3A_438] {strides = array<i32>} : memref<13x32xf32, #tpu.memory_space<vmem>>, vector<16xf32>,
    %broadcast_in_dim3A_440 = arith.constant 3 : i32
    %broadcast_in_dim3A_441 = vector.broadcast %broadcast_in_dim3A_440 : i32 to vector<16xi32>
    %scan3A_442 = arith.constant 0 : i32
    %scan3A_443 = arith.constant 0 : i32
    %scan3A_444 = arith.constant 128 : i32
    %scan3A_445 = arith.addi %scan3A_443, %scan3A_444 : i32
    %scan3A_446 = arith.constant 1 : i32
    scf.for %scan3A_1326 = %scan3A_443 to %scan3A_445 step %scan3A_446  : i32 {
      %broadcast_in_dim3A_1327 = vector.broadcast %scan3A_1326 : i32 to vector<16xi32>
      %gather3A = tpu.vector_load_idx %arg13[%broadcast_in_dim3A_1327, %broadcast_in_dim3A_441] : memref<128x13xf32, #tpu.memory_space<vmem>>[vector<16xi32>, vector<16xi32>], vector<16xf32>,
      %mul3A_1328 = arith.mulf %gather3A, %get3A_427 : vector<16xf32>
      %add3A_1329 = arith.addf %mul3A_1328, %get3A_435 : vector<16xf32>
      %swap3A = arith.constant 4 : i32
      %swap3A_1330 = arith.index_cast %scan3A_1326 : i32 to index
      %swap3A_1331 = arith.index_cast %swap3A : i32 to index
      %swap3A_1332 = arith.constant 0 : index
      %swap3A_1333 = tpu.vector_load %arg12[%swap3A_1330, %swap3A_1331, %swap3A_1332] {strides = array<i32>} : memref<128x14x32xf32, #tpu.memory_space<vmem>>, vector<16xf32>,
      tpu.vector_store %arg12[%swap3A_1330, %swap3A_1331, %swap3A_1332], %add3A_1329 {strides = array<i32>} : memref<128x14x32xf32, #tpu.memory_space<vmem>>, vector<16xf32>,
      %mul3A_1334 = arith.mulf %gather3A, %get3A_431 : vector<16xf32>
      %add3A_1335 = arith.addf %mul3A_1334, %get3A_439 : vector<16xf32>
      %swap3A_1336 = arith.constant 4 : i32
      %swap3A_1337 = arith.index_cast %scan3A_1326 : i32 to index
      %swap3A_1338 = arith.index_cast %swap3A_1336 : i32 to index
      %swap3A_1339 = arith.constant 16 : index
      %swap3A_1340 = tpu.vector_load %arg12[%swap3A_1337, %swap3A_1338, %swap3A_1339] {strides = array<i32>} : memref<128x14x32xf32, #tpu.memory_space<vmem>>, vector<16xf32>,
      tpu.vector_store %arg12[%swap3A_1337, %swap3A_1338, %swap3A_1339], %add3A_1335 {strides = array<i32>} : memref<128x14x32xf32, #tpu.memory_space<vmem>>, vector<16xf32>,
    }
    %scan3A_447 = arith.constant 128 : i32
    %get3A_448 = arith.constant 4 : i32
    %get3A_449 = arith.index_cast %get3A_448 : i32 to index
    %get3A_450 = arith.constant 0 : index
    %get3A_451 = tpu.vector_load %arg14[%get3A_449, %get3A_450] {strides = array<i32>} : memref<13x32xf32, #tpu.memory_space<vmem>>, vector<16xf32>,
    %get3A_452 = arith.constant 4 : i32
    %get3A_453 = arith.index_cast %get3A_452 : i32 to index
    %get3A_454 = arith.constant 16 : index
    %get3A_455 = tpu.vector_load %arg14[%get3A_453, %get3A_454] {strides = array<i32>} : memref<13x32xf32, #tpu.memory_space<vmem>>, vector<16xf32>,
    %get3A_456 = arith.constant 4 : i32
    %get3A_457 = arith.index_cast %get3A_456 : i32 to index
    %get3A_458 = arith.constant 0 : index
    %get3A_459 = tpu.vector_load %arg15[%get3A_457, %get3A_458] {strides = array<i32>} : memref<13x32xf32, #tpu.memory_space<vmem>>, vector<16xf32>,
    %get3A_460 = arith.constant 4 : i32
    %get3A_461 = arith.index_cast %get3A_460 : i32 to index
    %get3A_462 = arith.constant 16 : index
    %get3A_463 = tpu.vector_load %arg15[%get3A_461, %get3A_462] {strides = array<i32>} : memref<13x32xf32, #tpu.memory_space<vmem>>, vector<16xf32>,
    %broadcast_in_dim3A_464 = arith.constant 4 : i32
    %broadcast_in_dim3A_465 = vector.broadcast %broadcast_in_dim3A_464 : i32 to vector<16xi32>
    %scan3A_466 = arith.constant 0 : i32
    %scan3A_467 = arith.constant 0 : i32
    %scan3A_468 = arith.constant 128 : i32
    %scan3A_469 = arith.addi %scan3A_467, %scan3A_468 : i32
    %scan3A_470 = arith.constant 1 : i32
    scf.for %scan3A_1326 = %scan3A_467 to %scan3A_469 step %scan3A_470  : i32 {
      %broadcast_in_dim3A_1327 = vector.broadcast %scan3A_1326 : i32 to vector<16xi32>
      %gather3A = tpu.vector_load_idx %arg13[%broadcast_in_dim3A_1327, %broadcast_in_dim3A_465] : memref<128x13xf32, #tpu.memory_space<vmem>>[vector<16xi32>, vector<16xi32>], vector<16xf32>,
      %mul3A_1328 = arith.mulf %gather3A, %get3A_451 : vector<16xf32>
      %add3A_1329 = arith.addf %mul3A_1328, %get3A_459 : vector<16xf32>
      %swap3A = arith.constant 5 : i32
      %swap3A_1330 = arith.index_cast %scan3A_1326 : i32 to index
      %swap3A_1331 = arith.index_cast %swap3A : i32 to index
      %swap3A_1332 = arith.constant 0 : index
      %swap3A_1333 = tpu.vector_load %arg12[%swap3A_1330, %swap3A_1331, %swap3A_1332] {strides = array<i32>} : memref<128x14x32xf32, #tpu.memory_space<vmem>>, vector<16xf32>,
      tpu.vector_store %arg12[%swap3A_1330, %swap3A_1331, %swap3A_1332], %add3A_1329 {strides = array<i32>} : memref<128x14x32xf32, #tpu.memory_space<vmem>>, vector<16xf32>,
      %mul3A_1334 = arith.mulf %gather3A, %get3A_455 : vector<16xf32>
      %add3A_1335 = arith.addf %mul3A_1334, %get3A_463 : vector<16xf32>
      %swap3A_1336 = arith.constant 5 : i32
      %swap3A_1337 = arith.index_cast %scan3A_1326 : i32 to index
      %swap3A_1338 = arith.index_cast %swap3A_1336 : i32 to index
      %swap3A_1339 = arith.constant 16 : index
      %swap3A_1340 = tpu.vector_load %arg12[%swap3A_1337, %swap3A_1338, %swap3A_1339] {strides = array<i32>} : memref<128x14x32xf32, #tpu.memory_space<vmem>>, vector<16xf32>,
      tpu.vector_store %arg12[%swap3A_1337, %swap3A_1338, %swap3A_1339], %add3A_1335 {strides = array<i32>} : memref<128x14x32xf32, #tpu.memory_space<vmem>>, vector<16xf32>,
    }
    %scan3A_471 = arith.constant 128 : i32
    %get3A_472 = arith.constant 5 : i32
    %get3A_473 = arith.index_cast %get3A_472 : i32 to index
    %get3A_474 = arith.constant 0 : index
    %get3A_475 = tpu.vector_load %arg14[%get3A_473, %get3A_474] {strides = array<i32>} : memref<13x32xf32, #tpu.memory_space<vmem>>, vector<16xf32>,
    %get3A_476 = arith.constant 5 : i32
    %get3A_477 = arith.index_cast %get3A_476 : i32 to index
    %get3A_478 = arith.constant 16 : index
    %get3A_479 = tpu.vector_load %arg14[%get3A_477, %get3A_478] {strides = array<i32>} : memref<13x32xf32, #tpu.memory_space<vmem>>, vector<16xf32>,
    %get3A_480 = arith.constant 5 : i32
    %get3A_481 = arith.index_cast %get3A_480 : i32 to index
    %get3A_482 = arith.constant 0 : index
    %get3A_483 = tpu.vector_load %arg15[%get3A_481, %get3A_482] {strides = array<i32>} : memref<13x32xf32, #tpu.memory_space<vmem>>, vector<16xf32>,
    %get3A_484 = arith.constant 5 : i32
    %get3A_485 = arith.index_cast %get3A_484 : i32 to index
    %get3A_486 = arith.constant 16 : index
    %get3A_487 = tpu.vector_load %arg15[%get3A_485, %get3A_486] {strides = array<i32>} : memref<13x32xf32, #tpu.memory_space<vmem>>, vector<16xf32>,
    %broadcast_in_dim3A_488 = arith.constant 5 : i32
    %broadcast_in_dim3A_489 = vector.broadcast %broadcast_in_dim3A_488 : i32 to vector<16xi32>
    %scan3A_490 = arith.constant 0 : i32
    %scan3A_491 = arith.constant 0 : i32
    %scan3A_492 = arith.constant 128 : i32
    %scan3A_493 = arith.addi %scan3A_491, %scan3A_492 : i32
    %scan3A_494 = arith.constant 1 : i32
    scf.for %scan3A_1326 = %scan3A_491 to %scan3A_493 step %scan3A_494  : i32 {
      %broadcast_in_dim3A_1327 = vector.broadcast %scan3A_1326 : i32 to vector<16xi32>
      %gather3A = tpu.vector_load_idx %arg13[%broadcast_in_dim3A_1327, %broadcast_in_dim3A_489] : memref<128x13xf32, #tpu.memory_space<vmem>>[vector<16xi32>, vector<16xi32>], vector<16xf32>,
      %mul3A_1328 = arith.mulf %gather3A, %get3A_475 : vector<16xf32>
      %add3A_1329 = arith.addf %mul3A_1328, %get3A_483 : vector<16xf32>
      %swap3A = arith.constant 6 : i32
      %swap3A_1330 = arith.index_cast %scan3A_1326 : i32 to index
      %swap3A_1331 = arith.index_cast %swap3A : i32 to index
      %swap3A_1332 = arith.constant 0 : index
      %swap3A_1333 = tpu.vector_load %arg12[%swap3A_1330, %swap3A_1331, %swap3A_1332] {strides = array<i32>} : memref<128x14x32xf32, #tpu.memory_space<vmem>>, vector<16xf32>,
      tpu.vector_store %arg12[%swap3A_1330, %swap3A_1331, %swap3A_1332], %add3A_1329 {strides = array<i32>} : memref<128x14x32xf32, #tpu.memory_space<vmem>>, vector<16xf32>,
      %mul3A_1334 = arith.mulf %gather3A, %get3A_479 : vector<16xf32>
      %add3A_1335 = arith.addf %mul3A_1334, %get3A_487 : vector<16xf32>
      %swap3A_1336 = arith.constant 6 : i32
      %swap3A_1337 = arith.index_cast %scan3A_1326 : i32 to index
      %swap3A_1338 = arith.index_cast %swap3A_1336 : i32 to index
      %swap3A_1339 = arith.constant 16 : index
      %swap3A_1340 = tpu.vector_load %arg12[%swap3A_1337, %swap3A_1338, %swap3A_1339] {strides = array<i32>} : memref<128x14x32xf32, #tpu.memory_space<vmem>>, vector<16xf32>,
      tpu.vector_store %arg12[%swap3A_1337, %swap3A_1338, %swap3A_1339], %add3A_1335 {strides = array<i32>} : memref<128x14x32xf32, #tpu.memory_space<vmem>>, vector<16xf32>,
    }
    %scan3A_495 = arith.constant 128 : i32
    %get3A_496 = arith.constant 6 : i32
    %get3A_497 = arith.index_cast %get3A_496 : i32 to index
    %get3A_498 = arith.constant 0 : index
    %get3A_499 = tpu.vector_load %arg14[%get3A_497, %get3A_498] {strides = array<i32>} : memref<13x32xf32, #tpu.memory_space<vmem>>, vector<16xf32>,
    %get3A_500 = arith.constant 6 : i32
    %get3A_501 = arith.index_cast %get3A_500 : i32 to index
    %get3A_502 = arith.constant 16 : index
    %get3A_503 = tpu.vector_load %arg14[%get3A_501, %get3A_502] {strides = array<i32>} : memref<13x32xf32, #tpu.memory_space<vmem>>, vector<16xf32>,
    %get3A_504 = arith.constant 6 : i32
    %get3A_505 = arith.index_cast %get3A_504 : i32 to index
    %get3A_506 = arith.constant 0 : index
    %get3A_507 = tpu.vector_load %arg15[%get3A_505, %get3A_506] {strides = array<i32>} : memref<13x32xf32, #tpu.memory_space<vmem>>, vector<16xf32>,
    %get3A_508 = arith.constant 6 : i32
    %get3A_509 = arith.index_cast %get3A_508 : i32 to index
    %get3A_510 = arith.constant 16 : index
    %get3A_511 = tpu.vector_load %arg15[%get3A_509, %get3A_510] {strides = array<i32>} : memref<13x32xf32, #tpu.memory_space<vmem>>, vector<16xf32>,
    %broadcast_in_dim3A_512 = arith.constant 6 : i32
    %broadcast_in_dim3A_513 = vector.broadcast %broadcast_in_dim3A_512 : i32 to vector<16xi32>
    %scan3A_514 = arith.constant 0 : i32
    %scan3A_515 = arith.constant 0 : i32
    %scan3A_516 = arith.constant 128 : i32
    %scan3A_517 = arith.addi %scan3A_515, %scan3A_516 : i32
    %scan3A_518 = arith.constant 1 : i32
    scf.for %scan3A_1326 = %scan3A_515 to %scan3A_517 step %scan3A_518  : i32 {
      %broadcast_in_dim3A_1327 = vector.broadcast %scan3A_1326 : i32 to vector<16xi32>
      %gather3A = tpu.vector_load_idx %arg13[%broadcast_in_dim3A_1327, %broadcast_in_dim3A_513] : memref<128x13xf32, #tpu.memory_space<vmem>>[vector<16xi32>, vector<16xi32>], vector<16xf32>,
      %mul3A_1328 = arith.mulf %gather3A, %get3A_499 : vector<16xf32>
      %add3A_1329 = arith.addf %mul3A_1328, %get3A_507 : vector<16xf32>
      %swap3A = arith.constant 7 : i32
      %swap3A_1330 = arith.index_cast %scan3A_1326 : i32 to index
      %swap3A_1331 = arith.index_cast %swap3A : i32 to index
      %swap3A_1332 = arith.constant 0 : index
      %swap3A_1333 = tpu.vector_load %arg12[%swap3A_1330, %swap3A_1331, %swap3A_1332] {strides = array<i32>} : memref<128x14x32xf32, #tpu.memory_space<vmem>>, vector<16xf32>,
      tpu.vector_store %arg12[%swap3A_1330, %swap3A_1331, %swap3A_1332], %add3A_1329 {strides = array<i32>} : memref<128x14x32xf32, #tpu.memory_space<vmem>>, vector<16xf32>,
      %mul3A_1334 = arith.mulf %gather3A, %get3A_503 : vector<16xf32>
      %add3A_1335 = arith.addf %mul3A_1334, %get3A_511 : vector<16xf32>
      %swap3A_1336 = arith.constant 7 : i32
      %swap3A_1337 = arith.index_cast %scan3A_1326 : i32 to index
      %swap3A_1338 = arith.index_cast %swap3A_1336 : i32 to index
      %swap3A_1339 = arith.constant 16 : index
      %swap3A_1340 = tpu.vector_load %arg12[%swap3A_1337, %swap3A_1338, %swap3A_1339] {strides = array<i32>} : memref<128x14x32xf32, #tpu.memory_space<vmem>>, vector<16xf32>,
      tpu.vector_store %arg12[%swap3A_1337, %swap3A_1338, %swap3A_1339], %add3A_1335 {strides = array<i32>} : memref<128x14x32xf32, #tpu.memory_space<vmem>>, vector<16xf32>,
    }
    %scan3A_519 = arith.constant 128 : i32
    %get3A_520 = arith.constant 7 : i32
    %get3A_521 = arith.index_cast %get3A_520 : i32 to index
    %get3A_522 = arith.constant 0 : index
    %get3A_523 = tpu.vector_load %arg14[%get3A_521, %get3A_522] {strides = array<i32>} : memref<13x32xf32, #tpu.memory_space<vmem>>, vector<16xf32>,
    %get3A_524 = arith.constant 7 : i32
    %get3A_525 = arith.index_cast %get3A_524 : i32 to index
    %get3A_526 = arith.constant 16 : index
    %get3A_527 = tpu.vector_load %arg14[%get3A_525, %get3A_526] {strides = array<i32>} : memref<13x32xf32, #tpu.memory_space<vmem>>, vector<16xf32>,
    %get3A_528 = arith.constant 7 : i32
    %get3A_529 = arith.index_cast %get3A_528 : i32 to index
    %get3A_530 = arith.constant 0 : index
    %get3A_531 = tpu.vector_load %arg15[%get3A_529, %get3A_530] {strides = array<i32>} : memref<13x32xf32, #tpu.memory_space<vmem>>, vector<16xf32>,
    %get3A_532 = arith.constant 7 : i32
    %get3A_533 = arith.index_cast %get3A_532 : i32 to index
    %get3A_534 = arith.constant 16 : index
    %get3A_535 = tpu.vector_load %arg15[%get3A_533, %get3A_534] {strides = array<i32>} : memref<13x32xf32, #tpu.memory_space<vmem>>, vector<16xf32>,
    %broadcast_in_dim3A_536 = arith.constant 7 : i32
    %broadcast_in_dim3A_537 = vector.broadcast %broadcast_in_dim3A_536 : i32 to vector<16xi32>
    %scan3A_538 = arith.constant 0 : i32
    %scan3A_539 = arith.constant 0 : i32
    %scan3A_540 = arith.constant 128 : i32
    %scan3A_541 = arith.addi %scan3A_539, %scan3A_540 : i32
    %scan3A_542 = arith.constant 1 : i32
    scf.for %scan3A_1326 = %scan3A_539 to %scan3A_541 step %scan3A_542  : i32 {
      %broadcast_in_dim3A_1327 = vector.broadcast %scan3A_1326 : i32 to vector<16xi32>
      %gather3A = tpu.vector_load_idx %arg13[%broadcast_in_dim3A_1327, %broadcast_in_dim3A_537] : memref<128x13xf32, #tpu.memory_space<vmem>>[vector<16xi32>, vector<16xi32>], vector<16xf32>,
      %mul3A_1328 = arith.mulf %gather3A, %get3A_523 : vector<16xf32>
      %add3A_1329 = arith.addf %mul3A_1328, %get3A_531 : vector<16xf32>
      %swap3A = arith.constant 8 : i32
      %swap3A_1330 = arith.index_cast %scan3A_1326 : i32 to index
      %swap3A_1331 = arith.index_cast %swap3A : i32 to index
      %swap3A_1332 = arith.constant 0 : index
      %swap3A_1333 = tpu.vector_load %arg12[%swap3A_1330, %swap3A_1331, %swap3A_1332] {strides = array<i32>} : memref<128x14x32xf32, #tpu.memory_space<vmem>>, vector<16xf32>,
      tpu.vector_store %arg12[%swap3A_1330, %swap3A_1331, %swap3A_1332], %add3A_1329 {strides = array<i32>} : memref<128x14x32xf32, #tpu.memory_space<vmem>>, vector<16xf32>,
      %mul3A_1334 = arith.mulf %gather3A, %get3A_527 : vector<16xf32>
      %add3A_1335 = arith.addf %mul3A_1334, %get3A_535 : vector<16xf32>
      %swap3A_1336 = arith.constant 8 : i32
      %swap3A_1337 = arith.index_cast %scan3A_1326 : i32 to index
      %swap3A_1338 = arith.index_cast %swap3A_1336 : i32 to index
      %swap3A_1339 = arith.constant 16 : index
      %swap3A_1340 = tpu.vector_load %arg12[%swap3A_1337, %swap3A_1338, %swap3A_1339] {strides = array<i32>} : memref<128x14x32xf32, #tpu.memory_space<vmem>>, vector<16xf32>,
      tpu.vector_store %arg12[%swap3A_1337, %swap3A_1338, %swap3A_1339], %add3A_1335 {strides = array<i32>} : memref<128x14x32xf32, #tpu.memory_space<vmem>>, vector<16xf32>,
    }
    %scan3A_543 = arith.constant 128 : i32
    %get3A_544 = arith.constant 8 : i32
    %get3A_545 = arith.index_cast %get3A_544 : i32 to index
    %get3A_546 = arith.constant 0 : index
    %get3A_547 = tpu.vector_load %arg14[%get3A_545, %get3A_546] {strides = array<i32>} : memref<13x32xf32, #tpu.memory_space<vmem>>, vector<16xf32>,
    %get3A_548 = arith.constant 8 : i32
    %get3A_549 = arith.index_cast %get3A_548 : i32 to index
    %get3A_550 = arith.constant 16 : index
    %get3A_551 = tpu.vector_load %arg14[%get3A_549, %get3A_550] {strides = array<i32>} : memref<13x32xf32, #tpu.memory_space<vmem>>, vector<16xf32>,
    %get3A_552 = arith.constant 8 : i32
    %get3A_553 = arith.index_cast %get3A_552 : i32 to index
    %get3A_554 = arith.constant 0 : index
    %get3A_555 = tpu.vector_load %arg15[%get3A_553, %get3A_554] {strides = array<i32>} : memref<13x32xf32, #tpu.memory_space<vmem>>, vector<16xf32>,
    %get3A_556 = arith.constant 8 : i32
    %get3A_557 = arith.index_cast %get3A_556 : i32 to index
    %get3A_558 = arith.constant 16 : index
    %get3A_559 = tpu.vector_load %arg15[%get3A_557, %get3A_558] {strides = array<i32>} : memref<13x32xf32, #tpu.memory_space<vmem>>, vector<16xf32>,
    %broadcast_in_dim3A_560 = arith.constant 8 : i32
    %broadcast_in_dim3A_561 = vector.broadcast %broadcast_in_dim3A_560 : i32 to vector<16xi32>
    %scan3A_562 = arith.constant 0 : i32
    %scan3A_563 = arith.constant 0 : i32
    %scan3A_564 = arith.constant 128 : i32
    %scan3A_565 = arith.addi %scan3A_563, %scan3A_564 : i32
    %scan3A_566 = arith.constant 1 : i32
    scf.for %scan3A_1326 = %scan3A_563 to %scan3A_565 step %scan3A_566  : i32 {
      %broadcast_in_dim3A_1327 = vector.broadcast %scan3A_1326 : i32 to vector<16xi32>
      %gather3A = tpu.vector_load_idx %arg13[%broadcast_in_dim3A_1327, %broadcast_in_dim3A_561] : memref<128x13xf32, #tpu.memory_space<vmem>>[vector<16xi32>, vector<16xi32>], vector<16xf32>,
      %mul3A_1328 = arith.mulf %gather3A, %get3A_547 : vector<16xf32>
      %add3A_1329 = arith.addf %mul3A_1328, %get3A_555 : vector<16xf32>
      %swap3A = arith.constant 9 : i32
      %swap3A_1330 = arith.index_cast %scan3A_1326 : i32 to index
      %swap3A_1331 = arith.index_cast %swap3A : i32 to index
      %swap3A_1332 = arith.constant 0 : index
      %swap3A_1333 = tpu.vector_load %arg12[%swap3A_1330, %swap3A_1331, %swap3A_1332] {strides = array<i32>} : memref<128x14x32xf32, #tpu.memory_space<vmem>>, vector<16xf32>,
      tpu.vector_store %arg12[%swap3A_1330, %swap3A_1331, %swap3A_1332], %add3A_1329 {strides = array<i32>} : memref<128x14x32xf32, #tpu.memory_space<vmem>>, vector<16xf32>,
      %mul3A_1334 = arith.mulf %gather3A, %get3A_551 : vector<16xf32>
      %add3A_1335 = arith.addf %mul3A_1334, %get3A_559 : vector<16xf32>
      %swap3A_1336 = arith.constant 9 : i32
      %swap3A_1337 = arith.index_cast %scan3A_1326 : i32 to index
      %swap3A_1338 = arith.index_cast %swap3A_1336 : i32 to index
      %swap3A_1339 = arith.constant 16 : index
      %swap3A_1340 = tpu.vector_load %arg12[%swap3A_1337, %swap3A_1338, %swap3A_1339] {strides = array<i32>} : memref<128x14x32xf32, #tpu.memory_space<vmem>>, vector<16xf32>,
      tpu.vector_store %arg12[%swap3A_1337, %swap3A_1338, %swap3A_1339], %add3A_1335 {strides = array<i32>} : memref<128x14x32xf32, #tpu.memory_space<vmem>>, vector<16xf32>,
    }
    %scan3A_567 = arith.constant 128 : i32
    %get3A_568 = arith.constant 9 : i32
    %get3A_569 = arith.index_cast %get3A_568 : i32 to index
    %get3A_570 = arith.constant 0 : index
    %get3A_571 = tpu.vector_load %arg14[%get3A_569, %get3A_570] {strides = array<i32>} : memref<13x32xf32, #tpu.memory_space<vmem>>, vector<16xf32>,
    %get3A_572 = arith.constant 9 : i32
    %get3A_573 = arith.index_cast %get3A_572 : i32 to index
    %get3A_574 = arith.constant 16 : index
    %get3A_575 = tpu.vector_load %arg14[%get3A_573, %get3A_574] {strides = array<i32>} : memref<13x32xf32, #tpu.memory_space<vmem>>, vector<16xf32>,
    %get3A_576 = arith.constant 9 : i32
    %get3A_577 = arith.index_cast %get3A_576 : i32 to index
    %get3A_578 = arith.constant 0 : index
    %get3A_579 = tpu.vector_load %arg15[%get3A_577, %get3A_578] {strides = array<i32>} : memref<13x32xf32, #tpu.memory_space<vmem>>, vector<16xf32>,
    %get3A_580 = arith.constant 9 : i32
    %get3A_581 = arith.index_cast %get3A_580 : i32 to index
    %get3A_582 = arith.constant 16 : index
    %get3A_583 = tpu.vector_load %arg15[%get3A_581, %get3A_582] {strides = array<i32>} : memref<13x32xf32, #tpu.memory_space<vmem>>, vector<16xf32>,
    %broadcast_in_dim3A_584 = arith.constant 9 : i32
    %broadcast_in_dim3A_585 = vector.broadcast %broadcast_in_dim3A_584 : i32 to vector<16xi32>
    %scan3A_586 = arith.constant 0 : i32
    %scan3A_587 = arith.constant 0 : i32
    %scan3A_588 = arith.constant 128 : i32
    %scan3A_589 = arith.addi %scan3A_587, %scan3A_588 : i32
    %scan3A_590 = arith.constant 1 : i32
    scf.for %scan3A_1326 = %scan3A_587 to %scan3A_589 step %scan3A_590  : i32 {
      %broadcast_in_dim3A_1327 = vector.broadcast %scan3A_1326 : i32 to vector<16xi32>
      %gather3A = tpu.vector_load_idx %arg13[%broadcast_in_dim3A_1327, %broadcast_in_dim3A_585] : memref<128x13xf32, #tpu.memory_space<vmem>>[vector<16xi32>, vector<16xi32>], vector<16xf32>,
      %mul3A_1328 = arith.mulf %gather3A, %get3A_571 : vector<16xf32>
      %add3A_1329 = arith.addf %mul3A_1328, %get3A_579 : vector<16xf32>
      %swap3A = arith.constant 10 : i32
      %swap3A_1330 = arith.index_cast %scan3A_1326 : i32 to index
      %swap3A_1331 = arith.index_cast %swap3A : i32 to index
      %swap3A_1332 = arith.constant 0 : index
      %swap3A_1333 = tpu.vector_load %arg12[%swap3A_1330, %swap3A_1331, %swap3A_1332] {strides = array<i32>} : memref<128x14x32xf32, #tpu.memory_space<vmem>>, vector<16xf32>,
      tpu.vector_store %arg12[%swap3A_1330, %swap3A_1331, %swap3A_1332], %add3A_1329 {strides = array<i32>} : memref<128x14x32xf32, #tpu.memory_space<vmem>>, vector<16xf32>,
      %mul3A_1334 = arith.mulf %gather3A, %get3A_575 : vector<16xf32>
      %add3A_1335 = arith.addf %mul3A_1334, %get3A_583 : vector<16xf32>
      %swap3A_1336 = arith.constant 10 : i32
      %swap3A_1337 = arith.index_cast %scan3A_1326 : i32 to index
      %swap3A_1338 = arith.index_cast %swap3A_1336 : i32 to index
      %swap3A_1339 = arith.constant 16 : index
      %swap3A_1340 = tpu.vector_load %arg12[%swap3A_1337, %swap3A_1338, %swap3A_1339] {strides = array<i32>} : memref<128x14x32xf32, #tpu.memory_space<vmem>>, vector<16xf32>,
      tpu.vector_store %arg12[%swap3A_1337, %swap3A_1338, %swap3A_1339], %add3A_1335 {strides = array<i32>} : memref<128x14x32xf32, #tpu.memory_space<vmem>>, vector<16xf32>,
    }
    %scan3A_591 = arith.constant 128 : i32
    %get3A_592 = arith.constant 10 : i32
    %get3A_593 = arith.index_cast %get3A_592 : i32 to index
    %get3A_594 = arith.constant 0 : index
    %get3A_595 = tpu.vector_load %arg14[%get3A_593, %get3A_594] {strides = array<i32>} : memref<13x32xf32, #tpu.memory_space<vmem>>, vector<16xf32>,
    %get3A_596 = arith.constant 10 : i32
    %get3A_597 = arith.index_cast %get3A_596 : i32 to index
    %get3A_598 = arith.constant 16 : index
    %get3A_599 = tpu.vector_load %arg14[%get3A_597, %get3A_598] {strides = array<i32>} : memref<13x32xf32, #tpu.memory_space<vmem>>, vector<16xf32>,
    %get3A_600 = arith.constant 10 : i32
    %get3A_601 = arith.index_cast %get3A_600 : i32 to index
    %get3A_602 = arith.constant 0 : index
    %get3A_603 = tpu.vector_load %arg15[%get3A_601, %get3A_602] {strides = array<i32>} : memref<13x32xf32, #tpu.memory_space<vmem>>, vector<16xf32>,
    %get3A_604 = arith.constant 10 : i32
    %get3A_605 = arith.index_cast %get3A_604 : i32 to index
    %get3A_606 = arith.constant 16 : index
    %get3A_607 = tpu.vector_load %arg15[%get3A_605, %get3A_606] {strides = array<i32>} : memref<13x32xf32, #tpu.memory_space<vmem>>, vector<16xf32>,
    %broadcast_in_dim3A_608 = arith.constant 10 : i32
    %broadcast_in_dim3A_609 = vector.broadcast %broadcast_in_dim3A_608 : i32 to vector<16xi32>
    %scan3A_610 = arith.constant 0 : i32
    %scan3A_611 = arith.constant 0 : i32
    %scan3A_612 = arith.constant 128 : i32
    %scan3A_613 = arith.addi %scan3A_611, %scan3A_612 : i32
    %scan3A_614 = arith.constant 1 : i32
    scf.for %scan3A_1326 = %scan3A_611 to %scan3A_613 step %scan3A_614  : i32 {
      %broadcast_in_dim3A_1327 = vector.broadcast %scan3A_1326 : i32 to vector<16xi32>
      %gather3A = tpu.vector_load_idx %arg13[%broadcast_in_dim3A_1327, %broadcast_in_dim3A_609] : memref<128x13xf32, #tpu.memory_space<vmem>>[vector<16xi32>, vector<16xi32>], vector<16xf32>,
      %mul3A_1328 = arith.mulf %gather3A, %get3A_595 : vector<16xf32>
      %add3A_1329 = arith.addf %mul3A_1328, %get3A_603 : vector<16xf32>
      %swap3A = arith.constant 11 : i32
      %swap3A_1330 = arith.index_cast %scan3A_1326 : i32 to index
      %swap3A_1331 = arith.index_cast %swap3A : i32 to index
      %swap3A_1332 = arith.constant 0 : index
      %swap3A_1333 = tpu.vector_load %arg12[%swap3A_1330, %swap3A_1331, %swap3A_1332] {strides = array<i32>} : memref<128x14x32xf32, #tpu.memory_space<vmem>>, vector<16xf32>,
      tpu.vector_store %arg12[%swap3A_1330, %swap3A_1331, %swap3A_1332], %add3A_1329 {strides = array<i32>} : memref<128x14x32xf32, #tpu.memory_space<vmem>>, vector<16xf32>,
      %mul3A_1334 = arith.mulf %gather3A, %get3A_599 : vector<16xf32>
      %add3A_1335 = arith.addf %mul3A_1334, %get3A_607 : vector<16xf32>
      %swap3A_1336 = arith.constant 11 : i32
      %swap3A_1337 = arith.index_cast %scan3A_1326 : i32 to index
      %swap3A_1338 = arith.index_cast %swap3A_1336 : i32 to index
      %swap3A_1339 = arith.constant 16 : index
      %swap3A_1340 = tpu.vector_load %arg12[%swap3A_1337, %swap3A_1338, %swap3A_1339] {strides = array<i32>} : memref<128x14x32xf32, #tpu.memory_space<vmem>>, vector<16xf32>,
      tpu.vector_store %arg12[%swap3A_1337, %swap3A_1338, %swap3A_1339], %add3A_1335 {strides = array<i32>} : memref<128x14x32xf32, #tpu.memory_space<vmem>>, vector<16xf32>,
    }
    %scan3A_615 = arith.constant 128 : i32
    %get3A_616 = arith.constant 11 : i32
    %get3A_617 = arith.index_cast %get3A_616 : i32 to index
    %get3A_618 = arith.constant 0 : index
    %get3A_619 = tpu.vector_load %arg14[%get3A_617, %get3A_618] {strides = array<i32>} : memref<13x32xf32, #tpu.memory_space<vmem>>, vector<16xf32>,
    %get3A_620 = arith.constant 11 : i32
    %get3A_621 = arith.index_cast %get3A_620 : i32 to index
    %get3A_622 = arith.constant 16 : index
    %get3A_623 = tpu.vector_load %arg14[%get3A_621, %get3A_622] {strides = array<i32>} : memref<13x32xf32, #tpu.memory_space<vmem>>, vector<16xf32>,
    %get3A_624 = arith.constant 11 : i32
    %get3A_625 = arith.index_cast %get3A_624 : i32 to index
    %get3A_626 = arith.constant 0 : index
    %get3A_627 = tpu.vector_load %arg15[%get3A_625, %get3A_626] {strides = array<i32>} : memref<13x32xf32, #tpu.memory_space<vmem>>, vector<16xf32>,
    %get3A_628 = arith.constant 11 : i32
    %get3A_629 = arith.index_cast %get3A_628 : i32 to index
    %get3A_630 = arith.constant 16 : index
    %get3A_631 = tpu.vector_load %arg15[%get3A_629, %get3A_630] {strides = array<i32>} : memref<13x32xf32, #tpu.memory_space<vmem>>, vector<16xf32>,
    %broadcast_in_dim3A_632 = arith.constant 11 : i32
    %broadcast_in_dim3A_633 = vector.broadcast %broadcast_in_dim3A_632 : i32 to vector<16xi32>
    %scan3A_634 = arith.constant 0 : i32
    %scan3A_635 = arith.constant 0 : i32
    %scan3A_636 = arith.constant 128 : i32
    %scan3A_637 = arith.addi %scan3A_635, %scan3A_636 : i32
    %scan3A_638 = arith.constant 1 : i32
    scf.for %scan3A_1326 = %scan3A_635 to %scan3A_637 step %scan3A_638  : i32 {
      %broadcast_in_dim3A_1327 = vector.broadcast %scan3A_1326 : i32 to vector<16xi32>
      %gather3A = tpu.vector_load_idx %arg13[%broadcast_in_dim3A_1327, %broadcast_in_dim3A_633] : memref<128x13xf32, #tpu.memory_space<vmem>>[vector<16xi32>, vector<16xi32>], vector<16xf32>,
      %mul3A_1328 = arith.mulf %gather3A, %get3A_619 : vector<16xf32>
      %add3A_1329 = arith.addf %mul3A_1328, %get3A_627 : vector<16xf32>
      %swap3A = arith.constant 12 : i32
      %swap3A_1330 = arith.index_cast %scan3A_1326 : i32 to index
      %swap3A_1331 = arith.index_cast %swap3A : i32 to index
      %swap3A_1332 = arith.constant 0 : index
      %swap3A_1333 = tpu.vector_load %arg12[%swap3A_1330, %swap3A_1331, %swap3A_1332] {strides = array<i32>} : memref<128x14x32xf32, #tpu.memory_space<vmem>>, vector<16xf32>,
      tpu.vector_store %arg12[%swap3A_1330, %swap3A_1331, %swap3A_1332], %add3A_1329 {strides = array<i32>} : memref<128x14x32xf32, #tpu.memory_space<vmem>>, vector<16xf32>,
      %mul3A_1334 = arith.mulf %gather3A, %get3A_623 : vector<16xf32>
      %add3A_1335 = arith.addf %mul3A_1334, %get3A_631 : vector<16xf32>
      %swap3A_1336 = arith.constant 12 : i32
      %swap3A_1337 = arith.index_cast %scan3A_1326 : i32 to index
      %swap3A_1338 = arith.index_cast %swap3A_1336 : i32 to index
      %swap3A_1339 = arith.constant 16 : index
      %swap3A_1340 = tpu.vector_load %arg12[%swap3A_1337, %swap3A_1338, %swap3A_1339] {strides = array<i32>} : memref<128x14x32xf32, #tpu.memory_space<vmem>>, vector<16xf32>,
      tpu.vector_store %arg12[%swap3A_1337, %swap3A_1338, %swap3A_1339], %add3A_1335 {strides = array<i32>} : memref<128x14x32xf32, #tpu.memory_space<vmem>>, vector<16xf32>,
    }
    %scan3A_639 = arith.constant 128 : i32
    %get3A_640 = arith.constant 12 : i32
    %get3A_641 = arith.index_cast %get3A_640 : i32 to index
    %get3A_642 = arith.constant 0 : index
    %get3A_643 = tpu.vector_load %arg14[%get3A_641, %get3A_642] {strides = array<i32>} : memref<13x32xf32, #tpu.memory_space<vmem>>, vector<16xf32>,
    %get3A_644 = arith.constant 12 : i32
    %get3A_645 = arith.index_cast %get3A_644 : i32 to index
    %get3A_646 = arith.constant 16 : index
    %get3A_647 = tpu.vector_load %arg14[%get3A_645, %get3A_646] {strides = array<i32>} : memref<13x32xf32, #tpu.memory_space<vmem>>, vector<16xf32>,
    %get3A_648 = arith.constant 12 : i32
    %get3A_649 = arith.index_cast %get3A_648 : i32 to index
    %get3A_650 = arith.constant 0 : index
    %get3A_651 = tpu.vector_load %arg15[%get3A_649, %get3A_650] {strides = array<i32>} : memref<13x32xf32, #tpu.memory_space<vmem>>, vector<16xf32>,
    %get3A_652 = arith.constant 12 : i32
    %get3A_653 = arith.index_cast %get3A_652 : i32 to index
    %get3A_654 = arith.constant 16 : index
    %get3A_655 = tpu.vector_load %arg15[%get3A_653, %get3A_654] {strides = array<i32>} : memref<13x32xf32, #tpu.memory_space<vmem>>, vector<16xf32>,
    %broadcast_in_dim3A_656 = arith.constant 12 : i32
    %broadcast_in_dim3A_657 = vector.broadcast %broadcast_in_dim3A_656 : i32 to vector<16xi32>
    %scan3A_658 = arith.constant 0 : i32
    %scan3A_659 = arith.constant 0 : i32
    %scan3A_660 = arith.constant 128 : i32
    %scan3A_661 = arith.addi %scan3A_659, %scan3A_660 : i32
    %scan3A_662 = arith.constant 1 : i32
    scf.for %scan3A_1326 = %scan3A_659 to %scan3A_661 step %scan3A_662  : i32 {
      %broadcast_in_dim3A_1327 = vector.broadcast %scan3A_1326 : i32 to vector<16xi32>
      %gather3A = tpu.vector_load_idx %arg13[%broadcast_in_dim3A_1327, %broadcast_in_dim3A_657] : memref<128x13xf32, #tpu.memory_space<vmem>>[vector<16xi32>, vector<16xi32>], vector<16xf32>,
      %mul3A_1328 = arith.mulf %gather3A, %get3A_643 : vector<16xf32>
      %add3A_1329 = arith.addf %mul3A_1328, %get3A_651 : vector<16xf32>
      %swap3A = arith.constant 13 : i32
      %swap3A_1330 = arith.index_cast %scan3A_1326 : i32 to index
      %swap3A_1331 = arith.index_cast %swap3A : i32 to index
      %swap3A_1332 = arith.constant 0 : index
      %swap3A_1333 = tpu.vector_load %arg12[%swap3A_1330, %swap3A_1331, %swap3A_1332] {strides = array<i32>} : memref<128x14x32xf32, #tpu.memory_space<vmem>>, vector<16xf32>,
      tpu.vector_store %arg12[%swap3A_1330, %swap3A_1331, %swap3A_1332], %add3A_1329 {strides = array<i32>} : memref<128x14x32xf32, #tpu.memory_space<vmem>>, vector<16xf32>,
      %mul3A_1334 = arith.mulf %gather3A, %get3A_647 : vector<16xf32>
      %add3A_1335 = arith.addf %mul3A_1334, %get3A_655 : vector<16xf32>
      %swap3A_1336 = arith.constant 13 : i32
      %swap3A_1337 = arith.index_cast %scan3A_1326 : i32 to index
      %swap3A_1338 = arith.index_cast %swap3A_1336 : i32 to index
      %swap3A_1339 = arith.constant 16 : index
      %swap3A_1340 = tpu.vector_load %arg12[%swap3A_1337, %swap3A_1338, %swap3A_1339] {strides = array<i32>} : memref<128x14x32xf32, #tpu.memory_space<vmem>>, vector<16xf32>,
      tpu.vector_store %arg12[%swap3A_1337, %swap3A_1338, %swap3A_1339], %add3A_1335 {strides = array<i32>} : memref<128x14x32xf32, #tpu.memory_space<vmem>>, vector<16xf32>,
    }
    %scan3A_663 = arith.constant 128 : i32
    %add3A_664 = arith.constant 128 : i32
    %add3A_665 = arith.addi %mul3A_2, %add3A_664 : i32
    "tpu.region"() ({
      %run_scoped3A = tpu.sem_alloc : memref<!tpu.dma_semaphore, #tpu.memory_space<semaphore_mem>>
      %dma_start3A = arith.constant 0 : i32
      %dma_start3A_1326 = arith.constant 0 : i32
      %dma_start3A_1327 = tpu.memref_slice %arg8[%add3A_665, %dma_start3A, %dma_start3A_1326] : memref<16384x40x128xf32, #tpu.memory_space<hbm>> -> memref<128x14x32xf32, #tpu.memory_space<hbm>>
      %dma_start3A_1328 = arith.constant 0 : i32
      %dma_start3A_1329 = arith.constant 0 : i32
      %dma_start3A_1330 = tpu.memref_slice %arg8[%add3A_665, %dma_start3A_1328, %dma_start3A_1329] : memref<16384x40x128xf32, #tpu.memory_space<hbm>> -> memref<128x14x32xf32, #tpu.memory_space<hbm>>
      tpu.enqueue_dma source(%arg12 : memref<128x14x32xf32, #tpu.memory_space<vmem>>) target(%dma_start3A_1330 : memref<128x14x32xf32, #tpu.memory_space<hbm>>) target_semaphore(%run_scoped3A : memref<!tpu.dma_semaphore, #tpu.memory_space<semaphore_mem>>)
      %dma_wait3A = arith.constant 0 : i32
      %dma_wait3A_1331 = arith.constant 0 : i32
      %dma_wait3A_1332 = tpu.memref_slice %arg8[%add3A_665, %dma_wait3A, %dma_wait3A_1331] : memref<16384x40x128xf32, #tpu.memory_space<hbm>> -> memref<128x14x32xf32, #tpu.memory_space<hbm>>
      %dma_wait3A_1333 = arith.constant 0 : i32
      %dma_wait3A_1334 = arith.constant 0 : i32
      %dma_wait3A_1335 = tpu.memref_slice %arg8[%add3A_665, %dma_wait3A_1333, %dma_wait3A_1334] : memref<16384x40x128xf32, #tpu.memory_space<hbm>> -> memref<128x14x32xf32, #tpu.memory_space<hbm>>
      tpu.wait_dma2 semaphore(%run_scoped3A : memref<!tpu.dma_semaphore, #tpu.memory_space<semaphore_mem>>) src(%arg12 : memref<128x14x32xf32, #tpu.memory_space<vmem>>) dst(%dma_wait3A_1335 : memref<128x14x32xf32, #tpu.memory_space<hbm>>)
      tpu.yield
    }) : () -> ()
    %add3A_666 = arith.constant 256 : i32
    %add3A_667 = arith.addi %mul3A_2, %add3A_666 : i32
    "tpu.region"() ({
      %run_scoped3A = tpu.sem_alloc : memref<!tpu.dma_semaphore, #tpu.memory_space<semaphore_mem>>
      %dma_start3A = arith.constant 0 : i32
      %dma_start3A_1326 = tpu.memref_slice %arg4[%add3A_667, %dma_start3A] : memref<16384x13xf32, #tpu.memory_space<hbm>> -> memref<128x13xf32, #tpu.memory_space<hbm>>
      %dma_start3A_1327 = arith.constant 0 : i32
      %dma_start3A_1328 = tpu.memref_slice %arg4[%add3A_667, %dma_start3A_1327] : memref<16384x13xf32, #tpu.memory_space<hbm>> -> memref<128x13xf32, #tpu.memory_space<hbm>>
      tpu.enqueue_dma source(%dma_start3A_1328 : memref<128x13xf32, #tpu.memory_space<hbm>>) target(%arg13 : memref<128x13xf32, #tpu.memory_space<vmem>>) target_semaphore(%run_scoped3A : memref<!tpu.dma_semaphore, #tpu.memory_space<semaphore_mem>>)
      %dma_wait3A = arith.constant 0 : i32
      %dma_wait3A_1329 = tpu.memref_slice %arg4[%add3A_667, %dma_wait3A] : memref<16384x13xf32, #tpu.memory_space<hbm>> -> memref<128x13xf32, #tpu.memory_space<hbm>>
      %dma_wait3A_1330 = arith.constant 0 : i32
      %dma_wait3A_1331 = tpu.memref_slice %arg4[%add3A_667, %dma_wait3A_1330] : memref<16384x13xf32, #tpu.memory_space<hbm>> -> memref<128x13xf32, #tpu.memory_space<hbm>>
      tpu.wait_dma2 semaphore(%run_scoped3A : memref<!tpu.dma_semaphore, #tpu.memory_space<semaphore_mem>>) src(%dma_wait3A_1331 : memref<128x13xf32, #tpu.memory_space<hbm>>) dst(%arg13 : memref<128x13xf32, #tpu.memory_space<vmem>>)
      tpu.yield
    }) : () -> ()
    %get3A_668 = arith.constant 0 : i32
    %get3A_669 = arith.index_cast %get3A_668 : i32 to index
    %get3A_670 = arith.constant 0 : index
    %get3A_671 = tpu.vector_load %arg16[%get3A_669, %get3A_670] {strides = array<i32>} : memref<1x32xf32, #tpu.memory_space<vmem>>, vector<16xf32>,
    %get3A_672 = arith.constant 0 : i32
    %get3A_673 = arith.index_cast %get3A_672 : i32 to index
    %get3A_674 = arith.constant 16 : index
    %get3A_675 = tpu.vector_load %arg16[%get3A_673, %get3A_674] {strides = array<i32>} : memref<1x32xf32, #tpu.memory_space<vmem>>, vector<16xf32>,
    %scan3A_676 = arith.constant 0 : i32
    %scan3A_677 = arith.constant 0 : i32
    %scan3A_678 = arith.constant 128 : i32
    %scan3A_679 = arith.addi %scan3A_677, %scan3A_678 : i32
    %scan3A_680 = arith.constant 1 : i32
    scf.for %scan3A_1326 = %scan3A_677 to %scan3A_679 step %scan3A_680  : i32 {
      %swap3A = arith.constant 0 : i32
      %swap3A_1327 = arith.index_cast %scan3A_1326 : i32 to index
      %swap3A_1328 = arith.index_cast %swap3A : i32 to index
      %swap3A_1329 = arith.constant 0 : index
      %swap3A_1330 = tpu.vector_load %arg12[%swap3A_1327, %swap3A_1328, %swap3A_1329] {strides = array<i32>} : memref<128x14x32xf32, #tpu.memory_space<vmem>>, vector<16xf32>,
      tpu.vector_store %arg12[%swap3A_1327, %swap3A_1328, %swap3A_1329], %get3A_671 {strides = array<i32>} : memref<128x14x32xf32, #tpu.memory_space<vmem>>, vector<16xf32>,
      %swap3A_1331 = arith.constant 0 : i32
      %swap3A_1332 = arith.index_cast %scan3A_1326 : i32 to index
      %swap3A_1333 = arith.index_cast %swap3A_1331 : i32 to index
      %swap3A_1334 = arith.constant 16 : index
      %swap3A_1335 = tpu.vector_load %arg12[%swap3A_1332, %swap3A_1333, %swap3A_1334] {strides = array<i32>} : memref<128x14x32xf32, #tpu.memory_space<vmem>>, vector<16xf32>,
      tpu.vector_store %arg12[%swap3A_1332, %swap3A_1333, %swap3A_1334], %get3A_675 {strides = array<i32>} : memref<128x14x32xf32, #tpu.memory_space<vmem>>, vector<16xf32>,
    }
    %scan3A_681 = arith.constant 128 : i32
    %get3A_682 = arith.constant 0 : i32
    %get3A_683 = arith.index_cast %get3A_682 : i32 to index
    %get3A_684 = arith.constant 0 : index
    %get3A_685 = tpu.vector_load %arg14[%get3A_683, %get3A_684] {strides = array<i32>} : memref<13x32xf32, #tpu.memory_space<vmem>>, vector<16xf32>,
    %get3A_686 = arith.constant 0 : i32
    %get3A_687 = arith.index_cast %get3A_686 : i32 to index
    %get3A_688 = arith.constant 16 : index
    %get3A_689 = tpu.vector_load %arg14[%get3A_687, %get3A_688] {strides = array<i32>} : memref<13x32xf32, #tpu.memory_space<vmem>>, vector<16xf32>,
    %get3A_690 = arith.constant 0 : i32
    %get3A_691 = arith.index_cast %get3A_690 : i32 to index
    %get3A_692 = arith.constant 0 : index
    %get3A_693 = tpu.vector_load %arg15[%get3A_691, %get3A_692] {strides = array<i32>} : memref<13x32xf32, #tpu.memory_space<vmem>>, vector<16xf32>,
    %get3A_694 = arith.constant 0 : i32
    %get3A_695 = arith.index_cast %get3A_694 : i32 to index
    %get3A_696 = arith.constant 16 : index
    %get3A_697 = tpu.vector_load %arg15[%get3A_695, %get3A_696] {strides = array<i32>} : memref<13x32xf32, #tpu.memory_space<vmem>>, vector<16xf32>,
    %broadcast_in_dim3A_698 = arith.constant 0 : i32
    %broadcast_in_dim3A_699 = vector.broadcast %broadcast_in_dim3A_698 : i32 to vector<16xi32>
    %scan3A_700 = arith.constant 0 : i32
    %scan3A_701 = arith.constant 0 : i32
    %scan3A_702 = arith.constant 128 : i32
    %scan3A_703 = arith.addi %scan3A_701, %scan3A_702 : i32
    %scan3A_704 = arith.constant 1 : i32
    scf.for %scan3A_1326 = %scan3A_701 to %scan3A_703 step %scan3A_704  : i32 {
      %broadcast_in_dim3A_1327 = vector.broadcast %scan3A_1326 : i32 to vector<16xi32>
      %gather3A = tpu.vector_load_idx %arg13[%broadcast_in_dim3A_1327, %broadcast_in_dim3A_699] : memref<128x13xf32, #tpu.memory_space<vmem>>[vector<16xi32>, vector<16xi32>], vector<16xf32>,
      %mul3A_1328 = arith.mulf %gather3A, %get3A_685 : vector<16xf32>
      %add3A_1329 = arith.addf %mul3A_1328, %get3A_693 : vector<16xf32>
      %swap3A = arith.constant 1 : i32
      %swap3A_1330 = arith.index_cast %scan3A_1326 : i32 to index
      %swap3A_1331 = arith.index_cast %swap3A : i32 to index
      %swap3A_1332 = arith.constant 0 : index
      %swap3A_1333 = tpu.vector_load %arg12[%swap3A_1330, %swap3A_1331, %swap3A_1332] {strides = array<i32>} : memref<128x14x32xf32, #tpu.memory_space<vmem>>, vector<16xf32>,
      tpu.vector_store %arg12[%swap3A_1330, %swap3A_1331, %swap3A_1332], %add3A_1329 {strides = array<i32>} : memref<128x14x32xf32, #tpu.memory_space<vmem>>, vector<16xf32>,
      %mul3A_1334 = arith.mulf %gather3A, %get3A_689 : vector<16xf32>
      %add3A_1335 = arith.addf %mul3A_1334, %get3A_697 : vector<16xf32>
      %swap3A_1336 = arith.constant 1 : i32
      %swap3A_1337 = arith.index_cast %scan3A_1326 : i32 to index
      %swap3A_1338 = arith.index_cast %swap3A_1336 : i32 to index
      %swap3A_1339 = arith.constant 16 : index
      %swap3A_1340 = tpu.vector_load %arg12[%swap3A_1337, %swap3A_1338, %swap3A_1339] {strides = array<i32>} : memref<128x14x32xf32, #tpu.memory_space<vmem>>, vector<16xf32>,
      tpu.vector_store %arg12[%swap3A_1337, %swap3A_1338, %swap3A_1339], %add3A_1335 {strides = array<i32>} : memref<128x14x32xf32, #tpu.memory_space<vmem>>, vector<16xf32>,
    }
    %scan3A_705 = arith.constant 128 : i32
    %get3A_706 = arith.constant 1 : i32
    %get3A_707 = arith.index_cast %get3A_706 : i32 to index
    %get3A_708 = arith.constant 0 : index
    %get3A_709 = tpu.vector_load %arg14[%get3A_707, %get3A_708] {strides = array<i32>} : memref<13x32xf32, #tpu.memory_space<vmem>>, vector<16xf32>,
    %get3A_710 = arith.constant 1 : i32
    %get3A_711 = arith.index_cast %get3A_710 : i32 to index
    %get3A_712 = arith.constant 16 : index
    %get3A_713 = tpu.vector_load %arg14[%get3A_711, %get3A_712] {strides = array<i32>} : memref<13x32xf32, #tpu.memory_space<vmem>>, vector<16xf32>,
    %get3A_714 = arith.constant 1 : i32
    %get3A_715 = arith.index_cast %get3A_714 : i32 to index
    %get3A_716 = arith.constant 0 : index
    %get3A_717 = tpu.vector_load %arg15[%get3A_715, %get3A_716] {strides = array<i32>} : memref<13x32xf32, #tpu.memory_space<vmem>>, vector<16xf32>,
    %get3A_718 = arith.constant 1 : i32
    %get3A_719 = arith.index_cast %get3A_718 : i32 to index
    %get3A_720 = arith.constant 16 : index
    %get3A_721 = tpu.vector_load %arg15[%get3A_719, %get3A_720] {strides = array<i32>} : memref<13x32xf32, #tpu.memory_space<vmem>>, vector<16xf32>,
    %broadcast_in_dim3A_722 = arith.constant 1 : i32
    %broadcast_in_dim3A_723 = vector.broadcast %broadcast_in_dim3A_722 : i32 to vector<16xi32>
    %scan3A_724 = arith.constant 0 : i32
    %scan3A_725 = arith.constant 0 : i32
    %scan3A_726 = arith.constant 128 : i32
    %scan3A_727 = arith.addi %scan3A_725, %scan3A_726 : i32
    %scan3A_728 = arith.constant 1 : i32
    scf.for %scan3A_1326 = %scan3A_725 to %scan3A_727 step %scan3A_728  : i32 {
      %broadcast_in_dim3A_1327 = vector.broadcast %scan3A_1326 : i32 to vector<16xi32>
      %gather3A = tpu.vector_load_idx %arg13[%broadcast_in_dim3A_1327, %broadcast_in_dim3A_723] : memref<128x13xf32, #tpu.memory_space<vmem>>[vector<16xi32>, vector<16xi32>], vector<16xf32>,
      %mul3A_1328 = arith.mulf %gather3A, %get3A_709 : vector<16xf32>
      %add3A_1329 = arith.addf %mul3A_1328, %get3A_717 : vector<16xf32>
      %swap3A = arith.constant 2 : i32
      %swap3A_1330 = arith.index_cast %scan3A_1326 : i32 to index
      %swap3A_1331 = arith.index_cast %swap3A : i32 to index
      %swap3A_1332 = arith.constant 0 : index
      %swap3A_1333 = tpu.vector_load %arg12[%swap3A_1330, %swap3A_1331, %swap3A_1332] {strides = array<i32>} : memref<128x14x32xf32, #tpu.memory_space<vmem>>, vector<16xf32>,
      tpu.vector_store %arg12[%swap3A_1330, %swap3A_1331, %swap3A_1332], %add3A_1329 {strides = array<i32>} : memref<128x14x32xf32, #tpu.memory_space<vmem>>, vector<16xf32>,
      %mul3A_1334 = arith.mulf %gather3A, %get3A_713 : vector<16xf32>
      %add3A_1335 = arith.addf %mul3A_1334, %get3A_721 : vector<16xf32>
      %swap3A_1336 = arith.constant 2 : i32
      %swap3A_1337 = arith.index_cast %scan3A_1326 : i32 to index
      %swap3A_1338 = arith.index_cast %swap3A_1336 : i32 to index
      %swap3A_1339 = arith.constant 16 : index
      %swap3A_1340 = tpu.vector_load %arg12[%swap3A_1337, %swap3A_1338, %swap3A_1339] {strides = array<i32>} : memref<128x14x32xf32, #tpu.memory_space<vmem>>, vector<16xf32>,
      tpu.vector_store %arg12[%swap3A_1337, %swap3A_1338, %swap3A_1339], %add3A_1335 {strides = array<i32>} : memref<128x14x32xf32, #tpu.memory_space<vmem>>, vector<16xf32>,
    }
    %scan3A_729 = arith.constant 128 : i32
    %get3A_730 = arith.constant 2 : i32
    %get3A_731 = arith.index_cast %get3A_730 : i32 to index
    %get3A_732 = arith.constant 0 : index
    %get3A_733 = tpu.vector_load %arg14[%get3A_731, %get3A_732] {strides = array<i32>} : memref<13x32xf32, #tpu.memory_space<vmem>>, vector<16xf32>,
    %get3A_734 = arith.constant 2 : i32
    %get3A_735 = arith.index_cast %get3A_734 : i32 to index
    %get3A_736 = arith.constant 16 : index
    %get3A_737 = tpu.vector_load %arg14[%get3A_735, %get3A_736] {strides = array<i32>} : memref<13x32xf32, #tpu.memory_space<vmem>>, vector<16xf32>,
    %get3A_738 = arith.constant 2 : i32
    %get3A_739 = arith.index_cast %get3A_738 : i32 to index
    %get3A_740 = arith.constant 0 : index
    %get3A_741 = tpu.vector_load %arg15[%get3A_739, %get3A_740] {strides = array<i32>} : memref<13x32xf32, #tpu.memory_space<vmem>>, vector<16xf32>,
    %get3A_742 = arith.constant 2 : i32
    %get3A_743 = arith.index_cast %get3A_742 : i32 to index
    %get3A_744 = arith.constant 16 : index
    %get3A_745 = tpu.vector_load %arg15[%get3A_743, %get3A_744] {strides = array<i32>} : memref<13x32xf32, #tpu.memory_space<vmem>>, vector<16xf32>,
    %broadcast_in_dim3A_746 = arith.constant 2 : i32
    %broadcast_in_dim3A_747 = vector.broadcast %broadcast_in_dim3A_746 : i32 to vector<16xi32>
    %scan3A_748 = arith.constant 0 : i32
    %scan3A_749 = arith.constant 0 : i32
    %scan3A_750 = arith.constant 128 : i32
    %scan3A_751 = arith.addi %scan3A_749, %scan3A_750 : i32
    %scan3A_752 = arith.constant 1 : i32
    scf.for %scan3A_1326 = %scan3A_749 to %scan3A_751 step %scan3A_752  : i32 {
      %broadcast_in_dim3A_1327 = vector.broadcast %scan3A_1326 : i32 to vector<16xi32>
      %gather3A = tpu.vector_load_idx %arg13[%broadcast_in_dim3A_1327, %broadcast_in_dim3A_747] : memref<128x13xf32, #tpu.memory_space<vmem>>[vector<16xi32>, vector<16xi32>], vector<16xf32>,
      %mul3A_1328 = arith.mulf %gather3A, %get3A_733 : vector<16xf32>
      %add3A_1329 = arith.addf %mul3A_1328, %get3A_741 : vector<16xf32>
      %swap3A = arith.constant 3 : i32
      %swap3A_1330 = arith.index_cast %scan3A_1326 : i32 to index
      %swap3A_1331 = arith.index_cast %swap3A : i32 to index
      %swap3A_1332 = arith.constant 0 : index
      %swap3A_1333 = tpu.vector_load %arg12[%swap3A_1330, %swap3A_1331, %swap3A_1332] {strides = array<i32>} : memref<128x14x32xf32, #tpu.memory_space<vmem>>, vector<16xf32>,
      tpu.vector_store %arg12[%swap3A_1330, %swap3A_1331, %swap3A_1332], %add3A_1329 {strides = array<i32>} : memref<128x14x32xf32, #tpu.memory_space<vmem>>, vector<16xf32>,
      %mul3A_1334 = arith.mulf %gather3A, %get3A_737 : vector<16xf32>
      %add3A_1335 = arith.addf %mul3A_1334, %get3A_745 : vector<16xf32>
      %swap3A_1336 = arith.constant 3 : i32
      %swap3A_1337 = arith.index_cast %scan3A_1326 : i32 to index
      %swap3A_1338 = arith.index_cast %swap3A_1336 : i32 to index
      %swap3A_1339 = arith.constant 16 : index
      %swap3A_1340 = tpu.vector_load %arg12[%swap3A_1337, %swap3A_1338, %swap3A_1339] {strides = array<i32>} : memref<128x14x32xf32, #tpu.memory_space<vmem>>, vector<16xf32>,
      tpu.vector_store %arg12[%swap3A_1337, %swap3A_1338, %swap3A_1339], %add3A_1335 {strides = array<i32>} : memref<128x14x32xf32, #tpu.memory_space<vmem>>, vector<16xf32>,
    }
    %scan3A_753 = arith.constant 128 : i32
    %get3A_754 = arith.constant 3 : i32
    %get3A_755 = arith.index_cast %get3A_754 : i32 to index
    %get3A_756 = arith.constant 0 : index
    %get3A_757 = tpu.vector_load %arg14[%get3A_755, %get3A_756] {strides = array<i32>} : memref<13x32xf32, #tpu.memory_space<vmem>>, vector<16xf32>,
    %get3A_758 = arith.constant 3 : i32
    %get3A_759 = arith.index_cast %get3A_758 : i32 to index
    %get3A_760 = arith.constant 16 : index
    %get3A_761 = tpu.vector_load %arg14[%get3A_759, %get3A_760] {strides = array<i32>} : memref<13x32xf32, #tpu.memory_space<vmem>>, vector<16xf32>,
    %get3A_762 = arith.constant 3 : i32
    %get3A_763 = arith.index_cast %get3A_762 : i32 to index
    %get3A_764 = arith.constant 0 : index
    %get3A_765 = tpu.vector_load %arg15[%get3A_763, %get3A_764] {strides = array<i32>} : memref<13x32xf32, #tpu.memory_space<vmem>>, vector<16xf32>,
    %get3A_766 = arith.constant 3 : i32
    %get3A_767 = arith.index_cast %get3A_766 : i32 to index
    %get3A_768 = arith.constant 16 : index
    %get3A_769 = tpu.vector_load %arg15[%get3A_767, %get3A_768] {strides = array<i32>} : memref<13x32xf32, #tpu.memory_space<vmem>>, vector<16xf32>,
    %broadcast_in_dim3A_770 = arith.constant 3 : i32
    %broadcast_in_dim3A_771 = vector.broadcast %broadcast_in_dim3A_770 : i32 to vector<16xi32>
    %scan3A_772 = arith.constant 0 : i32
    %scan3A_773 = arith.constant 0 : i32
    %scan3A_774 = arith.constant 128 : i32
    %scan3A_775 = arith.addi %scan3A_773, %scan3A_774 : i32
    %scan3A_776 = arith.constant 1 : i32
    scf.for %scan3A_1326 = %scan3A_773 to %scan3A_775 step %scan3A_776  : i32 {
      %broadcast_in_dim3A_1327 = vector.broadcast %scan3A_1326 : i32 to vector<16xi32>
      %gather3A = tpu.vector_load_idx %arg13[%broadcast_in_dim3A_1327, %broadcast_in_dim3A_771] : memref<128x13xf32, #tpu.memory_space<vmem>>[vector<16xi32>, vector<16xi32>], vector<16xf32>,
      %mul3A_1328 = arith.mulf %gather3A, %get3A_757 : vector<16xf32>
      %add3A_1329 = arith.addf %mul3A_1328, %get3A_765 : vector<16xf32>
      %swap3A = arith.constant 4 : i32
      %swap3A_1330 = arith.index_cast %scan3A_1326 : i32 to index
      %swap3A_1331 = arith.index_cast %swap3A : i32 to index
      %swap3A_1332 = arith.constant 0 : index
      %swap3A_1333 = tpu.vector_load %arg12[%swap3A_1330, %swap3A_1331, %swap3A_1332] {strides = array<i32>} : memref<128x14x32xf32, #tpu.memory_space<vmem>>, vector<16xf32>,
      tpu.vector_store %arg12[%swap3A_1330, %swap3A_1331, %swap3A_1332], %add3A_1329 {strides = array<i32>} : memref<128x14x32xf32, #tpu.memory_space<vmem>>, vector<16xf32>,
      %mul3A_1334 = arith.mulf %gather3A, %get3A_761 : vector<16xf32>
      %add3A_1335 = arith.addf %mul3A_1334, %get3A_769 : vector<16xf32>
      %swap3A_1336 = arith.constant 4 : i32
      %swap3A_1337 = arith.index_cast %scan3A_1326 : i32 to index
      %swap3A_1338 = arith.index_cast %swap3A_1336 : i32 to index
      %swap3A_1339 = arith.constant 16 : index
      %swap3A_1340 = tpu.vector_load %arg12[%swap3A_1337, %swap3A_1338, %swap3A_1339] {strides = array<i32>} : memref<128x14x32xf32, #tpu.memory_space<vmem>>, vector<16xf32>,
      tpu.vector_store %arg12[%swap3A_1337, %swap3A_1338, %swap3A_1339], %add3A_1335 {strides = array<i32>} : memref<128x14x32xf32, #tpu.memory_space<vmem>>, vector<16xf32>,
    }
    %scan3A_777 = arith.constant 128 : i32
    %get3A_778 = arith.constant 4 : i32
    %get3A_779 = arith.index_cast %get3A_778 : i32 to index
    %get3A_780 = arith.constant 0 : index
    %get3A_781 = tpu.vector_load %arg14[%get3A_779, %get3A_780] {strides = array<i32>} : memref<13x32xf32, #tpu.memory_space<vmem>>, vector<16xf32>,
    %get3A_782 = arith.constant 4 : i32
    %get3A_783 = arith.index_cast %get3A_782 : i32 to index
    %get3A_784 = arith.constant 16 : index
    %get3A_785 = tpu.vector_load %arg14[%get3A_783, %get3A_784] {strides = array<i32>} : memref<13x32xf32, #tpu.memory_space<vmem>>, vector<16xf32>,
    %get3A_786 = arith.constant 4 : i32
    %get3A_787 = arith.index_cast %get3A_786 : i32 to index
    %get3A_788 = arith.constant 0 : index
    %get3A_789 = tpu.vector_load %arg15[%get3A_787, %get3A_788] {strides = array<i32>} : memref<13x32xf32, #tpu.memory_space<vmem>>, vector<16xf32>,
    %get3A_790 = arith.constant 4 : i32
    %get3A_791 = arith.index_cast %get3A_790 : i32 to index
    %get3A_792 = arith.constant 16 : index
    %get3A_793 = tpu.vector_load %arg15[%get3A_791, %get3A_792] {strides = array<i32>} : memref<13x32xf32, #tpu.memory_space<vmem>>, vector<16xf32>,
    %broadcast_in_dim3A_794 = arith.constant 4 : i32
    %broadcast_in_dim3A_795 = vector.broadcast %broadcast_in_dim3A_794 : i32 to vector<16xi32>
    %scan3A_796 = arith.constant 0 : i32
    %scan3A_797 = arith.constant 0 : i32
    %scan3A_798 = arith.constant 128 : i32
    %scan3A_799 = arith.addi %scan3A_797, %scan3A_798 : i32
    %scan3A_800 = arith.constant 1 : i32
    scf.for %scan3A_1326 = %scan3A_797 to %scan3A_799 step %scan3A_800  : i32 {
      %broadcast_in_dim3A_1327 = vector.broadcast %scan3A_1326 : i32 to vector<16xi32>
      %gather3A = tpu.vector_load_idx %arg13[%broadcast_in_dim3A_1327, %broadcast_in_dim3A_795] : memref<128x13xf32, #tpu.memory_space<vmem>>[vector<16xi32>, vector<16xi32>], vector<16xf32>,
      %mul3A_1328 = arith.mulf %gather3A, %get3A_781 : vector<16xf32>
      %add3A_1329 = arith.addf %mul3A_1328, %get3A_789 : vector<16xf32>
      %swap3A = arith.constant 5 : i32
      %swap3A_1330 = arith.index_cast %scan3A_1326 : i32 to index
      %swap3A_1331 = arith.index_cast %swap3A : i32 to index
      %swap3A_1332 = arith.constant 0 : index
      %swap3A_1333 = tpu.vector_load %arg12[%swap3A_1330, %swap3A_1331, %swap3A_1332] {strides = array<i32>} : memref<128x14x32xf32, #tpu.memory_space<vmem>>, vector<16xf32>,
      tpu.vector_store %arg12[%swap3A_1330, %swap3A_1331, %swap3A_1332], %add3A_1329 {strides = array<i32>} : memref<128x14x32xf32, #tpu.memory_space<vmem>>, vector<16xf32>,
      %mul3A_1334 = arith.mulf %gather3A, %get3A_785 : vector<16xf32>
      %add3A_1335 = arith.addf %mul3A_1334, %get3A_793 : vector<16xf32>
      %swap3A_1336 = arith.constant 5 : i32
      %swap3A_1337 = arith.index_cast %scan3A_1326 : i32 to index
      %swap3A_1338 = arith.index_cast %swap3A_1336 : i32 to index
      %swap3A_1339 = arith.constant 16 : index
      %swap3A_1340 = tpu.vector_load %arg12[%swap3A_1337, %swap3A_1338, %swap3A_1339] {strides = array<i32>} : memref<128x14x32xf32, #tpu.memory_space<vmem>>, vector<16xf32>,
      tpu.vector_store %arg12[%swap3A_1337, %swap3A_1338, %swap3A_1339], %add3A_1335 {strides = array<i32>} : memref<128x14x32xf32, #tpu.memory_space<vmem>>, vector<16xf32>,
    }
    %scan3A_801 = arith.constant 128 : i32
    %get3A_802 = arith.constant 5 : i32
    %get3A_803 = arith.index_cast %get3A_802 : i32 to index
    %get3A_804 = arith.constant 0 : index
    %get3A_805 = tpu.vector_load %arg14[%get3A_803, %get3A_804] {strides = array<i32>} : memref<13x32xf32, #tpu.memory_space<vmem>>, vector<16xf32>,
    %get3A_806 = arith.constant 5 : i32
    %get3A_807 = arith.index_cast %get3A_806 : i32 to index
    %get3A_808 = arith.constant 16 : index
    %get3A_809 = tpu.vector_load %arg14[%get3A_807, %get3A_808] {strides = array<i32>} : memref<13x32xf32, #tpu.memory_space<vmem>>, vector<16xf32>,
    %get3A_810 = arith.constant 5 : i32
    %get3A_811 = arith.index_cast %get3A_810 : i32 to index
    %get3A_812 = arith.constant 0 : index
    %get3A_813 = tpu.vector_load %arg15[%get3A_811, %get3A_812] {strides = array<i32>} : memref<13x32xf32, #tpu.memory_space<vmem>>, vector<16xf32>,
    %get3A_814 = arith.constant 5 : i32
    %get3A_815 = arith.index_cast %get3A_814 : i32 to index
    %get3A_816 = arith.constant 16 : index
    %get3A_817 = tpu.vector_load %arg15[%get3A_815, %get3A_816] {strides = array<i32>} : memref<13x32xf32, #tpu.memory_space<vmem>>, vector<16xf32>,
    %broadcast_in_dim3A_818 = arith.constant 5 : i32
    %broadcast_in_dim3A_819 = vector.broadcast %broadcast_in_dim3A_818 : i32 to vector<16xi32>
    %scan3A_820 = arith.constant 0 : i32
    %scan3A_821 = arith.constant 0 : i32
    %scan3A_822 = arith.constant 128 : i32
    %scan3A_823 = arith.addi %scan3A_821, %scan3A_822 : i32
    %scan3A_824 = arith.constant 1 : i32
    scf.for %scan3A_1326 = %scan3A_821 to %scan3A_823 step %scan3A_824  : i32 {
      %broadcast_in_dim3A_1327 = vector.broadcast %scan3A_1326 : i32 to vector<16xi32>
      %gather3A = tpu.vector_load_idx %arg13[%broadcast_in_dim3A_1327, %broadcast_in_dim3A_819] : memref<128x13xf32, #tpu.memory_space<vmem>>[vector<16xi32>, vector<16xi32>], vector<16xf32>,
      %mul3A_1328 = arith.mulf %gather3A, %get3A_805 : vector<16xf32>
      %add3A_1329 = arith.addf %mul3A_1328, %get3A_813 : vector<16xf32>
      %swap3A = arith.constant 6 : i32
      %swap3A_1330 = arith.index_cast %scan3A_1326 : i32 to index
      %swap3A_1331 = arith.index_cast %swap3A : i32 to index
      %swap3A_1332 = arith.constant 0 : index
      %swap3A_1333 = tpu.vector_load %arg12[%swap3A_1330, %swap3A_1331, %swap3A_1332] {strides = array<i32>} : memref<128x14x32xf32, #tpu.memory_space<vmem>>, vector<16xf32>,
      tpu.vector_store %arg12[%swap3A_1330, %swap3A_1331, %swap3A_1332], %add3A_1329 {strides = array<i32>} : memref<128x14x32xf32, #tpu.memory_space<vmem>>, vector<16xf32>,
      %mul3A_1334 = arith.mulf %gather3A, %get3A_809 : vector<16xf32>
      %add3A_1335 = arith.addf %mul3A_1334, %get3A_817 : vector<16xf32>
      %swap3A_1336 = arith.constant 6 : i32
      %swap3A_1337 = arith.index_cast %scan3A_1326 : i32 to index
      %swap3A_1338 = arith.index_cast %swap3A_1336 : i32 to index
      %swap3A_1339 = arith.constant 16 : index
      %swap3A_1340 = tpu.vector_load %arg12[%swap3A_1337, %swap3A_1338, %swap3A_1339] {strides = array<i32>} : memref<128x14x32xf32, #tpu.memory_space<vmem>>, vector<16xf32>,
      tpu.vector_store %arg12[%swap3A_1337, %swap3A_1338, %swap3A_1339], %add3A_1335 {strides = array<i32>} : memref<128x14x32xf32, #tpu.memory_space<vmem>>, vector<16xf32>,
    }
    %scan3A_825 = arith.constant 128 : i32
    %get3A_826 = arith.constant 6 : i32
    %get3A_827 = arith.index_cast %get3A_826 : i32 to index
    %get3A_828 = arith.constant 0 : index
    %get3A_829 = tpu.vector_load %arg14[%get3A_827, %get3A_828] {strides = array<i32>} : memref<13x32xf32, #tpu.memory_space<vmem>>, vector<16xf32>,
    %get3A_830 = arith.constant 6 : i32
    %get3A_831 = arith.index_cast %get3A_830 : i32 to index
    %get3A_832 = arith.constant 16 : index
    %get3A_833 = tpu.vector_load %arg14[%get3A_831, %get3A_832] {strides = array<i32>} : memref<13x32xf32, #tpu.memory_space<vmem>>, vector<16xf32>,
    %get3A_834 = arith.constant 6 : i32
    %get3A_835 = arith.index_cast %get3A_834 : i32 to index
    %get3A_836 = arith.constant 0 : index
    %get3A_837 = tpu.vector_load %arg15[%get3A_835, %get3A_836] {strides = array<i32>} : memref<13x32xf32, #tpu.memory_space<vmem>>, vector<16xf32>,
    %get3A_838 = arith.constant 6 : i32
    %get3A_839 = arith.index_cast %get3A_838 : i32 to index
    %get3A_840 = arith.constant 16 : index
    %get3A_841 = tpu.vector_load %arg15[%get3A_839, %get3A_840] {strides = array<i32>} : memref<13x32xf32, #tpu.memory_space<vmem>>, vector<16xf32>,
    %broadcast_in_dim3A_842 = arith.constant 6 : i32
    %broadcast_in_dim3A_843 = vector.broadcast %broadcast_in_dim3A_842 : i32 to vector<16xi32>
    %scan3A_844 = arith.constant 0 : i32
    %scan3A_845 = arith.constant 0 : i32
    %scan3A_846 = arith.constant 128 : i32
    %scan3A_847 = arith.addi %scan3A_845, %scan3A_846 : i32
    %scan3A_848 = arith.constant 1 : i32
    scf.for %scan3A_1326 = %scan3A_845 to %scan3A_847 step %scan3A_848  : i32 {
      %broadcast_in_dim3A_1327 = vector.broadcast %scan3A_1326 : i32 to vector<16xi32>
      %gather3A = tpu.vector_load_idx %arg13[%broadcast_in_dim3A_1327, %broadcast_in_dim3A_843] : memref<128x13xf32, #tpu.memory_space<vmem>>[vector<16xi32>, vector<16xi32>], vector<16xf32>,
      %mul3A_1328 = arith.mulf %gather3A, %get3A_829 : vector<16xf32>
      %add3A_1329 = arith.addf %mul3A_1328, %get3A_837 : vector<16xf32>
      %swap3A = arith.constant 7 : i32
      %swap3A_1330 = arith.index_cast %scan3A_1326 : i32 to index
      %swap3A_1331 = arith.index_cast %swap3A : i32 to index
      %swap3A_1332 = arith.constant 0 : index
      %swap3A_1333 = tpu.vector_load %arg12[%swap3A_1330, %swap3A_1331, %swap3A_1332] {strides = array<i32>} : memref<128x14x32xf32, #tpu.memory_space<vmem>>, vector<16xf32>,
      tpu.vector_store %arg12[%swap3A_1330, %swap3A_1331, %swap3A_1332], %add3A_1329 {strides = array<i32>} : memref<128x14x32xf32, #tpu.memory_space<vmem>>, vector<16xf32>,
      %mul3A_1334 = arith.mulf %gather3A, %get3A_833 : vector<16xf32>
      %add3A_1335 = arith.addf %mul3A_1334, %get3A_841 : vector<16xf32>
      %swap3A_1336 = arith.constant 7 : i32
      %swap3A_1337 = arith.index_cast %scan3A_1326 : i32 to index
      %swap3A_1338 = arith.index_cast %swap3A_1336 : i32 to index
      %swap3A_1339 = arith.constant 16 : index
      %swap3A_1340 = tpu.vector_load %arg12[%swap3A_1337, %swap3A_1338, %swap3A_1339] {strides = array<i32>} : memref<128x14x32xf32, #tpu.memory_space<vmem>>, vector<16xf32>,
      tpu.vector_store %arg12[%swap3A_1337, %swap3A_1338, %swap3A_1339], %add3A_1335 {strides = array<i32>} : memref<128x14x32xf32, #tpu.memory_space<vmem>>, vector<16xf32>,
    }
    %scan3A_849 = arith.constant 128 : i32
    %get3A_850 = arith.constant 7 : i32
    %get3A_851 = arith.index_cast %get3A_850 : i32 to index
    %get3A_852 = arith.constant 0 : index
    %get3A_853 = tpu.vector_load %arg14[%get3A_851, %get3A_852] {strides = array<i32>} : memref<13x32xf32, #tpu.memory_space<vmem>>, vector<16xf32>,
    %get3A_854 = arith.constant 7 : i32
    %get3A_855 = arith.index_cast %get3A_854 : i32 to index
    %get3A_856 = arith.constant 16 : index
    %get3A_857 = tpu.vector_load %arg14[%get3A_855, %get3A_856] {strides = array<i32>} : memref<13x32xf32, #tpu.memory_space<vmem>>, vector<16xf32>,
    %get3A_858 = arith.constant 7 : i32
    %get3A_859 = arith.index_cast %get3A_858 : i32 to index
    %get3A_860 = arith.constant 0 : index
    %get3A_861 = tpu.vector_load %arg15[%get3A_859, %get3A_860] {strides = array<i32>} : memref<13x32xf32, #tpu.memory_space<vmem>>, vector<16xf32>,
    %get3A_862 = arith.constant 7 : i32
    %get3A_863 = arith.index_cast %get3A_862 : i32 to index
    %get3A_864 = arith.constant 16 : index
    %get3A_865 = tpu.vector_load %arg15[%get3A_863, %get3A_864] {strides = array<i32>} : memref<13x32xf32, #tpu.memory_space<vmem>>, vector<16xf32>,
    %broadcast_in_dim3A_866 = arith.constant 7 : i32
    %broadcast_in_dim3A_867 = vector.broadcast %broadcast_in_dim3A_866 : i32 to vector<16xi32>
    %scan3A_868 = arith.constant 0 : i32
    %scan3A_869 = arith.constant 0 : i32
    %scan3A_870 = arith.constant 128 : i32
    %scan3A_871 = arith.addi %scan3A_869, %scan3A_870 : i32
    %scan3A_872 = arith.constant 1 : i32
    scf.for %scan3A_1326 = %scan3A_869 to %scan3A_871 step %scan3A_872  : i32 {
      %broadcast_in_dim3A_1327 = vector.broadcast %scan3A_1326 : i32 to vector<16xi32>
      %gather3A = tpu.vector_load_idx %arg13[%broadcast_in_dim3A_1327, %broadcast_in_dim3A_867] : memref<128x13xf32, #tpu.memory_space<vmem>>[vector<16xi32>, vector<16xi32>], vector<16xf32>,
      %mul3A_1328 = arith.mulf %gather3A, %get3A_853 : vector<16xf32>
      %add3A_1329 = arith.addf %mul3A_1328, %get3A_861 : vector<16xf32>
      %swap3A = arith.constant 8 : i32
      %swap3A_1330 = arith.index_cast %scan3A_1326 : i32 to index
      %swap3A_1331 = arith.index_cast %swap3A : i32 to index
      %swap3A_1332 = arith.constant 0 : index
      %swap3A_1333 = tpu.vector_load %arg12[%swap3A_1330, %swap3A_1331, %swap3A_1332] {strides = array<i32>} : memref<128x14x32xf32, #tpu.memory_space<vmem>>, vector<16xf32>,
      tpu.vector_store %arg12[%swap3A_1330, %swap3A_1331, %swap3A_1332], %add3A_1329 {strides = array<i32>} : memref<128x14x32xf32, #tpu.memory_space<vmem>>, vector<16xf32>,
      %mul3A_1334 = arith.mulf %gather3A, %get3A_857 : vector<16xf32>
      %add3A_1335 = arith.addf %mul3A_1334, %get3A_865 : vector<16xf32>
      %swap3A_1336 = arith.constant 8 : i32
      %swap3A_1337 = arith.index_cast %scan3A_1326 : i32 to index
      %swap3A_1338 = arith.index_cast %swap3A_1336 : i32 to index
      %swap3A_1339 = arith.constant 16 : index
      %swap3A_1340 = tpu.vector_load %arg12[%swap3A_1337, %swap3A_1338, %swap3A_1339] {strides = array<i32>} : memref<128x14x32xf32, #tpu.memory_space<vmem>>, vector<16xf32>,
      tpu.vector_store %arg12[%swap3A_1337, %swap3A_1338, %swap3A_1339], %add3A_1335 {strides = array<i32>} : memref<128x14x32xf32, #tpu.memory_space<vmem>>, vector<16xf32>,
    }
    %scan3A_873 = arith.constant 128 : i32
    %get3A_874 = arith.constant 8 : i32
    %get3A_875 = arith.index_cast %get3A_874 : i32 to index
    %get3A_876 = arith.constant 0 : index
    %get3A_877 = tpu.vector_load %arg14[%get3A_875, %get3A_876] {strides = array<i32>} : memref<13x32xf32, #tpu.memory_space<vmem>>, vector<16xf32>,
    %get3A_878 = arith.constant 8 : i32
    %get3A_879 = arith.index_cast %get3A_878 : i32 to index
    %get3A_880 = arith.constant 16 : index
    %get3A_881 = tpu.vector_load %arg14[%get3A_879, %get3A_880] {strides = array<i32>} : memref<13x32xf32, #tpu.memory_space<vmem>>, vector<16xf32>,
    %get3A_882 = arith.constant 8 : i32
    %get3A_883 = arith.index_cast %get3A_882 : i32 to index
    %get3A_884 = arith.constant 0 : index
    %get3A_885 = tpu.vector_load %arg15[%get3A_883, %get3A_884] {strides = array<i32>} : memref<13x32xf32, #tpu.memory_space<vmem>>, vector<16xf32>,
    %get3A_886 = arith.constant 8 : i32
    %get3A_887 = arith.index_cast %get3A_886 : i32 to index
    %get3A_888 = arith.constant 16 : index
    %get3A_889 = tpu.vector_load %arg15[%get3A_887, %get3A_888] {strides = array<i32>} : memref<13x32xf32, #tpu.memory_space<vmem>>, vector<16xf32>,
    %broadcast_in_dim3A_890 = arith.constant 8 : i32
    %broadcast_in_dim3A_891 = vector.broadcast %broadcast_in_dim3A_890 : i32 to vector<16xi32>
    %scan3A_892 = arith.constant 0 : i32
    %scan3A_893 = arith.constant 0 : i32
    %scan3A_894 = arith.constant 128 : i32
    %scan3A_895 = arith.addi %scan3A_893, %scan3A_894 : i32
    %scan3A_896 = arith.constant 1 : i32
    scf.for %scan3A_1326 = %scan3A_893 to %scan3A_895 step %scan3A_896  : i32 {
      %broadcast_in_dim3A_1327 = vector.broadcast %scan3A_1326 : i32 to vector<16xi32>
      %gather3A = tpu.vector_load_idx %arg13[%broadcast_in_dim3A_1327, %broadcast_in_dim3A_891] : memref<128x13xf32, #tpu.memory_space<vmem>>[vector<16xi32>, vector<16xi32>], vector<16xf32>,
      %mul3A_1328 = arith.mulf %gather3A, %get3A_877 : vector<16xf32>
      %add3A_1329 = arith.addf %mul3A_1328, %get3A_885 : vector<16xf32>
      %swap3A = arith.constant 9 : i32
      %swap3A_1330 = arith.index_cast %scan3A_1326 : i32 to index
      %swap3A_1331 = arith.index_cast %swap3A : i32 to index
      %swap3A_1332 = arith.constant 0 : index
      %swap3A_1333 = tpu.vector_load %arg12[%swap3A_1330, %swap3A_1331, %swap3A_1332] {strides = array<i32>} : memref<128x14x32xf32, #tpu.memory_space<vmem>>, vector<16xf32>,
      tpu.vector_store %arg12[%swap3A_1330, %swap3A_1331, %swap3A_1332], %add3A_1329 {strides = array<i32>} : memref<128x14x32xf32, #tpu.memory_space<vmem>>, vector<16xf32>,
      %mul3A_1334 = arith.mulf %gather3A, %get3A_881 : vector<16xf32>
      %add3A_1335 = arith.addf %mul3A_1334, %get3A_889 : vector<16xf32>
      %swap3A_1336 = arith.constant 9 : i32
      %swap3A_1337 = arith.index_cast %scan3A_1326 : i32 to index
      %swap3A_1338 = arith.index_cast %swap3A_1336 : i32 to index
      %swap3A_1339 = arith.constant 16 : index
      %swap3A_1340 = tpu.vector_load %arg12[%swap3A_1337, %swap3A_1338, %swap3A_1339] {strides = array<i32>} : memref<128x14x32xf32, #tpu.memory_space<vmem>>, vector<16xf32>,
      tpu.vector_store %arg12[%swap3A_1337, %swap3A_1338, %swap3A_1339], %add3A_1335 {strides = array<i32>} : memref<128x14x32xf32, #tpu.memory_space<vmem>>, vector<16xf32>,
    }
    %scan3A_897 = arith.constant 128 : i32
    %get3A_898 = arith.constant 9 : i32
    %get3A_899 = arith.index_cast %get3A_898 : i32 to index
    %get3A_900 = arith.constant 0 : index
    %get3A_901 = tpu.vector_load %arg14[%get3A_899, %get3A_900] {strides = array<i32>} : memref<13x32xf32, #tpu.memory_space<vmem>>, vector<16xf32>,
    %get3A_902 = arith.constant 9 : i32
    %get3A_903 = arith.index_cast %get3A_902 : i32 to index
    %get3A_904 = arith.constant 16 : index
    %get3A_905 = tpu.vector_load %arg14[%get3A_903, %get3A_904] {strides = array<i32>} : memref<13x32xf32, #tpu.memory_space<vmem>>, vector<16xf32>,
    %get3A_906 = arith.constant 9 : i32
    %get3A_907 = arith.index_cast %get3A_906 : i32 to index
    %get3A_908 = arith.constant 0 : index
    %get3A_909 = tpu.vector_load %arg15[%get3A_907, %get3A_908] {strides = array<i32>} : memref<13x32xf32, #tpu.memory_space<vmem>>, vector<16xf32>,
    %get3A_910 = arith.constant 9 : i32
    %get3A_911 = arith.index_cast %get3A_910 : i32 to index
    %get3A_912 = arith.constant 16 : index
    %get3A_913 = tpu.vector_load %arg15[%get3A_911, %get3A_912] {strides = array<i32>} : memref<13x32xf32, #tpu.memory_space<vmem>>, vector<16xf32>,
    %broadcast_in_dim3A_914 = arith.constant 9 : i32
    %broadcast_in_dim3A_915 = vector.broadcast %broadcast_in_dim3A_914 : i32 to vector<16xi32>
    %scan3A_916 = arith.constant 0 : i32
    %scan3A_917 = arith.constant 0 : i32
    %scan3A_918 = arith.constant 128 : i32
    %scan3A_919 = arith.addi %scan3A_917, %scan3A_918 : i32
    %scan3A_920 = arith.constant 1 : i32
    scf.for %scan3A_1326 = %scan3A_917 to %scan3A_919 step %scan3A_920  : i32 {
      %broadcast_in_dim3A_1327 = vector.broadcast %scan3A_1326 : i32 to vector<16xi32>
      %gather3A = tpu.vector_load_idx %arg13[%broadcast_in_dim3A_1327, %broadcast_in_dim3A_915] : memref<128x13xf32, #tpu.memory_space<vmem>>[vector<16xi32>, vector<16xi32>], vector<16xf32>,
      %mul3A_1328 = arith.mulf %gather3A, %get3A_901 : vector<16xf32>
      %add3A_1329 = arith.addf %mul3A_1328, %get3A_909 : vector<16xf32>
      %swap3A = arith.constant 10 : i32
      %swap3A_1330 = arith.index_cast %scan3A_1326 : i32 to index
      %swap3A_1331 = arith.index_cast %swap3A : i32 to index
      %swap3A_1332 = arith.constant 0 : index
      %swap3A_1333 = tpu.vector_load %arg12[%swap3A_1330, %swap3A_1331, %swap3A_1332] {strides = array<i32>} : memref<128x14x32xf32, #tpu.memory_space<vmem>>, vector<16xf32>,
      tpu.vector_store %arg12[%swap3A_1330, %swap3A_1331, %swap3A_1332], %add3A_1329 {strides = array<i32>} : memref<128x14x32xf32, #tpu.memory_space<vmem>>, vector<16xf32>,
      %mul3A_1334 = arith.mulf %gather3A, %get3A_905 : vector<16xf32>
      %add3A_1335 = arith.addf %mul3A_1334, %get3A_913 : vector<16xf32>
      %swap3A_1336 = arith.constant 10 : i32
      %swap3A_1337 = arith.index_cast %scan3A_1326 : i32 to index
      %swap3A_1338 = arith.index_cast %swap3A_1336 : i32 to index
      %swap3A_1339 = arith.constant 16 : index
      %swap3A_1340 = tpu.vector_load %arg12[%swap3A_1337, %swap3A_1338, %swap3A_1339] {strides = array<i32>} : memref<128x14x32xf32, #tpu.memory_space<vmem>>, vector<16xf32>,
      tpu.vector_store %arg12[%swap3A_1337, %swap3A_1338, %swap3A_1339], %add3A_1335 {strides = array<i32>} : memref<128x14x32xf32, #tpu.memory_space<vmem>>, vector<16xf32>,
    }
    %scan3A_921 = arith.constant 128 : i32
    %get3A_922 = arith.constant 10 : i32
    %get3A_923 = arith.index_cast %get3A_922 : i32 to index
    %get3A_924 = arith.constant 0 : index
    %get3A_925 = tpu.vector_load %arg14[%get3A_923, %get3A_924] {strides = array<i32>} : memref<13x32xf32, #tpu.memory_space<vmem>>, vector<16xf32>,
    %get3A_926 = arith.constant 10 : i32
    %get3A_927 = arith.index_cast %get3A_926 : i32 to index
    %get3A_928 = arith.constant 16 : index
    %get3A_929 = tpu.vector_load %arg14[%get3A_927, %get3A_928] {strides = array<i32>} : memref<13x32xf32, #tpu.memory_space<vmem>>, vector<16xf32>,
    %get3A_930 = arith.constant 10 : i32
    %get3A_931 = arith.index_cast %get3A_930 : i32 to index
    %get3A_932 = arith.constant 0 : index
    %get3A_933 = tpu.vector_load %arg15[%get3A_931, %get3A_932] {strides = array<i32>} : memref<13x32xf32, #tpu.memory_space<vmem>>, vector<16xf32>,
    %get3A_934 = arith.constant 10 : i32
    %get3A_935 = arith.index_cast %get3A_934 : i32 to index
    %get3A_936 = arith.constant 16 : index
    %get3A_937 = tpu.vector_load %arg15[%get3A_935, %get3A_936] {strides = array<i32>} : memref<13x32xf32, #tpu.memory_space<vmem>>, vector<16xf32>,
    %broadcast_in_dim3A_938 = arith.constant 10 : i32
    %broadcast_in_dim3A_939 = vector.broadcast %broadcast_in_dim3A_938 : i32 to vector<16xi32>
    %scan3A_940 = arith.constant 0 : i32
    %scan3A_941 = arith.constant 0 : i32
    %scan3A_942 = arith.constant 128 : i32
    %scan3A_943 = arith.addi %scan3A_941, %scan3A_942 : i32
    %scan3A_944 = arith.constant 1 : i32
    scf.for %scan3A_1326 = %scan3A_941 to %scan3A_943 step %scan3A_944  : i32 {
      %broadcast_in_dim3A_1327 = vector.broadcast %scan3A_1326 : i32 to vector<16xi32>
      %gather3A = tpu.vector_load_idx %arg13[%broadcast_in_dim3A_1327, %broadcast_in_dim3A_939] : memref<128x13xf32, #tpu.memory_space<vmem>>[vector<16xi32>, vector<16xi32>], vector<16xf32>,
      %mul3A_1328 = arith.mulf %gather3A, %get3A_925 : vector<16xf32>
      %add3A_1329 = arith.addf %mul3A_1328, %get3A_933 : vector<16xf32>
      %swap3A = arith.constant 11 : i32
      %swap3A_1330 = arith.index_cast %scan3A_1326 : i32 to index
      %swap3A_1331 = arith.index_cast %swap3A : i32 to index
      %swap3A_1332 = arith.constant 0 : index
      %swap3A_1333 = tpu.vector_load %arg12[%swap3A_1330, %swap3A_1331, %swap3A_1332] {strides = array<i32>} : memref<128x14x32xf32, #tpu.memory_space<vmem>>, vector<16xf32>,
      tpu.vector_store %arg12[%swap3A_1330, %swap3A_1331, %swap3A_1332], %add3A_1329 {strides = array<i32>} : memref<128x14x32xf32, #tpu.memory_space<vmem>>, vector<16xf32>,
      %mul3A_1334 = arith.mulf %gather3A, %get3A_929 : vector<16xf32>
      %add3A_1335 = arith.addf %mul3A_1334, %get3A_937 : vector<16xf32>
      %swap3A_1336 = arith.constant 11 : i32
      %swap3A_1337 = arith.index_cast %scan3A_1326 : i32 to index
      %swap3A_1338 = arith.index_cast %swap3A_1336 : i32 to index
      %swap3A_1339 = arith.constant 16 : index
      %swap3A_1340 = tpu.vector_load %arg12[%swap3A_1337, %swap3A_1338, %swap3A_1339] {strides = array<i32>} : memref<128x14x32xf32, #tpu.memory_space<vmem>>, vector<16xf32>,
      tpu.vector_store %arg12[%swap3A_1337, %swap3A_1338, %swap3A_1339], %add3A_1335 {strides = array<i32>} : memref<128x14x32xf32, #tpu.memory_space<vmem>>, vector<16xf32>,
    }
    %scan3A_945 = arith.constant 128 : i32
    %get3A_946 = arith.constant 11 : i32
    %get3A_947 = arith.index_cast %get3A_946 : i32 to index
    %get3A_948 = arith.constant 0 : index
    %get3A_949 = tpu.vector_load %arg14[%get3A_947, %get3A_948] {strides = array<i32>} : memref<13x32xf32, #tpu.memory_space<vmem>>, vector<16xf32>,
    %get3A_950 = arith.constant 11 : i32
    %get3A_951 = arith.index_cast %get3A_950 : i32 to index
    %get3A_952 = arith.constant 16 : index
    %get3A_953 = tpu.vector_load %arg14[%get3A_951, %get3A_952] {strides = array<i32>} : memref<13x32xf32, #tpu.memory_space<vmem>>, vector<16xf32>,
    %get3A_954 = arith.constant 11 : i32
    %get3A_955 = arith.index_cast %get3A_954 : i32 to index
    %get3A_956 = arith.constant 0 : index
    %get3A_957 = tpu.vector_load %arg15[%get3A_955, %get3A_956] {strides = array<i32>} : memref<13x32xf32, #tpu.memory_space<vmem>>, vector<16xf32>,
    %get3A_958 = arith.constant 11 : i32
    %get3A_959 = arith.index_cast %get3A_958 : i32 to index
    %get3A_960 = arith.constant 16 : index
    %get3A_961 = tpu.vector_load %arg15[%get3A_959, %get3A_960] {strides = array<i32>} : memref<13x32xf32, #tpu.memory_space<vmem>>, vector<16xf32>,
    %broadcast_in_dim3A_962 = arith.constant 11 : i32
    %broadcast_in_dim3A_963 = vector.broadcast %broadcast_in_dim3A_962 : i32 to vector<16xi32>
    %scan3A_964 = arith.constant 0 : i32
    %scan3A_965 = arith.constant 0 : i32
    %scan3A_966 = arith.constant 128 : i32
    %scan3A_967 = arith.addi %scan3A_965, %scan3A_966 : i32
    %scan3A_968 = arith.constant 1 : i32
    scf.for %scan3A_1326 = %scan3A_965 to %scan3A_967 step %scan3A_968  : i32 {
      %broadcast_in_dim3A_1327 = vector.broadcast %scan3A_1326 : i32 to vector<16xi32>
      %gather3A = tpu.vector_load_idx %arg13[%broadcast_in_dim3A_1327, %broadcast_in_dim3A_963] : memref<128x13xf32, #tpu.memory_space<vmem>>[vector<16xi32>, vector<16xi32>], vector<16xf32>,
      %mul3A_1328 = arith.mulf %gather3A, %get3A_949 : vector<16xf32>
      %add3A_1329 = arith.addf %mul3A_1328, %get3A_957 : vector<16xf32>
      %swap3A = arith.constant 12 : i32
      %swap3A_1330 = arith.index_cast %scan3A_1326 : i32 to index
      %swap3A_1331 = arith.index_cast %swap3A : i32 to index
      %swap3A_1332 = arith.constant 0 : index
      %swap3A_1333 = tpu.vector_load %arg12[%swap3A_1330, %swap3A_1331, %swap3A_1332] {strides = array<i32>} : memref<128x14x32xf32, #tpu.memory_space<vmem>>, vector<16xf32>,
      tpu.vector_store %arg12[%swap3A_1330, %swap3A_1331, %swap3A_1332], %add3A_1329 {strides = array<i32>} : memref<128x14x32xf32, #tpu.memory_space<vmem>>, vector<16xf32>,
      %mul3A_1334 = arith.mulf %gather3A, %get3A_953 : vector<16xf32>
      %add3A_1335 = arith.addf %mul3A_1334, %get3A_961 : vector<16xf32>
      %swap3A_1336 = arith.constant 12 : i32
      %swap3A_1337 = arith.index_cast %scan3A_1326 : i32 to index
      %swap3A_1338 = arith.index_cast %swap3A_1336 : i32 to index
      %swap3A_1339 = arith.constant 16 : index
      %swap3A_1340 = tpu.vector_load %arg12[%swap3A_1337, %swap3A_1338, %swap3A_1339] {strides = array<i32>} : memref<128x14x32xf32, #tpu.memory_space<vmem>>, vector<16xf32>,
      tpu.vector_store %arg12[%swap3A_1337, %swap3A_1338, %swap3A_1339], %add3A_1335 {strides = array<i32>} : memref<128x14x32xf32, #tpu.memory_space<vmem>>, vector<16xf32>,
    }
    %scan3A_969 = arith.constant 128 : i32
    %get3A_970 = arith.constant 12 : i32
    %get3A_971 = arith.index_cast %get3A_970 : i32 to index
    %get3A_972 = arith.constant 0 : index
    %get3A_973 = tpu.vector_load %arg14[%get3A_971, %get3A_972] {strides = array<i32>} : memref<13x32xf32, #tpu.memory_space<vmem>>, vector<16xf32>,
    %get3A_974 = arith.constant 12 : i32
    %get3A_975 = arith.index_cast %get3A_974 : i32 to index
    %get3A_976 = arith.constant 16 : index
    %get3A_977 = tpu.vector_load %arg14[%get3A_975, %get3A_976] {strides = array<i32>} : memref<13x32xf32, #tpu.memory_space<vmem>>, vector<16xf32>,
    %get3A_978 = arith.constant 12 : i32
    %get3A_979 = arith.index_cast %get3A_978 : i32 to index
    %get3A_980 = arith.constant 0 : index
    %get3A_981 = tpu.vector_load %arg15[%get3A_979, %get3A_980] {strides = array<i32>} : memref<13x32xf32, #tpu.memory_space<vmem>>, vector<16xf32>,
    %get3A_982 = arith.constant 12 : i32
    %get3A_983 = arith.index_cast %get3A_982 : i32 to index
    %get3A_984 = arith.constant 16 : index
    %get3A_985 = tpu.vector_load %arg15[%get3A_983, %get3A_984] {strides = array<i32>} : memref<13x32xf32, #tpu.memory_space<vmem>>, vector<16xf32>,
    %broadcast_in_dim3A_986 = arith.constant 12 : i32
    %broadcast_in_dim3A_987 = vector.broadcast %broadcast_in_dim3A_986 : i32 to vector<16xi32>
    %scan3A_988 = arith.constant 0 : i32
    %scan3A_989 = arith.constant 0 : i32
    %scan3A_990 = arith.constant 128 : i32
    %scan3A_991 = arith.addi %scan3A_989, %scan3A_990 : i32
    %scan3A_992 = arith.constant 1 : i32
    scf.for %scan3A_1326 = %scan3A_989 to %scan3A_991 step %scan3A_992  : i32 {
      %broadcast_in_dim3A_1327 = vector.broadcast %scan3A_1326 : i32 to vector<16xi32>
      %gather3A = tpu.vector_load_idx %arg13[%broadcast_in_dim3A_1327, %broadcast_in_dim3A_987] : memref<128x13xf32, #tpu.memory_space<vmem>>[vector<16xi32>, vector<16xi32>], vector<16xf32>,
      %mul3A_1328 = arith.mulf %gather3A, %get3A_973 : vector<16xf32>
      %add3A_1329 = arith.addf %mul3A_1328, %get3A_981 : vector<16xf32>
      %swap3A = arith.constant 13 : i32
      %swap3A_1330 = arith.index_cast %scan3A_1326 : i32 to index
      %swap3A_1331 = arith.index_cast %swap3A : i32 to index
      %swap3A_1332 = arith.constant 0 : index
      %swap3A_1333 = tpu.vector_load %arg12[%swap3A_1330, %swap3A_1331, %swap3A_1332] {strides = array<i32>} : memref<128x14x32xf32, #tpu.memory_space<vmem>>, vector<16xf32>,
      tpu.vector_store %arg12[%swap3A_1330, %swap3A_1331, %swap3A_1332], %add3A_1329 {strides = array<i32>} : memref<128x14x32xf32, #tpu.memory_space<vmem>>, vector<16xf32>,
      %mul3A_1334 = arith.mulf %gather3A, %get3A_977 : vector<16xf32>
      %add3A_1335 = arith.addf %mul3A_1334, %get3A_985 : vector<16xf32>
      %swap3A_1336 = arith.constant 13 : i32
      %swap3A_1337 = arith.index_cast %scan3A_1326 : i32 to index
      %swap3A_1338 = arith.index_cast %swap3A_1336 : i32 to index
      %swap3A_1339 = arith.constant 16 : index
      %swap3A_1340 = tpu.vector_load %arg12[%swap3A_1337, %swap3A_1338, %swap3A_1339] {strides = array<i32>} : memref<128x14x32xf32, #tpu.memory_space<vmem>>, vector<16xf32>,
      tpu.vector_store %arg12[%swap3A_1337, %swap3A_1338, %swap3A_1339], %add3A_1335 {strides = array<i32>} : memref<128x14x32xf32, #tpu.memory_space<vmem>>, vector<16xf32>,
    }
    %scan3A_993 = arith.constant 128 : i32
    %add3A_994 = arith.constant 256 : i32
    %add3A_995 = arith.addi %mul3A_2, %add3A_994 : i32
    "tpu.region"() ({
      %run_scoped3A = tpu.sem_alloc : memref<!tpu.dma_semaphore, #tpu.memory_space<semaphore_mem>>
      %dma_start3A = arith.constant 0 : i32
      %dma_start3A_1326 = arith.constant 0 : i32
      %dma_start3A_1327 = tpu.memref_slice %arg8[%add3A_995, %dma_start3A, %dma_start3A_1326] : memref<16384x40x128xf32, #tpu.memory_space<hbm>> -> memref<128x14x32xf32, #tpu.memory_space<hbm>>
      %dma_start3A_1328 = arith.constant 0 : i32
      %dma_start3A_1329 = arith.constant 0 : i32
      %dma_start3A_1330 = tpu.memref_slice %arg8[%add3A_995, %dma_start3A_1328, %dma_start3A_1329] : memref<16384x40x128xf32, #tpu.memory_space<hbm>> -> memref<128x14x32xf32, #tpu.memory_space<hbm>>
      tpu.enqueue_dma source(%arg12 : memref<128x14x32xf32, #tpu.memory_space<vmem>>) target(%dma_start3A_1330 : memref<128x14x32xf32, #tpu.memory_space<hbm>>) target_semaphore(%run_scoped3A : memref<!tpu.dma_semaphore, #tpu.memory_space<semaphore_mem>>)
      %dma_wait3A = arith.constant 0 : i32
      %dma_wait3A_1331 = arith.constant 0 : i32
      %dma_wait3A_1332 = tpu.memref_slice %arg8[%add3A_995, %dma_wait3A, %dma_wait3A_1331] : memref<16384x40x128xf32, #tpu.memory_space<hbm>> -> memref<128x14x32xf32, #tpu.memory_space<hbm>>
      %dma_wait3A_1333 = arith.constant 0 : i32
      %dma_wait3A_1334 = arith.constant 0 : i32
      %dma_wait3A_1335 = tpu.memref_slice %arg8[%add3A_995, %dma_wait3A_1333, %dma_wait3A_1334] : memref<16384x40x128xf32, #tpu.memory_space<hbm>> -> memref<128x14x32xf32, #tpu.memory_space<hbm>>
      tpu.wait_dma2 semaphore(%run_scoped3A : memref<!tpu.dma_semaphore, #tpu.memory_space<semaphore_mem>>) src(%arg12 : memref<128x14x32xf32, #tpu.memory_space<vmem>>) dst(%dma_wait3A_1335 : memref<128x14x32xf32, #tpu.memory_space<hbm>>)
      tpu.yield
    }) : () -> ()
    %add3A_996 = arith.constant 384 : i32
    %add3A_997 = arith.addi %mul3A_2, %add3A_996 : i32
    "tpu.region"() ({
      %run_scoped3A = tpu.sem_alloc : memref<!tpu.dma_semaphore, #tpu.memory_space<semaphore_mem>>
      %dma_start3A = arith.constant 0 : i32
      %dma_start3A_1326 = tpu.memref_slice %arg4[%add3A_997, %dma_start3A] : memref<16384x13xf32, #tpu.memory_space<hbm>> -> memref<128x13xf32, #tpu.memory_space<hbm>>
      %dma_start3A_1327 = arith.constant 0 : i32
      %dma_start3A_1328 = tpu.memref_slice %arg4[%add3A_997, %dma_start3A_1327] : memref<16384x13xf32, #tpu.memory_space<hbm>> -> memref<128x13xf32, #tpu.memory_space<hbm>>
      tpu.enqueue_dma source(%dma_start3A_1328 : memref<128x13xf32, #tpu.memory_space<hbm>>) target(%arg13 : memref<128x13xf32, #tpu.memory_space<vmem>>) target_semaphore(%run_scoped3A : memref<!tpu.dma_semaphore, #tpu.memory_space<semaphore_mem>>)
      %dma_wait3A = arith.constant 0 : i32
      %dma_wait3A_1329 = tpu.memref_slice %arg4[%add3A_997, %dma_wait3A] : memref<16384x13xf32, #tpu.memory_space<hbm>> -> memref<128x13xf32, #tpu.memory_space<hbm>>
      %dma_wait3A_1330 = arith.constant 0 : i32
      %dma_wait3A_1331 = tpu.memref_slice %arg4[%add3A_997, %dma_wait3A_1330] : memref<16384x13xf32, #tpu.memory_space<hbm>> -> memref<128x13xf32, #tpu.memory_space<hbm>>
      tpu.wait_dma2 semaphore(%run_scoped3A : memref<!tpu.dma_semaphore, #tpu.memory_space<semaphore_mem>>) src(%dma_wait3A_1331 : memref<128x13xf32, #tpu.memory_space<hbm>>) dst(%arg13 : memref<128x13xf32, #tpu.memory_space<vmem>>)
      tpu.yield
    }) : () -> ()
    %get3A_998 = arith.constant 0 : i32
    %get3A_999 = arith.index_cast %get3A_998 : i32 to index
    %get3A_1000 = arith.constant 0 : index
    %get3A_1001 = tpu.vector_load %arg16[%get3A_999, %get3A_1000] {strides = array<i32>} : memref<1x32xf32, #tpu.memory_space<vmem>>, vector<16xf32>,
    %get3A_1002 = arith.constant 0 : i32
    %get3A_1003 = arith.index_cast %get3A_1002 : i32 to index
    %get3A_1004 = arith.constant 16 : index
    %get3A_1005 = tpu.vector_load %arg16[%get3A_1003, %get3A_1004] {strides = array<i32>} : memref<1x32xf32, #tpu.memory_space<vmem>>, vector<16xf32>,
    %scan3A_1006 = arith.constant 0 : i32
    %scan3A_1007 = arith.constant 0 : i32
    %scan3A_1008 = arith.constant 128 : i32
    %scan3A_1009 = arith.addi %scan3A_1007, %scan3A_1008 : i32
    %scan3A_1010 = arith.constant 1 : i32
    scf.for %scan3A_1326 = %scan3A_1007 to %scan3A_1009 step %scan3A_1010  : i32 {
      %swap3A = arith.constant 0 : i32
      %swap3A_1327 = arith.index_cast %scan3A_1326 : i32 to index
      %swap3A_1328 = arith.index_cast %swap3A : i32 to index
      %swap3A_1329 = arith.constant 0 : index
      %swap3A_1330 = tpu.vector_load %arg12[%swap3A_1327, %swap3A_1328, %swap3A_1329] {strides = array<i32>} : memref<128x14x32xf32, #tpu.memory_space<vmem>>, vector<16xf32>,
      tpu.vector_store %arg12[%swap3A_1327, %swap3A_1328, %swap3A_1329], %get3A_1001 {strides = array<i32>} : memref<128x14x32xf32, #tpu.memory_space<vmem>>, vector<16xf32>,
      %swap3A_1331 = arith.constant 0 : i32
      %swap3A_1332 = arith.index_cast %scan3A_1326 : i32 to index
      %swap3A_1333 = arith.index_cast %swap3A_1331 : i32 to index
      %swap3A_1334 = arith.constant 16 : index
      %swap3A_1335 = tpu.vector_load %arg12[%swap3A_1332, %swap3A_1333, %swap3A_1334] {strides = array<i32>} : memref<128x14x32xf32, #tpu.memory_space<vmem>>, vector<16xf32>,
      tpu.vector_store %arg12[%swap3A_1332, %swap3A_1333, %swap3A_1334], %get3A_1005 {strides = array<i32>} : memref<128x14x32xf32, #tpu.memory_space<vmem>>, vector<16xf32>,
    }
    %scan3A_1011 = arith.constant 128 : i32
    %get3A_1012 = arith.constant 0 : i32
    %get3A_1013 = arith.index_cast %get3A_1012 : i32 to index
    %get3A_1014 = arith.constant 0 : index
    %get3A_1015 = tpu.vector_load %arg14[%get3A_1013, %get3A_1014] {strides = array<i32>} : memref<13x32xf32, #tpu.memory_space<vmem>>, vector<16xf32>,
    %get3A_1016 = arith.constant 0 : i32
    %get3A_1017 = arith.index_cast %get3A_1016 : i32 to index
    %get3A_1018 = arith.constant 16 : index
    %get3A_1019 = tpu.vector_load %arg14[%get3A_1017, %get3A_1018] {strides = array<i32>} : memref<13x32xf32, #tpu.memory_space<vmem>>, vector<16xf32>,
    %get3A_1020 = arith.constant 0 : i32
    %get3A_1021 = arith.index_cast %get3A_1020 : i32 to index
    %get3A_1022 = arith.constant 0 : index
    %get3A_1023 = tpu.vector_load %arg15[%get3A_1021, %get3A_1022] {strides = array<i32>} : memref<13x32xf32, #tpu.memory_space<vmem>>, vector<16xf32>,
    %get3A_1024 = arith.constant 0 : i32
    %get3A_1025 = arith.index_cast %get3A_1024 : i32 to index
    %get3A_1026 = arith.constant 16 : index
    %get3A_1027 = tpu.vector_load %arg15[%get3A_1025, %get3A_1026] {strides = array<i32>} : memref<13x32xf32, #tpu.memory_space<vmem>>, vector<16xf32>,
    %broadcast_in_dim3A_1028 = arith.constant 0 : i32
    %broadcast_in_dim3A_1029 = vector.broadcast %broadcast_in_dim3A_1028 : i32 to vector<16xi32>
    %scan3A_1030 = arith.constant 0 : i32
    %scan3A_1031 = arith.constant 0 : i32
    %scan3A_1032 = arith.constant 128 : i32
    %scan3A_1033 = arith.addi %scan3A_1031, %scan3A_1032 : i32
    %scan3A_1034 = arith.constant 1 : i32
    scf.for %scan3A_1326 = %scan3A_1031 to %scan3A_1033 step %scan3A_1034  : i32 {
      %broadcast_in_dim3A_1327 = vector.broadcast %scan3A_1326 : i32 to vector<16xi32>
      %gather3A = tpu.vector_load_idx %arg13[%broadcast_in_dim3A_1327, %broadcast_in_dim3A_1029] : memref<128x13xf32, #tpu.memory_space<vmem>>[vector<16xi32>, vector<16xi32>], vector<16xf32>,
      %mul3A_1328 = arith.mulf %gather3A, %get3A_1015 : vector<16xf32>
      %add3A_1329 = arith.addf %mul3A_1328, %get3A_1023 : vector<16xf32>
      %swap3A = arith.constant 1 : i32
      %swap3A_1330 = arith.index_cast %scan3A_1326 : i32 to index
      %swap3A_1331 = arith.index_cast %swap3A : i32 to index
      %swap3A_1332 = arith.constant 0 : index
      %swap3A_1333 = tpu.vector_load %arg12[%swap3A_1330, %swap3A_1331, %swap3A_1332] {strides = array<i32>} : memref<128x14x32xf32, #tpu.memory_space<vmem>>, vector<16xf32>,
      tpu.vector_store %arg12[%swap3A_1330, %swap3A_1331, %swap3A_1332], %add3A_1329 {strides = array<i32>} : memref<128x14x32xf32, #tpu.memory_space<vmem>>, vector<16xf32>,
      %mul3A_1334 = arith.mulf %gather3A, %get3A_1019 : vector<16xf32>
      %add3A_1335 = arith.addf %mul3A_1334, %get3A_1027 : vector<16xf32>
      %swap3A_1336 = arith.constant 1 : i32
      %swap3A_1337 = arith.index_cast %scan3A_1326 : i32 to index
      %swap3A_1338 = arith.index_cast %swap3A_1336 : i32 to index
      %swap3A_1339 = arith.constant 16 : index
      %swap3A_1340 = tpu.vector_load %arg12[%swap3A_1337, %swap3A_1338, %swap3A_1339] {strides = array<i32>} : memref<128x14x32xf32, #tpu.memory_space<vmem>>, vector<16xf32>,
      tpu.vector_store %arg12[%swap3A_1337, %swap3A_1338, %swap3A_1339], %add3A_1335 {strides = array<i32>} : memref<128x14x32xf32, #tpu.memory_space<vmem>>, vector<16xf32>,
    }
    %scan3A_1035 = arith.constant 128 : i32
    %get3A_1036 = arith.constant 1 : i32
    %get3A_1037 = arith.index_cast %get3A_1036 : i32 to index
    %get3A_1038 = arith.constant 0 : index
    %get3A_1039 = tpu.vector_load %arg14[%get3A_1037, %get3A_1038] {strides = array<i32>} : memref<13x32xf32, #tpu.memory_space<vmem>>, vector<16xf32>,
    %get3A_1040 = arith.constant 1 : i32
    %get3A_1041 = arith.index_cast %get3A_1040 : i32 to index
    %get3A_1042 = arith.constant 16 : index
    %get3A_1043 = tpu.vector_load %arg14[%get3A_1041, %get3A_1042] {strides = array<i32>} : memref<13x32xf32, #tpu.memory_space<vmem>>, vector<16xf32>,
    %get3A_1044 = arith.constant 1 : i32
    %get3A_1045 = arith.index_cast %get3A_1044 : i32 to index
    %get3A_1046 = arith.constant 0 : index
    %get3A_1047 = tpu.vector_load %arg15[%get3A_1045, %get3A_1046] {strides = array<i32>} : memref<13x32xf32, #tpu.memory_space<vmem>>, vector<16xf32>,
    %get3A_1048 = arith.constant 1 : i32
    %get3A_1049 = arith.index_cast %get3A_1048 : i32 to index
    %get3A_1050 = arith.constant 16 : index
    %get3A_1051 = tpu.vector_load %arg15[%get3A_1049, %get3A_1050] {strides = array<i32>} : memref<13x32xf32, #tpu.memory_space<vmem>>, vector<16xf32>,
    %broadcast_in_dim3A_1052 = arith.constant 1 : i32
    %broadcast_in_dim3A_1053 = vector.broadcast %broadcast_in_dim3A_1052 : i32 to vector<16xi32>
    %scan3A_1054 = arith.constant 0 : i32
    %scan3A_1055 = arith.constant 0 : i32
    %scan3A_1056 = arith.constant 128 : i32
    %scan3A_1057 = arith.addi %scan3A_1055, %scan3A_1056 : i32
    %scan3A_1058 = arith.constant 1 : i32
    scf.for %scan3A_1326 = %scan3A_1055 to %scan3A_1057 step %scan3A_1058  : i32 {
      %broadcast_in_dim3A_1327 = vector.broadcast %scan3A_1326 : i32 to vector<16xi32>
      %gather3A = tpu.vector_load_idx %arg13[%broadcast_in_dim3A_1327, %broadcast_in_dim3A_1053] : memref<128x13xf32, #tpu.memory_space<vmem>>[vector<16xi32>, vector<16xi32>], vector<16xf32>,
      %mul3A_1328 = arith.mulf %gather3A, %get3A_1039 : vector<16xf32>
      %add3A_1329 = arith.addf %mul3A_1328, %get3A_1047 : vector<16xf32>
      %swap3A = arith.constant 2 : i32
      %swap3A_1330 = arith.index_cast %scan3A_1326 : i32 to index
      %swap3A_1331 = arith.index_cast %swap3A : i32 to index
      %swap3A_1332 = arith.constant 0 : index
      %swap3A_1333 = tpu.vector_load %arg12[%swap3A_1330, %swap3A_1331, %swap3A_1332] {strides = array<i32>} : memref<128x14x32xf32, #tpu.memory_space<vmem>>, vector<16xf32>,
      tpu.vector_store %arg12[%swap3A_1330, %swap3A_1331, %swap3A_1332], %add3A_1329 {strides = array<i32>} : memref<128x14x32xf32, #tpu.memory_space<vmem>>, vector<16xf32>,
      %mul3A_1334 = arith.mulf %gather3A, %get3A_1043 : vector<16xf32>
      %add3A_1335 = arith.addf %mul3A_1334, %get3A_1051 : vector<16xf32>
      %swap3A_1336 = arith.constant 2 : i32
      %swap3A_1337 = arith.index_cast %scan3A_1326 : i32 to index
      %swap3A_1338 = arith.index_cast %swap3A_1336 : i32 to index
      %swap3A_1339 = arith.constant 16 : index
      %swap3A_1340 = tpu.vector_load %arg12[%swap3A_1337, %swap3A_1338, %swap3A_1339] {strides = array<i32>} : memref<128x14x32xf32, #tpu.memory_space<vmem>>, vector<16xf32>,
      tpu.vector_store %arg12[%swap3A_1337, %swap3A_1338, %swap3A_1339], %add3A_1335 {strides = array<i32>} : memref<128x14x32xf32, #tpu.memory_space<vmem>>, vector<16xf32>,
    }
    %scan3A_1059 = arith.constant 128 : i32
    %get3A_1060 = arith.constant 2 : i32
    %get3A_1061 = arith.index_cast %get3A_1060 : i32 to index
    %get3A_1062 = arith.constant 0 : index
    %get3A_1063 = tpu.vector_load %arg14[%get3A_1061, %get3A_1062] {strides = array<i32>} : memref<13x32xf32, #tpu.memory_space<vmem>>, vector<16xf32>,
    %get3A_1064 = arith.constant 2 : i32
    %get3A_1065 = arith.index_cast %get3A_1064 : i32 to index
    %get3A_1066 = arith.constant 16 : index
    %get3A_1067 = tpu.vector_load %arg14[%get3A_1065, %get3A_1066] {strides = array<i32>} : memref<13x32xf32, #tpu.memory_space<vmem>>, vector<16xf32>,
    %get3A_1068 = arith.constant 2 : i32
    %get3A_1069 = arith.index_cast %get3A_1068 : i32 to index
    %get3A_1070 = arith.constant 0 : index
    %get3A_1071 = tpu.vector_load %arg15[%get3A_1069, %get3A_1070] {strides = array<i32>} : memref<13x32xf32, #tpu.memory_space<vmem>>, vector<16xf32>,
    %get3A_1072 = arith.constant 2 : i32
    %get3A_1073 = arith.index_cast %get3A_1072 : i32 to index
    %get3A_1074 = arith.constant 16 : index
    %get3A_1075 = tpu.vector_load %arg15[%get3A_1073, %get3A_1074] {strides = array<i32>} : memref<13x32xf32, #tpu.memory_space<vmem>>, vector<16xf32>,
    %broadcast_in_dim3A_1076 = arith.constant 2 : i32
    %broadcast_in_dim3A_1077 = vector.broadcast %broadcast_in_dim3A_1076 : i32 to vector<16xi32>
    %scan3A_1078 = arith.constant 0 : i32
    %scan3A_1079 = arith.constant 0 : i32
    %scan3A_1080 = arith.constant 128 : i32
    %scan3A_1081 = arith.addi %scan3A_1079, %scan3A_1080 : i32
    %scan3A_1082 = arith.constant 1 : i32
    scf.for %scan3A_1326 = %scan3A_1079 to %scan3A_1081 step %scan3A_1082  : i32 {
      %broadcast_in_dim3A_1327 = vector.broadcast %scan3A_1326 : i32 to vector<16xi32>
      %gather3A = tpu.vector_load_idx %arg13[%broadcast_in_dim3A_1327, %broadcast_in_dim3A_1077] : memref<128x13xf32, #tpu.memory_space<vmem>>[vector<16xi32>, vector<16xi32>], vector<16xf32>,
      %mul3A_1328 = arith.mulf %gather3A, %get3A_1063 : vector<16xf32>
      %add3A_1329 = arith.addf %mul3A_1328, %get3A_1071 : vector<16xf32>
      %swap3A = arith.constant 3 : i32
      %swap3A_1330 = arith.index_cast %scan3A_1326 : i32 to index
      %swap3A_1331 = arith.index_cast %swap3A : i32 to index
      %swap3A_1332 = arith.constant 0 : index
      %swap3A_1333 = tpu.vector_load %arg12[%swap3A_1330, %swap3A_1331, %swap3A_1332] {strides = array<i32>} : memref<128x14x32xf32, #tpu.memory_space<vmem>>, vector<16xf32>,
      tpu.vector_store %arg12[%swap3A_1330, %swap3A_1331, %swap3A_1332], %add3A_1329 {strides = array<i32>} : memref<128x14x32xf32, #tpu.memory_space<vmem>>, vector<16xf32>,
      %mul3A_1334 = arith.mulf %gather3A, %get3A_1067 : vector<16xf32>
      %add3A_1335 = arith.addf %mul3A_1334, %get3A_1075 : vector<16xf32>
      %swap3A_1336 = arith.constant 3 : i32
      %swap3A_1337 = arith.index_cast %scan3A_1326 : i32 to index
      %swap3A_1338 = arith.index_cast %swap3A_1336 : i32 to index
      %swap3A_1339 = arith.constant 16 : index
      %swap3A_1340 = tpu.vector_load %arg12[%swap3A_1337, %swap3A_1338, %swap3A_1339] {strides = array<i32>} : memref<128x14x32xf32, #tpu.memory_space<vmem>>, vector<16xf32>,
      tpu.vector_store %arg12[%swap3A_1337, %swap3A_1338, %swap3A_1339], %add3A_1335 {strides = array<i32>} : memref<128x14x32xf32, #tpu.memory_space<vmem>>, vector<16xf32>,
    }
    %scan3A_1083 = arith.constant 128 : i32
    %get3A_1084 = arith.constant 3 : i32
    %get3A_1085 = arith.index_cast %get3A_1084 : i32 to index
    %get3A_1086 = arith.constant 0 : index
    %get3A_1087 = tpu.vector_load %arg14[%get3A_1085, %get3A_1086] {strides = array<i32>} : memref<13x32xf32, #tpu.memory_space<vmem>>, vector<16xf32>,
    %get3A_1088 = arith.constant 3 : i32
    %get3A_1089 = arith.index_cast %get3A_1088 : i32 to index
    %get3A_1090 = arith.constant 16 : index
    %get3A_1091 = tpu.vector_load %arg14[%get3A_1089, %get3A_1090] {strides = array<i32>} : memref<13x32xf32, #tpu.memory_space<vmem>>, vector<16xf32>,
    %get3A_1092 = arith.constant 3 : i32
    %get3A_1093 = arith.index_cast %get3A_1092 : i32 to index
    %get3A_1094 = arith.constant 0 : index
    %get3A_1095 = tpu.vector_load %arg15[%get3A_1093, %get3A_1094] {strides = array<i32>} : memref<13x32xf32, #tpu.memory_space<vmem>>, vector<16xf32>,
    %get3A_1096 = arith.constant 3 : i32
    %get3A_1097 = arith.index_cast %get3A_1096 : i32 to index
    %get3A_1098 = arith.constant 16 : index
    %get3A_1099 = tpu.vector_load %arg15[%get3A_1097, %get3A_1098] {strides = array<i32>} : memref<13x32xf32, #tpu.memory_space<vmem>>, vector<16xf32>,
    %broadcast_in_dim3A_1100 = arith.constant 3 : i32
    %broadcast_in_dim3A_1101 = vector.broadcast %broadcast_in_dim3A_1100 : i32 to vector<16xi32>
    %scan3A_1102 = arith.constant 0 : i32
    %scan3A_1103 = arith.constant 0 : i32
    %scan3A_1104 = arith.constant 128 : i32
    %scan3A_1105 = arith.addi %scan3A_1103, %scan3A_1104 : i32
    %scan3A_1106 = arith.constant 1 : i32
    scf.for %scan3A_1326 = %scan3A_1103 to %scan3A_1105 step %scan3A_1106  : i32 {
      %broadcast_in_dim3A_1327 = vector.broadcast %scan3A_1326 : i32 to vector<16xi32>
      %gather3A = tpu.vector_load_idx %arg13[%broadcast_in_dim3A_1327, %broadcast_in_dim3A_1101] : memref<128x13xf32, #tpu.memory_space<vmem>>[vector<16xi32>, vector<16xi32>], vector<16xf32>,
      %mul3A_1328 = arith.mulf %gather3A, %get3A_1087 : vector<16xf32>
      %add3A_1329 = arith.addf %mul3A_1328, %get3A_1095 : vector<16xf32>
      %swap3A = arith.constant 4 : i32
      %swap3A_1330 = arith.index_cast %scan3A_1326 : i32 to index
      %swap3A_1331 = arith.index_cast %swap3A : i32 to index
      %swap3A_1332 = arith.constant 0 : index
      %swap3A_1333 = tpu.vector_load %arg12[%swap3A_1330, %swap3A_1331, %swap3A_1332] {strides = array<i32>} : memref<128x14x32xf32, #tpu.memory_space<vmem>>, vector<16xf32>,
      tpu.vector_store %arg12[%swap3A_1330, %swap3A_1331, %swap3A_1332], %add3A_1329 {strides = array<i32>} : memref<128x14x32xf32, #tpu.memory_space<vmem>>, vector<16xf32>,
      %mul3A_1334 = arith.mulf %gather3A, %get3A_1091 : vector<16xf32>
      %add3A_1335 = arith.addf %mul3A_1334, %get3A_1099 : vector<16xf32>
      %swap3A_1336 = arith.constant 4 : i32
      %swap3A_1337 = arith.index_cast %scan3A_1326 : i32 to index
      %swap3A_1338 = arith.index_cast %swap3A_1336 : i32 to index
      %swap3A_1339 = arith.constant 16 : index
      %swap3A_1340 = tpu.vector_load %arg12[%swap3A_1337, %swap3A_1338, %swap3A_1339] {strides = array<i32>} : memref<128x14x32xf32, #tpu.memory_space<vmem>>, vector<16xf32>,
      tpu.vector_store %arg12[%swap3A_1337, %swap3A_1338, %swap3A_1339], %add3A_1335 {strides = array<i32>} : memref<128x14x32xf32, #tpu.memory_space<vmem>>, vector<16xf32>,
    }
    %scan3A_1107 = arith.constant 128 : i32
    %get3A_1108 = arith.constant 4 : i32
    %get3A_1109 = arith.index_cast %get3A_1108 : i32 to index
    %get3A_1110 = arith.constant 0 : index
    %get3A_1111 = tpu.vector_load %arg14[%get3A_1109, %get3A_1110] {strides = array<i32>} : memref<13x32xf32, #tpu.memory_space<vmem>>, vector<16xf32>,
    %get3A_1112 = arith.constant 4 : i32
    %get3A_1113 = arith.index_cast %get3A_1112 : i32 to index
    %get3A_1114 = arith.constant 16 : index
    %get3A_1115 = tpu.vector_load %arg14[%get3A_1113, %get3A_1114] {strides = array<i32>} : memref<13x32xf32, #tpu.memory_space<vmem>>, vector<16xf32>,
    %get3A_1116 = arith.constant 4 : i32
    %get3A_1117 = arith.index_cast %get3A_1116 : i32 to index
    %get3A_1118 = arith.constant 0 : index
    %get3A_1119 = tpu.vector_load %arg15[%get3A_1117, %get3A_1118] {strides = array<i32>} : memref<13x32xf32, #tpu.memory_space<vmem>>, vector<16xf32>,
    %get3A_1120 = arith.constant 4 : i32
    %get3A_1121 = arith.index_cast %get3A_1120 : i32 to index
    %get3A_1122 = arith.constant 16 : index
    %get3A_1123 = tpu.vector_load %arg15[%get3A_1121, %get3A_1122] {strides = array<i32>} : memref<13x32xf32, #tpu.memory_space<vmem>>, vector<16xf32>,
    %broadcast_in_dim3A_1124 = arith.constant 4 : i32
    %broadcast_in_dim3A_1125 = vector.broadcast %broadcast_in_dim3A_1124 : i32 to vector<16xi32>
    %scan3A_1126 = arith.constant 0 : i32
    %scan3A_1127 = arith.constant 0 : i32
    %scan3A_1128 = arith.constant 128 : i32
    %scan3A_1129 = arith.addi %scan3A_1127, %scan3A_1128 : i32
    %scan3A_1130 = arith.constant 1 : i32
    scf.for %scan3A_1326 = %scan3A_1127 to %scan3A_1129 step %scan3A_1130  : i32 {
      %broadcast_in_dim3A_1327 = vector.broadcast %scan3A_1326 : i32 to vector<16xi32>
      %gather3A = tpu.vector_load_idx %arg13[%broadcast_in_dim3A_1327, %broadcast_in_dim3A_1125] : memref<128x13xf32, #tpu.memory_space<vmem>>[vector<16xi32>, vector<16xi32>], vector<16xf32>,
      %mul3A_1328 = arith.mulf %gather3A, %get3A_1111 : vector<16xf32>
      %add3A_1329 = arith.addf %mul3A_1328, %get3A_1119 : vector<16xf32>
      %swap3A = arith.constant 5 : i32
      %swap3A_1330 = arith.index_cast %scan3A_1326 : i32 to index
      %swap3A_1331 = arith.index_cast %swap3A : i32 to index
      %swap3A_1332 = arith.constant 0 : index
      %swap3A_1333 = tpu.vector_load %arg12[%swap3A_1330, %swap3A_1331, %swap3A_1332] {strides = array<i32>} : memref<128x14x32xf32, #tpu.memory_space<vmem>>, vector<16xf32>,
      tpu.vector_store %arg12[%swap3A_1330, %swap3A_1331, %swap3A_1332], %add3A_1329 {strides = array<i32>} : memref<128x14x32xf32, #tpu.memory_space<vmem>>, vector<16xf32>,
      %mul3A_1334 = arith.mulf %gather3A, %get3A_1115 : vector<16xf32>
      %add3A_1335 = arith.addf %mul3A_1334, %get3A_1123 : vector<16xf32>
      %swap3A_1336 = arith.constant 5 : i32
      %swap3A_1337 = arith.index_cast %scan3A_1326 : i32 to index
      %swap3A_1338 = arith.index_cast %swap3A_1336 : i32 to index
      %swap3A_1339 = arith.constant 16 : index
      %swap3A_1340 = tpu.vector_load %arg12[%swap3A_1337, %swap3A_1338, %swap3A_1339] {strides = array<i32>} : memref<128x14x32xf32, #tpu.memory_space<vmem>>, vector<16xf32>,
      tpu.vector_store %arg12[%swap3A_1337, %swap3A_1338, %swap3A_1339], %add3A_1335 {strides = array<i32>} : memref<128x14x32xf32, #tpu.memory_space<vmem>>, vector<16xf32>,
    }
    %scan3A_1131 = arith.constant 128 : i32
    %get3A_1132 = arith.constant 5 : i32
    %get3A_1133 = arith.index_cast %get3A_1132 : i32 to index
    %get3A_1134 = arith.constant 0 : index
    %get3A_1135 = tpu.vector_load %arg14[%get3A_1133, %get3A_1134] {strides = array<i32>} : memref<13x32xf32, #tpu.memory_space<vmem>>, vector<16xf32>,
    %get3A_1136 = arith.constant 5 : i32
    %get3A_1137 = arith.index_cast %get3A_1136 : i32 to index
    %get3A_1138 = arith.constant 16 : index
    %get3A_1139 = tpu.vector_load %arg14[%get3A_1137, %get3A_1138] {strides = array<i32>} : memref<13x32xf32, #tpu.memory_space<vmem>>, vector<16xf32>,
    %get3A_1140 = arith.constant 5 : i32
    %get3A_1141 = arith.index_cast %get3A_1140 : i32 to index
    %get3A_1142 = arith.constant 0 : index
    %get3A_1143 = tpu.vector_load %arg15[%get3A_1141, %get3A_1142] {strides = array<i32>} : memref<13x32xf32, #tpu.memory_space<vmem>>, vector<16xf32>,
    %get3A_1144 = arith.constant 5 : i32
    %get3A_1145 = arith.index_cast %get3A_1144 : i32 to index
    %get3A_1146 = arith.constant 16 : index
    %get3A_1147 = tpu.vector_load %arg15[%get3A_1145, %get3A_1146] {strides = array<i32>} : memref<13x32xf32, #tpu.memory_space<vmem>>, vector<16xf32>,
    %broadcast_in_dim3A_1148 = arith.constant 5 : i32
    %broadcast_in_dim3A_1149 = vector.broadcast %broadcast_in_dim3A_1148 : i32 to vector<16xi32>
    %scan3A_1150 = arith.constant 0 : i32
    %scan3A_1151 = arith.constant 0 : i32
    %scan3A_1152 = arith.constant 128 : i32
    %scan3A_1153 = arith.addi %scan3A_1151, %scan3A_1152 : i32
    %scan3A_1154 = arith.constant 1 : i32
    scf.for %scan3A_1326 = %scan3A_1151 to %scan3A_1153 step %scan3A_1154  : i32 {
      %broadcast_in_dim3A_1327 = vector.broadcast %scan3A_1326 : i32 to vector<16xi32>
      %gather3A = tpu.vector_load_idx %arg13[%broadcast_in_dim3A_1327, %broadcast_in_dim3A_1149] : memref<128x13xf32, #tpu.memory_space<vmem>>[vector<16xi32>, vector<16xi32>], vector<16xf32>,
      %mul3A_1328 = arith.mulf %gather3A, %get3A_1135 : vector<16xf32>
      %add3A_1329 = arith.addf %mul3A_1328, %get3A_1143 : vector<16xf32>
      %swap3A = arith.constant 6 : i32
      %swap3A_1330 = arith.index_cast %scan3A_1326 : i32 to index
      %swap3A_1331 = arith.index_cast %swap3A : i32 to index
      %swap3A_1332 = arith.constant 0 : index
      %swap3A_1333 = tpu.vector_load %arg12[%swap3A_1330, %swap3A_1331, %swap3A_1332] {strides = array<i32>} : memref<128x14x32xf32, #tpu.memory_space<vmem>>, vector<16xf32>,
      tpu.vector_store %arg12[%swap3A_1330, %swap3A_1331, %swap3A_1332], %add3A_1329 {strides = array<i32>} : memref<128x14x32xf32, #tpu.memory_space<vmem>>, vector<16xf32>,
      %mul3A_1334 = arith.mulf %gather3A, %get3A_1139 : vector<16xf32>
      %add3A_1335 = arith.addf %mul3A_1334, %get3A_1147 : vector<16xf32>
      %swap3A_1336 = arith.constant 6 : i32
      %swap3A_1337 = arith.index_cast %scan3A_1326 : i32 to index
      %swap3A_1338 = arith.index_cast %swap3A_1336 : i32 to index
      %swap3A_1339 = arith.constant 16 : index
      %swap3A_1340 = tpu.vector_load %arg12[%swap3A_1337, %swap3A_1338, %swap3A_1339] {strides = array<i32>} : memref<128x14x32xf32, #tpu.memory_space<vmem>>, vector<16xf32>,
      tpu.vector_store %arg12[%swap3A_1337, %swap3A_1338, %swap3A_1339], %add3A_1335 {strides = array<i32>} : memref<128x14x32xf32, #tpu.memory_space<vmem>>, vector<16xf32>,
    }
    %scan3A_1155 = arith.constant 128 : i32
    %get3A_1156 = arith.constant 6 : i32
    %get3A_1157 = arith.index_cast %get3A_1156 : i32 to index
    %get3A_1158 = arith.constant 0 : index
    %get3A_1159 = tpu.vector_load %arg14[%get3A_1157, %get3A_1158] {strides = array<i32>} : memref<13x32xf32, #tpu.memory_space<vmem>>, vector<16xf32>,
    %get3A_1160 = arith.constant 6 : i32
    %get3A_1161 = arith.index_cast %get3A_1160 : i32 to index
    %get3A_1162 = arith.constant 16 : index
    %get3A_1163 = tpu.vector_load %arg14[%get3A_1161, %get3A_1162] {strides = array<i32>} : memref<13x32xf32, #tpu.memory_space<vmem>>, vector<16xf32>,
    %get3A_1164 = arith.constant 6 : i32
    %get3A_1165 = arith.index_cast %get3A_1164 : i32 to index
    %get3A_1166 = arith.constant 0 : index
    %get3A_1167 = tpu.vector_load %arg15[%get3A_1165, %get3A_1166] {strides = array<i32>} : memref<13x32xf32, #tpu.memory_space<vmem>>, vector<16xf32>,
    %get3A_1168 = arith.constant 6 : i32
    %get3A_1169 = arith.index_cast %get3A_1168 : i32 to index
    %get3A_1170 = arith.constant 16 : index
    %get3A_1171 = tpu.vector_load %arg15[%get3A_1169, %get3A_1170] {strides = array<i32>} : memref<13x32xf32, #tpu.memory_space<vmem>>, vector<16xf32>,
    %broadcast_in_dim3A_1172 = arith.constant 6 : i32
    %broadcast_in_dim3A_1173 = vector.broadcast %broadcast_in_dim3A_1172 : i32 to vector<16xi32>
    %scan3A_1174 = arith.constant 0 : i32
    %scan3A_1175 = arith.constant 0 : i32
    %scan3A_1176 = arith.constant 128 : i32
    %scan3A_1177 = arith.addi %scan3A_1175, %scan3A_1176 : i32
    %scan3A_1178 = arith.constant 1 : i32
    scf.for %scan3A_1326 = %scan3A_1175 to %scan3A_1177 step %scan3A_1178  : i32 {
      %broadcast_in_dim3A_1327 = vector.broadcast %scan3A_1326 : i32 to vector<16xi32>
      %gather3A = tpu.vector_load_idx %arg13[%broadcast_in_dim3A_1327, %broadcast_in_dim3A_1173] : memref<128x13xf32, #tpu.memory_space<vmem>>[vector<16xi32>, vector<16xi32>], vector<16xf32>,
      %mul3A_1328 = arith.mulf %gather3A, %get3A_1159 : vector<16xf32>
      %add3A_1329 = arith.addf %mul3A_1328, %get3A_1167 : vector<16xf32>
      %swap3A = arith.constant 7 : i32
      %swap3A_1330 = arith.index_cast %scan3A_1326 : i32 to index
      %swap3A_1331 = arith.index_cast %swap3A : i32 to index
      %swap3A_1332 = arith.constant 0 : index
      %swap3A_1333 = tpu.vector_load %arg12[%swap3A_1330, %swap3A_1331, %swap3A_1332] {strides = array<i32>} : memref<128x14x32xf32, #tpu.memory_space<vmem>>, vector<16xf32>,
      tpu.vector_store %arg12[%swap3A_1330, %swap3A_1331, %swap3A_1332], %add3A_1329 {strides = array<i32>} : memref<128x14x32xf32, #tpu.memory_space<vmem>>, vector<16xf32>,
      %mul3A_1334 = arith.mulf %gather3A, %get3A_1163 : vector<16xf32>
      %add3A_1335 = arith.addf %mul3A_1334, %get3A_1171 : vector<16xf32>
      %swap3A_1336 = arith.constant 7 : i32
      %swap3A_1337 = arith.index_cast %scan3A_1326 : i32 to index
      %swap3A_1338 = arith.index_cast %swap3A_1336 : i32 to index
      %swap3A_1339 = arith.constant 16 : index
      %swap3A_1340 = tpu.vector_load %arg12[%swap3A_1337, %swap3A_1338, %swap3A_1339] {strides = array<i32>} : memref<128x14x32xf32, #tpu.memory_space<vmem>>, vector<16xf32>,
      tpu.vector_store %arg12[%swap3A_1337, %swap3A_1338, %swap3A_1339], %add3A_1335 {strides = array<i32>} : memref<128x14x32xf32, #tpu.memory_space<vmem>>, vector<16xf32>,
    }
    %scan3A_1179 = arith.constant 128 : i32
    %get3A_1180 = arith.constant 7 : i32
    %get3A_1181 = arith.index_cast %get3A_1180 : i32 to index
    %get3A_1182 = arith.constant 0 : index
    %get3A_1183 = tpu.vector_load %arg14[%get3A_1181, %get3A_1182] {strides = array<i32>} : memref<13x32xf32, #tpu.memory_space<vmem>>, vector<16xf32>,
    %get3A_1184 = arith.constant 7 : i32
    %get3A_1185 = arith.index_cast %get3A_1184 : i32 to index
    %get3A_1186 = arith.constant 16 : index
    %get3A_1187 = tpu.vector_load %arg14[%get3A_1185, %get3A_1186] {strides = array<i32>} : memref<13x32xf32, #tpu.memory_space<vmem>>, vector<16xf32>,
    %get3A_1188 = arith.constant 7 : i32
    %get3A_1189 = arith.index_cast %get3A_1188 : i32 to index
    %get3A_1190 = arith.constant 0 : index
    %get3A_1191 = tpu.vector_load %arg15[%get3A_1189, %get3A_1190] {strides = array<i32>} : memref<13x32xf32, #tpu.memory_space<vmem>>, vector<16xf32>,
    %get3A_1192 = arith.constant 7 : i32
    %get3A_1193 = arith.index_cast %get3A_1192 : i32 to index
    %get3A_1194 = arith.constant 16 : index
    %get3A_1195 = tpu.vector_load %arg15[%get3A_1193, %get3A_1194] {strides = array<i32>} : memref<13x32xf32, #tpu.memory_space<vmem>>, vector<16xf32>,
    %broadcast_in_dim3A_1196 = arith.constant 7 : i32
    %broadcast_in_dim3A_1197 = vector.broadcast %broadcast_in_dim3A_1196 : i32 to vector<16xi32>
    %scan3A_1198 = arith.constant 0 : i32
    %scan3A_1199 = arith.constant 0 : i32
    %scan3A_1200 = arith.constant 128 : i32
    %scan3A_1201 = arith.addi %scan3A_1199, %scan3A_1200 : i32
    %scan3A_1202 = arith.constant 1 : i32
    scf.for %scan3A_1326 = %scan3A_1199 to %scan3A_1201 step %scan3A_1202  : i32 {
      %broadcast_in_dim3A_1327 = vector.broadcast %scan3A_1326 : i32 to vector<16xi32>
      %gather3A = tpu.vector_load_idx %arg13[%broadcast_in_dim3A_1327, %broadcast_in_dim3A_1197] : memref<128x13xf32, #tpu.memory_space<vmem>>[vector<16xi32>, vector<16xi32>], vector<16xf32>,
      %mul3A_1328 = arith.mulf %gather3A, %get3A_1183 : vector<16xf32>
      %add3A_1329 = arith.addf %mul3A_1328, %get3A_1191 : vector<16xf32>
      %swap3A = arith.constant 8 : i32
      %swap3A_1330 = arith.index_cast %scan3A_1326 : i32 to index
      %swap3A_1331 = arith.index_cast %swap3A : i32 to index
      %swap3A_1332 = arith.constant 0 : index
      %swap3A_1333 = tpu.vector_load %arg12[%swap3A_1330, %swap3A_1331, %swap3A_1332] {strides = array<i32>} : memref<128x14x32xf32, #tpu.memory_space<vmem>>, vector<16xf32>,
      tpu.vector_store %arg12[%swap3A_1330, %swap3A_1331, %swap3A_1332], %add3A_1329 {strides = array<i32>} : memref<128x14x32xf32, #tpu.memory_space<vmem>>, vector<16xf32>,
      %mul3A_1334 = arith.mulf %gather3A, %get3A_1187 : vector<16xf32>
      %add3A_1335 = arith.addf %mul3A_1334, %get3A_1195 : vector<16xf32>
      %swap3A_1336 = arith.constant 8 : i32
      %swap3A_1337 = arith.index_cast %scan3A_1326 : i32 to index
      %swap3A_1338 = arith.index_cast %swap3A_1336 : i32 to index
      %swap3A_1339 = arith.constant 16 : index
      %swap3A_1340 = tpu.vector_load %arg12[%swap3A_1337, %swap3A_1338, %swap3A_1339] {strides = array<i32>} : memref<128x14x32xf32, #tpu.memory_space<vmem>>, vector<16xf32>,
      tpu.vector_store %arg12[%swap3A_1337, %swap3A_1338, %swap3A_1339], %add3A_1335 {strides = array<i32>} : memref<128x14x32xf32, #tpu.memory_space<vmem>>, vector<16xf32>,
    }
    %scan3A_1203 = arith.constant 128 : i32
    %get3A_1204 = arith.constant 8 : i32
    %get3A_1205 = arith.index_cast %get3A_1204 : i32 to index
    %get3A_1206 = arith.constant 0 : index
    %get3A_1207 = tpu.vector_load %arg14[%get3A_1205, %get3A_1206] {strides = array<i32>} : memref<13x32xf32, #tpu.memory_space<vmem>>, vector<16xf32>,
    %get3A_1208 = arith.constant 8 : i32
    %get3A_1209 = arith.index_cast %get3A_1208 : i32 to index
    %get3A_1210 = arith.constant 16 : index
    %get3A_1211 = tpu.vector_load %arg14[%get3A_1209, %get3A_1210] {strides = array<i32>} : memref<13x32xf32, #tpu.memory_space<vmem>>, vector<16xf32>,
    %get3A_1212 = arith.constant 8 : i32
    %get3A_1213 = arith.index_cast %get3A_1212 : i32 to index
    %get3A_1214 = arith.constant 0 : index
    %get3A_1215 = tpu.vector_load %arg15[%get3A_1213, %get3A_1214] {strides = array<i32>} : memref<13x32xf32, #tpu.memory_space<vmem>>, vector<16xf32>,
    %get3A_1216 = arith.constant 8 : i32
    %get3A_1217 = arith.index_cast %get3A_1216 : i32 to index
    %get3A_1218 = arith.constant 16 : index
    %get3A_1219 = tpu.vector_load %arg15[%get3A_1217, %get3A_1218] {strides = array<i32>} : memref<13x32xf32, #tpu.memory_space<vmem>>, vector<16xf32>,
    %broadcast_in_dim3A_1220 = arith.constant 8 : i32
    %broadcast_in_dim3A_1221 = vector.broadcast %broadcast_in_dim3A_1220 : i32 to vector<16xi32>
    %scan3A_1222 = arith.constant 0 : i32
    %scan3A_1223 = arith.constant 0 : i32
    %scan3A_1224 = arith.constant 128 : i32
    %scan3A_1225 = arith.addi %scan3A_1223, %scan3A_1224 : i32
    %scan3A_1226 = arith.constant 1 : i32
    scf.for %scan3A_1326 = %scan3A_1223 to %scan3A_1225 step %scan3A_1226  : i32 {
      %broadcast_in_dim3A_1327 = vector.broadcast %scan3A_1326 : i32 to vector<16xi32>
      %gather3A = tpu.vector_load_idx %arg13[%broadcast_in_dim3A_1327, %broadcast_in_dim3A_1221] : memref<128x13xf32, #tpu.memory_space<vmem>>[vector<16xi32>, vector<16xi32>], vector<16xf32>,
      %mul3A_1328 = arith.mulf %gather3A, %get3A_1207 : vector<16xf32>
      %add3A_1329 = arith.addf %mul3A_1328, %get3A_1215 : vector<16xf32>
      %swap3A = arith.constant 9 : i32
      %swap3A_1330 = arith.index_cast %scan3A_1326 : i32 to index
      %swap3A_1331 = arith.index_cast %swap3A : i32 to index
      %swap3A_1332 = arith.constant 0 : index
      %swap3A_1333 = tpu.vector_load %arg12[%swap3A_1330, %swap3A_1331, %swap3A_1332] {strides = array<i32>} : memref<128x14x32xf32, #tpu.memory_space<vmem>>, vector<16xf32>,
      tpu.vector_store %arg12[%swap3A_1330, %swap3A_1331, %swap3A_1332], %add3A_1329 {strides = array<i32>} : memref<128x14x32xf32, #tpu.memory_space<vmem>>, vector<16xf32>,
      %mul3A_1334 = arith.mulf %gather3A, %get3A_1211 : vector<16xf32>
      %add3A_1335 = arith.addf %mul3A_1334, %get3A_1219 : vector<16xf32>
      %swap3A_1336 = arith.constant 9 : i32
      %swap3A_1337 = arith.index_cast %scan3A_1326 : i32 to index
      %swap3A_1338 = arith.index_cast %swap3A_1336 : i32 to index
      %swap3A_1339 = arith.constant 16 : index
      %swap3A_1340 = tpu.vector_load %arg12[%swap3A_1337, %swap3A_1338, %swap3A_1339] {strides = array<i32>} : memref<128x14x32xf32, #tpu.memory_space<vmem>>, vector<16xf32>,
      tpu.vector_store %arg12[%swap3A_1337, %swap3A_1338, %swap3A_1339], %add3A_1335 {strides = array<i32>} : memref<128x14x32xf32, #tpu.memory_space<vmem>>, vector<16xf32>,
    }
    %scan3A_1227 = arith.constant 128 : i32
    %get3A_1228 = arith.constant 9 : i32
    %get3A_1229 = arith.index_cast %get3A_1228 : i32 to index
    %get3A_1230 = arith.constant 0 : index
    %get3A_1231 = tpu.vector_load %arg14[%get3A_1229, %get3A_1230] {strides = array<i32>} : memref<13x32xf32, #tpu.memory_space<vmem>>, vector<16xf32>,
    %get3A_1232 = arith.constant 9 : i32
    %get3A_1233 = arith.index_cast %get3A_1232 : i32 to index
    %get3A_1234 = arith.constant 16 : index
    %get3A_1235 = tpu.vector_load %arg14[%get3A_1233, %get3A_1234] {strides = array<i32>} : memref<13x32xf32, #tpu.memory_space<vmem>>, vector<16xf32>,
    %get3A_1236 = arith.constant 9 : i32
    %get3A_1237 = arith.index_cast %get3A_1236 : i32 to index
    %get3A_1238 = arith.constant 0 : index
    %get3A_1239 = tpu.vector_load %arg15[%get3A_1237, %get3A_1238] {strides = array<i32>} : memref<13x32xf32, #tpu.memory_space<vmem>>, vector<16xf32>,
    %get3A_1240 = arith.constant 9 : i32
    %get3A_1241 = arith.index_cast %get3A_1240 : i32 to index
    %get3A_1242 = arith.constant 16 : index
    %get3A_1243 = tpu.vector_load %arg15[%get3A_1241, %get3A_1242] {strides = array<i32>} : memref<13x32xf32, #tpu.memory_space<vmem>>, vector<16xf32>,
    %broadcast_in_dim3A_1244 = arith.constant 9 : i32
    %broadcast_in_dim3A_1245 = vector.broadcast %broadcast_in_dim3A_1244 : i32 to vector<16xi32>
    %scan3A_1246 = arith.constant 0 : i32
    %scan3A_1247 = arith.constant 0 : i32
    %scan3A_1248 = arith.constant 128 : i32
    %scan3A_1249 = arith.addi %scan3A_1247, %scan3A_1248 : i32
    %scan3A_1250 = arith.constant 1 : i32
    scf.for %scan3A_1326 = %scan3A_1247 to %scan3A_1249 step %scan3A_1250  : i32 {
      %broadcast_in_dim3A_1327 = vector.broadcast %scan3A_1326 : i32 to vector<16xi32>
      %gather3A = tpu.vector_load_idx %arg13[%broadcast_in_dim3A_1327, %broadcast_in_dim3A_1245] : memref<128x13xf32, #tpu.memory_space<vmem>>[vector<16xi32>, vector<16xi32>], vector<16xf32>,
      %mul3A_1328 = arith.mulf %gather3A, %get3A_1231 : vector<16xf32>
      %add3A_1329 = arith.addf %mul3A_1328, %get3A_1239 : vector<16xf32>
      %swap3A = arith.constant 10 : i32
      %swap3A_1330 = arith.index_cast %scan3A_1326 : i32 to index
      %swap3A_1331 = arith.index_cast %swap3A : i32 to index
      %swap3A_1332 = arith.constant 0 : index
      %swap3A_1333 = tpu.vector_load %arg12[%swap3A_1330, %swap3A_1331, %swap3A_1332] {strides = array<i32>} : memref<128x14x32xf32, #tpu.memory_space<vmem>>, vector<16xf32>,
      tpu.vector_store %arg12[%swap3A_1330, %swap3A_1331, %swap3A_1332], %add3A_1329 {strides = array<i32>} : memref<128x14x32xf32, #tpu.memory_space<vmem>>, vector<16xf32>,
      %mul3A_1334 = arith.mulf %gather3A, %get3A_1235 : vector<16xf32>
      %add3A_1335 = arith.addf %mul3A_1334, %get3A_1243 : vector<16xf32>
      %swap3A_1336 = arith.constant 10 : i32
      %swap3A_1337 = arith.index_cast %scan3A_1326 : i32 to index
      %swap3A_1338 = arith.index_cast %swap3A_1336 : i32 to index
      %swap3A_1339 = arith.constant 16 : index
      %swap3A_1340 = tpu.vector_load %arg12[%swap3A_1337, %swap3A_1338, %swap3A_1339] {strides = array<i32>} : memref<128x14x32xf32, #tpu.memory_space<vmem>>, vector<16xf32>,
      tpu.vector_store %arg12[%swap3A_1337, %swap3A_1338, %swap3A_1339], %add3A_1335 {strides = array<i32>} : memref<128x14x32xf32, #tpu.memory_space<vmem>>, vector<16xf32>,
    }
    %scan3A_1251 = arith.constant 128 : i32
    %get3A_1252 = arith.constant 10 : i32
    %get3A_1253 = arith.index_cast %get3A_1252 : i32 to index
    %get3A_1254 = arith.constant 0 : index
    %get3A_1255 = tpu.vector_load %arg14[%get3A_1253, %get3A_1254] {strides = array<i32>} : memref<13x32xf32, #tpu.memory_space<vmem>>, vector<16xf32>,
    %get3A_1256 = arith.constant 10 : i32
    %get3A_1257 = arith.index_cast %get3A_1256 : i32 to index
    %get3A_1258 = arith.constant 16 : index
    %get3A_1259 = tpu.vector_load %arg14[%get3A_1257, %get3A_1258] {strides = array<i32>} : memref<13x32xf32, #tpu.memory_space<vmem>>, vector<16xf32>,
    %get3A_1260 = arith.constant 10 : i32
    %get3A_1261 = arith.index_cast %get3A_1260 : i32 to index
    %get3A_1262 = arith.constant 0 : index
    %get3A_1263 = tpu.vector_load %arg15[%get3A_1261, %get3A_1262] {strides = array<i32>} : memref<13x32xf32, #tpu.memory_space<vmem>>, vector<16xf32>,
    %get3A_1264 = arith.constant 10 : i32
    %get3A_1265 = arith.index_cast %get3A_1264 : i32 to index
    %get3A_1266 = arith.constant 16 : index
    %get3A_1267 = tpu.vector_load %arg15[%get3A_1265, %get3A_1266] {strides = array<i32>} : memref<13x32xf32, #tpu.memory_space<vmem>>, vector<16xf32>,
    %broadcast_in_dim3A_1268 = arith.constant 10 : i32
    %broadcast_in_dim3A_1269 = vector.broadcast %broadcast_in_dim3A_1268 : i32 to vector<16xi32>
    %scan3A_1270 = arith.constant 0 : i32
    %scan3A_1271 = arith.constant 0 : i32
    %scan3A_1272 = arith.constant 128 : i32
    %scan3A_1273 = arith.addi %scan3A_1271, %scan3A_1272 : i32
    %scan3A_1274 = arith.constant 1 : i32
    scf.for %scan3A_1326 = %scan3A_1271 to %scan3A_1273 step %scan3A_1274  : i32 {
      %broadcast_in_dim3A_1327 = vector.broadcast %scan3A_1326 : i32 to vector<16xi32>
      %gather3A = tpu.vector_load_idx %arg13[%broadcast_in_dim3A_1327, %broadcast_in_dim3A_1269] : memref<128x13xf32, #tpu.memory_space<vmem>>[vector<16xi32>, vector<16xi32>], vector<16xf32>,
      %mul3A_1328 = arith.mulf %gather3A, %get3A_1255 : vector<16xf32>
      %add3A_1329 = arith.addf %mul3A_1328, %get3A_1263 : vector<16xf32>
      %swap3A = arith.constant 11 : i32
      %swap3A_1330 = arith.index_cast %scan3A_1326 : i32 to index
      %swap3A_1331 = arith.index_cast %swap3A : i32 to index
      %swap3A_1332 = arith.constant 0 : index
      %swap3A_1333 = tpu.vector_load %arg12[%swap3A_1330, %swap3A_1331, %swap3A_1332] {strides = array<i32>} : memref<128x14x32xf32, #tpu.memory_space<vmem>>, vector<16xf32>,
      tpu.vector_store %arg12[%swap3A_1330, %swap3A_1331, %swap3A_1332], %add3A_1329 {strides = array<i32>} : memref<128x14x32xf32, #tpu.memory_space<vmem>>, vector<16xf32>,
      %mul3A_1334 = arith.mulf %gather3A, %get3A_1259 : vector<16xf32>
      %add3A_1335 = arith.addf %mul3A_1334, %get3A_1267 : vector<16xf32>
      %swap3A_1336 = arith.constant 11 : i32
      %swap3A_1337 = arith.index_cast %scan3A_1326 : i32 to index
      %swap3A_1338 = arith.index_cast %swap3A_1336 : i32 to index
      %swap3A_1339 = arith.constant 16 : index
      %swap3A_1340 = tpu.vector_load %arg12[%swap3A_1337, %swap3A_1338, %swap3A_1339] {strides = array<i32>} : memref<128x14x32xf32, #tpu.memory_space<vmem>>, vector<16xf32>,
      tpu.vector_store %arg12[%swap3A_1337, %swap3A_1338, %swap3A_1339], %add3A_1335 {strides = array<i32>} : memref<128x14x32xf32, #tpu.memory_space<vmem>>, vector<16xf32>,
    }
    %scan3A_1275 = arith.constant 128 : i32
    %get3A_1276 = arith.constant 11 : i32
    %get3A_1277 = arith.index_cast %get3A_1276 : i32 to index
    %get3A_1278 = arith.constant 0 : index
    %get3A_1279 = tpu.vector_load %arg14[%get3A_1277, %get3A_1278] {strides = array<i32>} : memref<13x32xf32, #tpu.memory_space<vmem>>, vector<16xf32>,
    %get3A_1280 = arith.constant 11 : i32
    %get3A_1281 = arith.index_cast %get3A_1280 : i32 to index
    %get3A_1282 = arith.constant 16 : index
    %get3A_1283 = tpu.vector_load %arg14[%get3A_1281, %get3A_1282] {strides = array<i32>} : memref<13x32xf32, #tpu.memory_space<vmem>>, vector<16xf32>,
    %get3A_1284 = arith.constant 11 : i32
    %get3A_1285 = arith.index_cast %get3A_1284 : i32 to index
    %get3A_1286 = arith.constant 0 : index
    %get3A_1287 = tpu.vector_load %arg15[%get3A_1285, %get3A_1286] {strides = array<i32>} : memref<13x32xf32, #tpu.memory_space<vmem>>, vector<16xf32>,
    %get3A_1288 = arith.constant 11 : i32
    %get3A_1289 = arith.index_cast %get3A_1288 : i32 to index
    %get3A_1290 = arith.constant 16 : index
    %get3A_1291 = tpu.vector_load %arg15[%get3A_1289, %get3A_1290] {strides = array<i32>} : memref<13x32xf32, #tpu.memory_space<vmem>>, vector<16xf32>,
    %broadcast_in_dim3A_1292 = arith.constant 11 : i32
    %broadcast_in_dim3A_1293 = vector.broadcast %broadcast_in_dim3A_1292 : i32 to vector<16xi32>
    %scan3A_1294 = arith.constant 0 : i32
    %scan3A_1295 = arith.constant 0 : i32
    %scan3A_1296 = arith.constant 128 : i32
    %scan3A_1297 = arith.addi %scan3A_1295, %scan3A_1296 : i32
    %scan3A_1298 = arith.constant 1 : i32
    scf.for %scan3A_1326 = %scan3A_1295 to %scan3A_1297 step %scan3A_1298  : i32 {
      %broadcast_in_dim3A_1327 = vector.broadcast %scan3A_1326 : i32 to vector<16xi32>
      %gather3A = tpu.vector_load_idx %arg13[%broadcast_in_dim3A_1327, %broadcast_in_dim3A_1293] : memref<128x13xf32, #tpu.memory_space<vmem>>[vector<16xi32>, vector<16xi32>], vector<16xf32>,
      %mul3A_1328 = arith.mulf %gather3A, %get3A_1279 : vector<16xf32>
      %add3A_1329 = arith.addf %mul3A_1328, %get3A_1287 : vector<16xf32>
      %swap3A = arith.constant 12 : i32
      %swap3A_1330 = arith.index_cast %scan3A_1326 : i32 to index
      %swap3A_1331 = arith.index_cast %swap3A : i32 to index
      %swap3A_1332 = arith.constant 0 : index
      %swap3A_1333 = tpu.vector_load %arg12[%swap3A_1330, %swap3A_1331, %swap3A_1332] {strides = array<i32>} : memref<128x14x32xf32, #tpu.memory_space<vmem>>, vector<16xf32>,
      tpu.vector_store %arg12[%swap3A_1330, %swap3A_1331, %swap3A_1332], %add3A_1329 {strides = array<i32>} : memref<128x14x32xf32, #tpu.memory_space<vmem>>, vector<16xf32>,
      %mul3A_1334 = arith.mulf %gather3A, %get3A_1283 : vector<16xf32>
      %add3A_1335 = arith.addf %mul3A_1334, %get3A_1291 : vector<16xf32>
      %swap3A_1336 = arith.constant 12 : i32
      %swap3A_1337 = arith.index_cast %scan3A_1326 : i32 to index
      %swap3A_1338 = arith.index_cast %swap3A_1336 : i32 to index
      %swap3A_1339 = arith.constant 16 : index
      %swap3A_1340 = tpu.vector_load %arg12[%swap3A_1337, %swap3A_1338, %swap3A_1339] {strides = array<i32>} : memref<128x14x32xf32, #tpu.memory_space<vmem>>, vector<16xf32>,
      tpu.vector_store %arg12[%swap3A_1337, %swap3A_1338, %swap3A_1339], %add3A_1335 {strides = array<i32>} : memref<128x14x32xf32, #tpu.memory_space<vmem>>, vector<16xf32>,
    }
    %scan3A_1299 = arith.constant 128 : i32
    %get3A_1300 = arith.constant 12 : i32
    %get3A_1301 = arith.index_cast %get3A_1300 : i32 to index
    %get3A_1302 = arith.constant 0 : index
    %get3A_1303 = tpu.vector_load %arg14[%get3A_1301, %get3A_1302] {strides = array<i32>} : memref<13x32xf32, #tpu.memory_space<vmem>>, vector<16xf32>,
    %get3A_1304 = arith.constant 12 : i32
    %get3A_1305 = arith.index_cast %get3A_1304 : i32 to index
    %get3A_1306 = arith.constant 16 : index
    %get3A_1307 = tpu.vector_load %arg14[%get3A_1305, %get3A_1306] {strides = array<i32>} : memref<13x32xf32, #tpu.memory_space<vmem>>, vector<16xf32>,
    %get3A_1308 = arith.constant 12 : i32
    %get3A_1309 = arith.index_cast %get3A_1308 : i32 to index
    %get3A_1310 = arith.constant 0 : index
    %get3A_1311 = tpu.vector_load %arg15[%get3A_1309, %get3A_1310] {strides = array<i32>} : memref<13x32xf32, #tpu.memory_space<vmem>>, vector<16xf32>,
    %get3A_1312 = arith.constant 12 : i32
    %get3A_1313 = arith.index_cast %get3A_1312 : i32 to index
    %get3A_1314 = arith.constant 16 : index
    %get3A_1315 = tpu.vector_load %arg15[%get3A_1313, %get3A_1314] {strides = array<i32>} : memref<13x32xf32, #tpu.memory_space<vmem>>, vector<16xf32>,
    %broadcast_in_dim3A_1316 = arith.constant 12 : i32
    %broadcast_in_dim3A_1317 = vector.broadcast %broadcast_in_dim3A_1316 : i32 to vector<16xi32>
    %scan3A_1318 = arith.constant 0 : i32
    %scan3A_1319 = arith.constant 0 : i32
    %scan3A_1320 = arith.constant 128 : i32
    %scan3A_1321 = arith.addi %scan3A_1319, %scan3A_1320 : i32
    %scan3A_1322 = arith.constant 1 : i32
    scf.for %scan3A_1326 = %scan3A_1319 to %scan3A_1321 step %scan3A_1322  : i32 {
      %broadcast_in_dim3A_1327 = vector.broadcast %scan3A_1326 : i32 to vector<16xi32>
      %gather3A = tpu.vector_load_idx %arg13[%broadcast_in_dim3A_1327, %broadcast_in_dim3A_1317] : memref<128x13xf32, #tpu.memory_space<vmem>>[vector<16xi32>, vector<16xi32>], vector<16xf32>,
      %mul3A_1328 = arith.mulf %gather3A, %get3A_1303 : vector<16xf32>
      %add3A_1329 = arith.addf %mul3A_1328, %get3A_1311 : vector<16xf32>
      %swap3A = arith.constant 13 : i32
      %swap3A_1330 = arith.index_cast %scan3A_1326 : i32 to index
      %swap3A_1331 = arith.index_cast %swap3A : i32 to index
      %swap3A_1332 = arith.constant 0 : index
      %swap3A_1333 = tpu.vector_load %arg12[%swap3A_1330, %swap3A_1331, %swap3A_1332] {strides = array<i32>} : memref<128x14x32xf32, #tpu.memory_space<vmem>>, vector<16xf32>,
      tpu.vector_store %arg12[%swap3A_1330, %swap3A_1331, %swap3A_1332], %add3A_1329 {strides = array<i32>} : memref<128x14x32xf32, #tpu.memory_space<vmem>>, vector<16xf32>,
      %mul3A_1334 = arith.mulf %gather3A, %get3A_1307 : vector<16xf32>
      %add3A_1335 = arith.addf %mul3A_1334, %get3A_1315 : vector<16xf32>
      %swap3A_1336 = arith.constant 13 : i32
      %swap3A_1337 = arith.index_cast %scan3A_1326 : i32 to index
      %swap3A_1338 = arith.index_cast %swap3A_1336 : i32 to index
      %swap3A_1339 = arith.constant 16 : index
      %swap3A_1340 = tpu.vector_load %arg12[%swap3A_1337, %swap3A_1338, %swap3A_1339] {strides = array<i32>} : memref<128x14x32xf32, #tpu.memory_space<vmem>>, vector<16xf32>,
      tpu.vector_store %arg12[%swap3A_1337, %swap3A_1338, %swap3A_1339], %add3A_1335 {strides = array<i32>} : memref<128x14x32xf32, #tpu.memory_space<vmem>>, vector<16xf32>,
    }
    %scan3A_1323 = arith.constant 128 : i32
    %add3A_1324 = arith.constant 384 : i32
    %add3A_1325 = arith.addi %mul3A_2, %add3A_1324 : i32
    "tpu.region"() ({
      %run_scoped3A = tpu.sem_alloc : memref<!tpu.dma_semaphore, #tpu.memory_space<semaphore_mem>>
      %dma_start3A = arith.constant 0 : i32
      %dma_start3A_1326 = arith.constant 0 : i32
      %dma_start3A_1327 = tpu.memref_slice %arg8[%add3A_1325, %dma_start3A, %dma_start3A_1326] : memref<16384x40x128xf32, #tpu.memory_space<hbm>> -> memref<128x14x32xf32, #tpu.memory_space<hbm>>
      %dma_start3A_1328 = arith.constant 0 : i32
      %dma_start3A_1329 = arith.constant 0 : i32
      %dma_start3A_1330 = tpu.memref_slice %arg8[%add3A_1325, %dma_start3A_1328, %dma_start3A_1329] : memref<16384x40x128xf32, #tpu.memory_space<hbm>> -> memref<128x14x32xf32, #tpu.memory_space<hbm>>
      tpu.enqueue_dma source(%arg12 : memref<128x14x32xf32, #tpu.memory_space<vmem>>) target(%dma_start3A_1330 : memref<128x14x32xf32, #tpu.memory_space<hbm>>) target_semaphore(%run_scoped3A : memref<!tpu.dma_semaphore, #tpu.memory_space<semaphore_mem>>)
      %dma_wait3A = arith.constant 0 : i32
      %dma_wait3A_1331 = arith.constant 0 : i32
      %dma_wait3A_1332 = tpu.memref_slice %arg8[%add3A_1325, %dma_wait3A, %dma_wait3A_1331] : memref<16384x40x128xf32, #tpu.memory_space<hbm>> -> memref<128x14x32xf32, #tpu.memory_space<hbm>>
      %dma_wait3A_1333 = arith.constant 0 : i32
      %dma_wait3A_1334 = arith.constant 0 : i32
      %dma_wait3A_1335 = tpu.memref_slice %arg8[%add3A_1325, %dma_wait3A_1333, %dma_wait3A_1334] : memref<16384x40x128xf32, #tpu.memory_space<hbm>> -> memref<128x14x32xf32, #tpu.memory_space<hbm>>
      tpu.wait_dma2 semaphore(%run_scoped3A : memref<!tpu.dma_semaphore, #tpu.memory_space<semaphore_mem>>) src(%arg12 : memref<128x14x32xf32, #tpu.memory_space<vmem>>) dst(%dma_wait3A_1335 : memref<128x14x32xf32, #tpu.memory_space<hbm>>)
      tpu.yield
    }) : () -> ()
    return
  }
}

</mosaic_0001>

<sc_bundles>
// kernel: _impl.3.cloned.1.call-start
scs
__scs_entry_jumppad:
0x0: {  	(pc) =	sbr.rel $0x88, $3  }
0x1: {  	(tag) =	ssettag $0x0;
	lr =	simm.s32 $0x1  }
0x2: {  	[smem:$0x3F9B] =	sst lr;
	_ =	strace $0xD0000000  }
0x3: {  	_ = 	snop  }
0x4: {  	_ = 	snop  }
0x5: {  	_ = 	snop  }
0x6: {  	_ = 	snop  }
0x7: {  	_ = 	snop  }
__scs_overlays_trampoline_lowered:
0x8: {  	[smem:$0x3FAA] =	sst s0  }
0x9: {  	[smem:$0x3FAB] =	sst s1  }
0xa: {  	[smem:$0x3FAC] =	sst s2  }
0xb: {  	[smem:$0x3FAD] =	sst s3  }
0xc: {  	[smem:$0x3FAE] =	sst s4  }
0xd: {  	[smem:$0x3FAF] =	sst s5  }
0xe: {  	[smem:$0x3FB0] =	sst s6  }
0xf: {  	[smem:$0x3FB1] =	sst s7  }
0x10: {  	[smem:$0x3FB2] =	sst s8  }
0x11: {  	[smem:$0x3FB3] =	sst s9;
	s0 =	simm.s32 @!p0 $0x0  }
0x12: {  	s1 =	sld [smem:$0x3F99];
	s0 =	simm.s32 @p0 $0x1  }
0x13: {  	[smem:$0x3FB4] =	sst s0;
	s0 =	simm.s32 @!p1 $0x0  }
0x14: {  	s2 =	sld [smem:$0x3F98];
	s0 =	simm.s32 @p1 $0x1  }
0x15: {  	[smem:$0x3FB5] =	sst s0;
	s0 =	simm.s32 @!p2 $0x0  }
0x16: {  	s3 =	sld [smem:$0x3FDB];
	s0 =	simm.s32 @p2 $0x1  }
0x17: {  	s4 =	simm.s32 $0x1BF5;
	[smem:$0x3FB7] =	sst s0  }
0x18: {  	s0 =	sld [smem:$0x3F9A];
	_ =	swait.ge [sflag:s4], $0x0  }
0x19: {  	s7 =	sld [smem:$0x3F9B]  }
0x1a: {  	s8 =	sadd.s32 $0xFFFFE003, lr  }
0x1b: {  	s9 =	sadd.s32 $0xFFFFFEF7, lr;
	s5 =	simm.s32 $0xFFFFFFFF;
	p2 =	slt.u32 s8, $0xFFFFF086  }
0x1c: {  	p1 =	slt.u32 s9, $0xF7A;
	s5 =	simm.s32 @!p2 $0x0  }
0x1d: {  	s5 =	simm.s32 @p1 $0x1;
	p0 =	seq.s32 s7, s2  }
0x1e: {  	s7 =	smul.u32 @!p0 $0xF7A, s2;
	p2 =	seq.s32 @!p0 s5, $0x0  }
0x1f: {  	s9 =	smul.u32 $0xF7A, s1;
	s8 =	simm.s32 @!p0 $0x1BF5;
	p2 =	por !p2, p0  }
0x20: {  	[sflag:s8] =	ssyncset.s32 @!p0 $0xFFFFF086;
	s6 =	sadd.s32 @!p0 s3, s7;
	s7 =	simm.s32 @!p0 $0x108  }
0x21: {  	s3 =	sadd.s32 s3, s9;
	s6 =	sadd.s32 @!p0 $0x88, s6;
	s7 =	simm.s32 @p2 $0x1082  }
0x22: {  	[simem:s7], [sflag:s8] =	dma.local @!p0 [hbm:s6], $0xF7A  }
0x23: {  	s9 =	sor.u32 $0xD0000000, s2;
	s6 =	simm.s32 $0x108;
	_ =	swait.ge @!p0 [sflag:s8], $0x0  }
0x24: {  	s3 =	sadd.s32 $0x88, s3;
	s6 =	simm.s32 @!p1 $0x1082;
	[sflag:s4] =	ssyncset.s32 $0xFFFFF086  }
0x25: {  	[simem:s6], [sflag:s4] =	dma.local [hbm:s3], $0xF7A  }
0x26: {  	[smem:$0x3F9B] =	sst s1;
	(tag) =	ssettag s2;
	_ =	strace s9  }
0x27: {  	s1 =	sld [smem:$0x3FAB]  }
0x28: {  	s2 =	sld [smem:$0x3FAC]  }
0x29: {  	s4 =	sld [smem:$0x3FAE]  }
0x2a: {  	p0 =	seq.s32 s5, $0x0;
	s5 =	sld [smem:$0x3FAF]  }
0x2b: {  	s6 =	sld [smem:$0x3FB0]  }
0x2c: {  	s7 =	sld [smem:$0x3FB1]  }
0x2d: {  	s3 =	simm.s32 $0x108;
	s8 =	sld [smem:$0x3FB2]  }
0x2e: {  	s3 =	simm.s32 @!p0 $0x1082;
	s9 =	sld [smem:$0x3FB3]  }
0x2f: {  	lr =	sadd.s32 s0, s3;
	s0 =	sld [smem:$0x3FAA]  }
0x30: {  	s3 =	sld [smem:$0x3FAD]  }
0x31: {  	[smem:$0x3FB6] =	sst s10  }
0x32: {  	s10 =	sld [smem:$0x3FB4];
	_ =	sdelay $0x3  }
0x33: {  	p0 =	seq.s32 s10, $0x1;
	s10 =	sld [smem:$0x3FB6];
	_ =	sdelay $0x3  }
0x34: {  	[smem:$0x3FB6] =	sst s10  }
0x35: {  	s10 =	sld [smem:$0x3FB5];
	_ =	sdelay $0x3  }
0x36: {  	p1 =	seq.s32 s10, $0x1;
	s10 =	sld [smem:$0x3FB6];
	_ =	sdelay $0x3  }
0x37: {  	[smem:$0x3FB6] =	sst s10  }
0x38: {  	s10 =	sld [smem:$0x3FB7]  }
0x39: {  	_ = 	snop;
	(pc) =	sbr.ind lr, $3  }
0x3a: {  	_ = 	snop  }
0x3b: {  	_ = 	snop  }
0x3c: {  	p2 =	seq.s32 s10, $0x1;
	s10 =	sld [smem:$0x3FB6]  }
0x3d: {  	_ =	shalt  }
0x3e: {  	_ =	shalt  }
0x3f: {  	_ =	shalt  }
0x40: {  	_ =	shalt  }
0x41: {  	_ =	shalt  }
0x42: {  	_ =	shalt  }
0x43: {  	_ =	shalt  }
0x44: {  	_ =	shalt  }
0x45: {  	_ =	shalt  }
0x46: {  	_ =	shalt  }
0x47: {  	_ =	shalt  }
0x48: {  	_ =	shalt  }
0x49: {  	_ =	shalt  }
0x4a: {  	_ =	shalt  }
0x4b: {  	_ =	shalt  }
0x4c: {  	_ =	shalt  }
0x4d: {  	_ =	shalt  }
0x4e: {  	_ =	shalt  }
0x4f: {  	_ =	shalt  }
0x50: {  	_ =	shalt  }
0x51: {  	_ =	shalt  }
0x52: {  	_ =	shalt  }
0x53: {  	_ =	shalt  }
0x54: {  	_ =	shalt  }
0x55: {  	_ =	shalt  }
0x56: {  	_ =	shalt  }
0x57: {  	_ =	shalt  }
0x58: {  	_ =	shalt  }
0x59: {  	_ =	shalt  }
0x5a: {  	_ =	shalt  }
0x5b: {  	_ =	shalt  }
0x5c: {  	_ =	shalt  }
0x5d: {  	_ =	shalt  }
0x5e: {  	_ =	shalt  }
0x5f: {  	_ =	shalt  }
0x60: {  	_ =	shalt  }
0x61: {  	_ =	shalt  }
0x62: {  	_ =	shalt  }
0x63: {  	_ =	shalt  }
0x64: {  	_ =	shalt  }
0x65: {  	_ =	shalt  }
0x66: {  	_ =	shalt  }
0x67: {  	_ =	shalt  }
0x68: {  	_ =	shalt  }
0x69: {  	_ =	shalt  }
0x6a: {  	_ =	shalt  }
0x6b: {  	_ =	shalt  }
0x6c: {  	_ =	shalt  }
0x6d: {  	_ =	shalt  }
0x6e: {  	_ =	shalt  }
0x6f: {  	_ =	shalt  }
0x70: {  	_ =	shalt  }
0x71: {  	_ =	shalt  }
0x72: {  	_ =	shalt  }
0x73: {  	_ =	shalt  }
0x74: {  	_ =	shalt  }
0x75: {  	_ =	shalt  }
0x76: {  	_ =	shalt  }
0x77: {  	_ =	shalt  }
0x78: {  	_ =	shalt  }
0x79: {  	_ =	shalt  }
0x7a: {  	_ =	shalt  }
0x7b: {  	_ =	shalt  }
0x7c: {  	_ =	shalt  }
0x7d: {  	_ =	shalt  }
0x7e: {  	_ =	shalt  }
0x7f: {  	_ =	shalt  }
0x80: {  	_ =	shalt  }
0x81: {  	_ =	shalt  }
0x82: {  	_ =	shalt  }
0x83: {  	_ =	shalt  }
0x84: {  	_ =	shalt  }
0x85: {  	_ =	shalt  }
0x86: {  	_ =	shalt  }
0x87: {  	_ =	shalt  }
.Lfunc_end0:
.L_simem_size_0:
called_computation.2_lowered:
.L_overlay_start_0:
0x88: {  	s2 =	sld [smem:$0x3FD9]  }
0x89: {  	s3 =	sld [smem:$0x3FFE];
	_ =	sdelay $0x1  }
0x8a: {  	s1 =	srdreg.scid  }
0x8b: {  	s0 =	sand.u32 $0x1, s1  }
0x8c: {  	s17 =	sshll.u32 s0, $0xA;
	s2 =	sadd.s32 s3, s2  }
0x8d: {  	s2 =	sadd.s32 s2, s17  }
0x8e: {  	[smem:$0x3FC2] =	sst s2  }
0x8f: {  	_ = 	snop  }
0x90: {  	s2 =	sld [smem:$0x3FC4]  }
0x91: {  	s18 =	sld [smem:$0x3FD0];
	(tm) =	ssettm $0x1  }
0x92: {  	s4 =	sld [smem:$0x3FFB];
	_ =	sdelay $0x3  }
0x93: {  	_ =	strace s4  }
0x94: {  	s4 =	sld [smem:$0x3FFC];
	_ =	sdelay $0x3  }
0x95: {  	_ =	strace s4  }
0x96: {  	s4 =	sld [smem:$0x3FFD];
	_ =	sdelay $0x3  }
0x97: {  	_ =	strace s4  }
0x98: {  	_ =	strace $0x8FFFFFFF  }
0x99: {  	s19 =	sld [smem:$0x3FDB];
	_ =	sdelay $0x1  }
0x9a: {  	s5 =	simm.s32 $_scs_section_size  }
0x9b: {  	s6 =	simm.s32 $_size__tile_overlayer_lowered;
	s7 =	simm.s32 $_tile_overlayer_lowered  }
0x9c: {  	s22 =	simm.s32 $0x1BFF;
	s21 =	sshll.u32 s7, $0x1;
	s4 =	sadd.s32 s5, s19  }
0x9d: {  	s8 =	simm.s32 $0x0;
	s20 =	sshll.u32 s6, $0x1;
	s6 =	sadd.s32 s21, s4  }
0x9e: {  	[timem:s8], [sflag:s22] =	dma.local [hbm:s6], s20  }
0x9f: {  	_ =	swait.ge [sflag:s22], s20  }
0xa0: {  	s5 =	ssub.s32 $0x0, s20;
	[sflag:s22] =	ssyncset.done $0x0  }
0xa1: {  	[sflag:s22] =	ssyncadd.s32 s5;
	_ =	sdelay $0x1  }
0xa2: {  	s23 =	simm.s32 $0x1B8B  }
0xa3: {  	_ =	swait.ge [sflag:s23], $0x1  }
0xa4: {  	[sflag:s23] =	ssyncset.done $0x0  }
0xa5: {  	s25 =	simm.s32 $0x1B8E;
	s24 =	sld [smem:$0x3FFE];
	[sflag:s23] =	ssyncadd.s32 $0xFFFFFFFF  }
0xa6: {  	s26 =	simm.s32 $execute0_lowered;
	[smem:$0x3FD2] =	sst s25  }
0xa7: {  	s6 =	sshll.u32 s26, $0x1;
	_ =	strace $0x80000049;
	[dreg:$0x1] =	wrdreg $0xFFFFFFFF  }
0xa8: {  	s28 =	simm.s32 $_size_execute0_lowered;
	s4 =	sadd.s32 s4, s6;
	[dreg:$0x0] =	wrdreg $0x0  }
0xa9: {  	s6 =	sshll.u32 s28, $0x1;
	[dreg:$0x2] =	wrdreg s4  }
0xaa: {  	[dreg:$0x3] =	wrdreg s6  }
0xab: {  	[dreg:$0x4] =	wrdreg $0xC0  }
0xac: {  	_ =	task [dreg:s8], $0x5FFFF  }
0xad: {  	[dreg:$0x1] =	wrdreg $0xFFFFFFFF  }
0xae: {  	[dreg:$0x0] =	wrdreg $0x60  }
0xaf: {  	[dreg:$0x2] =	wrdreg s24  }
0xb0: {  	[dreg:$0x3] =	wrdreg s18  }
0xb1: {  	[dreg:$0x4] =	wrdreg s2  }
0xb2: {  	[dreg:$0x5] =	wrdreg $0x9  }
0xb3: {  	_ =	task.clear_ibuf [dreg:s8], $0x6FFFF;
	_ =	strace $0x90000049  }
0xb4: {  	s29 =	simm.s32 $0x9;
	_ =	strace $0x8000004B  }
0xb5: {  	_ =	swait.ge [sflag:s29], $0x1  }
0xb6: {  	[sflag:s29] =	ssyncadd.s32 $0xFFFFFFFF  }
0xb7: {  	_ =	strace $0x9000004B  }
0xb8: {  	_ =	sfence  }
0xb9: {  	s30 =	sld [smem:$0x0];
	_ =	sdelay $0x2  }
0xba: {  	s31 =	sshll.u32 s1, $0xD;
	s1 =	sshrl.u32 s1, $0x2  }
0xbb: {  	s3 =	sand.u32 $0x4000, s31;
	s1 =	sadd.s32 s1, s30  }
0xbc: {  	s0 =	sor.u32 s3, s0;
	s1 =	sshll.u32 s1, $0x11  }
0xbd: {  	s0 =	sor.u32 s1, s0  }
0xbe: {  	s0 =	sadd.s32 $0x8F2B, s0  }
0xbf: {  	[sflag:s0] =	ssyncadd.remote.s32 $0x1  }
0xc0: {  	_ =	sfence.sel $0xFFFF  }
0xc1: {  	[dreg:$0x0] =	wrdreg $0xFFFFFFFF;
	(pc) =	sbr.abs _section_cstart, $3  }
0xc2: {  	[dreg:$0x1] =	wrdreg $0xFFFFFFFF  }
0xc3: {  	_ =	task.clear_ibuf [dreg:s8], $0x2FFFF;
	_ =	strace $0x9FFFFFFF  }
0xc4: {  	(tm) =	ssettm $0x7FFFFFFF  }
0xc5: {  	_ =	shalt  }
tec
execute0_lowered:
.L_overlay_start_1:
0x0: {  	(tag) =	ssettag $0x1  }
0x1: {  	s0 =	rddreg [dreg:$0x0]  }
0x2: {  	s1 =	rddreg [dreg:$0x1];
	s2 =	simm.s32 $0x0;
	s6 =	srdreg.scid  }
0x3: {  	s12 =	stileid.u32;
	s28 =	simm.s32 $0x16200;
	s29 =	simm.s32 $0x80  }
0x4: {  	s30 =	simm.s32 $0x0;
	[smem:$0x7FF] =	sst s2;
	s4 =	sadd.s32 $0x27B5C00, s0  }
0x5: {  	s3 =	sadd.s32 $0x27AD800, s0;
	s5 =	sadd.s32 $0x27B5A00, s0;
	s10 =	sand.u32 $0x1, s6  }
0x6: {  	s8 =	sshll.u32 s12, $0xA;
	s6 =	sadd.s32 $0x27B5800, s0;
	s0 =	sadd.s32 $0x1400, s0  }
0x7: {  	v0 =	vlaneseq.u32;
	s15 =	smul.u32 $0x500000, s12;
	s7 =	ssub.s32 $0x2, s10;
	s9 =	sshll.u32 s10, $0x9  }
0x8: {  	v0 =	vmul.u32 $0x20, v0;
	_ =	strace $0x8000004A;
	s11 =	sshrl.u32 s7, $0x1;
	s13 =	sor.u32 s9, s8  }
0x9: {  	s17 =	smul.u32 $0x280000, s10;
	s16 =	ssub.s32 s7, s11;
	s19 =	sshll.u32 s13, $0x2  }
0xa: {  	v1 =	vor.u32 $0x200, v0;
	s8 =	sshll.u32 s13, $0x1;
	s9 =	smul.u32 $0x280, s13;
	s20 =	sor.u32 $0x80, s13  }
0xb: {  	v2 =	vor.u32 $0x400, v0;
	v3 =	vor.u32 $0x600, v0;
	v4 =	vor.u32 $0x800, v0;
	s14 =	sor.u32 $0x100, s13;
	s13 =	sor.u32 $0x180, s13;
	s24 =	sadd.s32 s17, s15  }
0xc: {  	v5 =	vor.u32 $0xA00, v0;
	v6 =	vor.u32 $0xC00, v0;
	v7 =	vor.u32 $0xE00, v0;
	s7 =	sadd.s32 s1, s19;
	s8 =	sadd.s32 s3, s8;
	s21 =	smul.u32 $0x280, s20  }
0xd: {  	v8 =	vor.u32 $0x1000, v0;
	v9 =	vor.u32 $0x1200, v0;
	v10 =	vor.u32 $0x1400, v0;
	s11 =	sshll.u32 s20, $0x1;
	s22 =	sshll.u32 s14, $0x1;
	s23 =	smul.u32 $0x280, s14  }
0xe: {  	v11 =	vor.u32 $0x1600, v0;
	v12 =	vor.u32 $0x1800, v0;
	v13 =	vor.u32 $0x1A00, v0;
	s25 =	sshll.u32 s13, $0x1;
	s26 =	smul.u32 $0x280, s13;
	s18 =	sor.u32 $0x700, s24  }
0xf: {  	v14 =	vor.u32 $0x1C00, v0;
	v15 =	vor.u32 $0x1E00, v0;
	v16 =	vor.u32 $0x2000, v0;
	s16 =	smax.u32 s16, $0x1;
	s19 =	simm.s32 $0x2;
	s20 =	simm.s32 $0x4200  }
0x10: {  	v17 =	vor.u32 $0x2200, v0;
	v18 =	vor.u32 $0x2400, v0;
	v19 =	vor.u32 $0x2600, v0;
	s9 =	sadd.s32 s0, s9;
	s10 =	sadd.s32 s3, s11;
	s12 =	sadd.s32 s3, s22  }
0x11: {  	v20 =	vor.u32 $0x2800, v0;
	v21 =	vor.u32 $0x2A00, v0;
	v22 =	vor.u32 $0x2C00, v0;
	s14 =	sadd.s32 s3, s25;
	s31 =	sshrl.u32 s18, $0x3;
	s18 =	simm.s32 $0x200  }
0x12: {  	v23 =	vor.u32 $0x2E00, v0;
	v24 =	vor.u32 $0x3000, v0;
	v25 =	vor.u32 $0x3200, v0;
	s22 =	simm.s32 $0x20;
	s25 =	simm.s32 $0x16BA0;
	s11 =	sadd.s32 s0, s21  }
0x13: {  	v26 =	vor.u32 $0x3400, v0;
	v27 =	vor.u32 $0x3600, v0;
	v28 =	vor.u32 $0x3800, v0;
	s13 =	sadd.s32 s0, s23;
	s15 =	sadd.s32 s0, s26;
	s17 =	sadd.s32 s31, s0  }
0x14: {  	v29 =	vor.u32 $0x3A00, v0;
	v30 =	vor.u32 $0x3C00, v0;
	v31 =	vor.u32 $0x3E00, v0;
	s21 =	simm.s32 $0x1;
	s23 =	simm.s32 $0x1400;
	s26 =	simm.s32 $0x16D40  }
.LBB2_1:
0x15: {  	v32 =	vmov s2  }
0x16: {  	v32 =	vand.u32 $0x1F, v32  }
0x17: {  	v32 =	vbroadcast v32, $0x0;
	_ =	sdelay $0x1  }
0x18: {  	v33 =	vor.u32 v0, v32  }
0x19: {  	[tilespmem:s18], [sflag:$0x2] =	stream.linear.gather [hbm4b:s7+s2], $0x4000, $0x38;
	[tilespmem:$0x16D60] =	vst v63  }
0x1a: {  	_ =	swait.ge [sflag:s19], $0x4000  }
0x1b: {  	[sflag:s19] =	ssyncset.done $0x0  }
0x1c: {  	[sflag:s19] =	ssyncadd.s32 $0xFFFFC000  }
0x1d: {  	v33 =	vld.idx.msk [tilespmem:v33+s18+$0x0], $0xffff;
	_ =	sdelay $0x1  }
0x1e: {  	v34 =	vor.u32 v1, v32;
	_ =	sdelay $0x2  }
0x1f: {  	v33 =	vshll.u32 v33, $0x2  }
0x20: {  	[tilespmem:$0x0] =	vst v33  }
0x21: {  	v33 =	vld.idx.msk [tilespmem:v34+s18+$0x0], $0xffff;
	_ =	sdelay $0x1  }
0x22: {  	v62 =	vor.u32 v2, v32;
	_ =	sdelay $0x2  }
0x23: {  	v33 =	vshll.u32 v33, $0x2  }
0x24: {  	[tilespmem:$0x10] =	vst v33  }
0x25: {  	v33 =	vld.idx.msk [tilespmem:v62+s18+$0x0], $0xffff;
	_ =	sdelay $0x1  }
0x26: {  	v63 =	vor.u32 v3, v32;
	_ =	sdelay $0x2  }
0x27: {  	v33 =	vshll.u32 v33, $0x2  }
0x28: {  	[tilespmem:$0x20] =	vst v33  }
0x29: {  	v33 =	vld.idx.msk [tilespmem:v63+s18+$0x0], $0xffff;
	_ =	sdelay $0x1  }
0x2a: {  	v36 =	vor.u32 v4, v32;
	_ =	sdelay $0x2  }
0x2b: {  	v33 =	vshll.u32 v33, $0x2  }
0x2c: {  	[tilespmem:$0x30] =	vst v33  }
0x2d: {  	v33 =	vld.idx.msk [tilespmem:v36+s18+$0x0], $0xffff;
	_ =	sdelay $0x1  }
0x2e: {  	v37 =	vor.u32 v5, v32;
	_ =	sdelay $0x2  }
0x2f: {  	v33 =	vshll.u32 v33, $0x2  }
0x30: {  	[tilespmem:$0x40] =	vst v33  }
0x31: {  	v33 =	vld.idx.msk [tilespmem:v37+s18+$0x0], $0xffff;
	_ =	sdelay $0x1  }
0x32: {  	v38 =	vor.u32 v6, v32;
	_ =	sdelay $0x2  }
0x33: {  	v33 =	vshll.u32 v33, $0x2  }
0x34: {  	[tilespmem:$0x50] =	vst v33  }
0x35: {  	v33 =	vld.idx.msk [tilespmem:v38+s18+$0x0], $0xffff;
	_ =	sdelay $0x1  }
0x36: {  	v39 =	vor.u32 v7, v32;
	_ =	sdelay $0x2  }
0x37: {  	v33 =	vshll.u32 v33, $0x2  }
0x38: {  	[tilespmem:$0x60] =	vst v33  }
0x39: {  	v33 =	vld.idx.msk [tilespmem:v39+s18+$0x0], $0xffff;
	_ =	sdelay $0x1  }
0x3a: {  	v40 =	vor.u32 v8, v32;
	_ =	sdelay $0x2  }
0x3b: {  	v33 =	vshll.u32 v33, $0x2  }
0x3c: {  	[tilespmem:$0x70] =	vst v33  }
0x3d: {  	v33 =	vld.idx.msk [tilespmem:v40+s18+$0x0], $0xffff;
	_ =	sdelay $0x1  }
0x3e: {  	v41 =	vor.u32 v9, v32;
	_ =	sdelay $0x2  }
0x3f: {  	v33 =	vshll.u32 v33, $0x2  }
0x40: {  	[tilespmem:$0x80] =	vst v33  }
0x41: {  	v33 =	vld.idx.msk [tilespmem:v41+s18+$0x0], $0xffff;
	_ =	sdelay $0x1  }
0x42: {  	v42 =	vor.u32 v10, v32;
	_ =	sdelay $0x2  }
0x43: {  	v33 =	vshll.u32 v33, $0x2  }
0x44: {  	[tilespmem:$0x90] =	vst v33  }
0x45: {  	v33 =	vld.idx.msk [tilespmem:v42+s18+$0x0], $0xffff;
	_ =	sdelay $0x1  }
0x46: {  	v43 =	vor.u32 v11, v32;
	_ =	sdelay $0x2  }
0x47: {  	v33 =	vshll.u32 v33, $0x2  }
0x48: {  	[tilespmem:$0xA0] =	vst v33  }
0x49: {  	v33 =	vld.idx.msk [tilespmem:v43+s18+$0x0], $0xffff;
	_ =	sdelay $0x1  }
0x4a: {  	v44 =	vor.u32 v12, v32;
	_ =	sdelay $0x2  }
0x4b: {  	v33 =	vshll.u32 v33, $0x2  }
0x4c: {  	[tilespmem:$0xB0] =	vst v33  }
0x4d: {  	v33 =	vld.idx.msk [tilespmem:v44+s18+$0x0], $0xffff;
	_ =	sdelay $0x1  }
0x4e: {  	v45 =	vor.u32 v13, v32;
	_ =	sdelay $0x2  }
0x4f: {  	v33 =	vshll.u32 v33, $0x2  }
0x50: {  	[tilespmem:$0xC0] =	vst v33  }
0x51: {  	v33 =	vld.idx.msk [tilespmem:v45+s18+$0x0], $0xffff;
	_ =	sdelay $0x1  }
0x52: {  	v46 =	vor.u32 v14, v32;
	_ =	sdelay $0x2  }
0x53: {  	v33 =	vshll.u32 v33, $0x2  }
0x54: {  	[tilespmem:$0xD0] =	vst v33  }
0x55: {  	v33 =	vld.idx.msk [tilespmem:v46+s18+$0x0], $0xffff;
	_ =	sdelay $0x1  }
0x56: {  	v47 =	vor.u32 v15, v32;
	_ =	sdelay $0x2  }
0x57: {  	v33 =	vshll.u32 v33, $0x2  }
0x58: {  	[tilespmem:$0xE0] =	vst v33  }
0x59: {  	v33 =	vld.idx.msk [tilespmem:v47+s18+$0x0], $0xffff;
	_ =	sdelay $0x1  }
0x5a: {  	v48 =	vor.u32 v16, v32;
	_ =	sdelay $0x2  }
0x5b: {  	v33 =	vshll.u32 v33, $0x2  }
0x5c: {  	[tilespmem:$0xF0] =	vst v33  }
0x5d: {  	v33 =	vld.idx.msk [tilespmem:v48+s18+$0x0], $0xffff;
	_ =	sdelay $0x1  }
0x5e: {  	v49 =	vor.u32 v17, v32;
	_ =	sdelay $0x2  }
0x5f: {  	v33 =	vshll.u32 v33, $0x2  }
0x60: {  	[tilespmem:$0x100] =	vst v33  }
0x61: {  	v33 =	vld.idx.msk [tilespmem:v49+s18+$0x0], $0xffff;
	_ =	sdelay $0x1  }
0x62: {  	v50 =	vor.u32 v18, v32;
	_ =	sdelay $0x2  }
0x63: {  	v33 =	vshll.u32 v33, $0x2  }
0x64: {  	[tilespmem:$0x110] =	vst v33  }
0x65: {  	v33 =	vld.idx.msk [tilespmem:v50+s18+$0x0], $0xffff;
	_ =	sdelay $0x1  }
0x66: {  	v51 =	vor.u32 v19, v32;
	_ =	sdelay $0x2  }
0x67: {  	v33 =	vshll.u32 v33, $0x2  }
0x68: {  	[tilespmem:$0x120] =	vst v33  }
0x69: {  	v33 =	vld.idx.msk [tilespmem:v51+s18+$0x0], $0xffff;
	_ =	sdelay $0x1  }
0x6a: {  	v52 =	vor.u32 v20, v32;
	_ =	sdelay $0x2  }
0x6b: {  	v33 =	vshll.u32 v33, $0x2  }
0x6c: {  	[tilespmem:$0x130] =	vst v33  }
0x6d: {  	v33 =	vld.idx.msk [tilespmem:v52+s18+$0x0], $0xffff;
	_ =	sdelay $0x1  }
0x6e: {  	v53 =	vor.u32 v21, v32;
	_ =	sdelay $0x2  }
0x6f: {  	v33 =	vshll.u32 v33, $0x2  }
0x70: {  	[tilespmem:$0x140] =	vst v33  }
0x71: {  	v33 =	vld.idx.msk [tilespmem:v53+s18+$0x0], $0xffff;
	_ =	sdelay $0x1  }
0x72: {  	v54 =	vor.u32 v22, v32;
	_ =	sdelay $0x2  }
0x73: {  	v33 =	vshll.u32 v33, $0x2  }
0x74: {  	[tilespmem:$0x150] =	vst v33  }
0x75: {  	v33 =	vld.idx.msk [tilespmem:v54+s18+$0x0], $0xffff;
	_ =	sdelay $0x1  }
0x76: {  	v55 =	vor.u32 v23, v32;
	_ =	sdelay $0x2  }
0x77: {  	v33 =	vshll.u32 v33, $0x2  }
0x78: {  	[tilespmem:$0x160] =	vst v33  }
0x79: {  	v33 =	vld.idx.msk [tilespmem:v55+s18+$0x0], $0xffff;
	_ =	sdelay $0x1  }
0x7a: {  	v56 =	vor.u32 v24, v32;
	_ =	sdelay $0x2  }
0x7b: {  	v33 =	vshll.u32 v33, $0x2  }
0x7c: {  	[tilespmem:$0x170] =	vst v33  }
0x7d: {  	v33 =	vld.idx.msk [tilespmem:v56+s18+$0x0], $0xffff;
	_ =	sdelay $0x1  }
0x7e: {  	v57 =	vor.u32 v25, v32;
	_ =	sdelay $0x2  }
0x7f: {  	v33 =	vshll.u32 v33, $0x2  }
0x80: {  	[tilespmem:$0x180] =	vst v33  }
0x81: {  	v33 =	vld.idx.msk [tilespmem:v57+s18+$0x0], $0xffff;
	_ =	sdelay $0x1  }
0x82: {  	v58 =	vor.u32 v26, v32;
	_ =	sdelay $0x2  }
0x83: {  	v33 =	vshll.u32 v33, $0x2  }
0x84: {  	[tilespmem:$0x190] =	vst v33  }
0x85: {  	v33 =	vld.idx.msk [tilespmem:v58+s18+$0x0], $0xffff;
	_ =	sdelay $0x1  }
0x86: {  	v59 =	vor.u32 v27, v32;
	_ =	sdelay $0x2  }
0x87: {  	v33 =	vshll.u32 v33, $0x2  }
0x88: {  	[tilespmem:$0x1A0] =	vst v33  }
0x89: {  	v33 =	vld.idx.msk [tilespmem:v59+s18+$0x0], $0xffff;
	_ =	sdelay $0x1  }
0x8a: {  	v60 =	vor.u32 v28, v32;
	_ =	sdelay $0x2  }
0x8b: {  	v33 =	vshll.u32 v33, $0x2  }
0x8c: {  	[tilespmem:$0x1B0] =	vst v33  }
0x8d: {  	v33 =	vld.idx.msk [tilespmem:v60+s18+$0x0], $0xffff;
	_ =	sdelay $0x1  }
0x8e: {  	v61 =	vor.u32 v29, v32;
	_ =	sdelay $0x2  }
0x8f: {  	v33 =	vshll.u32 v33, $0x2  }
0x90: {  	[tilespmem:$0x1C0] =	vst v33  }
0x91: {  	v33 =	vld.idx.msk [tilespmem:v61+s18+$0x0], $0xffff;
	_ =	sdelay $0x1  }
0x92: {  	v62 =	vor.u32 v30, v32;
	_ =	sdelay $0x2  }
0x93: {  	v33 =	vshll.u32 v33, $0x2  }
0x94: {  	[tilespmem:$0x1D0] =	vst v33  }
0x95: {  	v33 =	vld.idx.msk [tilespmem:v62+s18+$0x0], $0xffff;
	_ =	sdelay $0x1  }
0x96: {  	v32 =	vor.u32 v31, v32;
	_ =	sdelay $0x2  }
0x97: {  	v33 =	vshll.u32 v33, $0x2  }
0x98: {  	[tilespmem:$0x1E0] =	vst v33  }
0x99: {  	v32 =	vld.idx.msk [tilespmem:v32+s18+$0x0], $0xffff;
	_ =	sdelay $0x4  }
0x9a: {  	v32 =	vshll.u32 v32, $0x2  }
0x9b: {  	s0 =	simm.s32 $0x1;
	[tilespmem:$0x1F0] =	vst v32  }
0x9c: {  	v63 =	vmov s0;
	[tilespmem:s20], [sflag:$0x1] =	stream.indirect.gather [hbm4b:s4+s18], $0x20, s2, s18, $0xb8;
	[tilespmem:$0x16D60] =	vst v63  }
0x9d: {  	v32 =	vand.u32 $0x1F, v63;
	_ =	swait.ge [sflag:s21], $0x4000  }
0x9e: {  	v32 =	vbroadcast v32, $0x0;
	[sflag:s21] =	ssyncset.done $0x0  }
0x9f: {  	[sflag:s21] =	ssyncadd.s32 $0xFFFFC000  }
0xa0: {  	v33 =	vor.u32 v0, v32;
	[hbm4b:s17+s22] =	stream.strided.scatter [tilespmem:s20], [sflag:$0x2], $0x4000, s23, s22, $0x38;
	[tilespmem:$0x16D60] =	vst v63  }
0xa1: {  	s3 =	simm.s32 $0x2;
	_ =	swait.ge [sflag:s19], $0x4000  }
0xa2: {  	s31 =	smov.u32 s17;
	s0 =	sadd.s32 $0x186A00, s4;
	[sflag:s19] =	ssyncset.done $0x0  }
.LBB2_2:
0xa3: {  	[sflag:s19] =	ssyncadd.s32 $0xFFFFC000  }
0xa4: {  	s31 =	sadd.s32 $0x10, s31;
	s1 =	smov.u32 s3;
	s24 =	sadd.s32 $0x1, s3  }
0xa5: {  	p0 =	sne.s32 s3, $0x19;
	v33 =	vld.idx.msk [tilespmem:v33+s18+$0x0], $0xffff;
	_ =	sdelay $0x2  }
0xa6: {  	v34 =	vor.u32 v1, v32;
	_ =	sdelay $0x2  }
0xa7: {  	v33 =	vshll.u32 v33, $0x2  }
0xa8: {  	[tilespmem:$0x0] =	vst v33  }
0xa9: {  	v33 =	vld.idx.msk [tilespmem:v34+s18+$0x0], $0xffff;
	_ =	sdelay $0x2  }
0xaa: {  	v34 =	vor.u32 v2, v32;
	_ =	sdelay $0x2  }
0xab: {  	v33 =	vshll.u32 v33, $0x2  }
0xac: {  	[tilespmem:$0x10] =	vst v33  }
0xad: {  	v33 =	vld.idx.msk [tilespmem:v34+s18+$0x0], $0xffff;
	_ =	sdelay $0x2  }
0xae: {  	v34 =	vor.u32 v3, v32;
	_ =	sdelay $0x2  }
0xaf: {  	v33 =	vshll.u32 v33, $0x2  }
0xb0: {  	[tilespmem:$0x20] =	vst v33  }
0xb1: {  	v33 =	vld.idx.msk [tilespmem:v34+s18+$0x0], $0xffff;
	_ =	sdelay $0x2  }
0xb2: {  	v34 =	vor.u32 v4, v32;
	_ =	sdelay $0x2  }
0xb3: {  	v33 =	vshll.u32 v33, $0x2  }
0xb4: {  	[tilespmem:$0x30] =	vst v33  }
0xb5: {  	v33 =	vld.idx.msk [tilespmem:v34+s18+$0x0], $0xffff;
	_ =	sdelay $0x2  }
0xb6: {  	v34 =	vor.u32 v5, v32;
	_ =	sdelay $0x2  }
0xb7: {  	v33 =	vshll.u32 v33, $0x2  }
0xb8: {  	[tilespmem:$0x40] =	vst v33  }
0xb9: {  	v33 =	vld.idx.msk [tilespmem:v34+s18+$0x0], $0xffff;
	_ =	sdelay $0x2  }
0xba: {  	v34 =	vor.u32 v6, v32;
	_ =	sdelay $0x2  }
0xbb: {  	v33 =	vshll.u32 v33, $0x2  }
0xbc: {  	[tilespmem:$0x50] =	vst v33  }
0xbd: {  	v33 =	vld.idx.msk [tilespmem:v34+s18+$0x0], $0xffff;
	_ =	sdelay $0x2  }
0xbe: {  	v34 =	vor.u32 v7, v32;
	_ =	sdelay $0x2  }
0xbf: {  	v33 =	vshll.u32 v33, $0x2  }
0xc0: {  	[tilespmem:$0x60] =	vst v33  }
0xc1: {  	v33 =	vld.idx.msk [tilespmem:v34+s18+$0x0], $0xffff;
	_ =	sdelay $0x2  }
0xc2: {  	v34 =	vor.u32 v8, v32;
	_ =	sdelay $0x2  }
0xc3: {  	v33 =	vshll.u32 v33, $0x2  }
0xc4: {  	[tilespmem:$0x70] =	vst v33  }
0xc5: {  	v33 =	vld.idx.msk [tilespmem:v34+s18+$0x0], $0xffff;
	_ =	sdelay $0x2  }
0xc6: {  	v34 =	vor.u32 v9, v32;
	_ =	sdelay $0x2  }
0xc7: {  	v33 =	vshll.u32 v33, $0x2  }
0xc8: {  	[tilespmem:$0x80] =	vst v33  }
0xc9: {  	v33 =	vld.idx.msk [tilespmem:v34+s18+$0x0], $0xffff;
	_ =	sdelay $0x2  }
0xca: {  	v34 =	vor.u32 v10, v32;
	_ =	sdelay $0x2  }
0xcb: {  	v33 =	vshll.u32 v33, $0x2  }
0xcc: {  	[tilespmem:$0x90] =	vst v33  }
0xcd: {  	v33 =	vld.idx.msk [tilespmem:v34+s18+$0x0], $0xffff;
	_ =	sdelay $0x2  }
0xce: {  	v34 =	vor.u32 v11, v32;
	_ =	sdelay $0x2  }
0xcf: {  	v33 =	vshll.u32 v33, $0x2  }
0xd0: {  	[tilespmem:$0xA0] =	vst v33  }
0xd1: {  	v33 =	vld.idx.msk [tilespmem:v34+s18+$0x0], $0xffff;
	_ =	sdelay $0x2  }
0xd2: {  	v34 =	vor.u32 v12, v32;
	_ =	sdelay $0x2  }
0xd3: {  	v33 =	vshll.u32 v33, $0x2  }
0xd4: {  	[tilespmem:$0xB0] =	vst v33  }
0xd5: {  	v33 =	vld.idx.msk [tilespmem:v34+s18+$0x0], $0xffff;
	_ =	sdelay $0x2  }
0xd6: {  	v34 =	vor.u32 v13, v32;
	_ =	sdelay $0x2  }
0xd7: {  	v33 =	vshll.u32 v33, $0x2  }
0xd8: {  	[tilespmem:$0xC0] =	vst v33  }
0xd9: {  	v33 =	vld.idx.msk [tilespmem:v34+s18+$0x0], $0xffff;
	_ =	sdelay $0x2  }
0xda: {  	v34 =	vor.u32 v14, v32;
	_ =	sdelay $0x2  }
0xdb: {  	v33 =	vshll.u32 v33, $0x2  }
0xdc: {  	[tilespmem:$0xD0] =	vst v33  }
0xdd: {  	v33 =	vld.idx.msk [tilespmem:v34+s18+$0x0], $0xffff;
	_ =	sdelay $0x2  }
0xde: {  	v34 =	vor.u32 v15, v32;
	_ =	sdelay $0x2  }
0xdf: {  	v33 =	vshll.u32 v33, $0x2  }
0xe0: {  	[tilespmem:$0xE0] =	vst v33  }
0xe1: {  	v33 =	vld.idx.msk [tilespmem:v34+s18+$0x0], $0xffff;
	_ =	sdelay $0x2  }
0xe2: {  	v34 =	vor.u32 v16, v32;
	_ =	sdelay $0x2  }
0xe3: {  	v33 =	vshll.u32 v33, $0x2  }
0xe4: {  	[tilespmem:$0xF0] =	vst v33  }
0xe5: {  	v33 =	vld.idx.msk [tilespmem:v34+s18+$0x0], $0xffff;
	_ =	sdelay $0x2  }
0xe6: {  	v34 =	vor.u32 v17, v32;
	_ =	sdelay $0x2  }
0xe7: {  	v33 =	vshll.u32 v33, $0x2  }
0xe8: {  	[tilespmem:$0x100] =	vst v33  }
0xe9: {  	v33 =	vld.idx.msk [tilespmem:v34+s18+$0x0], $0xffff;
	_ =	sdelay $0x2  }
0xea: {  	v34 =	vor.u32 v18, v32;
	_ =	sdelay $0x2  }
0xeb: {  	v33 =	vshll.u32 v33, $0x2  }
0xec: {  	[tilespmem:$0x110] =	vst v33  }
0xed: {  	v33 =	vld.idx.msk [tilespmem:v34+s18+$0x0], $0xffff;
	_ =	sdelay $0x2  }
0xee: {  	v34 =	vor.u32 v19, v32;
	_ =	sdelay $0x2  }
0xef: {  	v33 =	vshll.u32 v33, $0x2  }
0xf0: {  	[tilespmem:$0x120] =	vst v33  }
0xf1: {  	v33 =	vld.idx.msk [tilespmem:v34+s18+$0x0], $0xffff;
	_ =	sdelay $0x2  }
0xf2: {  	v34 =	vor.u32 v20, v32;
	_ =	sdelay $0x2  }
0xf3: {  	v33 =	vshll.u32 v33, $0x2  }
0xf4: {  	[tilespmem:$0x130] =	vst v33  }
0xf5: {  	v33 =	vld.idx.msk [tilespmem:v34+s18+$0x0], $0xffff;
	_ =	sdelay $0x2  }
0xf6: {  	v34 =	vor.u32 v21, v32;
	_ =	sdelay $0x2  }
0xf7: {  	v33 =	vshll.u32 v33, $0x2  }
0xf8: {  	[tilespmem:$0x140] =	vst v33  }
0xf9: {  	v33 =	vld.idx.msk [tilespmem:v34+s18+$0x0], $0xffff;
	_ =	sdelay $0x2  }
0xfa: {  	v34 =	vor.u32 v22, v32;
	_ =	sdelay $0x2  }
0xfb: {  	v33 =	vshll.u32 v33, $0x2  }
0xfc: {  	[tilespmem:$0x150] =	vst v33  }
0xfd: {  	v33 =	vld.idx.msk [tilespmem:v34+s18+$0x0], $0xffff;
	_ =	sdelay $0x2  }
0xfe: {  	v34 =	vor.u32 v23, v32;
	_ =	sdelay $0x2  }
0xff: {  	v33 =	vshll.u32 v33, $0x2  }
0x100: {  	[tilespmem:$0x160] =	vst v33  }
0x101: {  	v33 =	vld.idx.msk [tilespmem:v34+s18+$0x0], $0xffff;
	_ =	sdelay $0x2  }
0x102: {  	v34 =	vor.u32 v24, v32;
	_ =	sdelay $0x2  }
0x103: {  	v33 =	vshll.u32 v33, $0x2  }
0x104: {  	[tilespmem:$0x170] =	vst v33  }
0x105: {  	v33 =	vld.idx.msk [tilespmem:v34+s18+$0x0], $0xffff;
	_ =	sdelay $0x2  }
0x106: {  	v34 =	vor.u32 v25, v32;
	_ =	sdelay $0x2  }
0x107: {  	v33 =	vshll.u32 v33, $0x2  }
0x108: {  	[tilespmem:$0x180] =	vst v33  }
0x109: {  	v33 =	vld.idx.msk [tilespmem:v34+s18+$0x0], $0xffff;
	_ =	sdelay $0x2  }
0x10a: {  	v34 =	vor.u32 v26, v32;
	_ =	sdelay $0x2  }
0x10b: {  	v33 =	vshll.u32 v33, $0x2  }
0x10c: {  	[tilespmem:$0x190] =	vst v33  }
0x10d: {  	v33 =	vld.idx.msk [tilespmem:v34+s18+$0x0], $0xffff;
	_ =	sdelay $0x2  }
0x10e: {  	v34 =	vor.u32 v27, v32;
	_ =	sdelay $0x2  }
0x10f: {  	v33 =	vshll.u32 v33, $0x2  }
0x110: {  	[tilespmem:$0x1A0] =	vst v33  }
0x111: {  	v33 =	vld.idx.msk [tilespmem:v34+s18+$0x0], $0xffff;
	_ =	sdelay $0x2  }
0x112: {  	v34 =	vor.u32 v28, v32;
	_ =	sdelay $0x2  }
0x113: {  	v33 =	vshll.u32 v33, $0x2  }
0x114: {  	[tilespmem:$0x1B0] =	vst v33  }
0x115: {  	v33 =	vld.idx.msk [tilespmem:v34+s18+$0x0], $0xffff;
	_ =	sdelay $0x2  }
0x116: {  	v34 =	vor.u32 v29, v32;
	_ =	sdelay $0x2  }
0x117: {  	v33 =	vshll.u32 v33, $0x2  }
0x118: {  	[tilespmem:$0x1C0] =	vst v33  }
0x119: {  	v33 =	vld.idx.msk [tilespmem:v34+s18+$0x0], $0xffff;
	_ =	sdelay $0x2  }
0x11a: {  	v34 =	vor.u32 v30, v32;
	_ =	sdelay $0x2  }
0x11b: {  	v33 =	vshll.u32 v33, $0x2  }
0x11c: {  	[tilespmem:$0x1D0] =	vst v33  }
0x11d: {  	v33 =	vld.idx.msk [tilespmem:v34+s18+$0x0], $0xffff;
	_ =	sdelay $0x2  }
0x11e: {  	v32 =	vor.u32 v31, v32;
	_ =	sdelay $0x2  }
0x11f: {  	v33 =	vshll.u32 v33, $0x2  }
0x120: {  	[tilespmem:$0x1E0] =	vst v33  }
0x121: {  	v32 =	vld.idx.msk [tilespmem:v32+s18+$0x0], $0xffff;
	_ =	sdelay $0x5  }
0x122: {  	v32 =	vshll.u32 v32, $0x2  }
0x123: {  	v33 =	vmov s1;
	[tilespmem:$0x1F0] =	vst v32  }
0x124: {  	v32 =	vand.u32 $0x1F, v33;
	[tilespmem:s20], [sflag:$0x1] =	stream.indirect.gather [hbm4b:s0+s18], $0x20, s2, s18, $0xb8;
	[tilespmem:$0x16D60] =	vst v63  }
0x125: {  	v32 =	vbroadcast v32, $0x0;
	_ =	swait.ge [sflag:s21], $0x4000  }
.Ltmp0:
0x126: {  	[sflag:s21] =	ssyncset.done $0x0;
	(pc) =	sbr.rel @p0 .LBB2_2-.Ltmp0, $4  }
0x127: {  	v33 =	vor.u32 v0, v32;
	[sflag:s21] =	ssyncadd.s32 $0xFFFFC000  }
0x128: {  	[hbm4b:s31+s22] =	stream.strided.scatter [tilespmem:s20], [sflag:$0x2], $0x4000, s23, s22, $0x38;
	[tilespmem:$0x16D60] =	vst v63  }
0x129: {  	_ =	swait.ge [sflag:s19], $0x4000  }
0x12a: {  	s3 =	smov.u32 s24;
	s0 =	sadd.s32 $0x186A00, s0;
	[sflag:s19] =	ssyncset.done $0x0  }
0x12b: {  	_ =	sdelay $0x2  }
0x12c: {  	[sflag:s19] =	ssyncadd.s32 $0xFFFFC000  }
0x12d: {  	v33 =	vld.idx.msk [tilespmem:v33+s18+$0x0], $0xffff;
	_ =	sdelay $0x1  }
0x12e: {  	v34 =	vor.u32 v1, v32;
	_ =	sdelay $0x2  }
0x12f: {  	v33 =	vshll.u32 v33, $0x2  }
0x130: {  	[tilespmem:$0x0] =	vst v33  }
0x131: {  	v33 =	vld.idx.msk [tilespmem:v34+s18+$0x0], $0xffff;
	_ =	sdelay $0x1  }
0x132: {  	v62 =	vor.u32 v2, v32;
	_ =	sdelay $0x2  }
0x133: {  	v33 =	vshll.u32 v33, $0x2  }
0x134: {  	[tilespmem:$0x10] =	vst v33  }
0x135: {  	v33 =	vld.idx.msk [tilespmem:v62+s18+$0x0], $0xffff;
	_ =	sdelay $0x1  }
0x136: {  	v63 =	vor.u32 v3, v32;
	_ =	sdelay $0x2  }
0x137: {  	v33 =	vshll.u32 v33, $0x2  }
0x138: {  	[tilespmem:$0x20] =	vst v33  }
0x139: {  	v33 =	vld.idx.msk [tilespmem:v63+s18+$0x0], $0xffff;
	_ =	sdelay $0x1  }
0x13a: {  	v36 =	vor.u32 v4, v32;
	_ =	sdelay $0x2  }
0x13b: {  	v33 =	vshll.u32 v33, $0x2  }
0x13c: {  	[tilespmem:$0x30] =	vst v33  }
0x13d: {  	v33 =	vld.idx.msk [tilespmem:v36+s18+$0x0], $0xffff;
	_ =	sdelay $0x1  }
0x13e: {  	v37 =	vor.u32 v5, v32;
	_ =	sdelay $0x2  }
0x13f: {  	v33 =	vshll.u32 v33, $0x2  }
0x140: {  	[tilespmem:$0x40] =	vst v33  }
0x141: {  	v33 =	vld.idx.msk [tilespmem:v37+s18+$0x0], $0xffff;
	_ =	sdelay $0x1  }
0x142: {  	v38 =	vor.u32 v6, v32;
	_ =	sdelay $0x2  }
0x143: {  	v33 =	vshll.u32 v33, $0x2  }
0x144: {  	[tilespmem:$0x50] =	vst v33  }
0x145: {  	v33 =	vld.idx.msk [tilespmem:v38+s18+$0x0], $0xffff;
	_ =	sdelay $0x1  }
0x146: {  	v39 =	vor.u32 v7, v32;
	_ =	sdelay $0x2  }
0x147: {  	v33 =	vshll.u32 v33, $0x2  }
0x148: {  	[tilespmem:$0x60] =	vst v33  }
0x149: {  	v33 =	vld.idx.msk [tilespmem:v39+s18+$0x0], $0xffff;
	_ =	sdelay $0x1  }
0x14a: {  	v40 =	vor.u32 v8, v32;
	_ =	sdelay $0x2  }
0x14b: {  	v33 =	vshll.u32 v33, $0x2  }
0x14c: {  	[tilespmem:$0x70] =	vst v33  }
0x14d: {  	v33 =	vld.idx.msk [tilespmem:v40+s18+$0x0], $0xffff;
	_ =	sdelay $0x1  }
0x14e: {  	v41 =	vor.u32 v9, v32;
	_ =	sdelay $0x2  }
0x14f: {  	v33 =	vshll.u32 v33, $0x2  }
0x150: {  	[tilespmem:$0x80] =	vst v33  }
0x151: {  	v33 =	vld.idx.msk [tilespmem:v41+s18+$0x0], $0xffff;
	_ =	sdelay $0x1  }
0x152: {  	v42 =	vor.u32 v10, v32;
	_ =	sdelay $0x2  }
0x153: {  	v33 =	vshll.u32 v33, $0x2  }
0x154: {  	[tilespmem:$0x90] =	vst v33  }
0x155: {  	v33 =	vld.idx.msk [tilespmem:v42+s18+$0x0], $0xffff;
	_ =	sdelay $0x1  }
0x156: {  	v43 =	vor.u32 v11, v32;
	_ =	sdelay $0x2  }
0x157: {  	v33 =	vshll.u32 v33, $0x2  }
0x158: {  	[tilespmem:$0xA0] =	vst v33  }
0x159: {  	v33 =	vld.idx.msk [tilespmem:v43+s18+$0x0], $0xffff;
	_ =	sdelay $0x1  }
0x15a: {  	v44 =	vor.u32 v12, v32;
	_ =	sdelay $0x2  }
0x15b: {  	v33 =	vshll.u32 v33, $0x2  }
0x15c: {  	[tilespmem:$0xB0] =	vst v33  }
0x15d: {  	v33 =	vld.idx.msk [tilespmem:v44+s18+$0x0], $0xffff;
	_ =	sdelay $0x1  }
0x15e: {  	v45 =	vor.u32 v13, v32;
	_ =	sdelay $0x2  }
0x15f: {  	v33 =	vshll.u32 v33, $0x2  }
0x160: {  	[tilespmem:$0xC0] =	vst v33  }
0x161: {  	v33 =	vld.idx.msk [tilespmem:v45+s18+$0x0], $0xffff;
	_ =	sdelay $0x1  }
0x162: {  	v46 =	vor.u32 v14, v32;
	_ =	sdelay $0x2  }
0x163: {  	v33 =	vshll.u32 v33, $0x2  }
0x164: {  	[tilespmem:$0xD0] =	vst v33  }
0x165: {  	v33 =	vld.idx.msk [tilespmem:v46+s18+$0x0], $0xffff;
	_ =	sdelay $0x1  }
0x166: {  	v47 =	vor.u32 v15, v32;
	_ =	sdelay $0x2  }
0x167: {  	v33 =	vshll.u32 v33, $0x2  }
0x168: {  	[tilespmem:$0xE0] =	vst v33  }
0x169: {  	v33 =	vld.idx.msk [tilespmem:v47+s18+$0x0], $0xffff;
	_ =	sdelay $0x1  }
0x16a: {  	v48 =	vor.u32 v16, v32;
	_ =	sdelay $0x2  }
0x16b: {  	v33 =	vshll.u32 v33, $0x2  }
0x16c: {  	[tilespmem:$0xF0] =	vst v33  }
0x16d: {  	v33 =	vld.idx.msk [tilespmem:v48+s18+$0x0], $0xffff;
	_ =	sdelay $0x1  }
0x16e: {  	v49 =	vor.u32 v17, v32;
	_ =	sdelay $0x2  }
0x16f: {  	v33 =	vshll.u32 v33, $0x2  }
0x170: {  	[tilespmem:$0x100] =	vst v33  }
0x171: {  	v33 =	vld.idx.msk [tilespmem:v49+s18+$0x0], $0xffff;
	_ =	sdelay $0x1  }
0x172: {  	v50 =	vor.u32 v18, v32;
	_ =	sdelay $0x2  }
0x173: {  	v33 =	vshll.u32 v33, $0x2  }
0x174: {  	[tilespmem:$0x110] =	vst v33  }
0x175: {  	v33 =	vld.idx.msk [tilespmem:v50+s18+$0x0], $0xffff;
	_ =	sdelay $0x1  }
0x176: {  	v51 =	vor.u32 v19, v32;
	_ =	sdelay $0x2  }
0x177: {  	v33 =	vshll.u32 v33, $0x2  }
0x178: {  	[tilespmem:$0x120] =	vst v33  }
0x179: {  	v33 =	vld.idx.msk [tilespmem:v51+s18+$0x0], $0xffff;
	_ =	sdelay $0x1  }
0x17a: {  	v52 =	vor.u32 v20, v32;
	_ =	sdelay $0x2  }
0x17b: {  	v33 =	vshll.u32 v33, $0x2  }
0x17c: {  	[tilespmem:$0x130] =	vst v33  }
0x17d: {  	v33 =	vld.idx.msk [tilespmem:v52+s18+$0x0], $0xffff;
	_ =	sdelay $0x1  }
0x17e: {  	v53 =	vor.u32 v21, v32;
	_ =	sdelay $0x2  }
0x17f: {  	v33 =	vshll.u32 v33, $0x2  }
0x180: {  	[tilespmem:$0x140] =	vst v33  }
0x181: {  	v33 =	vld.idx.msk [tilespmem:v53+s18+$0x0], $0xffff;
	_ =	sdelay $0x1  }
0x182: {  	v54 =	vor.u32 v22, v32;
	_ =	sdelay $0x2  }
0x183: {  	v33 =	vshll.u32 v33, $0x2  }
0x184: {  	[tilespmem:$0x150] =	vst v33  }
0x185: {  	v33 =	vld.idx.msk [tilespmem:v54+s18+$0x0], $0xffff;
	_ =	sdelay $0x1  }
0x186: {  	v55 =	vor.u32 v23, v32;
	_ =	sdelay $0x2  }
0x187: {  	v33 =	vshll.u32 v33, $0x2  }
0x188: {  	[tilespmem:$0x160] =	vst v33  }
0x189: {  	v33 =	vld.idx.msk [tilespmem:v55+s18+$0x0], $0xffff;
	_ =	sdelay $0x1  }
0x18a: {  	v56 =	vor.u32 v24, v32;
	_ =	sdelay $0x2  }
0x18b: {  	v33 =	vshll.u32 v33, $0x2  }
0x18c: {  	[tilespmem:$0x170] =	vst v33  }
0x18d: {  	v33 =	vld.idx.msk [tilespmem:v56+s18+$0x0], $0xffff;
	_ =	sdelay $0x1  }
0x18e: {  	v57 =	vor.u32 v25, v32;
	_ =	sdelay $0x2  }
0x18f: {  	v33 =	vshll.u32 v33, $0x2  }
0x190: {  	[tilespmem:$0x180] =	vst v33  }
0x191: {  	v33 =	vld.idx.msk [tilespmem:v57+s18+$0x0], $0xffff;
	_ =	sdelay $0x1  }
0x192: {  	v58 =	vor.u32 v26, v32;
	_ =	sdelay $0x2  }
0x193: {  	v33 =	vshll.u32 v33, $0x2  }
0x194: {  	[tilespmem:$0x190] =	vst v33  }
0x195: {  	v33 =	vld.idx.msk [tilespmem:v58+s18+$0x0], $0xffff;
	_ =	sdelay $0x1  }
0x196: {  	v59 =	vor.u32 v27, v32;
	_ =	sdelay $0x2  }
0x197: {  	v33 =	vshll.u32 v33, $0x2  }
0x198: {  	[tilespmem:$0x1A0] =	vst v33  }
0x199: {  	v33 =	vld.idx.msk [tilespmem:v59+s18+$0x0], $0xffff;
	_ =	sdelay $0x1  }
0x19a: {  	v60 =	vor.u32 v28, v32;
	_ =	sdelay $0x2  }
0x19b: {  	v33 =	vshll.u32 v33, $0x2  }
0x19c: {  	[tilespmem:$0x1B0] =	vst v33  }
0x19d: {  	v33 =	vld.idx.msk [tilespmem:v60+s18+$0x0], $0xffff;
	_ =	sdelay $0x1  }
0x19e: {  	v61 =	vor.u32 v29, v32;
	_ =	sdelay $0x2  }
0x19f: {  	v33 =	vshll.u32 v33, $0x2  }
0x1a0: {  	[tilespmem:$0x1C0] =	vst v33  }
0x1a1: {  	v33 =	vld.idx.msk [tilespmem:v61+s18+$0x0], $0xffff;
	_ =	sdelay $0x1  }
0x1a2: {  	v62 =	vor.u32 v30, v32;
	_ =	sdelay $0x2  }
0x1a3: {  	v33 =	vshll.u32 v33, $0x2  }
0x1a4: {  	[tilespmem:$0x1D0] =	vst v33  }
0x1a5: {  	v33 =	vld.idx.msk [tilespmem:v62+s18+$0x0], $0xffff;
	_ =	sdelay $0x1  }
0x1a6: {  	v63 =	vor.u32 v31, v32;
	_ =	sdelay $0x2  }
0x1a7: {  	v33 =	vshll.u32 v33, $0x2  }
0x1a8: {  	[tilespmem:$0x1E0] =	vst v33  }
0x1a9: {  	v32 =	vld.idx.msk [tilespmem:v63+s18+$0x0], $0xffff;
	_ =	sdelay $0x4  }
0x1aa: {  	v32 =	vshll.u32 v32, $0x2  }
0x1ab: {  	[tilespmem:$0x1F0] =	vst v32  }
0x1ac: {  	[tilespmem:s20], [sflag:$0x1] =	stream.indirect.gather [hbm4b:s0+s18], $0x20, s2, s18, $0xb8;
	[tilespmem:$0x16D60] =	vst v63  }
0x1ad: {  	_ =	swait.ge [sflag:s21], $0x4000  }
0x1ae: {  	[sflag:s21] =	ssyncset.done $0x0  }
0x1af: {  	s3 =	sadd.s32 $0x10, s31;
	[sflag:s21] =	ssyncadd.s32 $0xFFFFC000  }
0x1b0: {  	[hbm4b:s3+s22] =	stream.strided.scatter [tilespmem:s20], [sflag:$0x2], $0x4000, s23, s22, $0x38;
	[tilespmem:$0x16D60] =	vst v63  }
0x1b1: {  	_ =	swait.ge [sflag:s19], $0x4000  }
0x1b2: {  	[sflag:s19] =	ssyncset.done $0x0  }
0x1b3: {  	s24 =	simm.s32 $0x0;
	s1 =	simm.s32 $0x16A00;
	[sflag:s19] =	ssyncadd.s32 $0xFFFFC000  }
0x1b4: {  	[tilespmem:s1], [sflag:$0x2] =	stream.linear.gather [hbm4b:s5+s24], $0x1A0, $0x38;
	[tilespmem:$0x16D60] =	vst v63  }
0x1b5: {  	_ =	swait.ge [sflag:s19], $0x1A0  }
0x1b6: {  	[sflag:s19] =	ssyncset.done $0x0  }
0x1b7: {  	[sflag:s19] =	ssyncadd.s32 $0xFFFFFE60  }
0x1b8: {  	[tilespmem:s25], [sflag:$0x2] =	stream.linear.gather [hbm4b:s6+s24], $0x1A0, $0x38;
	[tilespmem:$0x16D60] =	vst v63  }
0x1b9: {  	_ =	swait.ge [sflag:s19], $0x1A0  }
0x1ba: {  	[sflag:s19] =	ssyncset.done $0x0  }
0x1bb: {  	[sflag:s19] =	ssyncadd.s32 $0xFFFFFE60  }
0x1bc: {  	s31 =	rddreg [dreg:$0x2]  }
0x1bd: {  	[tilespmem:s26], [sflag:$0x2] =	stream.linear.gather [hbm4b:s31+s24], $0x20, $0x38;
	[tilespmem:$0x16D60] =	vst v63  }
0x1be: {  	_ =	swait.ge [sflag:s19], $0x20  }
0x1bf: {  	[sflag:s19] =	ssyncset.done $0x0  }
0x1c0: {  	[sflag:s19] =	ssyncadd.s32 $0xFFFFFFE0  }
0x1c1: {  	[tilespmem:s28], [sflag:$0x2] =	stream.linear.gather [hbm4b:s8+s24], $0x800, $0x38;
	[tilespmem:$0x16D60] =	vst v63  }
0x1c2: {  	_ =	swait.ge [sflag:s19], $0x800  }
0x1c3: {  	[sflag:s19] =	ssyncset.done $0x0  }
0x1c4: {  	[sflag:s19] =	ssyncadd.s32 $0xFFFFF800  }
0x1c5: {  	v32 =	vld [tilespmem:$0x16D40]  }
0x1c6: {  	v33 =	vld [tilespmem:$0x16D50];
	_ =	sdelay $0x2  }
0x1c7: {  	s0 =	simm.s32 $0x700;
	s1 =	simm.s32 $0x0  }
.LBB2_4:
0x1c8: {  	p0 =	sne.s32 s0, $0x37900;
	[tilespmem:s1+$0x8200] =	vst v32;
	s3 =	smov.u32 s0;
	s0 =	sadd.s32 $0x700, s0  }
.Ltmp1:
0x1c9: {  	[tilespmem:s1+$0x8210] =	vst v33;
	(pc) =	sbr.rel @p0 .LBB2_4-.Ltmp1, $2  }
0x1ca: {  	_ =	sdelay $0x2  }
0x1cb: {  	s1 =	sshra.s32 s3, $0x2  }
0x1cc: {  	s0 =	simm.s32 $0x0  }
0x1cd: {  	v35 =	vmov s0;
	_ =	sdelay $0x1  }
0x1ce: {  	[tilespmem:s1+$0x8200] =	vst v32  }
0x1cf: {  	[tilespmem:s1+$0x8210] =	vst v33  }
0x1d0: {  	v34 =	vld [tilespmem:$0x16A00]  }
0x1d1: {  	v36 =	vld.idx.msk [tilespmem:v35+s28+$0x0], $0xffff  }
0x1d2: {  	v35 =	vld [tilespmem:$0x16A10]  }
0x1d3: {  	v32 =	vld [tilespmem:$0x16BA0]  }
0x1d4: {  	v33 =	vld [tilespmem:$0x16BB0];
	_ =	sdelay $0x1  }
0x1d5: {  	s31 =	simm.s32 $0x10;
	v37 =	vmul.f32 v36, v34  }
0x1d6: {  	v38 =	vmov s31;
	v36 =	vmul.f32 v36, v35  }
0x1d7: {  	v37 =	vadd.f32 v37, v32  }
0x1d8: {  	s0 =	simm.s32 $0x8230;
	v36 =	vadd.f32 v36, v33  }
0x1d9: {  	[tilespmem:s0+$0xFFFFFFF0] =	vst v37  }
0x1da: {  	[tilespmem:s0+$0x0] =	vst v36  }
0x1db: {  	v37 =	vld.idx.msk [tilespmem:v38+s28+$0x0], $0xffff;
	_ =	sdelay $0x4  }
0x1dc: {  	s3 =	simm.s32 $0x20;
	s1 =	simm.s32 $0x3;
	v36 =	vmul.f32 v37, v34;
	v37 =	vmul.f32 v37, v35  }
.LBB2_6:
0x1dd: {  	p0 =	sne.s32 s1, $0x7F;
	v38 =	vmov s3  }
0x1de: {  	v36 =	vadd.f32 v36, v32;
	v37 =	vadd.f32 v37, v33  }
0x1df: {  	s0 =	sadd.s32 $0x1C0, s0  }
0x1e0: {  	[tilespmem:s0+$0xFFFFFFF0] =	vst v36  }
0x1e1: {  	[tilespmem:s0+$0x0] =	vst v37  }
0x1e2: {  	v37 =	vld.idx.msk [tilespmem:v38+s28+$0x0], $0xffff;
	_ =	sdelay $0x1  }
.Ltmp2:
0x1e3: {  	(pc) =	sbr.rel @p0 .LBB2_6-.Ltmp2, $2  }
0x1e4: {  	_ =	sdelay $0x2  }
0x1e5: {  	s3 =	sshll.u32 s1, $0x4;
	s1 =	sadd.s32 $0x1, s1;
	v36 =	vmul.f32 v37, v34;
	v37 =	vmul.f32 v37, v35  }
0x1e6: {  	v38 =	vmov s3  }
0x1e7: {  	v36 =	vadd.f32 v36, v32  }
0x1e8: {  	s0 =	sadd.s32 $0x1C0, s0;
	v37 =	vadd.f32 v37, v33  }
0x1e9: {  	[tilespmem:s0+$0xFFFFFFF0] =	vst v36  }
0x1ea: {  	[tilespmem:s0+$0x0] =	vst v37  }
0x1eb: {  	v36 =	vld.idx.msk [tilespmem:v38+s28+$0x0], $0xffff;
	_ =	sdelay $0x2  }
0x1ec: {  	s1 =	simm.s32 $0x0  }
0x1ed: {  	v58 =	vmov s1  }
0x1ee: {  	v37 =	vor.u32 $0x1, v58;
	v34 =	vmul.f32 v36, v34  }
0x1ef: {  	v59 =	vbroadcast v37, $0x0;
	v35 =	vmul.f32 v36, v35  }
0x1f0: {  	v60 =	vadd.f32 v34, v32  }
0x1f1: {  	s0 =	sadd.s32 $0x1C0, s0;
	v61 =	vadd.f32 v35, v33  }
0x1f2: {  	[tilespmem:s0+$0xFFFFFFF0] =	vst v60  }
0x1f3: {  	[tilespmem:s0+$0x0] =	vst v61  }
0x1f4: {  	v33 =	vld [tilespmem:$0x16A20]  }
0x1f5: {  	v36 =	vld.idx.msk [tilespmem:v59+s28+$0x0], $0xffff  }
0x1f6: {  	v34 =	vld [tilespmem:$0x16A30]  }
0x1f7: {  	s24 =	simm.s32 $0x10;
	v32 =	vld [tilespmem:$0x16BC0]  }
0x1f8: {  	v62 =	vmov s24;
	v35 =	vld [tilespmem:$0x16BD0]  }
0x1f9: {  	v37 =	vor.u32 $0x1, v62  }
0x1fa: {  	v37 =	vbroadcast v37, $0x0;
	v63 =	vmul.f32 v36, v33  }
0x1fb: {  	v36 =	vmul.f32 v36, v34  }
0x1fc: {  	v38 =	vadd.f32 v63, v32  }
0x1fd: {  	s0 =	simm.s32 $0x8250;
	v36 =	vadd.f32 v36, v35  }
0x1fe: {  	[tilespmem:s0+$0xFFFFFFF0] =	vst v38  }
0x1ff: {  	[tilespmem:s0+$0x0] =	vst v36  }
0x200: {  	v36 =	vld.idx.msk [tilespmem:v37+s28+$0x0], $0xffff  }
0x201: {  	s31 =	simm.s32 $0x20  }
0x202: {  	s1 =	simm.s32 $0x3;
	v37 =	vmov s31  }
.LBB2_8:
0x203: {  	p0 =	sne.s32 s1, $0x7F;
	v37 =	vor.u32 $0x1, v37  }
0x204: {  	v37 =	vbroadcast v37, $0x0  }
0x205: {  	v38 =	vmul.f32 v36, v33;
	v36 =	vmul.f32 v36, v34;
	_ =	sdelay $0x1  }
0x206: {  	v38 =	vadd.f32 v38, v32;
	v36 =	vadd.f32 v36, v35  }
0x207: {  	s0 =	sadd.s32 $0x1C0, s0  }
0x208: {  	[tilespmem:s0+$0xFFFFFFF0] =	vst v38  }
.Ltmp3:
0x209: {  	[tilespmem:s0+$0x0] =	vst v36;
	(pc) =	sbr.rel @p0 .LBB2_8-.Ltmp3, $3  }
0x20a: {  	v36 =	vld.idx.msk [tilespmem:v37+s28+$0x0], $0xffff;
	_ =	sdelay $0x1  }
0x20b: {  	s3 =	sshll.u32 s1, $0x4  }
0x20c: {  	s1 =	sadd.s32 $0x1, s1;
	v37 =	vmov s3  }
0x20d: {  	v37 =	vor.u32 $0x1, v37  }
0x20e: {  	v37 =	vbroadcast v37, $0x0;
	v38 =	vmul.f32 v36, v33  }
0x20f: {  	v55 =	vmul.f32 v36, v34  }
0x210: {  	v38 =	vadd.f32 v38, v32  }
0x211: {  	s0 =	sadd.s32 $0x1C0, s0;
	v36 =	vadd.f32 v55, v35  }
0x212: {  	[tilespmem:s0+$0xFFFFFFF0] =	vst v38  }
0x213: {  	[tilespmem:s0+$0x0] =	vst v36  }
0x214: {  	v36 =	vld.idx.msk [tilespmem:v37+s28+$0x0], $0xffff;
	_ =	sdelay $0x2  }
0x215: {  	s1 =	simm.s32 $0x0  }
0x216: {  	v56 =	vmov s1  }
0x217: {  	v37 =	vor.u32 $0x2, v56;
	v57 =	vmul.f32 v36, v33  }
0x218: {  	v59 =	vbroadcast v37, $0x0;
	v58 =	vmul.f32 v36, v34  }
0x219: {  	v60 =	vadd.f32 v57, v32  }
0x21a: {  	s0 =	sadd.s32 $0x1C0, s0;
	v61 =	vadd.f32 v58, v35  }
0x21b: {  	[tilespmem:s0+$0xFFFFFFF0] =	vst v60  }
0x21c: {  	[tilespmem:s0+$0x0] =	vst v61  }
0x21d: {  	v33 =	vld [tilespmem:$0x16A40]  }
0x21e: {  	v36 =	vld.idx.msk [tilespmem:v59+s28+$0x0], $0xffff  }
0x21f: {  	v34 =	vld [tilespmem:$0x16A50]  }
0x220: {  	s24 =	simm.s32 $0x10;
	v32 =	vld [tilespmem:$0x16BE0]  }
0x221: {  	v62 =	vmov s24;
	v35 =	vld [tilespmem:$0x16BF0]  }
0x222: {  	v37 =	vor.u32 $0x2, v62  }
0x223: {  	v37 =	vbroadcast v37, $0x0;
	v63 =	vmul.f32 v36, v33  }
0x224: {  	v36 =	vmul.f32 v36, v34  }
0x225: {  	v38 =	vadd.f32 v63, v32  }
0x226: {  	s0 =	simm.s32 $0x8270;
	v36 =	vadd.f32 v36, v35  }
0x227: {  	[tilespmem:s0+$0xFFFFFFF0] =	vst v38  }
0x228: {  	[tilespmem:s0+$0x0] =	vst v36  }
0x229: {  	v36 =	vld.idx.msk [tilespmem:v37+s28+$0x0], $0xffff  }
0x22a: {  	s31 =	simm.s32 $0x20  }
0x22b: {  	s1 =	simm.s32 $0x3;
	v37 =	vmov s31  }
.LBB2_10:
0x22c: {  	p0 =	sne.s32 s1, $0x7F;
	v37 =	vor.u32 $0x2, v37  }
0x22d: {  	v37 =	vbroadcast v37, $0x0  }
0x22e: {  	v38 =	vmul.f32 v36, v33;
	v36 =	vmul.f32 v36, v34;
	_ =	sdelay $0x1  }
0x22f: {  	v38 =	vadd.f32 v38, v32;
	v36 =	vadd.f32 v36, v35  }
0x230: {  	s0 =	sadd.s32 $0x1C0, s0  }
0x231: {  	[tilespmem:s0+$0xFFFFFFF0] =	vst v38  }
.Ltmp4:
0x232: {  	[tilespmem:s0+$0x0] =	vst v36;
	(pc) =	sbr.rel @p0 .LBB2_10-.Ltmp4, $3  }
0x233: {  	v36 =	vld.idx.msk [tilespmem:v37+s28+$0x0], $0xffff;
	_ =	sdelay $0x1  }
0x234: {  	s3 =	sshll.u32 s1, $0x4  }
0x235: {  	s1 =	sadd.s32 $0x1, s1;
	v37 =	vmov s3  }
0x236: {  	v37 =	vor.u32 $0x2, v37  }
0x237: {  	v37 =	vbroadcast v37, $0x0;
	v38 =	vmul.f32 v36, v33  }
0x238: {  	v55 =	vmul.f32 v36, v34  }
0x239: {  	v38 =	vadd.f32 v38, v32  }
0x23a: {  	s0 =	sadd.s32 $0x1C0, s0;
	v36 =	vadd.f32 v55, v35  }
0x23b: {  	[tilespmem:s0+$0xFFFFFFF0] =	vst v38  }
0x23c: {  	[tilespmem:s0+$0x0] =	vst v36  }
0x23d: {  	v36 =	vld.idx.msk [tilespmem:v37+s28+$0x0], $0xffff;
	_ =	sdelay $0x2  }
0x23e: {  	s1 =	simm.s32 $0x0  }
0x23f: {  	v56 =	vmov s1  }
0x240: {  	v37 =	vor.u32 $0x3, v56;
	v57 =	vmul.f32 v36, v33  }
0x241: {  	v59 =	vbroadcast v37, $0x0;
	v58 =	vmul.f32 v36, v34  }
0x242: {  	v60 =	vadd.f32 v57, v32  }
0x243: {  	s0 =	sadd.s32 $0x1C0, s0;
	v61 =	vadd.f32 v58, v35  }
0x244: {  	[tilespmem:s0+$0xFFFFFFF0] =	vst v60  }
0x245: {  	[tilespmem:s0+$0x0] =	vst v61  }
0x246: {  	v33 =	vld [tilespmem:$0x16A60]  }
0x247: {  	v36 =	vld.idx.msk [tilespmem:v59+s28+$0x0], $0xffff  }
0x248: {  	v34 =	vld [tilespmem:$0x16A70]  }
0x249: {  	s24 =	simm.s32 $0x10;
	v32 =	vld [tilespmem:$0x16C00]  }
0x24a: {  	v62 =	vmov s24;
	v35 =	vld [tilespmem:$0x16C10]  }
0x24b: {  	v37 =	vor.u32 $0x3, v62  }
0x24c: {  	v37 =	vbroadcast v37, $0x0;
	v63 =	vmul.f32 v36, v33  }
0x24d: {  	v36 =	vmul.f32 v36, v34  }
0x24e: {  	v38 =	vadd.f32 v63, v32  }
0x24f: {  	s0 =	simm.s32 $0x8290;
	v36 =	vadd.f32 v36, v35  }
0x250: {  	[tilespmem:s0+$0xFFFFFFF0] =	vst v38  }
0x251: {  	[tilespmem:s0+$0x0] =	vst v36  }
0x252: {  	v36 =	vld.idx.msk [tilespmem:v37+s28+$0x0], $0xffff  }
0x253: {  	s31 =	simm.s32 $0x20  }
0x254: {  	s1 =	simm.s32 $0x3;
	v37 =	vmov s31  }
.LBB2_12:
0x255: {  	p0 =	sne.s32 s1, $0x7F;
	v37 =	vor.u32 $0x3, v37  }
0x256: {  	v37 =	vbroadcast v37, $0x0  }
0x257: {  	v38 =	vmul.f32 v36, v33;
	v36 =	vmul.f32 v36, v34;
	_ =	sdelay $0x1  }
0x258: {  	v38 =	vadd.f32 v38, v32;
	v36 =	vadd.f32 v36, v35  }
0x259: {  	s0 =	sadd.s32 $0x1C0, s0  }
0x25a: {  	[tilespmem:s0+$0xFFFFFFF0] =	vst v38  }
.Ltmp5:
0x25b: {  	[tilespmem:s0+$0x0] =	vst v36;
	(pc) =	sbr.rel @p0 .LBB2_12-.Ltmp5, $3  }
0x25c: {  	v36 =	vld.idx.msk [tilespmem:v37+s28+$0x0], $0xffff;
	_ =	sdelay $0x1  }
0x25d: {  	s3 =	sshll.u32 s1, $0x4  }
0x25e: {  	s1 =	sadd.s32 $0x1, s1;
	v37 =	vmov s3  }
0x25f: {  	v37 =	vor.u32 $0x3, v37  }
0x260: {  	v37 =	vbroadcast v37, $0x0;
	v38 =	vmul.f32 v36, v33  }
0x261: {  	v55 =	vmul.f32 v36, v34  }
0x262: {  	v38 =	vadd.f32 v38, v32  }
0x263: {  	s0 =	sadd.s32 $0x1C0, s0;
	v36 =	vadd.f32 v55, v35  }
0x264: {  	[tilespmem:s0+$0xFFFFFFF0] =	vst v38  }
0x265: {  	[tilespmem:s0+$0x0] =	vst v36  }
0x266: {  	v36 =	vld.idx.msk [tilespmem:v37+s28+$0x0], $0xffff;
	_ =	sdelay $0x2  }
0x267: {  	s1 =	simm.s32 $0x0  }
0x268: {  	v56 =	vmov s1  }
0x269: {  	v37 =	vor.u32 $0x4, v56;
	v57 =	vmul.f32 v36, v33  }
0x26a: {  	v59 =	vbroadcast v37, $0x0;
	v58 =	vmul.f32 v36, v34  }
0x26b: {  	v60 =	vadd.f32 v57, v32  }
0x26c: {  	s0 =	sadd.s32 $0x1C0, s0;
	v61 =	vadd.f32 v58, v35  }
0x26d: {  	[tilespmem:s0+$0xFFFFFFF0] =	vst v60  }
0x26e: {  	[tilespmem:s0+$0x0] =	vst v61  }
0x26f: {  	v33 =	vld [tilespmem:$0x16A80]  }
0x270: {  	v36 =	vld.idx.msk [tilespmem:v59+s28+$0x0], $0xffff  }
0x271: {  	v34 =	vld [tilespmem:$0x16A90]  }
0x272: {  	s24 =	simm.s32 $0x10;
	v32 =	vld [tilespmem:$0x16C20]  }
0x273: {  	v62 =	vmov s24;
	v35 =	vld [tilespmem:$0x16C30]  }
0x274: {  	v37 =	vor.u32 $0x4, v62  }
0x275: {  	v37 =	vbroadcast v37, $0x0;
	v63 =	vmul.f32 v36, v33  }
0x276: {  	v36 =	vmul.f32 v36, v34  }
0x277: {  	v38 =	vadd.f32 v63, v32  }
0x278: {  	s0 =	simm.s32 $0x82B0;
	v36 =	vadd.f32 v36, v35  }
0x279: {  	[tilespmem:s0+$0xFFFFFFF0] =	vst v38  }
0x27a: {  	[tilespmem:s0+$0x0] =	vst v36  }
0x27b: {  	v36 =	vld.idx.msk [tilespmem:v37+s28+$0x0], $0xffff  }
0x27c: {  	s31 =	simm.s32 $0x20  }
0x27d: {  	s1 =	simm.s32 $0x3;
	v37 =	vmov s31  }
.LBB2_14:
0x27e: {  	p0 =	sne.s32 s1, $0x7F;
	v37 =	vor.u32 $0x4, v37  }
0x27f: {  	v37 =	vbroadcast v37, $0x0  }
0x280: {  	v38 =	vmul.f32 v36, v33;
	v36 =	vmul.f32 v36, v34;
	_ =	sdelay $0x1  }
0x281: {  	v38 =	vadd.f32 v38, v32;
	v36 =	vadd.f32 v36, v35  }
0x282: {  	s0 =	sadd.s32 $0x1C0, s0  }
0x283: {  	[tilespmem:s0+$0xFFFFFFF0] =	vst v38  }
.Ltmp6:
0x284: {  	[tilespmem:s0+$0x0] =	vst v36;
	(pc) =	sbr.rel @p0 .LBB2_14-.Ltmp6, $3  }
0x285: {  	v36 =	vld.idx.msk [tilespmem:v37+s28+$0x0], $0xffff;
	_ =	sdelay $0x1  }
0x286: {  	s3 =	sshll.u32 s1, $0x4  }
0x287: {  	s1 =	sadd.s32 $0x1, s1;
	v37 =	vmov s3  }
0x288: {  	v37 =	vor.u32 $0x4, v37  }
0x289: {  	v37 =	vbroadcast v37, $0x0;
	v38 =	vmul.f32 v36, v33  }
0x28a: {  	v55 =	vmul.f32 v36, v34  }
0x28b: {  	v38 =	vadd.f32 v38, v32  }
0x28c: {  	s0 =	sadd.s32 $0x1C0, s0;
	v36 =	vadd.f32 v55, v35  }
0x28d: {  	[tilespmem:s0+$0xFFFFFFF0] =	vst v38  }
0x28e: {  	[tilespmem:s0+$0x0] =	vst v36  }
0x28f: {  	v36 =	vld.idx.msk [tilespmem:v37+s28+$0x0], $0xffff;
	_ =	sdelay $0x2  }
0x290: {  	s1 =	simm.s32 $0x0  }
0x291: {  	v56 =	vmov s1  }
0x292: {  	v37 =	vor.u32 $0x5, v56;
	v57 =	vmul.f32 v36, v33  }
0x293: {  	v59 =	vbroadcast v37, $0x0;
	v58 =	vmul.f32 v36, v34  }
0x294: {  	v60 =	vadd.f32 v57, v32  }
0x295: {  	s0 =	sadd.s32 $0x1C0, s0;
	v61 =	vadd.f32 v58, v35  }
0x296: {  	[tilespmem:s0+$0xFFFFFFF0] =	vst v60  }
0x297: {  	[tilespmem:s0+$0x0] =	vst v61  }
0x298: {  	v33 =	vld [tilespmem:$0x16AA0]  }
0x299: {  	v36 =	vld.idx.msk [tilespmem:v59+s28+$0x0], $0xffff  }
0x29a: {  	v34 =	vld [tilespmem:$0x16AB0]  }
0x29b: {  	s24 =	simm.s32 $0x10;
	v32 =	vld [tilespmem:$0x16C40]  }
0x29c: {  	v62 =	vmov s24;
	v35 =	vld [tilespmem:$0x16C50]  }
0x29d: {  	v37 =	vor.u32 $0x5, v62  }
0x29e: {  	v37 =	vbroadcast v37, $0x0;
	v63 =	vmul.f32 v36, v33  }
0x29f: {  	v36 =	vmul.f32 v36, v34  }
0x2a0: {  	v38 =	vadd.f32 v63, v32  }
0x2a1: {  	s0 =	simm.s32 $0x82D0;
	v36 =	vadd.f32 v36, v35  }
0x2a2: {  	[tilespmem:s0+$0xFFFFFFF0] =	vst v38  }
0x2a3: {  	[tilespmem:s0+$0x0] =	vst v36  }
0x2a4: {  	v36 =	vld.idx.msk [tilespmem:v37+s28+$0x0], $0xffff  }
0x2a5: {  	s31 =	simm.s32 $0x20  }
0x2a6: {  	s1 =	simm.s32 $0x3;
	v37 =	vmov s31  }
.LBB2_16:
0x2a7: {  	p0 =	sne.s32 s1, $0x7F;
	v37 =	vor.u32 $0x5, v37  }
0x2a8: {  	v37 =	vbroadcast v37, $0x0  }
0x2a9: {  	v38 =	vmul.f32 v36, v33;
	v36 =	vmul.f32 v36, v34;
	_ =	sdelay $0x1  }
0x2aa: {  	v38 =	vadd.f32 v38, v32;
	v36 =	vadd.f32 v36, v35  }
0x2ab: {  	s0 =	sadd.s32 $0x1C0, s0  }
0x2ac: {  	[tilespmem:s0+$0xFFFFFFF0] =	vst v38  }
.Ltmp7:
0x2ad: {  	[tilespmem:s0+$0x0] =	vst v36;
	(pc) =	sbr.rel @p0 .LBB2_16-.Ltmp7, $3  }
0x2ae: {  	v36 =	vld.idx.msk [tilespmem:v37+s28+$0x0], $0xffff;
	_ =	sdelay $0x1  }
0x2af: {  	s3 =	sshll.u32 s1, $0x4  }
0x2b0: {  	s1 =	sadd.s32 $0x1, s1;
	v37 =	vmov s3  }
0x2b1: {  	v37 =	vor.u32 $0x5, v37  }
0x2b2: {  	v37 =	vbroadcast v37, $0x0;
	v38 =	vmul.f32 v36, v33  }
0x2b3: {  	v55 =	vmul.f32 v36, v34  }
0x2b4: {  	v38 =	vadd.f32 v38, v32  }
0x2b5: {  	s0 =	sadd.s32 $0x1C0, s0;
	v36 =	vadd.f32 v55, v35  }
0x2b6: {  	[tilespmem:s0+$0xFFFFFFF0] =	vst v38  }
0x2b7: {  	[tilespmem:s0+$0x0] =	vst v36  }
0x2b8: {  	v36 =	vld.idx.msk [tilespmem:v37+s28+$0x0], $0xffff;
	_ =	sdelay $0x2  }
0x2b9: {  	s1 =	simm.s32 $0x0  }
0x2ba: {  	v56 =	vmov s1  }
0x2bb: {  	v37 =	vor.u32 $0x6, v56;
	v57 =	vmul.f32 v36, v33  }
0x2bc: {  	v59 =	vbroadcast v37, $0x0;
	v58 =	vmul.f32 v36, v34  }
0x2bd: {  	v60 =	vadd.f32 v57, v32  }
0x2be: {  	s0 =	sadd.s32 $0x1C0, s0;
	v61 =	vadd.f32 v58, v35  }
0x2bf: {  	[tilespmem:s0+$0xFFFFFFF0] =	vst v60  }
0x2c0: {  	[tilespmem:s0+$0x0] =	vst v61  }
0x2c1: {  	v33 =	vld [tilespmem:$0x16AC0]  }
0x2c2: {  	v36 =	vld.idx.msk [tilespmem:v59+s28+$0x0], $0xffff  }
0x2c3: {  	v34 =	vld [tilespmem:$0x16AD0]  }
0x2c4: {  	s24 =	simm.s32 $0x10;
	v32 =	vld [tilespmem:$0x16C60]  }
0x2c5: {  	v62 =	vmov s24;
	v35 =	vld [tilespmem:$0x16C70]  }
0x2c6: {  	v37 =	vor.u32 $0x6, v62  }
0x2c7: {  	v37 =	vbroadcast v37, $0x0;
	v63 =	vmul.f32 v36, v33  }
0x2c8: {  	v36 =	vmul.f32 v36, v34  }
0x2c9: {  	v38 =	vadd.f32 v63, v32  }
0x2ca: {  	s0 =	simm.s32 $0x82F0;
	v36 =	vadd.f32 v36, v35  }
0x2cb: {  	[tilespmem:s0+$0xFFFFFFF0] =	vst v38  }
0x2cc: {  	[tilespmem:s0+$0x0] =	vst v36  }
0x2cd: {  	v36 =	vld.idx.msk [tilespmem:v37+s28+$0x0], $0xffff  }
0x2ce: {  	s31 =	simm.s32 $0x20  }
0x2cf: {  	s1 =	simm.s32 $0x3;
	v37 =	vmov s31  }
.LBB2_18:
0x2d0: {  	p0 =	sne.s32 s1, $0x7F;
	v37 =	vor.u32 $0x6, v37  }
0x2d1: {  	v37 =	vbroadcast v37, $0x0  }
0x2d2: {  	v38 =	vmul.f32 v36, v33;
	v36 =	vmul.f32 v36, v34;
	_ =	sdelay $0x1  }
0x2d3: {  	v38 =	vadd.f32 v38, v32;
	v36 =	vadd.f32 v36, v35  }
0x2d4: {  	s0 =	sadd.s32 $0x1C0, s0  }
0x2d5: {  	[tilespmem:s0+$0xFFFFFFF0] =	vst v38  }
.Ltmp8:
0x2d6: {  	[tilespmem:s0+$0x0] =	vst v36;
	(pc) =	sbr.rel @p0 .LBB2_18-.Ltmp8, $3  }
0x2d7: {  	v36 =	vld.idx.msk [tilespmem:v37+s28+$0x0], $0xffff;
	_ =	sdelay $0x1  }
0x2d8: {  	s3 =	sshll.u32 s1, $0x4  }
0x2d9: {  	s1 =	sadd.s32 $0x1, s1;
	v37 =	vmov s3  }
0x2da: {  	v37 =	vor.u32 $0x6, v37  }
0x2db: {  	v37 =	vbroadcast v37, $0x0;
	v38 =	vmul.f32 v36, v33  }
0x2dc: {  	v55 =	vmul.f32 v36, v34  }
0x2dd: {  	v38 =	vadd.f32 v38, v32  }
0x2de: {  	s0 =	sadd.s32 $0x1C0, s0;
	v36 =	vadd.f32 v55, v35  }
0x2df: {  	[tilespmem:s0+$0xFFFFFFF0] =	vst v38  }
0x2e0: {  	[tilespmem:s0+$0x0] =	vst v36  }
0x2e1: {  	v36 =	vld.idx.msk [tilespmem:v37+s28+$0x0], $0xffff;
	_ =	sdelay $0x2  }
0x2e2: {  	s1 =	simm.s32 $0x0  }
0x2e3: {  	v56 =	vmov s1  }
0x2e4: {  	v37 =	vor.u32 $0x7, v56;
	v57 =	vmul.f32 v36, v33  }
0x2e5: {  	v59 =	vbroadcast v37, $0x0;
	v58 =	vmul.f32 v36, v34  }
0x2e6: {  	v60 =	vadd.f32 v57, v32  }
0x2e7: {  	s0 =	sadd.s32 $0x1C0, s0;
	v61 =	vadd.f32 v58, v35  }
0x2e8: {  	[tilespmem:s0+$0xFFFFFFF0] =	vst v60  }
0x2e9: {  	[tilespmem:s0+$0x0] =	vst v61  }
0x2ea: {  	v33 =	vld [tilespmem:$0x16AE0]  }
0x2eb: {  	v36 =	vld.idx.msk [tilespmem:v59+s28+$0x0], $0xffff  }
0x2ec: {  	v34 =	vld [tilespmem:$0x16AF0]  }
0x2ed: {  	s24 =	simm.s32 $0x10;
	v32 =	vld [tilespmem:$0x16C80]  }
0x2ee: {  	v62 =	vmov s24;
	v35 =	vld [tilespmem:$0x16C90]  }
0x2ef: {  	v37 =	vor.u32 $0x7, v62  }
0x2f0: {  	v37 =	vbroadcast v37, $0x0;
	v63 =	vmul.f32 v36, v33  }
0x2f1: {  	v36 =	vmul.f32 v36, v34  }
0x2f2: {  	v38 =	vadd.f32 v63, v32  }
0x2f3: {  	s0 =	simm.s32 $0x8310;
	v36 =	vadd.f32 v36, v35  }
0x2f4: {  	[tilespmem:s0+$0xFFFFFFF0] =	vst v38  }
0x2f5: {  	[tilespmem:s0+$0x0] =	vst v36  }
0x2f6: {  	v36 =	vld.idx.msk [tilespmem:v37+s28+$0x0], $0xffff  }
0x2f7: {  	s31 =	simm.s32 $0x20  }
0x2f8: {  	s1 =	simm.s32 $0x3;
	v37 =	vmov s31  }
.LBB2_20:
0x2f9: {  	p0 =	sne.s32 s1, $0x7F;
	v37 =	vor.u32 $0x7, v37  }
0x2fa: {  	v37 =	vbroadcast v37, $0x0  }
0x2fb: {  	v38 =	vmul.f32 v36, v33;
	v36 =	vmul.f32 v36, v34;
	_ =	sdelay $0x1  }
0x2fc: {  	v38 =	vadd.f32 v38, v32;
	v36 =	vadd.f32 v36, v35  }
0x2fd: {  	s0 =	sadd.s32 $0x1C0, s0  }
0x2fe: {  	[tilespmem:s0+$0xFFFFFFF0] =	vst v38  }
.Ltmp9:
0x2ff: {  	[tilespmem:s0+$0x0] =	vst v36;
	(pc) =	sbr.rel @p0 .LBB2_20-.Ltmp9, $3  }
0x300: {  	v36 =	vld.idx.msk [tilespmem:v37+s28+$0x0], $0xffff;
	_ =	sdelay $0x1  }
0x301: {  	s3 =	sshll.u32 s1, $0x4  }
0x302: {  	s1 =	sadd.s32 $0x1, s1;
	v37 =	vmov s3  }
0x303: {  	v37 =	vor.u32 $0x7, v37  }
0x304: {  	v37 =	vbroadcast v37, $0x0;
	v38 =	vmul.f32 v36, v33  }
0x305: {  	v55 =	vmul.f32 v36, v34  }
0x306: {  	v38 =	vadd.f32 v38, v32  }
0x307: {  	s0 =	sadd.s32 $0x1C0, s0;
	v36 =	vadd.f32 v55, v35  }
0x308: {  	[tilespmem:s0+$0xFFFFFFF0] =	vst v38  }
0x309: {  	[tilespmem:s0+$0x0] =	vst v36  }
0x30a: {  	v36 =	vld.idx.msk [tilespmem:v37+s28+$0x0], $0xffff;
	_ =	sdelay $0x2  }
0x30b: {  	s1 =	simm.s32 $0x0  }
0x30c: {  	v56 =	vmov s1  }
0x30d: {  	v37 =	vor.u32 $0x8, v56;
	v57 =	vmul.f32 v36, v33  }
0x30e: {  	v59 =	vbroadcast v37, $0x0;
	v58 =	vmul.f32 v36, v34  }
0x30f: {  	v60 =	vadd.f32 v57, v32  }
0x310: {  	s0 =	sadd.s32 $0x1C0, s0;
	v61 =	vadd.f32 v58, v35  }
0x311: {  	[tilespmem:s0+$0xFFFFFFF0] =	vst v60  }
0x312: {  	[tilespmem:s0+$0x0] =	vst v61  }
0x313: {  	v33 =	vld [tilespmem:$0x16B00]  }
0x314: {  	v36 =	vld.idx.msk [tilespmem:v59+s28+$0x0], $0xffff  }
0x315: {  	v34 =	vld [tilespmem:$0x16B10]  }
0x316: {  	s24 =	simm.s32 $0x10;
	v32 =	vld [tilespmem:$0x16CA0]  }
0x317: {  	v62 =	vmov s24;
	v35 =	vld [tilespmem:$0x16CB0]  }
0x318: {  	v37 =	vor.u32 $0x8, v62  }
0x319: {  	v37 =	vbroadcast v37, $0x0;
	v63 =	vmul.f32 v36, v33  }
0x31a: {  	v36 =	vmul.f32 v36, v34  }
0x31b: {  	v38 =	vadd.f32 v63, v32  }
0x31c: {  	s0 =	simm.s32 $0x8330;
	v36 =	vadd.f32 v36, v35  }
0x31d: {  	[tilespmem:s0+$0xFFFFFFF0] =	vst v38  }
0x31e: {  	[tilespmem:s0+$0x0] =	vst v36  }
0x31f: {  	v36 =	vld.idx.msk [tilespmem:v37+s28+$0x0], $0xffff  }
0x320: {  	s31 =	simm.s32 $0x20  }
0x321: {  	s1 =	simm.s32 $0x3;
	v37 =	vmov s31  }
.LBB2_22:
0x322: {  	p0 =	sne.s32 s1, $0x7F;
	v37 =	vor.u32 $0x8, v37  }
0x323: {  	v37 =	vbroadcast v37, $0x0  }
0x324: {  	v38 =	vmul.f32 v36, v33;
	v36 =	vmul.f32 v36, v34;
	_ =	sdelay $0x1  }
0x325: {  	v38 =	vadd.f32 v38, v32;
	v36 =	vadd.f32 v36, v35  }
0x326: {  	s0 =	sadd.s32 $0x1C0, s0  }
0x327: {  	[tilespmem:s0+$0xFFFFFFF0] =	vst v38  }
.Ltmp10:
0x328: {  	[tilespmem:s0+$0x0] =	vst v36;
	(pc) =	sbr.rel @p0 .LBB2_22-.Ltmp10, $3  }
0x329: {  	v36 =	vld.idx.msk [tilespmem:v37+s28+$0x0], $0xffff;
	_ =	sdelay $0x1  }
0x32a: {  	s3 =	sshll.u32 s1, $0x4  }
0x32b: {  	s1 =	sadd.s32 $0x1, s1;
	v37 =	vmov s3  }
0x32c: {  	v37 =	vor.u32 $0x8, v37  }
0x32d: {  	v37 =	vbroadcast v37, $0x0;
	v38 =	vmul.f32 v36, v33  }
0x32e: {  	v55 =	vmul.f32 v36, v34  }
0x32f: {  	v38 =	vadd.f32 v38, v32  }
0x330: {  	s0 =	sadd.s32 $0x1C0, s0;
	v36 =	vadd.f32 v55, v35  }
0x331: {  	[tilespmem:s0+$0xFFFFFFF0] =	vst v38  }
0x332: {  	[tilespmem:s0+$0x0] =	vst v36  }
0x333: {  	v36 =	vld.idx.msk [tilespmem:v37+s28+$0x0], $0xffff;
	_ =	sdelay $0x2  }
0x334: {  	s1 =	simm.s32 $0x0  }
0x335: {  	v56 =	vmov s1  }
0x336: {  	v37 =	vor.u32 $0x9, v56;
	v57 =	vmul.f32 v36, v33  }
0x337: {  	v59 =	vbroadcast v37, $0x0;
	v58 =	vmul.f32 v36, v34  }
0x338: {  	v60 =	vadd.f32 v57, v32  }
0x339: {  	s0 =	sadd.s32 $0x1C0, s0;
	v61 =	vadd.f32 v58, v35  }
0x33a: {  	[tilespmem:s0+$0xFFFFFFF0] =	vst v60  }
0x33b: {  	[tilespmem:s0+$0x0] =	vst v61  }
0x33c: {  	v33 =	vld [tilespmem:$0x16B20]  }
0x33d: {  	v36 =	vld.idx.msk [tilespmem:v59+s28+$0x0], $0xffff  }
0x33e: {  	v34 =	vld [tilespmem:$0x16B30]  }
0x33f: {  	s24 =	simm.s32 $0x10;
	v32 =	vld [tilespmem:$0x16CC0]  }
0x340: {  	v62 =	vmov s24;
	v35 =	vld [tilespmem:$0x16CD0]  }
0x341: {  	v37 =	vor.u32 $0x9, v62  }
0x342: {  	v37 =	vbroadcast v37, $0x0;
	v63 =	vmul.f32 v36, v33  }
0x343: {  	v36 =	vmul.f32 v36, v34  }
0x344: {  	v38 =	vadd.f32 v63, v32  }
0x345: {  	s0 =	simm.s32 $0x8350;
	v36 =	vadd.f32 v36, v35  }
0x346: {  	[tilespmem:s0+$0xFFFFFFF0] =	vst v38  }
0x347: {  	[tilespmem:s0+$0x0] =	vst v36  }
0x348: {  	v36 =	vld.idx.msk [tilespmem:v37+s28+$0x0], $0xffff  }
0x349: {  	s31 =	simm.s32 $0x20  }
0x34a: {  	s1 =	simm.s32 $0x3;
	v37 =	vmov s31  }
.LBB2_24:
0x34b: {  	p0 =	sne.s32 s1, $0x7F;
	v37 =	vor.u32 $0x9, v37  }
0x34c: {  	v37 =	vbroadcast v37, $0x0  }
0x34d: {  	v38 =	vmul.f32 v36, v33;
	v36 =	vmul.f32 v36, v34;
	_ =	sdelay $0x1  }
0x34e: {  	v38 =	vadd.f32 v38, v32;
	v36 =	vadd.f32 v36, v35  }
0x34f: {  	s0 =	sadd.s32 $0x1C0, s0  }
0x350: {  	[tilespmem:s0+$0xFFFFFFF0] =	vst v38  }
.Ltmp11:
0x351: {  	[tilespmem:s0+$0x0] =	vst v36;
	(pc) =	sbr.rel @p0 .LBB2_24-.Ltmp11, $3  }
0x352: {  	v36 =	vld.idx.msk [tilespmem:v37+s28+$0x0], $0xffff;
	_ =	sdelay $0x1  }
0x353: {  	s3 =	sshll.u32 s1, $0x4  }
0x354: {  	s1 =	sadd.s32 $0x1, s1;
	v37 =	vmov s3  }
0x355: {  	v37 =	vor.u32 $0x9, v37  }
0x356: {  	v37 =	vbroadcast v37, $0x0;
	v38 =	vmul.f32 v36, v33  }
0x357: {  	v55 =	vmul.f32 v36, v34  }
0x358: {  	v38 =	vadd.f32 v38, v32  }
0x359: {  	s0 =	sadd.s32 $0x1C0, s0;
	v36 =	vadd.f32 v55, v35  }
0x35a: {  	[tilespmem:s0+$0xFFFFFFF0] =	vst v38  }
0x35b: {  	[tilespmem:s0+$0x0] =	vst v36  }
0x35c: {  	v36 =	vld.idx.msk [tilespmem:v37+s28+$0x0], $0xffff;
	_ =	sdelay $0x2  }
0x35d: {  	s1 =	simm.s32 $0x0  }
0x35e: {  	v56 =	vmov s1  }
0x35f: {  	v37 =	vor.u32 $0xA, v56;
	v57 =	vmul.f32 v36, v33  }
0x360: {  	v59 =	vbroadcast v37, $0x0;
	v58 =	vmul.f32 v36, v34  }
0x361: {  	v60 =	vadd.f32 v57, v32  }
0x362: {  	s0 =	sadd.s32 $0x1C0, s0;
	v61 =	vadd.f32 v58, v35  }
0x363: {  	[tilespmem:s0+$0xFFFFFFF0] =	vst v60  }
0x364: {  	[tilespmem:s0+$0x0] =	vst v61  }
0x365: {  	v33 =	vld [tilespmem:$0x16B40]  }
0x366: {  	v36 =	vld.idx.msk [tilespmem:v59+s28+$0x0], $0xffff  }
0x367: {  	v34 =	vld [tilespmem:$0x16B50]  }
0x368: {  	s24 =	simm.s32 $0x10;
	v32 =	vld [tilespmem:$0x16CE0]  }
0x369: {  	v62 =	vmov s24;
	v35 =	vld [tilespmem:$0x16CF0]  }
0x36a: {  	v37 =	vor.u32 $0xA, v62  }
0x36b: {  	v37 =	vbroadcast v37, $0x0;
	v63 =	vmul.f32 v36, v33  }
0x36c: {  	v36 =	vmul.f32 v36, v34  }
0x36d: {  	v38 =	vadd.f32 v63, v32  }
0x36e: {  	s0 =	simm.s32 $0x8370;
	v36 =	vadd.f32 v36, v35  }
0x36f: {  	[tilespmem:s0+$0xFFFFFFF0] =	vst v38  }
0x370: {  	[tilespmem:s0+$0x0] =	vst v36  }
0x371: {  	v36 =	vld.idx.msk [tilespmem:v37+s28+$0x0], $0xffff  }
0x372: {  	s31 =	simm.s32 $0x20  }
0x373: {  	s1 =	simm.s32 $0x3;
	v37 =	vmov s31  }
.LBB2_26:
0x374: {  	p0 =	sne.s32 s1, $0x7F;
	v37 =	vor.u32 $0xA, v37  }
0x375: {  	v37 =	vbroadcast v37, $0x0  }
0x376: {  	v38 =	vmul.f32 v36, v33;
	v36 =	vmul.f32 v36, v34;
	_ =	sdelay $0x1  }
0x377: {  	v38 =	vadd.f32 v38, v32;
	v36 =	vadd.f32 v36, v35  }
0x378: {  	s0 =	sadd.s32 $0x1C0, s0  }
0x379: {  	[tilespmem:s0+$0xFFFFFFF0] =	vst v38  }
.Ltmp12:
0x37a: {  	[tilespmem:s0+$0x0] =	vst v36;
	(pc) =	sbr.rel @p0 .LBB2_26-.Ltmp12, $3  }
0x37b: {  	v36 =	vld.idx.msk [tilespmem:v37+s28+$0x0], $0xffff;
	_ =	sdelay $0x1  }
0x37c: {  	s3 =	sshll.u32 s1, $0x4  }
0x37d: {  	s1 =	sadd.s32 $0x1, s1;
	v37 =	vmov s3  }
0x37e: {  	v37 =	vor.u32 $0xA, v37  }
0x37f: {  	v37 =	vbroadcast v37, $0x0;
	v38 =	vmul.f32 v36, v33  }
0x380: {  	v55 =	vmul.f32 v36, v34  }
0x381: {  	v38 =	vadd.f32 v38, v32  }
0x382: {  	s0 =	sadd.s32 $0x1C0, s0;
	v36 =	vadd.f32 v55, v35  }
0x383: {  	[tilespmem:s0+$0xFFFFFFF0] =	vst v38  }
0x384: {  	[tilespmem:s0+$0x0] =	vst v36  }
0x385: {  	v36 =	vld.idx.msk [tilespmem:v37+s28+$0x0], $0xffff;
	_ =	sdelay $0x2  }
0x386: {  	s1 =	simm.s32 $0x0  }
0x387: {  	v56 =	vmov s1  }
0x388: {  	v37 =	vor.u32 $0xB, v56;
	v57 =	vmul.f32 v36, v33  }
0x389: {  	v59 =	vbroadcast v37, $0x0;
	v58 =	vmul.f32 v36, v34  }
0x38a: {  	v60 =	vadd.f32 v57, v32  }
0x38b: {  	s0 =	sadd.s32 $0x1C0, s0;
	v61 =	vadd.f32 v58, v35  }
0x38c: {  	[tilespmem:s0+$0xFFFFFFF0] =	vst v60  }
0x38d: {  	[tilespmem:s0+$0x0] =	vst v61  }
0x38e: {  	v33 =	vld [tilespmem:$0x16B60]  }
0x38f: {  	v36 =	vld.idx.msk [tilespmem:v59+s28+$0x0], $0xffff  }
0x390: {  	v34 =	vld [tilespmem:$0x16B70]  }
0x391: {  	s24 =	simm.s32 $0x10;
	v32 =	vld [tilespmem:$0x16D00]  }
0x392: {  	v62 =	vmov s24;
	v35 =	vld [tilespmem:$0x16D10]  }
0x393: {  	v37 =	vor.u32 $0xB, v62  }
0x394: {  	v37 =	vbroadcast v37, $0x0;
	v63 =	vmul.f32 v36, v33  }
0x395: {  	v36 =	vmul.f32 v36, v34  }
0x396: {  	v38 =	vadd.f32 v63, v32  }
0x397: {  	s0 =	simm.s32 $0x8390;
	v36 =	vadd.f32 v36, v35  }
0x398: {  	[tilespmem:s0+$0xFFFFFFF0] =	vst v38  }
0x399: {  	[tilespmem:s0+$0x0] =	vst v36  }
0x39a: {  	v36 =	vld.idx.msk [tilespmem:v37+s28+$0x0], $0xffff  }
0x39b: {  	s31 =	simm.s32 $0x20  }
0x39c: {  	s1 =	simm.s32 $0x3;
	v37 =	vmov s31  }
.LBB2_28:
0x39d: {  	p0 =	sne.s32 s1, $0x7F;
	v37 =	vor.u32 $0xB, v37  }
0x39e: {  	v37 =	vbroadcast v37, $0x0  }
0x39f: {  	v38 =	vmul.f32 v36, v33;
	v36 =	vmul.f32 v36, v34;
	_ =	sdelay $0x1  }
0x3a0: {  	v38 =	vadd.f32 v38, v32;
	v36 =	vadd.f32 v36, v35  }
0x3a1: {  	s0 =	sadd.s32 $0x1C0, s0  }
0x3a2: {  	[tilespmem:s0+$0xFFFFFFF0] =	vst v38  }
.Ltmp13:
0x3a3: {  	[tilespmem:s0+$0x0] =	vst v36;
	(pc) =	sbr.rel @p0 .LBB2_28-.Ltmp13, $3  }
0x3a4: {  	v36 =	vld.idx.msk [tilespmem:v37+s28+$0x0], $0xffff;
	_ =	sdelay $0x1  }
0x3a5: {  	s3 =	sshll.u32 s1, $0x4  }
0x3a6: {  	s1 =	sadd.s32 $0x1, s1;
	v37 =	vmov s3  }
0x3a7: {  	v37 =	vor.u32 $0xB, v37  }
0x3a8: {  	v37 =	vbroadcast v37, $0x0;
	v38 =	vmul.f32 v36, v33  }
0x3a9: {  	v55 =	vmul.f32 v36, v34  }
0x3aa: {  	v38 =	vadd.f32 v38, v32  }
0x3ab: {  	s0 =	sadd.s32 $0x1C0, s0;
	v36 =	vadd.f32 v55, v35  }
0x3ac: {  	[tilespmem:s0+$0xFFFFFFF0] =	vst v38  }
0x3ad: {  	[tilespmem:s0+$0x0] =	vst v36  }
0x3ae: {  	v36 =	vld.idx.msk [tilespmem:v37+s28+$0x0], $0xffff;
	_ =	sdelay $0x2  }
0x3af: {  	s1 =	simm.s32 $0x0  }
0x3b0: {  	v56 =	vmov s1  }
0x3b1: {  	v37 =	vor.u32 $0xC, v56;
	v57 =	vmul.f32 v36, v33  }
0x3b2: {  	v59 =	vbroadcast v37, $0x0;
	v58 =	vmul.f32 v36, v34  }
0x3b3: {  	v60 =	vadd.f32 v57, v32  }
0x3b4: {  	s0 =	sadd.s32 $0x1C0, s0;
	v61 =	vadd.f32 v58, v35  }
0x3b5: {  	[tilespmem:s0+$0xFFFFFFF0] =	vst v60  }
0x3b6: {  	[tilespmem:s0+$0x0] =	vst v61  }
0x3b7: {  	v32 =	vld [tilespmem:$0x16B80]  }
0x3b8: {  	v36 =	vld.idx.msk [tilespmem:v59+s28+$0x0], $0xffff  }
0x3b9: {  	v33 =	vld [tilespmem:$0x16B90]  }
0x3ba: {  	s24 =	simm.s32 $0x10;
	v34 =	vld [tilespmem:$0x16D20]  }
0x3bb: {  	v62 =	vmov s24;
	v35 =	vld [tilespmem:$0x16D30]  }
0x3bc: {  	v37 =	vor.u32 $0xC, v62  }
0x3bd: {  	v37 =	vbroadcast v37, $0x0;
	v63 =	vmul.f32 v36, v32  }
0x3be: {  	v36 =	vmul.f32 v36, v33  }
0x3bf: {  	v38 =	vadd.f32 v63, v34  }
0x3c0: {  	s0 =	simm.s32 $0x83B0;
	v36 =	vadd.f32 v36, v35  }
0x3c1: {  	[tilespmem:s0+$0xFFFFFFF0] =	vst v38  }
0x3c2: {  	[tilespmem:s0+$0x0] =	vst v36  }
0x3c3: {  	v36 =	vld.idx.msk [tilespmem:v37+s28+$0x0], $0xffff  }
0x3c4: {  	s31 =	simm.s32 $0x20  }
0x3c5: {  	s1 =	simm.s32 $0x3;
	v37 =	vmov s31  }
.LBB2_30:
0x3c6: {  	p0 =	sne.s32 s1, $0x7F;
	v37 =	vor.u32 $0xC, v37  }
0x3c7: {  	v37 =	vbroadcast v37, $0x0  }
0x3c8: {  	v38 =	vmul.f32 v36, v32;
	v36 =	vmul.f32 v36, v33;
	_ =	sdelay $0x1  }
0x3c9: {  	v38 =	vadd.f32 v38, v34;
	v36 =	vadd.f32 v36, v35  }
0x3ca: {  	s0 =	sadd.s32 $0x1C0, s0  }
0x3cb: {  	[tilespmem:s0+$0xFFFFFFF0] =	vst v38  }
.Ltmp14:
0x3cc: {  	[tilespmem:s0+$0x0] =	vst v36;
	(pc) =	sbr.rel @p0 .LBB2_30-.Ltmp14, $3  }
0x3cd: {  	v36 =	vld.idx.msk [tilespmem:v37+s28+$0x0], $0xffff;
	_ =	sdelay $0x1  }
0x3ce: {  	s3 =	sshll.u32 s1, $0x4  }
0x3cf: {  	s1 =	sadd.s32 $0x1, s1;
	v37 =	vmov s3  }
0x3d0: {  	v37 =	vor.u32 $0xC, v37  }
0x3d1: {  	v37 =	vbroadcast v37, $0x0;
	v38 =	vmul.f32 v36, v32  }
0x3d2: {  	v61 =	vmul.f32 v36, v33  }
0x3d3: {  	v38 =	vadd.f32 v38, v34  }
0x3d4: {  	s0 =	sadd.s32 $0x1C0, s0;
	v36 =	vadd.f32 v61, v35  }
0x3d5: {  	[tilespmem:s0+$0xFFFFFFF0] =	vst v38  }
0x3d6: {  	[tilespmem:s0+$0x0] =	vst v36  }
0x3d7: {  	v36 =	vld.idx.msk [tilespmem:v37+s28+$0x0], $0xffff;
	_ =	sdelay $0x4  }
0x3d8: {  	v62 =	vmul.f32 v36, v32  }
0x3d9: {  	v63 =	vmul.f32 v36, v33  }
0x3da: {  	v32 =	vadd.f32 v62, v34  }
0x3db: {  	s1 =	sadd.s32 $0x1C0, s0;
	v33 =	vadd.f32 v63, v35  }
0x3dc: {  	s24 =	sadd.s32 $0x0, s9;
	[tilespmem:s1+$0xFFFFFFF0] =	vst v32  }
0x3dd: {  	s3 =	simm.s32 $0x83C0;
	s0 =	simm.s32 $0x8200;
	[tilespmem:s1+$0x0] =	vst v33;
	s1 =	simm.s32 $0x280  }
.LBB2_32:
0x3de: {  	[hbm4b:s24+s22] =	stream.strided.scatter [tilespmem:s0], [sflag:$0x2], $0x1C0, s29, s22, $0x38;
	[tilespmem:$0x16D60] =	vst v63  }
0x3df: {  	s24 =	smov.u32 s1;
	s0 =	smov.u32 s3;
	p0 =	sne.s32 s1, $0x13D80  }
.Ltmp15:
0x3e0: {  	s1 =	sadd.s32 $0x280, s1;
	(pc) =	sbr.rel @p0 .LBB2_32-.Ltmp15, $2  }
0x3e1: {  	_ =	sdelay $0x2  }
0x3e2: {  	s3 =	sadd.s32 $0x1C0, s3;
	s24 =	sadd.s32 s24, s9  }
0x3e3: {  	[hbm4b:s24+s22] =	stream.strided.scatter [tilespmem:s0], [sflag:$0x2], $0x1C0, s29, s22, $0x38;
	[tilespmem:$0x16D60] =	vst v63  }
0x3e4: {  	_ =	swait.ge [sflag:s19], $0xE000  }
0x3e5: {  	[sflag:s19] =	ssyncset.done $0x0  }
0x3e6: {  	s31 =	simm.s32 $0x0;
	[sflag:s19] =	ssyncadd.s32 $0xFFFF2000  }
0x3e7: {  	[tilespmem:s28], [sflag:$0x2] =	stream.linear.gather [hbm4b:s10+s31], $0x800, $0x38;
	[tilespmem:$0x16D60] =	vst v63  }
0x3e8: {  	_ =	swait.ge [sflag:s19], $0x800  }
0x3e9: {  	[sflag:s19] =	ssyncset.done $0x0  }
0x3ea: {  	[sflag:s19] =	ssyncadd.s32 $0xFFFFF800  }
0x3eb: {  	v32 =	vld [tilespmem:$0x16D40]  }
0x3ec: {  	v33 =	vld [tilespmem:$0x16D50];
	_ =	sdelay $0x2  }
0x3ed: {  	s0 =	simm.s32 $0x700;
	s1 =	simm.s32 $0x0  }
.LBB2_34:
0x3ee: {  	p0 =	sne.s32 s0, $0x37900;
	[tilespmem:s1+$0x8200] =	vst v32;
	s3 =	smov.u32 s0;
	s0 =	sadd.s32 $0x700, s0  }
.Ltmp16:
0x3ef: {  	[tilespmem:s1+$0x8210] =	vst v33;
	(pc) =	sbr.rel @p0 .LBB2_34-.Ltmp16, $2  }
0x3f0: {  	_ =	sdelay $0x2  }
0x3f1: {  	s1 =	sshra.s32 s3, $0x2  }
0x3f2: {  	s0 =	simm.s32 $0x0  }
0x3f3: {  	v35 =	vmov s0;
	_ =	sdelay $0x1  }
0x3f4: {  	[tilespmem:s1+$0x8200] =	vst v32  }
0x3f5: {  	[tilespmem:s1+$0x8210] =	vst v33  }
0x3f6: {  	v34 =	vld [tilespmem:$0x16A00]  }
0x3f7: {  	v36 =	vld.idx.msk [tilespmem:v35+s28+$0x0], $0xffff  }
0x3f8: {  	v35 =	vld [tilespmem:$0x16A10]  }
0x3f9: {  	v32 =	vld [tilespmem:$0x16BA0]  }
0x3fa: {  	v33 =	vld [tilespmem:$0x16BB0];
	_ =	sdelay $0x1  }
0x3fb: {  	s31 =	simm.s32 $0x10;
	v37 =	vmul.f32 v36, v34  }
0x3fc: {  	v38 =	vmov s31;
	v36 =	vmul.f32 v36, v35  }
0x3fd: {  	v37 =	vadd.f32 v37, v32  }
0x3fe: {  	s0 =	simm.s32 $0x8230;
	v36 =	vadd.f32 v36, v33  }
0x3ff: {  	[tilespmem:s0+$0xFFFFFFF0] =	vst v37  }
0x400: {  	[tilespmem:s0+$0x0] =	vst v36  }
0x401: {  	v37 =	vld.idx.msk [tilespmem:v38+s28+$0x0], $0xffff;
	_ =	sdelay $0x4  }
0x402: {  	s3 =	simm.s32 $0x20;
	s1 =	simm.s32 $0x3;
	v36 =	vmul.f32 v37, v34;
	v37 =	vmul.f32 v37, v35  }
.LBB2_36:
0x403: {  	p0 =	sne.s32 s1, $0x7F;
	v38 =	vmov s3  }
0x404: {  	v36 =	vadd.f32 v36, v32;
	v37 =	vadd.f32 v37, v33  }
0x405: {  	s0 =	sadd.s32 $0x1C0, s0  }
0x406: {  	[tilespmem:s0+$0xFFFFFFF0] =	vst v36  }
0x407: {  	[tilespmem:s0+$0x0] =	vst v37  }
0x408: {  	v37 =	vld.idx.msk [tilespmem:v38+s28+$0x0], $0xffff;
	_ =	sdelay $0x1  }
.Ltmp17:
0x409: {  	(pc) =	sbr.rel @p0 .LBB2_36-.Ltmp17, $2  }
0x40a: {  	_ =	sdelay $0x2  }
0x40b: {  	s3 =	sshll.u32 s1, $0x4;
	s1 =	sadd.s32 $0x1, s1;
	v36 =	vmul.f32 v37, v34;
	v37 =	vmul.f32 v37, v35  }
0x40c: {  	v38 =	vmov s3  }
0x40d: {  	v36 =	vadd.f32 v36, v32  }
0x40e: {  	s0 =	sadd.s32 $0x1C0, s0;
	v37 =	vadd.f32 v37, v33  }
0x40f: {  	[tilespmem:s0+$0xFFFFFFF0] =	vst v36  }
0x410: {  	[tilespmem:s0+$0x0] =	vst v37  }
0x411: {  	v36 =	vld.idx.msk [tilespmem:v38+s28+$0x0], $0xffff;
	_ =	sdelay $0x2  }
0x412: {  	s1 =	simm.s32 $0x0  }
0x413: {  	v58 =	vmov s1  }
0x414: {  	v37 =	vor.u32 $0x1, v58;
	v34 =	vmul.f32 v36, v34  }
0x415: {  	v59 =	vbroadcast v37, $0x0;
	v35 =	vmul.f32 v36, v35  }
0x416: {  	v60 =	vadd.f32 v34, v32  }
0x417: {  	s0 =	sadd.s32 $0x1C0, s0;
	v61 =	vadd.f32 v35, v33  }
0x418: {  	[tilespmem:s0+$0xFFFFFFF0] =	vst v60  }
0x419: {  	[tilespmem:s0+$0x0] =	vst v61  }
0x41a: {  	v33 =	vld [tilespmem:$0x16A20]  }
0x41b: {  	v36 =	vld.idx.msk [tilespmem:v59+s28+$0x0], $0xffff  }
0x41c: {  	v34 =	vld [tilespmem:$0x16A30]  }
0x41d: {  	s24 =	simm.s32 $0x10;
	v32 =	vld [tilespmem:$0x16BC0]  }
0x41e: {  	v62 =	vmov s24;
	v35 =	vld [tilespmem:$0x16BD0]  }
0x41f: {  	v37 =	vor.u32 $0x1, v62  }
0x420: {  	v37 =	vbroadcast v37, $0x0;
	v63 =	vmul.f32 v36, v33  }
0x421: {  	v36 =	vmul.f32 v36, v34  }
0x422: {  	v38 =	vadd.f32 v63, v32  }
0x423: {  	s0 =	simm.s32 $0x8250;
	v36 =	vadd.f32 v36, v35  }
0x424: {  	[tilespmem:s0+$0xFFFFFFF0] =	vst v38  }
0x425: {  	[tilespmem:s0+$0x0] =	vst v36  }
0x426: {  	v36 =	vld.idx.msk [tilespmem:v37+s28+$0x0], $0xffff  }
0x427: {  	s31 =	simm.s32 $0x20  }
0x428: {  	s1 =	simm.s32 $0x3;
	v37 =	vmov s31  }
.LBB2_38:
0x429: {  	p0 =	sne.s32 s1, $0x7F;
	v37 =	vor.u32 $0x1, v37  }
0x42a: {  	v37 =	vbroadcast v37, $0x0  }
0x42b: {  	v38 =	vmul.f32 v36, v33;
	v36 =	vmul.f32 v36, v34;
	_ =	sdelay $0x1  }
0x42c: {  	v38 =	vadd.f32 v38, v32;
	v36 =	vadd.f32 v36, v35  }
0x42d: {  	s0 =	sadd.s32 $0x1C0, s0  }
0x42e: {  	[tilespmem:s0+$0xFFFFFFF0] =	vst v38  }
.Ltmp18:
0x42f: {  	[tilespmem:s0+$0x0] =	vst v36;
	(pc) =	sbr.rel @p0 .LBB2_38-.Ltmp18, $3  }
0x430: {  	v36 =	vld.idx.msk [tilespmem:v37+s28+$0x0], $0xffff;
	_ =	sdelay $0x1  }
0x431: {  	s3 =	sshll.u32 s1, $0x4  }
0x432: {  	s1 =	sadd.s32 $0x1, s1;
	v37 =	vmov s3  }
0x433: {  	v37 =	vor.u32 $0x1, v37  }
0x434: {  	v37 =	vbroadcast v37, $0x0;
	v38 =	vmul.f32 v36, v33  }
0x435: {  	v55 =	vmul.f32 v36, v34  }
0x436: {  	v38 =	vadd.f32 v38, v32  }
0x437: {  	s0 =	sadd.s32 $0x1C0, s0;
	v36 =	vadd.f32 v55, v35  }
0x438: {  	[tilespmem:s0+$0xFFFFFFF0] =	vst v38  }
0x439: {  	[tilespmem:s0+$0x0] =	vst v36  }
0x43a: {  	v36 =	vld.idx.msk [tilespmem:v37+s28+$0x0], $0xffff;
	_ =	sdelay $0x2  }
0x43b: {  	s1 =	simm.s32 $0x0  }
0x43c: {  	v56 =	vmov s1  }
0x43d: {  	v37 =	vor.u32 $0x2, v56;
	v57 =	vmul.f32 v36, v33  }
0x43e: {  	v59 =	vbroadcast v37, $0x0;
	v58 =	vmul.f32 v36, v34  }
0x43f: {  	v60 =	vadd.f32 v57, v32  }
0x440: {  	s0 =	sadd.s32 $0x1C0, s0;
	v61 =	vadd.f32 v58, v35  }
0x441: {  	[tilespmem:s0+$0xFFFFFFF0] =	vst v60  }
0x442: {  	[tilespmem:s0+$0x0] =	vst v61  }
0x443: {  	v33 =	vld [tilespmem:$0x16A40]  }
0x444: {  	v36 =	vld.idx.msk [tilespmem:v59+s28+$0x0], $0xffff  }
0x445: {  	v34 =	vld [tilespmem:$0x16A50]  }
0x446: {  	s24 =	simm.s32 $0x10;
	v32 =	vld [tilespmem:$0x16BE0]  }
0x447: {  	v62 =	vmov s24;
	v35 =	vld [tilespmem:$0x16BF0]  }
0x448: {  	v37 =	vor.u32 $0x2, v62  }
0x449: {  	v37 =	vbroadcast v37, $0x0;
	v63 =	vmul.f32 v36, v33  }
0x44a: {  	v36 =	vmul.f32 v36, v34  }
0x44b: {  	v38 =	vadd.f32 v63, v32  }
0x44c: {  	s0 =	simm.s32 $0x8270;
	v36 =	vadd.f32 v36, v35  }
0x44d: {  	[tilespmem:s0+$0xFFFFFFF0] =	vst v38  }
0x44e: {  	[tilespmem:s0+$0x0] =	vst v36  }
0x44f: {  	v36 =	vld.idx.msk [tilespmem:v37+s28+$0x0], $0xffff  }
0x450: {  	s31 =	simm.s32 $0x20  }
0x451: {  	s1 =	simm.s32 $0x3;
	v37 =	vmov s31  }
.LBB2_40:
0x452: {  	p0 =	sne.s32 s1, $0x7F;
	v37 =	vor.u32 $0x2, v37  }
0x453: {  	v37 =	vbroadcast v37, $0x0  }
0x454: {  	v38 =	vmul.f32 v36, v33;
	v36 =	vmul.f32 v36, v34;
	_ =	sdelay $0x1  }
0x455: {  	v38 =	vadd.f32 v38, v32;
	v36 =	vadd.f32 v36, v35  }
0x456: {  	s0 =	sadd.s32 $0x1C0, s0  }
0x457: {  	[tilespmem:s0+$0xFFFFFFF0] =	vst v38  }
.Ltmp19:
0x458: {  	[tilespmem:s0+$0x0] =	vst v36;
	(pc) =	sbr.rel @p0 .LBB2_40-.Ltmp19, $3  }
0x459: {  	v36 =	vld.idx.msk [tilespmem:v37+s28+$0x0], $0xffff;
	_ =	sdelay $0x1  }
0x45a: {  	s3 =	sshll.u32 s1, $0x4  }
0x45b: {  	s1 =	sadd.s32 $0x1, s1;
	v37 =	vmov s3  }
0x45c: {  	v37 =	vor.u32 $0x2, v37  }
0x45d: {  	v37 =	vbroadcast v37, $0x0;
	v38 =	vmul.f32 v36, v33  }
0x45e: {  	v55 =	vmul.f32 v36, v34  }
0x45f: {  	v38 =	vadd.f32 v38, v32  }
0x460: {  	s0 =	sadd.s32 $0x1C0, s0;
	v36 =	vadd.f32 v55, v35  }
0x461: {  	[tilespmem:s0+$0xFFFFFFF0] =	vst v38  }
0x462: {  	[tilespmem:s0+$0x0] =	vst v36  }
0x463: {  	v36 =	vld.idx.msk [tilespmem:v37+s28+$0x0], $0xffff;
	_ =	sdelay $0x2  }
0x464: {  	s1 =	simm.s32 $0x0  }
0x465: {  	v56 =	vmov s1  }
0x466: {  	v37 =	vor.u32 $0x3, v56;
	v57 =	vmul.f32 v36, v33  }
0x467: {  	v59 =	vbroadcast v37, $0x0;
	v58 =	vmul.f32 v36, v34  }
0x468: {  	v60 =	vadd.f32 v57, v32  }
0x469: {  	s0 =	sadd.s32 $0x1C0, s0;
	v61 =	vadd.f32 v58, v35  }
0x46a: {  	[tilespmem:s0+$0xFFFFFFF0] =	vst v60  }
0x46b: {  	[tilespmem:s0+$0x0] =	vst v61  }
0x46c: {  	v33 =	vld [tilespmem:$0x16A60]  }
0x46d: {  	v36 =	vld.idx.msk [tilespmem:v59+s28+$0x0], $0xffff  }
0x46e: {  	v34 =	vld [tilespmem:$0x16A70]  }
0x46f: {  	s24 =	simm.s32 $0x10;
	v32 =	vld [tilespmem:$0x16C00]  }
0x470: {  	v62 =	vmov s24;
	v35 =	vld [tilespmem:$0x16C10]  }
0x471: {  	v37 =	vor.u32 $0x3, v62  }
0x472: {  	v37 =	vbroadcast v37, $0x0;
	v63 =	vmul.f32 v36, v33  }
0x473: {  	v36 =	vmul.f32 v36, v34  }
0x474: {  	v38 =	vadd.f32 v63, v32  }
0x475: {  	s0 =	simm.s32 $0x8290;
	v36 =	vadd.f32 v36, v35  }
0x476: {  	[tilespmem:s0+$0xFFFFFFF0] =	vst v38  }
0x477: {  	[tilespmem:s0+$0x0] =	vst v36  }
0x478: {  	v36 =	vld.idx.msk [tilespmem:v37+s28+$0x0], $0xffff  }
0x479: {  	s31 =	simm.s32 $0x20  }
0x47a: {  	s1 =	simm.s32 $0x3;
	v37 =	vmov s31  }
.LBB2_42:
0x47b: {  	p0 =	sne.s32 s1, $0x7F;
	v37 =	vor.u32 $0x3, v37  }
0x47c: {  	v37 =	vbroadcast v37, $0x0  }
0x47d: {  	v38 =	vmul.f32 v36, v33;
	v36 =	vmul.f32 v36, v34;
	_ =	sdelay $0x1  }
0x47e: {  	v38 =	vadd.f32 v38, v32;
	v36 =	vadd.f32 v36, v35  }
0x47f: {  	s0 =	sadd.s32 $0x1C0, s0  }
0x480: {  	[tilespmem:s0+$0xFFFFFFF0] =	vst v38  }
.Ltmp20:
0x481: {  	[tilespmem:s0+$0x0] =	vst v36;
	(pc) =	sbr.rel @p0 .LBB2_42-.Ltmp20, $3  }
0x482: {  	v36 =	vld.idx.msk [tilespmem:v37+s28+$0x0], $0xffff;
	_ =	sdelay $0x1  }
0x483: {  	s3 =	sshll.u32 s1, $0x4  }
0x484: {  	s1 =	sadd.s32 $0x1, s1;
	v37 =	vmov s3  }
0x485: {  	v37 =	vor.u32 $0x3, v37  }
0x486: {  	v37 =	vbroadcast v37, $0x0;
	v38 =	vmul.f32 v36, v33  }
0x487: {  	v55 =	vmul.f32 v36, v34  }
0x488: {  	v38 =	vadd.f32 v38, v32  }
0x489: {  	s0 =	sadd.s32 $0x1C0, s0;
	v36 =	vadd.f32 v55, v35  }
0x48a: {  	[tilespmem:s0+$0xFFFFFFF0] =	vst v38  }
0x48b: {  	[tilespmem:s0+$0x0] =	vst v36  }
0x48c: {  	v36 =	vld.idx.msk [tilespmem:v37+s28+$0x0], $0xffff;
	_ =	sdelay $0x2  }
0x48d: {  	s1 =	simm.s32 $0x0  }
0x48e: {  	v56 =	vmov s1  }
0x48f: {  	v37 =	vor.u32 $0x4, v56;
	v57 =	vmul.f32 v36, v33  }
0x490: {  	v59 =	vbroadcast v37, $0x0;
	v58 =	vmul.f32 v36, v34  }
0x491: {  	v60 =	vadd.f32 v57, v32  }
0x492: {  	s0 =	sadd.s32 $0x1C0, s0;
	v61 =	vadd.f32 v58, v35  }
0x493: {  	[tilespmem:s0+$0xFFFFFFF0] =	vst v60  }
0x494: {  	[tilespmem:s0+$0x0] =	vst v61  }
0x495: {  	v33 =	vld [tilespmem:$0x16A80]  }
0x496: {  	v36 =	vld.idx.msk [tilespmem:v59+s28+$0x0], $0xffff  }
0x497: {  	v34 =	vld [tilespmem:$0x16A90]  }
0x498: {  	s24 =	simm.s32 $0x10;
	v32 =	vld [tilespmem:$0x16C20]  }
0x499: {  	v62 =	vmov s24;
	v35 =	vld [tilespmem:$0x16C30]  }
0x49a: {  	v37 =	vor.u32 $0x4, v62  }
0x49b: {  	v37 =	vbroadcast v37, $0x0;
	v63 =	vmul.f32 v36, v33  }
0x49c: {  	v36 =	vmul.f32 v36, v34  }
0x49d: {  	v38 =	vadd.f32 v63, v32  }
0x49e: {  	s0 =	simm.s32 $0x82B0;
	v36 =	vadd.f32 v36, v35  }
0x49f: {  	[tilespmem:s0+$0xFFFFFFF0] =	vst v38  }
0x4a0: {  	[tilespmem:s0+$0x0] =	vst v36  }
0x4a1: {  	v36 =	vld.idx.msk [tilespmem:v37+s28+$0x0], $0xffff  }
0x4a2: {  	s31 =	simm.s32 $0x20  }
0x4a3: {  	s1 =	simm.s32 $0x3;
	v37 =	vmov s31  }
.LBB2_44:
0x4a4: {  	p0 =	sne.s32 s1, $0x7F;
	v37 =	vor.u32 $0x4, v37  }
0x4a5: {  	v37 =	vbroadcast v37, $0x0  }
0x4a6: {  	v38 =	vmul.f32 v36, v33;
	v36 =	vmul.f32 v36, v34;
	_ =	sdelay $0x1  }
0x4a7: {  	v38 =	vadd.f32 v38, v32;
	v36 =	vadd.f32 v36, v35  }
0x4a8: {  	s0 =	sadd.s32 $0x1C0, s0  }
0x4a9: {  	[tilespmem:s0+$0xFFFFFFF0] =	vst v38  }
.Ltmp21:
0x4aa: {  	[tilespmem:s0+$0x0] =	vst v36;
	(pc) =	sbr.rel @p0 .LBB2_44-.Ltmp21, $3  }
0x4ab: {  	v36 =	vld.idx.msk [tilespmem:v37+s28+$0x0], $0xffff;
	_ =	sdelay $0x1  }
0x4ac: {  	s3 =	sshll.u32 s1, $0x4  }
0x4ad: {  	s1 =	sadd.s32 $0x1, s1;
	v37 =	vmov s3  }
0x4ae: {  	v37 =	vor.u32 $0x4, v37  }
0x4af: {  	v37 =	vbroadcast v37, $0x0;
	v38 =	vmul.f32 v36, v33  }
0x4b0: {  	v55 =	vmul.f32 v36, v34  }
0x4b1: {  	v38 =	vadd.f32 v38, v32  }
0x4b2: {  	s0 =	sadd.s32 $0x1C0, s0;
	v36 =	vadd.f32 v55, v35  }
0x4b3: {  	[tilespmem:s0+$0xFFFFFFF0] =	vst v38  }
0x4b4: {  	[tilespmem:s0+$0x0] =	vst v36  }
0x4b5: {  	v36 =	vld.idx.msk [tilespmem:v37+s28+$0x0], $0xffff;
	_ =	sdelay $0x2  }
0x4b6: {  	s1 =	simm.s32 $0x0  }
0x4b7: {  	v56 =	vmov s1  }
0x4b8: {  	v37 =	vor.u32 $0x5, v56;
	v57 =	vmul.f32 v36, v33  }
0x4b9: {  	v59 =	vbroadcast v37, $0x0;
	v58 =	vmul.f32 v36, v34  }
0x4ba: {  	v60 =	vadd.f32 v57, v32  }
0x4bb: {  	s0 =	sadd.s32 $0x1C0, s0;
	v61 =	vadd.f32 v58, v35  }
0x4bc: {  	[tilespmem:s0+$0xFFFFFFF0] =	vst v60  }
0x4bd: {  	[tilespmem:s0+$0x0] =	vst v61  }
0x4be: {  	v33 =	vld [tilespmem:$0x16AA0]  }
0x4bf: {  	v36 =	vld.idx.msk [tilespmem:v59+s28+$0x0], $0xffff  }
0x4c0: {  	v34 =	vld [tilespmem:$0x16AB0]  }
0x4c1: {  	s24 =	simm.s32 $0x10;
	v32 =	vld [tilespmem:$0x16C40]  }
0x4c2: {  	v62 =	vmov s24;
	v35 =	vld [tilespmem:$0x16C50]  }
0x4c3: {  	v37 =	vor.u32 $0x5, v62  }
0x4c4: {  	v37 =	vbroadcast v37, $0x0;
	v63 =	vmul.f32 v36, v33  }
0x4c5: {  	v36 =	vmul.f32 v36, v34  }
0x4c6: {  	v38 =	vadd.f32 v63, v32  }
0x4c7: {  	s0 =	simm.s32 $0x82D0;
	v36 =	vadd.f32 v36, v35  }
0x4c8: {  	[tilespmem:s0+$0xFFFFFFF0] =	vst v38  }
0x4c9: {  	[tilespmem:s0+$0x0] =	vst v36  }
0x4ca: {  	v36 =	vld.idx.msk [tilespmem:v37+s28+$0x0], $0xffff  }
0x4cb: {  	s31 =	simm.s32 $0x20  }
0x4cc: {  	s1 =	simm.s32 $0x3;
	v37 =	vmov s31  }
.LBB2_46:
0x4cd: {  	p0 =	sne.s32 s1, $0x7F;
	v37 =	vor.u32 $0x5, v37  }
0x4ce: {  	v37 =	vbroadcast v37, $0x0  }
0x4cf: {  	v38 =	vmul.f32 v36, v33;
	v36 =	vmul.f32 v36, v34;
	_ =	sdelay $0x1  }
0x4d0: {  	v38 =	vadd.f32 v38, v32;
	v36 =	vadd.f32 v36, v35  }
0x4d1: {  	s0 =	sadd.s32 $0x1C0, s0  }
0x4d2: {  	[tilespmem:s0+$0xFFFFFFF0] =	vst v38  }
.Ltmp22:
0x4d3: {  	[tilespmem:s0+$0x0] =	vst v36;
	(pc) =	sbr.rel @p0 .LBB2_46-.Ltmp22, $3  }
0x4d4: {  	v36 =	vld.idx.msk [tilespmem:v37+s28+$0x0], $0xffff;
	_ =	sdelay $0x1  }
0x4d5: {  	s3 =	sshll.u32 s1, $0x4  }
0x4d6: {  	s1 =	sadd.s32 $0x1, s1;
	v37 =	vmov s3  }
0x4d7: {  	v37 =	vor.u32 $0x5, v37  }
0x4d8: {  	v37 =	vbroadcast v37, $0x0;
	v38 =	vmul.f32 v36, v33  }
0x4d9: {  	v55 =	vmul.f32 v36, v34  }
0x4da: {  	v38 =	vadd.f32 v38, v32  }
0x4db: {  	s0 =	sadd.s32 $0x1C0, s0;
	v36 =	vadd.f32 v55, v35  }
0x4dc: {  	[tilespmem:s0+$0xFFFFFFF0] =	vst v38  }
0x4dd: {  	[tilespmem:s0+$0x0] =	vst v36  }
0x4de: {  	v36 =	vld.idx.msk [tilespmem:v37+s28+$0x0], $0xffff;
	_ =	sdelay $0x2  }
0x4df: {  	s1 =	simm.s32 $0x0  }
0x4e0: {  	v56 =	vmov s1  }
0x4e1: {  	v37 =	vor.u32 $0x6, v56;
	v57 =	vmul.f32 v36, v33  }
0x4e2: {  	v59 =	vbroadcast v37, $0x0;
	v58 =	vmul.f32 v36, v34  }
0x4e3: {  	v60 =	vadd.f32 v57, v32  }
0x4e4: {  	s0 =	sadd.s32 $0x1C0, s0;
	v61 =	vadd.f32 v58, v35  }
0x4e5: {  	[tilespmem:s0+$0xFFFFFFF0] =	vst v60  }
0x4e6: {  	[tilespmem:s0+$0x0] =	vst v61  }
0x4e7: {  	v33 =	vld [tilespmem:$0x16AC0]  }
0x4e8: {  	v36 =	vld.idx.msk [tilespmem:v59+s28+$0x0], $0xffff  }
0x4e9: {  	v34 =	vld [tilespmem:$0x16AD0]  }
0x4ea: {  	s24 =	simm.s32 $0x10;
	v32 =	vld [tilespmem:$0x16C60]  }
0x4eb: {  	v62 =	vmov s24;
	v35 =	vld [tilespmem:$0x16C70]  }
0x4ec: {  	v37 =	vor.u32 $0x6, v62  }
0x4ed: {  	v37 =	vbroadcast v37, $0x0;
	v63 =	vmul.f32 v36, v33  }
0x4ee: {  	v36 =	vmul.f32 v36, v34  }
0x4ef: {  	v38 =	vadd.f32 v63, v32  }
0x4f0: {  	s0 =	simm.s32 $0x82F0;
	v36 =	vadd.f32 v36, v35  }
0x4f1: {  	[tilespmem:s0+$0xFFFFFFF0] =	vst v38  }
0x4f2: {  	[tilespmem:s0+$0x0] =	vst v36  }
0x4f3: {  	v36 =	vld.idx.msk [tilespmem:v37+s28+$0x0], $0xffff  }
0x4f4: {  	s31 =	simm.s32 $0x20  }
0x4f5: {  	s1 =	simm.s32 $0x3;
	v37 =	vmov s31  }
.LBB2_48:
0x4f6: {  	p0 =	sne.s32 s1, $0x7F;
	v37 =	vor.u32 $0x6, v37  }
0x4f7: {  	v37 =	vbroadcast v37, $0x0  }
0x4f8: {  	v38 =	vmul.f32 v36, v33;
	v36 =	vmul.f32 v36, v34;
	_ =	sdelay $0x1  }
0x4f9: {  	v38 =	vadd.f32 v38, v32;
	v36 =	vadd.f32 v36, v35  }
0x4fa: {  	s0 =	sadd.s32 $0x1C0, s0  }
0x4fb: {  	[tilespmem:s0+$0xFFFFFFF0] =	vst v38  }
.Ltmp23:
0x4fc: {  	[tilespmem:s0+$0x0] =	vst v36;
	(pc) =	sbr.rel @p0 .LBB2_48-.Ltmp23, $3  }
0x4fd: {  	v36 =	vld.idx.msk [tilespmem:v37+s28+$0x0], $0xffff;
	_ =	sdelay $0x1  }
0x4fe: {  	s3 =	sshll.u32 s1, $0x4  }
0x4ff: {  	s1 =	sadd.s32 $0x1, s1;
	v37 =	vmov s3  }
0x500: {  	v37 =	vor.u32 $0x6, v37  }
0x501: {  	v37 =	vbroadcast v37, $0x0;
	v38 =	vmul.f32 v36, v33  }
0x502: {  	v55 =	vmul.f32 v36, v34  }
0x503: {  	v38 =	vadd.f32 v38, v32  }
0x504: {  	s0 =	sadd.s32 $0x1C0, s0;
	v36 =	vadd.f32 v55, v35  }
0x505: {  	[tilespmem:s0+$0xFFFFFFF0] =	vst v38  }
0x506: {  	[tilespmem:s0+$0x0] =	vst v36  }
0x507: {  	v36 =	vld.idx.msk [tilespmem:v37+s28+$0x0], $0xffff;
	_ =	sdelay $0x2  }
0x508: {  	s1 =	simm.s32 $0x0  }
0x509: {  	v56 =	vmov s1  }
0x50a: {  	v37 =	vor.u32 $0x7, v56;
	v57 =	vmul.f32 v36, v33  }
0x50b: {  	v59 =	vbroadcast v37, $0x0;
	v58 =	vmul.f32 v36, v34  }
0x50c: {  	v60 =	vadd.f32 v57, v32  }
0x50d: {  	s0 =	sadd.s32 $0x1C0, s0;
	v61 =	vadd.f32 v58, v35  }
0x50e: {  	[tilespmem:s0+$0xFFFFFFF0] =	vst v60  }
0x50f: {  	[tilespmem:s0+$0x0] =	vst v61  }
0x510: {  	v33 =	vld [tilespmem:$0x16AE0]  }
0x511: {  	v36 =	vld.idx.msk [tilespmem:v59+s28+$0x0], $0xffff  }
0x512: {  	v34 =	vld [tilespmem:$0x16AF0]  }
0x513: {  	s24 =	simm.s32 $0x10;
	v32 =	vld [tilespmem:$0x16C80]  }
0x514: {  	v62 =	vmov s24;
	v35 =	vld [tilespmem:$0x16C90]  }
0x515: {  	v37 =	vor.u32 $0x7, v62  }
0x516: {  	v37 =	vbroadcast v37, $0x0;
	v63 =	vmul.f32 v36, v33  }
0x517: {  	v36 =	vmul.f32 v36, v34  }
0x518: {  	v38 =	vadd.f32 v63, v32  }
0x519: {  	s0 =	simm.s32 $0x8310;
	v36 =	vadd.f32 v36, v35  }
0x51a: {  	[tilespmem:s0+$0xFFFFFFF0] =	vst v38  }
0x51b: {  	[tilespmem:s0+$0x0] =	vst v36  }
0x51c: {  	v36 =	vld.idx.msk [tilespmem:v37+s28+$0x0], $0xffff  }
0x51d: {  	s31 =	simm.s32 $0x20  }
0x51e: {  	s1 =	simm.s32 $0x3;
	v37 =	vmov s31  }
.LBB2_50:
0x51f: {  	p0 =	sne.s32 s1, $0x7F;
	v37 =	vor.u32 $0x7, v37  }
0x520: {  	v37 =	vbroadcast v37, $0x0  }
0x521: {  	v38 =	vmul.f32 v36, v33;
	v36 =	vmul.f32 v36, v34;
	_ =	sdelay $0x1  }
0x522: {  	v38 =	vadd.f32 v38, v32;
	v36 =	vadd.f32 v36, v35  }
0x523: {  	s0 =	sadd.s32 $0x1C0, s0  }
0x524: {  	[tilespmem:s0+$0xFFFFFFF0] =	vst v38  }
.Ltmp24:
0x525: {  	[tilespmem:s0+$0x0] =	vst v36;
	(pc) =	sbr.rel @p0 .LBB2_50-.Ltmp24, $3  }
0x526: {  	v36 =	vld.idx.msk [tilespmem:v37+s28+$0x0], $0xffff;
	_ =	sdelay $0x1  }
0x527: {  	s3 =	sshll.u32 s1, $0x4  }
0x528: {  	s1 =	sadd.s32 $0x1, s1;
	v37 =	vmov s3  }
0x529: {  	v37 =	vor.u32 $0x7, v37  }
0x52a: {  	v37 =	vbroadcast v37, $0x0;
	v38 =	vmul.f32 v36, v33  }
0x52b: {  	v55 =	vmul.f32 v36, v34  }
0x52c: {  	v38 =	vadd.f32 v38, v32  }
0x52d: {  	s0 =	sadd.s32 $0x1C0, s0;
	v36 =	vadd.f32 v55, v35  }
0x52e: {  	[tilespmem:s0+$0xFFFFFFF0] =	vst v38  }
0x52f: {  	[tilespmem:s0+$0x0] =	vst v36  }
0x530: {  	v36 =	vld.idx.msk [tilespmem:v37+s28+$0x0], $0xffff;
	_ =	sdelay $0x2  }
0x531: {  	s1 =	simm.s32 $0x0  }
0x532: {  	v56 =	vmov s1  }
0x533: {  	v37 =	vor.u32 $0x8, v56;
	v57 =	vmul.f32 v36, v33  }
0x534: {  	v59 =	vbroadcast v37, $0x0;
	v58 =	vmul.f32 v36, v34  }
0x535: {  	v60 =	vadd.f32 v57, v32  }
0x536: {  	s0 =	sadd.s32 $0x1C0, s0;
	v61 =	vadd.f32 v58, v35  }
0x537: {  	[tilespmem:s0+$0xFFFFFFF0] =	vst v60  }
0x538: {  	[tilespmem:s0+$0x0] =	vst v61  }
0x539: {  	v33 =	vld [tilespmem:$0x16B00]  }
0x53a: {  	v36 =	vld.idx.msk [tilespmem:v59+s28+$0x0], $0xffff  }
0x53b: {  	v34 =	vld [tilespmem:$0x16B10]  }
0x53c: {  	s24 =	simm.s32 $0x10;
	v32 =	vld [tilespmem:$0x16CA0]  }
0x53d: {  	v62 =	vmov s24;
	v35 =	vld [tilespmem:$0x16CB0]  }
0x53e: {  	v37 =	vor.u32 $0x8, v62  }
0x53f: {  	v37 =	vbroadcast v37, $0x0;
	v63 =	vmul.f32 v36, v33  }
0x540: {  	v36 =	vmul.f32 v36, v34  }
0x541: {  	v38 =	vadd.f32 v63, v32  }
0x542: {  	s0 =	simm.s32 $0x8330;
	v36 =	vadd.f32 v36, v35  }
0x543: {  	[tilespmem:s0+$0xFFFFFFF0] =	vst v38  }
0x544: {  	[tilespmem:s0+$0x0] =	vst v36  }
0x545: {  	v36 =	vld.idx.msk [tilespmem:v37+s28+$0x0], $0xffff  }
0x546: {  	s31 =	simm.s32 $0x20  }
0x547: {  	s1 =	simm.s32 $0x3;
	v37 =	vmov s31  }
.LBB2_52:
0x548: {  	p0 =	sne.s32 s1, $0x7F;
	v37 =	vor.u32 $0x8, v37  }
0x549: {  	v37 =	vbroadcast v37, $0x0  }
0x54a: {  	v38 =	vmul.f32 v36, v33;
	v36 =	vmul.f32 v36, v34;
	_ =	sdelay $0x1  }
0x54b: {  	v38 =	vadd.f32 v38, v32;
	v36 =	vadd.f32 v36, v35  }
0x54c: {  	s0 =	sadd.s32 $0x1C0, s0  }
0x54d: {  	[tilespmem:s0+$0xFFFFFFF0] =	vst v38  }
.Ltmp25:
0x54e: {  	[tilespmem:s0+$0x0] =	vst v36;
	(pc) =	sbr.rel @p0 .LBB2_52-.Ltmp25, $3  }
0x54f: {  	v36 =	vld.idx.msk [tilespmem:v37+s28+$0x0], $0xffff;
	_ =	sdelay $0x1  }
0x550: {  	s3 =	sshll.u32 s1, $0x4  }
0x551: {  	s1 =	sadd.s32 $0x1, s1;
	v37 =	vmov s3  }
0x552: {  	v37 =	vor.u32 $0x8, v37  }
0x553: {  	v37 =	vbroadcast v37, $0x0;
	v38 =	vmul.f32 v36, v33  }
0x554: {  	v55 =	vmul.f32 v36, v34  }
0x555: {  	v38 =	vadd.f32 v38, v32  }
0x556: {  	s0 =	sadd.s32 $0x1C0, s0;
	v36 =	vadd.f32 v55, v35  }
0x557: {  	[tilespmem:s0+$0xFFFFFFF0] =	vst v38  }
0x558: {  	[tilespmem:s0+$0x0] =	vst v36  }
0x559: {  	v36 =	vld.idx.msk [tilespmem:v37+s28+$0x0], $0xffff;
	_ =	sdelay $0x2  }
0x55a: {  	s1 =	simm.s32 $0x0  }
0x55b: {  	v56 =	vmov s1  }
0x55c: {  	v37 =	vor.u32 $0x9, v56;
	v57 =	vmul.f32 v36, v33  }
0x55d: {  	v59 =	vbroadcast v37, $0x0;
	v58 =	vmul.f32 v36, v34  }
0x55e: {  	v60 =	vadd.f32 v57, v32  }
0x55f: {  	s0 =	sadd.s32 $0x1C0, s0;
	v61 =	vadd.f32 v58, v35  }
0x560: {  	[tilespmem:s0+$0xFFFFFFF0] =	vst v60  }
0x561: {  	[tilespmem:s0+$0x0] =	vst v61  }
0x562: {  	v33 =	vld [tilespmem:$0x16B20]  }
0x563: {  	v36 =	vld.idx.msk [tilespmem:v59+s28+$0x0], $0xffff  }
0x564: {  	v34 =	vld [tilespmem:$0x16B30]  }
0x565: {  	s24 =	simm.s32 $0x10;
	v32 =	vld [tilespmem:$0x16CC0]  }
0x566: {  	v62 =	vmov s24;
	v35 =	vld [tilespmem:$0x16CD0]  }
0x567: {  	v37 =	vor.u32 $0x9, v62  }
0x568: {  	v37 =	vbroadcast v37, $0x0;
	v63 =	vmul.f32 v36, v33  }
0x569: {  	v36 =	vmul.f32 v36, v34  }
0x56a: {  	v38 =	vadd.f32 v63, v32  }
0x56b: {  	s0 =	simm.s32 $0x8350;
	v36 =	vadd.f32 v36, v35  }
0x56c: {  	[tilespmem:s0+$0xFFFFFFF0] =	vst v38  }
0x56d: {  	[tilespmem:s0+$0x0] =	vst v36  }
0x56e: {  	v36 =	vld.idx.msk [tilespmem:v37+s28+$0x0], $0xffff  }
0x56f: {  	s31 =	simm.s32 $0x20  }
0x570: {  	s1 =	simm.s32 $0x3;
	v37 =	vmov s31  }
.LBB2_54:
0x571: {  	p0 =	sne.s32 s1, $0x7F;
	v37 =	vor.u32 $0x9, v37  }
0x572: {  	v37 =	vbroadcast v37, $0x0  }
0x573: {  	v38 =	vmul.f32 v36, v33;
	v36 =	vmul.f32 v36, v34;
	_ =	sdelay $0x1  }
0x574: {  	v38 =	vadd.f32 v38, v32;
	v36 =	vadd.f32 v36, v35  }
0x575: {  	s0 =	sadd.s32 $0x1C0, s0  }
0x576: {  	[tilespmem:s0+$0xFFFFFFF0] =	vst v38  }
.Ltmp26:
0x577: {  	[tilespmem:s0+$0x0] =	vst v36;
	(pc) =	sbr.rel @p0 .LBB2_54-.Ltmp26, $3  }
0x578: {  	v36 =	vld.idx.msk [tilespmem:v37+s28+$0x0], $0xffff;
	_ =	sdelay $0x1  }
0x579: {  	s3 =	sshll.u32 s1, $0x4  }
0x57a: {  	s1 =	sadd.s32 $0x1, s1;
	v37 =	vmov s3  }
0x57b: {  	v37 =	vor.u32 $0x9, v37  }
0x57c: {  	v37 =	vbroadcast v37, $0x0;
	v38 =	vmul.f32 v36, v33  }
0x57d: {  	v55 =	vmul.f32 v36, v34  }
0x57e: {  	v38 =	vadd.f32 v38, v32  }
0x57f: {  	s0 =	sadd.s32 $0x1C0, s0;
	v36 =	vadd.f32 v55, v35  }
0x580: {  	[tilespmem:s0+$0xFFFFFFF0] =	vst v38  }
0x581: {  	[tilespmem:s0+$0x0] =	vst v36  }
0x582: {  	v36 =	vld.idx.msk [tilespmem:v37+s28+$0x0], $0xffff;
	_ =	sdelay $0x2  }
0x583: {  	s1 =	simm.s32 $0x0  }
0x584: {  	v56 =	vmov s1  }
0x585: {  	v37 =	vor.u32 $0xA, v56;
	v57 =	vmul.f32 v36, v33  }
0x586: {  	v59 =	vbroadcast v37, $0x0;
	v58 =	vmul.f32 v36, v34  }
0x587: {  	v60 =	vadd.f32 v57, v32  }
0x588: {  	s0 =	sadd.s32 $0x1C0, s0;
	v61 =	vadd.f32 v58, v35  }
0x589: {  	[tilespmem:s0+$0xFFFFFFF0] =	vst v60  }
0x58a: {  	[tilespmem:s0+$0x0] =	vst v61  }
0x58b: {  	v33 =	vld [tilespmem:$0x16B40]  }
0x58c: {  	v36 =	vld.idx.msk [tilespmem:v59+s28+$0x0], $0xffff  }
0x58d: {  	v34 =	vld [tilespmem:$0x16B50]  }
0x58e: {  	s24 =	simm.s32 $0x10;
	v32 =	vld [tilespmem:$0x16CE0]  }
0x58f: {  	v62 =	vmov s24;
	v35 =	vld [tilespmem:$0x16CF0]  }
0x590: {  	v37 =	vor.u32 $0xA, v62  }
0x591: {  	v37 =	vbroadcast v37, $0x0;
	v63 =	vmul.f32 v36, v33  }
0x592: {  	v36 =	vmul.f32 v36, v34  }
0x593: {  	v38 =	vadd.f32 v63, v32  }
0x594: {  	s0 =	simm.s32 $0x8370;
	v36 =	vadd.f32 v36, v35  }
0x595: {  	[tilespmem:s0+$0xFFFFFFF0] =	vst v38  }
0x596: {  	[tilespmem:s0+$0x0] =	vst v36  }
0x597: {  	v36 =	vld.idx.msk [tilespmem:v37+s28+$0x0], $0xffff  }
0x598: {  	s31 =	simm.s32 $0x20  }
0x599: {  	s1 =	simm.s32 $0x3;
	v37 =	vmov s31  }
.LBB2_56:
0x59a: {  	p0 =	sne.s32 s1, $0x7F;
	v37 =	vor.u32 $0xA, v37  }
0x59b: {  	v37 =	vbroadcast v37, $0x0  }
0x59c: {  	v38 =	vmul.f32 v36, v33;
	v36 =	vmul.f32 v36, v34;
	_ =	sdelay $0x1  }
0x59d: {  	v38 =	vadd.f32 v38, v32;
	v36 =	vadd.f32 v36, v35  }
0x59e: {  	s0 =	sadd.s32 $0x1C0, s0  }
0x59f: {  	[tilespmem:s0+$0xFFFFFFF0] =	vst v38  }
.Ltmp27:
0x5a0: {  	[tilespmem:s0+$0x0] =	vst v36;
	(pc) =	sbr.rel @p0 .LBB2_56-.Ltmp27, $3  }
0x5a1: {  	v36 =	vld.idx.msk [tilespmem:v37+s28+$0x0], $0xffff;
	_ =	sdelay $0x1  }
0x5a2: {  	s3 =	sshll.u32 s1, $0x4  }
0x5a3: {  	s1 =	sadd.s32 $0x1, s1;
	v37 =	vmov s3  }
0x5a4: {  	v37 =	vor.u32 $0xA, v37  }
0x5a5: {  	v37 =	vbroadcast v37, $0x0;
	v38 =	vmul.f32 v36, v33  }
0x5a6: {  	v55 =	vmul.f32 v36, v34  }
0x5a7: {  	v38 =	vadd.f32 v38, v32  }
0x5a8: {  	s0 =	sadd.s32 $0x1C0, s0;
	v36 =	vadd.f32 v55, v35  }
0x5a9: {  	[tilespmem:s0+$0xFFFFFFF0] =	vst v38  }
0x5aa: {  	[tilespmem:s0+$0x0] =	vst v36  }
0x5ab: {  	v36 =	vld.idx.msk [tilespmem:v37+s28+$0x0], $0xffff;
	_ =	sdelay $0x2  }
0x5ac: {  	s1 =	simm.s32 $0x0  }
0x5ad: {  	v56 =	vmov s1  }
0x5ae: {  	v37 =	vor.u32 $0xB, v56;
	v57 =	vmul.f32 v36, v33  }
0x5af: {  	v59 =	vbroadcast v37, $0x0;
	v58 =	vmul.f32 v36, v34  }
0x5b0: {  	v60 =	vadd.f32 v57, v32  }
0x5b1: {  	s0 =	sadd.s32 $0x1C0, s0;
	v61 =	vadd.f32 v58, v35  }
0x5b2: {  	[tilespmem:s0+$0xFFFFFFF0] =	vst v60  }
0x5b3: {  	[tilespmem:s0+$0x0] =	vst v61  }
0x5b4: {  	v33 =	vld [tilespmem:$0x16B60]  }
0x5b5: {  	v36 =	vld.idx.msk [tilespmem:v59+s28+$0x0], $0xffff  }
0x5b6: {  	v34 =	vld [tilespmem:$0x16B70]  }
0x5b7: {  	s24 =	simm.s32 $0x10;
	v32 =	vld [tilespmem:$0x16D00]  }
0x5b8: {  	v62 =	vmov s24;
	v35 =	vld [tilespmem:$0x16D10]  }
0x5b9: {  	v37 =	vor.u32 $0xB, v62  }
0x5ba: {  	v37 =	vbroadcast v37, $0x0;
	v63 =	vmul.f32 v36, v33  }
0x5bb: {  	v36 =	vmul.f32 v36, v34  }
0x5bc: {  	v38 =	vadd.f32 v63, v32  }
0x5bd: {  	s0 =	simm.s32 $0x8390;
	v36 =	vadd.f32 v36, v35  }
0x5be: {  	[tilespmem:s0+$0xFFFFFFF0] =	vst v38  }
0x5bf: {  	[tilespmem:s0+$0x0] =	vst v36  }
0x5c0: {  	v36 =	vld.idx.msk [tilespmem:v37+s28+$0x0], $0xffff  }
0x5c1: {  	s31 =	simm.s32 $0x20  }
0x5c2: {  	s1 =	simm.s32 $0x3;
	v37 =	vmov s31  }
.LBB2_58:
0x5c3: {  	p0 =	sne.s32 s1, $0x7F;
	v37 =	vor.u32 $0xB, v37  }
0x5c4: {  	v37 =	vbroadcast v37, $0x0  }
0x5c5: {  	v38 =	vmul.f32 v36, v33;
	v36 =	vmul.f32 v36, v34;
	_ =	sdelay $0x1  }
0x5c6: {  	v38 =	vadd.f32 v38, v32;
	v36 =	vadd.f32 v36, v35  }
0x5c7: {  	s0 =	sadd.s32 $0x1C0, s0  }
0x5c8: {  	[tilespmem:s0+$0xFFFFFFF0] =	vst v38  }
.Ltmp28:
0x5c9: {  	[tilespmem:s0+$0x0] =	vst v36;
	(pc) =	sbr.rel @p0 .LBB2_58-.Ltmp28, $3  }
0x5ca: {  	v36 =	vld.idx.msk [tilespmem:v37+s28+$0x0], $0xffff;
	_ =	sdelay $0x1  }
0x5cb: {  	s3 =	sshll.u32 s1, $0x4  }
0x5cc: {  	s1 =	sadd.s32 $0x1, s1;
	v37 =	vmov s3  }
0x5cd: {  	v37 =	vor.u32 $0xB, v37  }
0x5ce: {  	v37 =	vbroadcast v37, $0x0;
	v38 =	vmul.f32 v36, v33  }
0x5cf: {  	v55 =	vmul.f32 v36, v34  }
0x5d0: {  	v38 =	vadd.f32 v38, v32  }
0x5d1: {  	s0 =	sadd.s32 $0x1C0, s0;
	v36 =	vadd.f32 v55, v35  }
0x5d2: {  	[tilespmem:s0+$0xFFFFFFF0] =	vst v38  }
0x5d3: {  	[tilespmem:s0+$0x0] =	vst v36  }
0x5d4: {  	v36 =	vld.idx.msk [tilespmem:v37+s28+$0x0], $0xffff;
	_ =	sdelay $0x2  }
0x5d5: {  	s1 =	simm.s32 $0x0  }
0x5d6: {  	v56 =	vmov s1  }
0x5d7: {  	v37 =	vor.u32 $0xC, v56;
	v57 =	vmul.f32 v36, v33  }
0x5d8: {  	v59 =	vbroadcast v37, $0x0;
	v58 =	vmul.f32 v36, v34  }
0x5d9: {  	v60 =	vadd.f32 v57, v32  }
0x5da: {  	s0 =	sadd.s32 $0x1C0, s0;
	v61 =	vadd.f32 v58, v35  }
0x5db: {  	[tilespmem:s0+$0xFFFFFFF0] =	vst v60  }
0x5dc: {  	[tilespmem:s0+$0x0] =	vst v61  }
0x5dd: {  	v32 =	vld [tilespmem:$0x16B80]  }
0x5de: {  	v36 =	vld.idx.msk [tilespmem:v59+s28+$0x0], $0xffff  }
0x5df: {  	v33 =	vld [tilespmem:$0x16B90]  }
0x5e0: {  	s24 =	simm.s32 $0x10;
	v34 =	vld [tilespmem:$0x16D20]  }
0x5e1: {  	v62 =	vmov s24;
	v35 =	vld [tilespmem:$0x16D30]  }
0x5e2: {  	v37 =	vor.u32 $0xC, v62  }
0x5e3: {  	v37 =	vbroadcast v37, $0x0;
	v63 =	vmul.f32 v36, v32  }
0x5e4: {  	v36 =	vmul.f32 v36, v33  }
0x5e5: {  	v38 =	vadd.f32 v63, v34  }
0x5e6: {  	s0 =	simm.s32 $0x83B0;
	v36 =	vadd.f32 v36, v35  }
0x5e7: {  	[tilespmem:s0+$0xFFFFFFF0] =	vst v38  }
0x5e8: {  	[tilespmem:s0+$0x0] =	vst v36  }
0x5e9: {  	v36 =	vld.idx.msk [tilespmem:v37+s28+$0x0], $0xffff  }
0x5ea: {  	s31 =	simm.s32 $0x20  }
0x5eb: {  	s1 =	simm.s32 $0x3;
	v37 =	vmov s31  }
.LBB2_60:
0x5ec: {  	p0 =	sne.s32 s1, $0x7F;
	v37 =	vor.u32 $0xC, v37  }
0x5ed: {  	v37 =	vbroadcast v37, $0x0  }
0x5ee: {  	v38 =	vmul.f32 v36, v32;
	v36 =	vmul.f32 v36, v33;
	_ =	sdelay $0x1  }
0x5ef: {  	v38 =	vadd.f32 v38, v34;
	v36 =	vadd.f32 v36, v35  }
0x5f0: {  	s0 =	sadd.s32 $0x1C0, s0  }
0x5f1: {  	[tilespmem:s0+$0xFFFFFFF0] =	vst v38  }
.Ltmp29:
0x5f2: {  	[tilespmem:s0+$0x0] =	vst v36;
	(pc) =	sbr.rel @p0 .LBB2_60-.Ltmp29, $3  }
0x5f3: {  	v36 =	vld.idx.msk [tilespmem:v37+s28+$0x0], $0xffff;
	_ =	sdelay $0x1  }
0x5f4: {  	s3 =	sshll.u32 s1, $0x4  }
0x5f5: {  	s1 =	sadd.s32 $0x1, s1;
	v37 =	vmov s3  }
0x5f6: {  	v37 =	vor.u32 $0xC, v37  }
0x5f7: {  	v37 =	vbroadcast v37, $0x0;
	v38 =	vmul.f32 v36, v32  }
0x5f8: {  	v61 =	vmul.f32 v36, v33  }
0x5f9: {  	v38 =	vadd.f32 v38, v34  }
0x5fa: {  	s0 =	sadd.s32 $0x1C0, s0;
	v36 =	vadd.f32 v61, v35  }
0x5fb: {  	[tilespmem:s0+$0xFFFFFFF0] =	vst v38  }
0x5fc: {  	[tilespmem:s0+$0x0] =	vst v36  }
0x5fd: {  	v36 =	vld.idx.msk [tilespmem:v37+s28+$0x0], $0xffff;
	_ =	sdelay $0x4  }
0x5fe: {  	v62 =	vmul.f32 v36, v32  }
0x5ff: {  	v63 =	vmul.f32 v36, v33  }
0x600: {  	v32 =	vadd.f32 v62, v34  }
0x601: {  	s1 =	sadd.s32 $0x1C0, s0;
	v33 =	vadd.f32 v63, v35  }
0x602: {  	s24 =	sadd.s32 $0x0, s11;
	[tilespmem:s1+$0xFFFFFFF0] =	vst v32  }
0x603: {  	s3 =	simm.s32 $0x83C0;
	s0 =	simm.s32 $0x8200;
	[tilespmem:s1+$0x0] =	vst v33;
	s1 =	simm.s32 $0x280  }
.LBB2_62:
0x604: {  	[hbm4b:s24+s22] =	stream.strided.scatter [tilespmem:s0], [sflag:$0x2], $0x1C0, s29, s22, $0x38;
	[tilespmem:$0x16D60] =	vst v63  }
0x605: {  	s24 =	smov.u32 s1;
	s0 =	smov.u32 s3;
	p0 =	sne.s32 s1, $0x13D80  }
.Ltmp30:
0x606: {  	s1 =	sadd.s32 $0x280, s1;
	(pc) =	sbr.rel @p0 .LBB2_62-.Ltmp30, $2  }
0x607: {  	_ =	sdelay $0x2  }
0x608: {  	s3 =	sadd.s32 $0x1C0, s3;
	s24 =	sadd.s32 s24, s11  }
0x609: {  	[hbm4b:s24+s22] =	stream.strided.scatter [tilespmem:s0], [sflag:$0x2], $0x1C0, s29, s22, $0x38;
	[tilespmem:$0x16D60] =	vst v63  }
0x60a: {  	_ =	swait.ge [sflag:s19], $0xE000  }
0x60b: {  	[sflag:s19] =	ssyncset.done $0x0  }
0x60c: {  	s31 =	simm.s32 $0x0;
	[sflag:s19] =	ssyncadd.s32 $0xFFFF2000  }
0x60d: {  	[tilespmem:s28], [sflag:$0x2] =	stream.linear.gather [hbm4b:s12+s31], $0x800, $0x38;
	[tilespmem:$0x16D60] =	vst v63  }
0x60e: {  	_ =	swait.ge [sflag:s19], $0x800  }
0x60f: {  	[sflag:s19] =	ssyncset.done $0x0  }
0x610: {  	[sflag:s19] =	ssyncadd.s32 $0xFFFFF800  }
0x611: {  	v32 =	vld [tilespmem:$0x16D40]  }
0x612: {  	v33 =	vld [tilespmem:$0x16D50];
	_ =	sdelay $0x2  }
0x613: {  	s0 =	simm.s32 $0x700;
	s1 =	simm.s32 $0x0  }
.LBB2_64:
0x614: {  	p0 =	sne.s32 s0, $0x37900;
	[tilespmem:s1+$0x8200] =	vst v32;
	s3 =	smov.u32 s0;
	s0 =	sadd.s32 $0x700, s0  }
.Ltmp31:
0x615: {  	[tilespmem:s1+$0x8210] =	vst v33;
	(pc) =	sbr.rel @p0 .LBB2_64-.Ltmp31, $2  }
0x616: {  	_ =	sdelay $0x2  }
0x617: {  	s1 =	sshra.s32 s3, $0x2  }
0x618: {  	s0 =	simm.s32 $0x0  }
0x619: {  	v35 =	vmov s0;
	_ =	sdelay $0x1  }
0x61a: {  	[tilespmem:s1+$0x8200] =	vst v32  }
0x61b: {  	[tilespmem:s1+$0x8210] =	vst v33  }
0x61c: {  	v34 =	vld [tilespmem:$0x16A00]  }
0x61d: {  	v36 =	vld.idx.msk [tilespmem:v35+s28+$0x0], $0xffff  }
0x61e: {  	v35 =	vld [tilespmem:$0x16A10]  }
0x61f: {  	v32 =	vld [tilespmem:$0x16BA0]  }
0x620: {  	v33 =	vld [tilespmem:$0x16BB0];
	_ =	sdelay $0x1  }
0x621: {  	s31 =	simm.s32 $0x10;
	v37 =	vmul.f32 v36, v34  }
0x622: {  	v38 =	vmov s31;
	v36 =	vmul.f32 v36, v35  }
0x623: {  	v37 =	vadd.f32 v37, v32  }
0x624: {  	s0 =	simm.s32 $0x8230;
	v36 =	vadd.f32 v36, v33  }
0x625: {  	[tilespmem:s0+$0xFFFFFFF0] =	vst v37  }
0x626: {  	[tilespmem:s0+$0x0] =	vst v36  }
0x627: {  	v37 =	vld.idx.msk [tilespmem:v38+s28+$0x0], $0xffff;
	_ =	sdelay $0x4  }
0x628: {  	s3 =	simm.s32 $0x20;
	s1 =	simm.s32 $0x3;
	v36 =	vmul.f32 v37, v34;
	v37 =	vmul.f32 v37, v35  }
.LBB2_66:
0x629: {  	p0 =	sne.s32 s1, $0x7F;
	v38 =	vmov s3  }
0x62a: {  	v36 =	vadd.f32 v36, v32;
	v37 =	vadd.f32 v37, v33  }
0x62b: {  	s0 =	sadd.s32 $0x1C0, s0  }
0x62c: {  	[tilespmem:s0+$0xFFFFFFF0] =	vst v36  }
0x62d: {  	[tilespmem:s0+$0x0] =	vst v37  }
0x62e: {  	v37 =	vld.idx.msk [tilespmem:v38+s28+$0x0], $0xffff;
	_ =	sdelay $0x1  }
.Ltmp32:
0x62f: {  	(pc) =	sbr.rel @p0 .LBB2_66-.Ltmp32, $2  }
0x630: {  	_ =	sdelay $0x2  }
0x631: {  	s3 =	sshll.u32 s1, $0x4;
	s1 =	sadd.s32 $0x1, s1;
	v36 =	vmul.f32 v37, v34;
	v37 =	vmul.f32 v37, v35  }
0x632: {  	v38 =	vmov s3  }
0x633: {  	v36 =	vadd.f32 v36, v32  }
0x634: {  	s0 =	sadd.s32 $0x1C0, s0;
	v37 =	vadd.f32 v37, v33  }
0x635: {  	[tilespmem:s0+$0xFFFFFFF0] =	vst v36  }
0x636: {  	[tilespmem:s0+$0x0] =	vst v37  }
0x637: {  	v36 =	vld.idx.msk [tilespmem:v38+s28+$0x0], $0xffff;
	_ =	sdelay $0x2  }
0x638: {  	s1 =	simm.s32 $0x0  }
0x639: {  	v58 =	vmov s1  }
0x63a: {  	v37 =	vor.u32 $0x1, v58;
	v34 =	vmul.f32 v36, v34  }
0x63b: {  	v59 =	vbroadcast v37, $0x0;
	v35 =	vmul.f32 v36, v35  }
0x63c: {  	v60 =	vadd.f32 v34, v32  }
0x63d: {  	s0 =	sadd.s32 $0x1C0, s0;
	v61 =	vadd.f32 v35, v33  }
0x63e: {  	[tilespmem:s0+$0xFFFFFFF0] =	vst v60  }
0x63f: {  	[tilespmem:s0+$0x0] =	vst v61  }
0x640: {  	v33 =	vld [tilespmem:$0x16A20]  }
0x641: {  	v36 =	vld.idx.msk [tilespmem:v59+s28+$0x0], $0xffff  }
0x642: {  	v34 =	vld [tilespmem:$0x16A30]  }
0x643: {  	s24 =	simm.s32 $0x10;
	v32 =	vld [tilespmem:$0x16BC0]  }
0x644: {  	v62 =	vmov s24;
	v35 =	vld [tilespmem:$0x16BD0]  }
0x645: {  	v37 =	vor.u32 $0x1, v62  }
0x646: {  	v37 =	vbroadcast v37, $0x0;
	v63 =	vmul.f32 v36, v33  }
0x647: {  	v36 =	vmul.f32 v36, v34  }
0x648: {  	v38 =	vadd.f32 v63, v32  }
0x649: {  	s0 =	simm.s32 $0x8250;
	v36 =	vadd.f32 v36, v35  }
0x64a: {  	[tilespmem:s0+$0xFFFFFFF0] =	vst v38  }
0x64b: {  	[tilespmem:s0+$0x0] =	vst v36  }
0x64c: {  	v36 =	vld.idx.msk [tilespmem:v37+s28+$0x0], $0xffff  }
0x64d: {  	s31 =	simm.s32 $0x20  }
0x64e: {  	s1 =	simm.s32 $0x3;
	v37 =	vmov s31  }
.LBB2_68:
0x64f: {  	p0 =	sne.s32 s1, $0x7F;
	v37 =	vor.u32 $0x1, v37  }
0x650: {  	v37 =	vbroadcast v37, $0x0  }
0x651: {  	v38 =	vmul.f32 v36, v33;
	v36 =	vmul.f32 v36, v34;
	_ =	sdelay $0x1  }
0x652: {  	v38 =	vadd.f32 v38, v32;
	v36 =	vadd.f32 v36, v35  }
0x653: {  	s0 =	sadd.s32 $0x1C0, s0  }
0x654: {  	[tilespmem:s0+$0xFFFFFFF0] =	vst v38  }
.Ltmp33:
0x655: {  	[tilespmem:s0+$0x0] =	vst v36;
	(pc) =	sbr.rel @p0 .LBB2_68-.Ltmp33, $3  }
0x656: {  	v36 =	vld.idx.msk [tilespmem:v37+s28+$0x0], $0xffff;
	_ =	sdelay $0x1  }
0x657: {  	s3 =	sshll.u32 s1, $0x4  }
0x658: {  	s1 =	sadd.s32 $0x1, s1;
	v37 =	vmov s3  }
0x659: {  	v37 =	vor.u32 $0x1, v37  }
0x65a: {  	v37 =	vbroadcast v37, $0x0;
	v38 =	vmul.f32 v36, v33  }
0x65b: {  	v55 =	vmul.f32 v36, v34  }
0x65c: {  	v38 =	vadd.f32 v38, v32  }
0x65d: {  	s0 =	sadd.s32 $0x1C0, s0;
	v36 =	vadd.f32 v55, v35  }
0x65e: {  	[tilespmem:s0+$0xFFFFFFF0] =	vst v38  }
0x65f: {  	[tilespmem:s0+$0x0] =	vst v36  }
0x660: {  	v36 =	vld.idx.msk [tilespmem:v37+s28+$0x0], $0xffff;
	_ =	sdelay $0x2  }
0x661: {  	s1 =	simm.s32 $0x0  }
0x662: {  	v56 =	vmov s1  }
0x663: {  	v37 =	vor.u32 $0x2, v56;
	v57 =	vmul.f32 v36, v33  }
0x664: {  	v59 =	vbroadcast v37, $0x0;
	v58 =	vmul.f32 v36, v34  }
0x665: {  	v60 =	vadd.f32 v57, v32  }
0x666: {  	s0 =	sadd.s32 $0x1C0, s0;
	v61 =	vadd.f32 v58, v35  }
0x667: {  	[tilespmem:s0+$0xFFFFFFF0] =	vst v60  }
0x668: {  	[tilespmem:s0+$0x0] =	vst v61  }
0x669: {  	v33 =	vld [tilespmem:$0x16A40]  }
0x66a: {  	v36 =	vld.idx.msk [tilespmem:v59+s28+$0x0], $0xffff  }
0x66b: {  	v34 =	vld [tilespmem:$0x16A50]  }
0x66c: {  	s24 =	simm.s32 $0x10;
	v32 =	vld [tilespmem:$0x16BE0]  }
0x66d: {  	v62 =	vmov s24;
	v35 =	vld [tilespmem:$0x16BF0]  }
0x66e: {  	v37 =	vor.u32 $0x2, v62  }
0x66f: {  	v37 =	vbroadcast v37, $0x0;
	v63 =	vmul.f32 v36, v33  }
0x670: {  	v36 =	vmul.f32 v36, v34  }
0x671: {  	v38 =	vadd.f32 v63, v32  }
0x672: {  	s0 =	simm.s32 $0x8270;
	v36 =	vadd.f32 v36, v35  }
0x673: {  	[tilespmem:s0+$0xFFFFFFF0] =	vst v38  }
0x674: {  	[tilespmem:s0+$0x0] =	vst v36  }
0x675: {  	v36 =	vld.idx.msk [tilespmem:v37+s28+$0x0], $0xffff  }
0x676: {  	s31 =	simm.s32 $0x20  }
0x677: {  	s1 =	simm.s32 $0x3;
	v37 =	vmov s31  }
.LBB2_70:
0x678: {  	p0 =	sne.s32 s1, $0x7F;
	v37 =	vor.u32 $0x2, v37  }
0x679: {  	v37 =	vbroadcast v37, $0x0  }
0x67a: {  	v38 =	vmul.f32 v36, v33;
	v36 =	vmul.f32 v36, v34;
	_ =	sdelay $0x1  }
0x67b: {  	v38 =	vadd.f32 v38, v32;
	v36 =	vadd.f32 v36, v35  }
0x67c: {  	s0 =	sadd.s32 $0x1C0, s0  }
0x67d: {  	[tilespmem:s0+$0xFFFFFFF0] =	vst v38  }
.Ltmp34:
0x67e: {  	[tilespmem:s0+$0x0] =	vst v36;
	(pc) =	sbr.rel @p0 .LBB2_70-.Ltmp34, $3  }
0x67f: {  	v36 =	vld.idx.msk [tilespmem:v37+s28+$0x0], $0xffff;
	_ =	sdelay $0x1  }
0x680: {  	s3 =	sshll.u32 s1, $0x4  }
0x681: {  	s1 =	sadd.s32 $0x1, s1;
	v37 =	vmov s3  }
0x682: {  	v37 =	vor.u32 $0x2, v37  }
0x683: {  	v37 =	vbroadcast v37, $0x0;
	v38 =	vmul.f32 v36, v33  }
0x684: {  	v55 =	vmul.f32 v36, v34  }
0x685: {  	v38 =	vadd.f32 v38, v32  }
0x686: {  	s0 =	sadd.s32 $0x1C0, s0;
	v36 =	vadd.f32 v55, v35  }
0x687: {  	[tilespmem:s0+$0xFFFFFFF0] =	vst v38  }
0x688: {  	[tilespmem:s0+$0x0] =	vst v36  }
0x689: {  	v36 =	vld.idx.msk [tilespmem:v37+s28+$0x0], $0xffff;
	_ =	sdelay $0x2  }
0x68a: {  	s1 =	simm.s32 $0x0  }
0x68b: {  	v56 =	vmov s1  }
0x68c: {  	v37 =	vor.u32 $0x3, v56;
	v57 =	vmul.f32 v36, v33  }
0x68d: {  	v59 =	vbroadcast v37, $0x0;
	v58 =	vmul.f32 v36, v34  }
0x68e: {  	v60 =	vadd.f32 v57, v32  }
0x68f: {  	s0 =	sadd.s32 $0x1C0, s0;
	v61 =	vadd.f32 v58, v35  }
0x690: {  	[tilespmem:s0+$0xFFFFFFF0] =	vst v60  }
0x691: {  	[tilespmem:s0+$0x0] =	vst v61  }
0x692: {  	v33 =	vld [tilespmem:$0x16A60]  }
0x693: {  	v36 =	vld.idx.msk [tilespmem:v59+s28+$0x0], $0xffff  }
0x694: {  	v34 =	vld [tilespmem:$0x16A70]  }
0x695: {  	s24 =	simm.s32 $0x10;
	v32 =	vld [tilespmem:$0x16C00]  }
0x696: {  	v62 =	vmov s24;
	v35 =	vld [tilespmem:$0x16C10]  }
0x697: {  	v37 =	vor.u32 $0x3, v62  }
0x698: {  	v37 =	vbroadcast v37, $0x0;
	v63 =	vmul.f32 v36, v33  }
0x699: {  	v36 =	vmul.f32 v36, v34  }
0x69a: {  	v38 =	vadd.f32 v63, v32  }
0x69b: {  	s0 =	simm.s32 $0x8290;
	v36 =	vadd.f32 v36, v35  }
0x69c: {  	[tilespmem:s0+$0xFFFFFFF0] =	vst v38  }
0x69d: {  	[tilespmem:s0+$0x0] =	vst v36  }
0x69e: {  	v36 =	vld.idx.msk [tilespmem:v37+s28+$0x0], $0xffff  }
0x69f: {  	s31 =	simm.s32 $0x20  }
0x6a0: {  	s1 =	simm.s32 $0x3;
	v37 =	vmov s31  }
.LBB2_72:
0x6a1: {  	p0 =	sne.s32 s1, $0x7F;
	v37 =	vor.u32 $0x3, v37  }
0x6a2: {  	v37 =	vbroadcast v37, $0x0  }
0x6a3: {  	v38 =	vmul.f32 v36, v33;
	v36 =	vmul.f32 v36, v34;
	_ =	sdelay $0x1  }
0x6a4: {  	v38 =	vadd.f32 v38, v32;
	v36 =	vadd.f32 v36, v35  }
0x6a5: {  	s0 =	sadd.s32 $0x1C0, s0  }
0x6a6: {  	[tilespmem:s0+$0xFFFFFFF0] =	vst v38  }
.Ltmp35:
0x6a7: {  	[tilespmem:s0+$0x0] =	vst v36;
	(pc) =	sbr.rel @p0 .LBB2_72-.Ltmp35, $3  }
0x6a8: {  	v36 =	vld.idx.msk [tilespmem:v37+s28+$0x0], $0xffff;
	_ =	sdelay $0x1  }
0x6a9: {  	s3 =	sshll.u32 s1, $0x4  }
0x6aa: {  	s1 =	sadd.s32 $0x1, s1;
	v37 =	vmov s3  }
0x6ab: {  	v37 =	vor.u32 $0x3, v37  }
0x6ac: {  	v37 =	vbroadcast v37, $0x0;
	v38 =	vmul.f32 v36, v33  }
0x6ad: {  	v55 =	vmul.f32 v36, v34  }
0x6ae: {  	v38 =	vadd.f32 v38, v32  }
0x6af: {  	s0 =	sadd.s32 $0x1C0, s0;
	v36 =	vadd.f32 v55, v35  }
0x6b0: {  	[tilespmem:s0+$0xFFFFFFF0] =	vst v38  }
0x6b1: {  	[tilespmem:s0+$0x0] =	vst v36  }
0x6b2: {  	v36 =	vld.idx.msk [tilespmem:v37+s28+$0x0], $0xffff;
	_ =	sdelay $0x2  }
0x6b3: {  	s1 =	simm.s32 $0x0  }
0x6b4: {  	v56 =	vmov s1  }
0x6b5: {  	v37 =	vor.u32 $0x4, v56;
	v57 =	vmul.f32 v36, v33  }
0x6b6: {  	v59 =	vbroadcast v37, $0x0;
	v58 =	vmul.f32 v36, v34  }
0x6b7: {  	v60 =	vadd.f32 v57, v32  }
0x6b8: {  	s0 =	sadd.s32 $0x1C0, s0;
	v61 =	vadd.f32 v58, v35  }
0x6b9: {  	[tilespmem:s0+$0xFFFFFFF0] =	vst v60  }
0x6ba: {  	[tilespmem:s0+$0x0] =	vst v61  }
0x6bb: {  	v33 =	vld [tilespmem:$0x16A80]  }
0x6bc: {  	v36 =	vld.idx.msk [tilespmem:v59+s28+$0x0], $0xffff  }
0x6bd: {  	v34 =	vld [tilespmem:$0x16A90]  }
0x6be: {  	s24 =	simm.s32 $0x10;
	v32 =	vld [tilespmem:$0x16C20]  }
0x6bf: {  	v62 =	vmov s24;
	v35 =	vld [tilespmem:$0x16C30]  }
0x6c0: {  	v37 =	vor.u32 $0x4, v62  }
0x6c1: {  	v37 =	vbroadcast v37, $0x0;
	v63 =	vmul.f32 v36, v33  }
0x6c2: {  	v36 =	vmul.f32 v36, v34  }
0x6c3: {  	v38 =	vadd.f32 v63, v32  }
0x6c4: {  	s0 =	simm.s32 $0x82B0;
	v36 =	vadd.f32 v36, v35  }
0x6c5: {  	[tilespmem:s0+$0xFFFFFFF0] =	vst v38  }
0x6c6: {  	[tilespmem:s0+$0x0] =	vst v36  }
0x6c7: {  	v36 =	vld.idx.msk [tilespmem:v37+s28+$0x0], $0xffff  }
0x6c8: {  	s31 =	simm.s32 $0x20  }
0x6c9: {  	s1 =	simm.s32 $0x3;
	v37 =	vmov s31  }
.LBB2_74:
0x6ca: {  	p0 =	sne.s32 s1, $0x7F;
	v37 =	vor.u32 $0x4, v37  }
0x6cb: {  	v37 =	vbroadcast v37, $0x0  }
0x6cc: {  	v38 =	vmul.f32 v36, v33;
	v36 =	vmul.f32 v36, v34;
	_ =	sdelay $0x1  }
0x6cd: {  	v38 =	vadd.f32 v38, v32;
	v36 =	vadd.f32 v36, v35  }
0x6ce: {  	s0 =	sadd.s32 $0x1C0, s0  }
0x6cf: {  	[tilespmem:s0+$0xFFFFFFF0] =	vst v38  }
.Ltmp36:
0x6d0: {  	[tilespmem:s0+$0x0] =	vst v36;
	(pc) =	sbr.rel @p0 .LBB2_74-.Ltmp36, $3  }
0x6d1: {  	v36 =	vld.idx.msk [tilespmem:v37+s28+$0x0], $0xffff;
	_ =	sdelay $0x1  }
0x6d2: {  	s3 =	sshll.u32 s1, $0x4  }
0x6d3: {  	s1 =	sadd.s32 $0x1, s1;
	v37 =	vmov s3  }
0x6d4: {  	v37 =	vor.u32 $0x4, v37  }
0x6d5: {  	v37 =	vbroadcast v37, $0x0;
	v38 =	vmul.f32 v36, v33  }
0x6d6: {  	v55 =	vmul.f32 v36, v34  }
0x6d7: {  	v38 =	vadd.f32 v38, v32  }
0x6d8: {  	s0 =	sadd.s32 $0x1C0, s0;
	v36 =	vadd.f32 v55, v35  }
0x6d9: {  	[tilespmem:s0+$0xFFFFFFF0] =	vst v38  }
0x6da: {  	[tilespmem:s0+$0x0] =	vst v36  }
0x6db: {  	v36 =	vld.idx.msk [tilespmem:v37+s28+$0x0], $0xffff;
	_ =	sdelay $0x2  }
0x6dc: {  	s1 =	simm.s32 $0x0  }
0x6dd: {  	v56 =	vmov s1  }
0x6de: {  	v37 =	vor.u32 $0x5, v56;
	v57 =	vmul.f32 v36, v33  }
0x6df: {  	v59 =	vbroadcast v37, $0x0;
	v58 =	vmul.f32 v36, v34  }
0x6e0: {  	v60 =	vadd.f32 v57, v32  }
0x6e1: {  	s0 =	sadd.s32 $0x1C0, s0;
	v61 =	vadd.f32 v58, v35  }
0x6e2: {  	[tilespmem:s0+$0xFFFFFFF0] =	vst v60  }
0x6e3: {  	[tilespmem:s0+$0x0] =	vst v61  }
0x6e4: {  	v33 =	vld [tilespmem:$0x16AA0]  }
0x6e5: {  	v36 =	vld.idx.msk [tilespmem:v59+s28+$0x0], $0xffff  }
0x6e6: {  	v34 =	vld [tilespmem:$0x16AB0]  }
0x6e7: {  	s24 =	simm.s32 $0x10;
	v32 =	vld [tilespmem:$0x16C40]  }
0x6e8: {  	v62 =	vmov s24;
	v35 =	vld [tilespmem:$0x16C50]  }
0x6e9: {  	v37 =	vor.u32 $0x5, v62  }
0x6ea: {  	v37 =	vbroadcast v37, $0x0;
	v63 =	vmul.f32 v36, v33  }
0x6eb: {  	v36 =	vmul.f32 v36, v34  }
0x6ec: {  	v38 =	vadd.f32 v63, v32  }
0x6ed: {  	s0 =	simm.s32 $0x82D0;
	v36 =	vadd.f32 v36, v35  }
0x6ee: {  	[tilespmem:s0+$0xFFFFFFF0] =	vst v38  }
0x6ef: {  	[tilespmem:s0+$0x0] =	vst v36  }
0x6f0: {  	v36 =	vld.idx.msk [tilespmem:v37+s28+$0x0], $0xffff  }
0x6f1: {  	s31 =	simm.s32 $0x20  }
0x6f2: {  	s1 =	simm.s32 $0x3;
	v37 =	vmov s31  }
.LBB2_76:
0x6f3: {  	p0 =	sne.s32 s1, $0x7F;
	v37 =	vor.u32 $0x5, v37  }
0x6f4: {  	v37 =	vbroadcast v37, $0x0  }
0x6f5: {  	v38 =	vmul.f32 v36, v33;
	v36 =	vmul.f32 v36, v34;
	_ =	sdelay $0x1  }
0x6f6: {  	v38 =	vadd.f32 v38, v32;
	v36 =	vadd.f32 v36, v35  }
0x6f7: {  	s0 =	sadd.s32 $0x1C0, s0  }
0x6f8: {  	[tilespmem:s0+$0xFFFFFFF0] =	vst v38  }
.Ltmp37:
0x6f9: {  	[tilespmem:s0+$0x0] =	vst v36;
	(pc) =	sbr.rel @p0 .LBB2_76-.Ltmp37, $3  }
0x6fa: {  	v36 =	vld.idx.msk [tilespmem:v37+s28+$0x0], $0xffff;
	_ =	sdelay $0x1  }
0x6fb: {  	s3 =	sshll.u32 s1, $0x4  }
0x6fc: {  	s1 =	sadd.s32 $0x1, s1;
	v37 =	vmov s3  }
0x6fd: {  	v37 =	vor.u32 $0x5, v37  }
0x6fe: {  	v37 =	vbroadcast v37, $0x0;
	v38 =	vmul.f32 v36, v33  }
0x6ff: {  	v55 =	vmul.f32 v36, v34  }
0x700: {  	v38 =	vadd.f32 v38, v32  }
0x701: {  	s0 =	sadd.s32 $0x1C0, s0;
	v36 =	vadd.f32 v55, v35  }
0x702: {  	[tilespmem:s0+$0xFFFFFFF0] =	vst v38  }
0x703: {  	[tilespmem:s0+$0x0] =	vst v36  }
0x704: {  	v36 =	vld.idx.msk [tilespmem:v37+s28+$0x0], $0xffff;
	_ =	sdelay $0x2  }
0x705: {  	s1 =	simm.s32 $0x0  }
0x706: {  	v56 =	vmov s1  }
0x707: {  	v37 =	vor.u32 $0x6, v56;
	v57 =	vmul.f32 v36, v33  }
0x708: {  	v59 =	vbroadcast v37, $0x0;
	v58 =	vmul.f32 v36, v34  }
0x709: {  	v60 =	vadd.f32 v57, v32  }
0x70a: {  	s0 =	sadd.s32 $0x1C0, s0;
	v61 =	vadd.f32 v58, v35  }
0x70b: {  	[tilespmem:s0+$0xFFFFFFF0] =	vst v60  }
0x70c: {  	[tilespmem:s0+$0x0] =	vst v61  }
0x70d: {  	v33 =	vld [tilespmem:$0x16AC0]  }
0x70e: {  	v36 =	vld.idx.msk [tilespmem:v59+s28+$0x0], $0xffff  }
0x70f: {  	v34 =	vld [tilespmem:$0x16AD0]  }
0x710: {  	s24 =	simm.s32 $0x10;
	v32 =	vld [tilespmem:$0x16C60]  }
0x711: {  	v62 =	vmov s24;
	v35 =	vld [tilespmem:$0x16C70]  }
0x712: {  	v37 =	vor.u32 $0x6, v62  }
0x713: {  	v37 =	vbroadcast v37, $0x0;
	v63 =	vmul.f32 v36, v33  }
0x714: {  	v36 =	vmul.f32 v36, v34  }
0x715: {  	v38 =	vadd.f32 v63, v32  }
0x716: {  	s0 =	simm.s32 $0x82F0;
	v36 =	vadd.f32 v36, v35  }
0x717: {  	[tilespmem:s0+$0xFFFFFFF0] =	vst v38  }
0x718: {  	[tilespmem:s0+$0x0] =	vst v36  }
0x719: {  	v36 =	vld.idx.msk [tilespmem:v37+s28+$0x0], $0xffff  }
0x71a: {  	s31 =	simm.s32 $0x20  }
0x71b: {  	s1 =	simm.s32 $0x3;
	v37 =	vmov s31  }
.LBB2_78:
0x71c: {  	p0 =	sne.s32 s1, $0x7F;
	v37 =	vor.u32 $0x6, v37  }
0x71d: {  	v37 =	vbroadcast v37, $0x0  }
0x71e: {  	v38 =	vmul.f32 v36, v33;
	v36 =	vmul.f32 v36, v34;
	_ =	sdelay $0x1  }
0x71f: {  	v38 =	vadd.f32 v38, v32;
	v36 =	vadd.f32 v36, v35  }
0x720: {  	s0 =	sadd.s32 $0x1C0, s0  }
0x721: {  	[tilespmem:s0+$0xFFFFFFF0] =	vst v38  }
.Ltmp38:
0x722: {  	[tilespmem:s0+$0x0] =	vst v36;
	(pc) =	sbr.rel @p0 .LBB2_78-.Ltmp38, $3  }
0x723: {  	v36 =	vld.idx.msk [tilespmem:v37+s28+$0x0], $0xffff;
	_ =	sdelay $0x1  }
0x724: {  	s3 =	sshll.u32 s1, $0x4  }
0x725: {  	s1 =	sadd.s32 $0x1, s1;
	v37 =	vmov s3  }
0x726: {  	v37 =	vor.u32 $0x6, v37  }
0x727: {  	v37 =	vbroadcast v37, $0x0;
	v38 =	vmul.f32 v36, v33  }
0x728: {  	v55 =	vmul.f32 v36, v34  }
0x729: {  	v38 =	vadd.f32 v38, v32  }
0x72a: {  	s0 =	sadd.s32 $0x1C0, s0;
	v36 =	vadd.f32 v55, v35  }
0x72b: {  	[tilespmem:s0+$0xFFFFFFF0] =	vst v38  }
0x72c: {  	[tilespmem:s0+$0x0] =	vst v36  }
0x72d: {  	v36 =	vld.idx.msk [tilespmem:v37+s28+$0x0], $0xffff;
	_ =	sdelay $0x2  }
0x72e: {  	s1 =	simm.s32 $0x0  }
0x72f: {  	v56 =	vmov s1  }
0x730: {  	v37 =	vor.u32 $0x7, v56;
	v57 =	vmul.f32 v36, v33  }
0x731: {  	v59 =	vbroadcast v37, $0x0;
	v58 =	vmul.f32 v36, v34  }
0x732: {  	v60 =	vadd.f32 v57, v32  }
0x733: {  	s0 =	sadd.s32 $0x1C0, s0;
	v61 =	vadd.f32 v58, v35  }
0x734: {  	[tilespmem:s0+$0xFFFFFFF0] =	vst v60  }
0x735: {  	[tilespmem:s0+$0x0] =	vst v61  }
0x736: {  	v33 =	vld [tilespmem:$0x16AE0]  }
0x737: {  	v36 =	vld.idx.msk [tilespmem:v59+s28+$0x0], $0xffff  }
0x738: {  	v34 =	vld [tilespmem:$0x16AF0]  }
0x739: {  	s24 =	simm.s32 $0x10;
	v32 =	vld [tilespmem:$0x16C80]  }
0x73a: {  	v62 =	vmov s24;
	v35 =	vld [tilespmem:$0x16C90]  }
0x73b: {  	v37 =	vor.u32 $0x7, v62  }
0x73c: {  	v37 =	vbroadcast v37, $0x0;
	v63 =	vmul.f32 v36, v33  }
0x73d: {  	v36 =	vmul.f32 v36, v34  }
0x73e: {  	v38 =	vadd.f32 v63, v32  }
0x73f: {  	s0 =	simm.s32 $0x8310;
	v36 =	vadd.f32 v36, v35  }
0x740: {  	[tilespmem:s0+$0xFFFFFFF0] =	vst v38  }
0x741: {  	[tilespmem:s0+$0x0] =	vst v36  }
0x742: {  	v36 =	vld.idx.msk [tilespmem:v37+s28+$0x0], $0xffff  }
0x743: {  	s31 =	simm.s32 $0x20  }
0x744: {  	s1 =	simm.s32 $0x3;
	v37 =	vmov s31  }
.LBB2_80:
0x745: {  	p0 =	sne.s32 s1, $0x7F;
	v37 =	vor.u32 $0x7, v37  }
0x746: {  	v37 =	vbroadcast v37, $0x0  }
0x747: {  	v38 =	vmul.f32 v36, v33;
	v36 =	vmul.f32 v36, v34;
	_ =	sdelay $0x1  }
0x748: {  	v38 =	vadd.f32 v38, v32;
	v36 =	vadd.f32 v36, v35  }
0x749: {  	s0 =	sadd.s32 $0x1C0, s0  }
0x74a: {  	[tilespmem:s0+$0xFFFFFFF0] =	vst v38  }
.Ltmp39:
0x74b: {  	[tilespmem:s0+$0x0] =	vst v36;
	(pc) =	sbr.rel @p0 .LBB2_80-.Ltmp39, $3  }
0x74c: {  	v36 =	vld.idx.msk [tilespmem:v37+s28+$0x0], $0xffff;
	_ =	sdelay $0x1  }
0x74d: {  	s3 =	sshll.u32 s1, $0x4  }
0x74e: {  	s1 =	sadd.s32 $0x1, s1;
	v37 =	vmov s3  }
0x74f: {  	v37 =	vor.u32 $0x7, v37  }
0x750: {  	v37 =	vbroadcast v37, $0x0;
	v38 =	vmul.f32 v36, v33  }
0x751: {  	v55 =	vmul.f32 v36, v34  }
0x752: {  	v38 =	vadd.f32 v38, v32  }
0x753: {  	s0 =	sadd.s32 $0x1C0, s0;
	v36 =	vadd.f32 v55, v35  }
0x754: {  	[tilespmem:s0+$0xFFFFFFF0] =	vst v38  }
0x755: {  	[tilespmem:s0+$0x0] =	vst v36  }
0x756: {  	v36 =	vld.idx.msk [tilespmem:v37+s28+$0x0], $0xffff;
	_ =	sdelay $0x2  }
0x757: {  	s1 =	simm.s32 $0x0  }
0x758: {  	v56 =	vmov s1  }
0x759: {  	v37 =	vor.u32 $0x8, v56;
	v57 =	vmul.f32 v36, v33  }
0x75a: {  	v59 =	vbroadcast v37, $0x0;
	v58 =	vmul.f32 v36, v34  }
0x75b: {  	v60 =	vadd.f32 v57, v32  }
0x75c: {  	s0 =	sadd.s32 $0x1C0, s0;
	v61 =	vadd.f32 v58, v35  }
0x75d: {  	[tilespmem:s0+$0xFFFFFFF0] =	vst v60  }
0x75e: {  	[tilespmem:s0+$0x0] =	vst v61  }
0x75f: {  	v33 =	vld [tilespmem:$0x16B00]  }
0x760: {  	v36 =	vld.idx.msk [tilespmem:v59+s28+$0x0], $0xffff  }
0x761: {  	v34 =	vld [tilespmem:$0x16B10]  }
0x762: {  	s24 =	simm.s32 $0x10;
	v32 =	vld [tilespmem:$0x16CA0]  }
0x763: {  	v62 =	vmov s24;
	v35 =	vld [tilespmem:$0x16CB0]  }
0x764: {  	v37 =	vor.u32 $0x8, v62  }
0x765: {  	v37 =	vbroadcast v37, $0x0;
	v63 =	vmul.f32 v36, v33  }
0x766: {  	v36 =	vmul.f32 v36, v34  }
0x767: {  	v38 =	vadd.f32 v63, v32  }
0x768: {  	s0 =	simm.s32 $0x8330;
	v36 =	vadd.f32 v36, v35  }
0x769: {  	[tilespmem:s0+$0xFFFFFFF0] =	vst v38  }
0x76a: {  	[tilespmem:s0+$0x0] =	vst v36  }
0x76b: {  	v36 =	vld.idx.msk [tilespmem:v37+s28+$0x0], $0xffff  }
0x76c: {  	s31 =	simm.s32 $0x20  }
0x76d: {  	s1 =	simm.s32 $0x3;
	v37 =	vmov s31  }
.LBB2_82:
0x76e: {  	p0 =	sne.s32 s1, $0x7F;
	v37 =	vor.u32 $0x8, v37  }
0x76f: {  	v37 =	vbroadcast v37, $0x0  }
0x770: {  	v38 =	vmul.f32 v36, v33;
	v36 =	vmul.f32 v36, v34;
	_ =	sdelay $0x1  }
0x771: {  	v38 =	vadd.f32 v38, v32;
	v36 =	vadd.f32 v36, v35  }
0x772: {  	s0 =	sadd.s32 $0x1C0, s0  }
0x773: {  	[tilespmem:s0+$0xFFFFFFF0] =	vst v38  }
.Ltmp40:
0x774: {  	[tilespmem:s0+$0x0] =	vst v36;
	(pc) =	sbr.rel @p0 .LBB2_82-.Ltmp40, $3  }
0x775: {  	v36 =	vld.idx.msk [tilespmem:v37+s28+$0x0], $0xffff;
	_ =	sdelay $0x1  }
0x776: {  	s3 =	sshll.u32 s1, $0x4  }
0x777: {  	s1 =	sadd.s32 $0x1, s1;
	v37 =	vmov s3  }
0x778: {  	v37 =	vor.u32 $0x8, v37  }
0x779: {  	v37 =	vbroadcast v37, $0x0;
	v38 =	vmul.f32 v36, v33  }
0x77a: {  	v55 =	vmul.f32 v36, v34  }
0x77b: {  	v38 =	vadd.f32 v38, v32  }
0x77c: {  	s0 =	sadd.s32 $0x1C0, s0;
	v36 =	vadd.f32 v55, v35  }
0x77d: {  	[tilespmem:s0+$0xFFFFFFF0] =	vst v38  }
0x77e: {  	[tilespmem:s0+$0x0] =	vst v36  }
0x77f: {  	v36 =	vld.idx.msk [tilespmem:v37+s28+$0x0], $0xffff;
	_ =	sdelay $0x2  }
0x780: {  	s1 =	simm.s32 $0x0  }
0x781: {  	v56 =	vmov s1  }
0x782: {  	v37 =	vor.u32 $0x9, v56;
	v57 =	vmul.f32 v36, v33  }
0x783: {  	v59 =	vbroadcast v37, $0x0;
	v58 =	vmul.f32 v36, v34  }
0x784: {  	v60 =	vadd.f32 v57, v32  }
0x785: {  	s0 =	sadd.s32 $0x1C0, s0;
	v61 =	vadd.f32 v58, v35  }
0x786: {  	[tilespmem:s0+$0xFFFFFFF0] =	vst v60  }
0x787: {  	[tilespmem:s0+$0x0] =	vst v61  }
0x788: {  	v33 =	vld [tilespmem:$0x16B20]  }
0x789: {  	v36 =	vld.idx.msk [tilespmem:v59+s28+$0x0], $0xffff  }
0x78a: {  	v34 =	vld [tilespmem:$0x16B30]  }
0x78b: {  	s24 =	simm.s32 $0x10;
	v32 =	vld [tilespmem:$0x16CC0]  }
0x78c: {  	v62 =	vmov s24;
	v35 =	vld [tilespmem:$0x16CD0]  }
0x78d: {  	v37 =	vor.u32 $0x9, v62  }
0x78e: {  	v37 =	vbroadcast v37, $0x0;
	v63 =	vmul.f32 v36, v33  }
0x78f: {  	v36 =	vmul.f32 v36, v34  }
0x790: {  	v38 =	vadd.f32 v63, v32  }
0x791: {  	s0 =	simm.s32 $0x8350;
	v36 =	vadd.f32 v36, v35  }
0x792: {  	[tilespmem:s0+$0xFFFFFFF0] =	vst v38  }
0x793: {  	[tilespmem:s0+$0x0] =	vst v36  }
0x794: {  	v36 =	vld.idx.msk [tilespmem:v37+s28+$0x0], $0xffff  }
0x795: {  	s31 =	simm.s32 $0x20  }
0x796: {  	s1 =	simm.s32 $0x3;
	v37 =	vmov s31  }
.LBB2_84:
0x797: {  	p0 =	sne.s32 s1, $0x7F;
	v37 =	vor.u32 $0x9, v37  }
0x798: {  	v37 =	vbroadcast v37, $0x0  }
0x799: {  	v38 =	vmul.f32 v36, v33;
	v36 =	vmul.f32 v36, v34;
	_ =	sdelay $0x1  }
0x79a: {  	v38 =	vadd.f32 v38, v32;
	v36 =	vadd.f32 v36, v35  }
0x79b: {  	s0 =	sadd.s32 $0x1C0, s0  }
0x79c: {  	[tilespmem:s0+$0xFFFFFFF0] =	vst v38  }
.Ltmp41:
0x79d: {  	[tilespmem:s0+$0x0] =	vst v36;
	(pc) =	sbr.rel @p0 .LBB2_84-.Ltmp41, $3  }
0x79e: {  	v36 =	vld.idx.msk [tilespmem:v37+s28+$0x0], $0xffff;
	_ =	sdelay $0x1  }
0x79f: {  	s3 =	sshll.u32 s1, $0x4  }
0x7a0: {  	s1 =	sadd.s32 $0x1, s1;
	v37 =	vmov s3  }
0x7a1: {  	v37 =	vor.u32 $0x9, v37  }
0x7a2: {  	v37 =	vbroadcast v37, $0x0;
	v38 =	vmul.f32 v36, v33  }
0x7a3: {  	v55 =	vmul.f32 v36, v34  }
0x7a4: {  	v38 =	vadd.f32 v38, v32  }
0x7a5: {  	s0 =	sadd.s32 $0x1C0, s0;
	v36 =	vadd.f32 v55, v35  }
0x7a6: {  	[tilespmem:s0+$0xFFFFFFF0] =	vst v38  }
0x7a7: {  	[tilespmem:s0+$0x0] =	vst v36  }
0x7a8: {  	v36 =	vld.idx.msk [tilespmem:v37+s28+$0x0], $0xffff;
	_ =	sdelay $0x2  }
0x7a9: {  	s1 =	simm.s32 $0x0  }
0x7aa: {  	v56 =	vmov s1  }
0x7ab: {  	v37 =	vor.u32 $0xA, v56;
	v57 =	vmul.f32 v36, v33  }
0x7ac: {  	v59 =	vbroadcast v37, $0x0;
	v58 =	vmul.f32 v36, v34  }
0x7ad: {  	v60 =	vadd.f32 v57, v32  }
0x7ae: {  	s0 =	sadd.s32 $0x1C0, s0;
	v61 =	vadd.f32 v58, v35  }
0x7af: {  	[tilespmem:s0+$0xFFFFFFF0] =	vst v60  }
0x7b0: {  	[tilespmem:s0+$0x0] =	vst v61  }
0x7b1: {  	v33 =	vld [tilespmem:$0x16B40]  }
0x7b2: {  	v36 =	vld.idx.msk [tilespmem:v59+s28+$0x0], $0xffff  }
0x7b3: {  	v34 =	vld [tilespmem:$0x16B50]  }
0x7b4: {  	s24 =	simm.s32 $0x10;
	v32 =	vld [tilespmem:$0x16CE0]  }
0x7b5: {  	v62 =	vmov s24;
	v35 =	vld [tilespmem:$0x16CF0]  }
0x7b6: {  	v37 =	vor.u32 $0xA, v62  }
0x7b7: {  	v37 =	vbroadcast v37, $0x0;
	v63 =	vmul.f32 v36, v33  }
0x7b8: {  	v36 =	vmul.f32 v36, v34  }
0x7b9: {  	v38 =	vadd.f32 v63, v32  }
0x7ba: {  	s0 =	simm.s32 $0x8370;
	v36 =	vadd.f32 v36, v35  }
0x7bb: {  	[tilespmem:s0+$0xFFFFFFF0] =	vst v38  }
0x7bc: {  	[tilespmem:s0+$0x0] =	vst v36  }
0x7bd: {  	v36 =	vld.idx.msk [tilespmem:v37+s28+$0x0], $0xffff  }
0x7be: {  	s31 =	simm.s32 $0x20  }
0x7bf: {  	s1 =	simm.s32 $0x3;
	v37 =	vmov s31  }
.LBB2_86:
0x7c0: {  	p0 =	sne.s32 s1, $0x7F;
	v37 =	vor.u32 $0xA, v37  }
0x7c1: {  	v37 =	vbroadcast v37, $0x0  }
0x7c2: {  	v38 =	vmul.f32 v36, v33;
	v36 =	vmul.f32 v36, v34;
	_ =	sdelay $0x1  }
0x7c3: {  	v38 =	vadd.f32 v38, v32;
	v36 =	vadd.f32 v36, v35  }
0x7c4: {  	s0 =	sadd.s32 $0x1C0, s0  }
0x7c5: {  	[tilespmem:s0+$0xFFFFFFF0] =	vst v38  }
.Ltmp42:
0x7c6: {  	[tilespmem:s0+$0x0] =	vst v36;
	(pc) =	sbr.rel @p0 .LBB2_86-.Ltmp42, $3  }
0x7c7: {  	v36 =	vld.idx.msk [tilespmem:v37+s28+$0x0], $0xffff;
	_ =	sdelay $0x1  }
0x7c8: {  	s3 =	sshll.u32 s1, $0x4  }
0x7c9: {  	s1 =	sadd.s32 $0x1, s1;
	v37 =	vmov s3  }
0x7ca: {  	v37 =	vor.u32 $0xA, v37  }
0x7cb: {  	v37 =	vbroadcast v37, $0x0;
	v38 =	vmul.f32 v36, v33  }
0x7cc: {  	v55 =	vmul.f32 v36, v34  }
0x7cd: {  	v38 =	vadd.f32 v38, v32  }
0x7ce: {  	s0 =	sadd.s32 $0x1C0, s0;
	v36 =	vadd.f32 v55, v35  }
0x7cf: {  	[tilespmem:s0+$0xFFFFFFF0] =	vst v38  }
0x7d0: {  	[tilespmem:s0+$0x0] =	vst v36  }
0x7d1: {  	v36 =	vld.idx.msk [tilespmem:v37+s28+$0x0], $0xffff;
	_ =	sdelay $0x2  }
0x7d2: {  	s1 =	simm.s32 $0x0  }
0x7d3: {  	v56 =	vmov s1  }
0x7d4: {  	v37 =	vor.u32 $0xB, v56;
	v57 =	vmul.f32 v36, v33  }
0x7d5: {  	v59 =	vbroadcast v37, $0x0;
	v58 =	vmul.f32 v36, v34  }
0x7d6: {  	v60 =	vadd.f32 v57, v32  }
0x7d7: {  	s0 =	sadd.s32 $0x1C0, s0;
	v61 =	vadd.f32 v58, v35  }
0x7d8: {  	[tilespmem:s0+$0xFFFFFFF0] =	vst v60  }
0x7d9: {  	[tilespmem:s0+$0x0] =	vst v61  }
0x7da: {  	v33 =	vld [tilespmem:$0x16B60]  }
0x7db: {  	v36 =	vld.idx.msk [tilespmem:v59+s28+$0x0], $0xffff  }
0x7dc: {  	v34 =	vld [tilespmem:$0x16B70]  }
0x7dd: {  	s24 =	simm.s32 $0x10;
	v32 =	vld [tilespmem:$0x16D00]  }
0x7de: {  	v62 =	vmov s24;
	v35 =	vld [tilespmem:$0x16D10]  }
0x7df: {  	v37 =	vor.u32 $0xB, v62  }
0x7e0: {  	v37 =	vbroadcast v37, $0x0;
	v63 =	vmul.f32 v36, v33  }
0x7e1: {  	v36 =	vmul.f32 v36, v34  }
0x7e2: {  	v38 =	vadd.f32 v63, v32  }
0x7e3: {  	s0 =	simm.s32 $0x8390;
	v36 =	vadd.f32 v36, v35  }
0x7e4: {  	[tilespmem:s0+$0xFFFFFFF0] =	vst v38  }
0x7e5: {  	[tilespmem:s0+$0x0] =	vst v36  }
0x7e6: {  	v36 =	vld.idx.msk [tilespmem:v37+s28+$0x0], $0xffff  }
0x7e7: {  	s31 =	simm.s32 $0x20  }
0x7e8: {  	s1 =	simm.s32 $0x3;
	v37 =	vmov s31  }
.LBB2_88:
0x7e9: {  	p0 =	sne.s32 s1, $0x7F;
	v37 =	vor.u32 $0xB, v37  }
0x7ea: {  	v37 =	vbroadcast v37, $0x0  }
0x7eb: {  	v38 =	vmul.f32 v36, v33;
	v36 =	vmul.f32 v36, v34;
	_ =	sdelay $0x1  }
0x7ec: {  	v38 =	vadd.f32 v38, v32;
	v36 =	vadd.f32 v36, v35  }
0x7ed: {  	s0 =	sadd.s32 $0x1C0, s0  }
0x7ee: {  	[tilespmem:s0+$0xFFFFFFF0] =	vst v38  }
.Ltmp43:
0x7ef: {  	[tilespmem:s0+$0x0] =	vst v36;
	(pc) =	sbr.rel @p0 .LBB2_88-.Ltmp43, $3  }
0x7f0: {  	v36 =	vld.idx.msk [tilespmem:v37+s28+$0x0], $0xffff;
	_ =	sdelay $0x1  }
0x7f1: {  	s3 =	sshll.u32 s1, $0x4  }
0x7f2: {  	s1 =	sadd.s32 $0x1, s1;
	v37 =	vmov s3  }
0x7f3: {  	v37 =	vor.u32 $0xB, v37  }
0x7f4: {  	v37 =	vbroadcast v37, $0x0;
	v38 =	vmul.f32 v36, v33  }
0x7f5: {  	v55 =	vmul.f32 v36, v34  }
0x7f6: {  	v38 =	vadd.f32 v38, v32  }
0x7f7: {  	s0 =	sadd.s32 $0x1C0, s0;
	v36 =	vadd.f32 v55, v35  }
0x7f8: {  	[tilespmem:s0+$0xFFFFFFF0] =	vst v38  }
0x7f9: {  	[tilespmem:s0+$0x0] =	vst v36  }
0x7fa: {  	v36 =	vld.idx.msk [tilespmem:v37+s28+$0x0], $0xffff;
	_ =	sdelay $0x2  }
0x7fb: {  	s1 =	simm.s32 $0x0  }
0x7fc: {  	v56 =	vmov s1  }
0x7fd: {  	v37 =	vor.u32 $0xC, v56;
	v57 =	vmul.f32 v36, v33  }
0x7fe: {  	v59 =	vbroadcast v37, $0x0;
	v58 =	vmul.f32 v36, v34  }
0x7ff: {  	v60 =	vadd.f32 v57, v32  }
0x800: {  	s0 =	sadd.s32 $0x1C0, s0;
	v61 =	vadd.f32 v58, v35  }
0x801: {  	[tilespmem:s0+$0xFFFFFFF0] =	vst v60  }
0x802: {  	[tilespmem:s0+$0x0] =	vst v61  }
0x803: {  	v32 =	vld [tilespmem:$0x16B80]  }
0x804: {  	v36 =	vld.idx.msk [tilespmem:v59+s28+$0x0], $0xffff  }
0x805: {  	v33 =	vld [tilespmem:$0x16B90]  }
0x806: {  	s24 =	simm.s32 $0x10;
	v34 =	vld [tilespmem:$0x16D20]  }
0x807: {  	v62 =	vmov s24;
	v35 =	vld [tilespmem:$0x16D30]  }
0x808: {  	v37 =	vor.u32 $0xC, v62  }
0x809: {  	v37 =	vbroadcast v37, $0x0;
	v63 =	vmul.f32 v36, v32  }
0x80a: {  	v36 =	vmul.f32 v36, v33  }
0x80b: {  	v38 =	vadd.f32 v63, v34  }
0x80c: {  	s0 =	simm.s32 $0x83B0;
	v36 =	vadd.f32 v36, v35  }
0x80d: {  	[tilespmem:s0+$0xFFFFFFF0] =	vst v38  }
0x80e: {  	[tilespmem:s0+$0x0] =	vst v36  }
0x80f: {  	v36 =	vld.idx.msk [tilespmem:v37+s28+$0x0], $0xffff  }
0x810: {  	s31 =	simm.s32 $0x20  }
0x811: {  	s1 =	simm.s32 $0x3;
	v37 =	vmov s31  }
.LBB2_90:
0x812: {  	p0 =	sne.s32 s1, $0x7F;
	v37 =	vor.u32 $0xC, v37  }
0x813: {  	v37 =	vbroadcast v37, $0x0  }
0x814: {  	v38 =	vmul.f32 v36, v32;
	v36 =	vmul.f32 v36, v33;
	_ =	sdelay $0x1  }
0x815: {  	v38 =	vadd.f32 v38, v34;
	v36 =	vadd.f32 v36, v35  }
0x816: {  	s0 =	sadd.s32 $0x1C0, s0  }
0x817: {  	[tilespmem:s0+$0xFFFFFFF0] =	vst v38  }
.Ltmp44:
0x818: {  	[tilespmem:s0+$0x0] =	vst v36;
	(pc) =	sbr.rel @p0 .LBB2_90-.Ltmp44, $3  }
0x819: {  	v36 =	vld.idx.msk [tilespmem:v37+s28+$0x0], $0xffff;
	_ =	sdelay $0x1  }
0x81a: {  	s3 =	sshll.u32 s1, $0x4  }
0x81b: {  	s1 =	sadd.s32 $0x1, s1;
	v37 =	vmov s3  }
0x81c: {  	v37 =	vor.u32 $0xC, v37  }
0x81d: {  	v37 =	vbroadcast v37, $0x0;
	v38 =	vmul.f32 v36, v32  }
0x81e: {  	v61 =	vmul.f32 v36, v33  }
0x81f: {  	v38 =	vadd.f32 v38, v34  }
0x820: {  	s0 =	sadd.s32 $0x1C0, s0;
	v36 =	vadd.f32 v61, v35  }
0x821: {  	[tilespmem:s0+$0xFFFFFFF0] =	vst v38  }
0x822: {  	[tilespmem:s0+$0x0] =	vst v36  }
0x823: {  	v36 =	vld.idx.msk [tilespmem:v37+s28+$0x0], $0xffff;
	_ =	sdelay $0x4  }
0x824: {  	v62 =	vmul.f32 v36, v32  }
0x825: {  	v63 =	vmul.f32 v36, v33  }
0x826: {  	v32 =	vadd.f32 v62, v34  }
0x827: {  	s1 =	sadd.s32 $0x1C0, s0;
	v33 =	vadd.f32 v63, v35  }
0x828: {  	s24 =	sadd.s32 $0x0, s13;
	[tilespmem:s1+$0xFFFFFFF0] =	vst v32  }
0x829: {  	s3 =	simm.s32 $0x83C0;
	s0 =	simm.s32 $0x8200;
	[tilespmem:s1+$0x0] =	vst v33;
	s1 =	simm.s32 $0x280  }
.LBB2_92:
0x82a: {  	[hbm4b:s24+s22] =	stream.strided.scatter [tilespmem:s0], [sflag:$0x2], $0x1C0, s29, s22, $0x38;
	[tilespmem:$0x16D60] =	vst v63  }
0x82b: {  	s24 =	smov.u32 s1;
	s0 =	smov.u32 s3;
	p0 =	sne.s32 s1, $0x13D80  }
.Ltmp45:
0x82c: {  	s1 =	sadd.s32 $0x280, s1;
	(pc) =	sbr.rel @p0 .LBB2_92-.Ltmp45, $2  }
0x82d: {  	_ =	sdelay $0x2  }
0x82e: {  	s3 =	sadd.s32 $0x1C0, s3;
	s24 =	sadd.s32 s24, s13  }
0x82f: {  	[hbm4b:s24+s22] =	stream.strided.scatter [tilespmem:s0], [sflag:$0x2], $0x1C0, s29, s22, $0x38;
	[tilespmem:$0x16D60] =	vst v63  }
0x830: {  	_ =	swait.ge [sflag:s19], $0xE000  }
0x831: {  	[sflag:s19] =	ssyncset.done $0x0  }
0x832: {  	s31 =	simm.s32 $0x0;
	[sflag:s19] =	ssyncadd.s32 $0xFFFF2000  }
0x833: {  	[tilespmem:s28], [sflag:$0x2] =	stream.linear.gather [hbm4b:s14+s31], $0x800, $0x38;
	[tilespmem:$0x16D60] =	vst v63  }
0x834: {  	_ =	swait.ge [sflag:s19], $0x800  }
0x835: {  	[sflag:s19] =	ssyncset.done $0x0  }
0x836: {  	[sflag:s19] =	ssyncadd.s32 $0xFFFFF800  }
0x837: {  	v32 =	vld [tilespmem:$0x16D40]  }
0x838: {  	v33 =	vld [tilespmem:$0x16D50];
	_ =	sdelay $0x2  }
0x839: {  	s0 =	simm.s32 $0x700;
	s1 =	simm.s32 $0x0  }
.LBB2_94:
0x83a: {  	p0 =	sne.s32 s0, $0x37900;
	[tilespmem:s1+$0x8200] =	vst v32;
	s3 =	smov.u32 s0;
	s0 =	sadd.s32 $0x700, s0  }
.Ltmp46:
0x83b: {  	[tilespmem:s1+$0x8210] =	vst v33;
	(pc) =	sbr.rel @p0 .LBB2_94-.Ltmp46, $2  }
0x83c: {  	_ =	sdelay $0x2  }
0x83d: {  	s1 =	sshra.s32 s3, $0x2  }
0x83e: {  	s0 =	simm.s32 $0x0  }
0x83f: {  	v35 =	vmov s0;
	_ =	sdelay $0x1  }
0x840: {  	[tilespmem:s1+$0x8200] =	vst v32  }
0x841: {  	[tilespmem:s1+$0x8210] =	vst v33  }
0x842: {  	v34 =	vld [tilespmem:$0x16A00]  }
0x843: {  	v36 =	vld.idx.msk [tilespmem:v35+s28+$0x0], $0xffff  }
0x844: {  	v35 =	vld [tilespmem:$0x16A10]  }
0x845: {  	v32 =	vld [tilespmem:$0x16BA0]  }
0x846: {  	v33 =	vld [tilespmem:$0x16BB0];
	_ =	sdelay $0x1  }
0x847: {  	s31 =	simm.s32 $0x10;
	v37 =	vmul.f32 v36, v34  }
0x848: {  	v38 =	vmov s31;
	v36 =	vmul.f32 v36, v35  }
0x849: {  	v37 =	vadd.f32 v37, v32  }
0x84a: {  	s0 =	simm.s32 $0x8230;
	v36 =	vadd.f32 v36, v33  }
0x84b: {  	[tilespmem:s0+$0xFFFFFFF0] =	vst v37  }
0x84c: {  	[tilespmem:s0+$0x0] =	vst v36  }
0x84d: {  	v37 =	vld.idx.msk [tilespmem:v38+s28+$0x0], $0xffff;
	_ =	sdelay $0x4  }
0x84e: {  	s3 =	simm.s32 $0x20;
	s1 =	simm.s32 $0x3;
	v36 =	vmul.f32 v37, v34;
	v37 =	vmul.f32 v37, v35  }
.LBB2_96:
0x84f: {  	p0 =	sne.s32 s1, $0x7F;
	v38 =	vmov s3  }
0x850: {  	v36 =	vadd.f32 v36, v32;
	v37 =	vadd.f32 v37, v33  }
0x851: {  	s0 =	sadd.s32 $0x1C0, s0  }
0x852: {  	[tilespmem:s0+$0xFFFFFFF0] =	vst v36  }
0x853: {  	[tilespmem:s0+$0x0] =	vst v37  }
0x854: {  	v37 =	vld.idx.msk [tilespmem:v38+s28+$0x0], $0xffff;
	_ =	sdelay $0x1  }
.Ltmp47:
0x855: {  	(pc) =	sbr.rel @p0 .LBB2_96-.Ltmp47, $2  }
0x856: {  	_ =	sdelay $0x2  }
0x857: {  	s3 =	sshll.u32 s1, $0x4;
	s1 =	sadd.s32 $0x1, s1;
	v36 =	vmul.f32 v37, v34;
	v37 =	vmul.f32 v37, v35  }
0x858: {  	v38 =	vmov s3  }
0x859: {  	v36 =	vadd.f32 v36, v32  }
0x85a: {  	s0 =	sadd.s32 $0x1C0, s0;
	v37 =	vadd.f32 v37, v33  }
0x85b: {  	[tilespmem:s0+$0xFFFFFFF0] =	vst v36  }
0x85c: {  	[tilespmem:s0+$0x0] =	vst v37  }
0x85d: {  	v36 =	vld.idx.msk [tilespmem:v38+s28+$0x0], $0xffff;
	_ =	sdelay $0x2  }
0x85e: {  	s1 =	simm.s32 $0x0  }
0x85f: {  	v58 =	vmov s1  }
0x860: {  	v37 =	vor.u32 $0x1, v58;
	v34 =	vmul.f32 v36, v34  }
0x861: {  	v59 =	vbroadcast v37, $0x0;
	v35 =	vmul.f32 v36, v35  }
0x862: {  	v60 =	vadd.f32 v34, v32  }
0x863: {  	s0 =	sadd.s32 $0x1C0, s0;
	v61 =	vadd.f32 v35, v33  }
0x864: {  	[tilespmem:s0+$0xFFFFFFF0] =	vst v60  }
0x865: {  	[tilespmem:s0+$0x0] =	vst v61  }
0x866: {  	v33 =	vld [tilespmem:$0x16A20]  }
0x867: {  	v36 =	vld.idx.msk [tilespmem:v59+s28+$0x0], $0xffff  }
0x868: {  	v34 =	vld [tilespmem:$0x16A30]  }
0x869: {  	s24 =	simm.s32 $0x10;
	v32 =	vld [tilespmem:$0x16BC0]  }
0x86a: {  	v62 =	vmov s24;
	v35 =	vld [tilespmem:$0x16BD0]  }
0x86b: {  	v37 =	vor.u32 $0x1, v62  }
0x86c: {  	v37 =	vbroadcast v37, $0x0;
	v63 =	vmul.f32 v36, v33  }
0x86d: {  	v36 =	vmul.f32 v36, v34  }
0x86e: {  	v38 =	vadd.f32 v63, v32  }
0x86f: {  	s0 =	simm.s32 $0x8250;
	v36 =	vadd.f32 v36, v35  }
0x870: {  	[tilespmem:s0+$0xFFFFFFF0] =	vst v38  }
0x871: {  	[tilespmem:s0+$0x0] =	vst v36  }
0x872: {  	v36 =	vld.idx.msk [tilespmem:v37+s28+$0x0], $0xffff  }
0x873: {  	s31 =	simm.s32 $0x20  }
0x874: {  	s1 =	simm.s32 $0x3;
	v37 =	vmov s31  }
.LBB2_98:
0x875: {  	p0 =	sne.s32 s1, $0x7F;
	v37 =	vor.u32 $0x1, v37  }
0x876: {  	v37 =	vbroadcast v37, $0x0  }
0x877: {  	v38 =	vmul.f32 v36, v33;
	v36 =	vmul.f32 v36, v34;
	_ =	sdelay $0x1  }
0x878: {  	v38 =	vadd.f32 v38, v32;
	v36 =	vadd.f32 v36, v35  }
0x879: {  	s0 =	sadd.s32 $0x1C0, s0  }
0x87a: {  	[tilespmem:s0+$0xFFFFFFF0] =	vst v38  }
.Ltmp48:
0x87b: {  	[tilespmem:s0+$0x0] =	vst v36;
	(pc) =	sbr.rel @p0 .LBB2_98-.Ltmp48, $3  }
0x87c: {  	v36 =	vld.idx.msk [tilespmem:v37+s28+$0x0], $0xffff;
	_ =	sdelay $0x1  }
0x87d: {  	s3 =	sshll.u32 s1, $0x4  }
0x87e: {  	s1 =	sadd.s32 $0x1, s1;
	v37 =	vmov s3  }
0x87f: {  	v37 =	vor.u32 $0x1, v37  }
0x880: {  	v37 =	vbroadcast v37, $0x0;
	v38 =	vmul.f32 v36, v33  }
0x881: {  	v55 =	vmul.f32 v36, v34  }
0x882: {  	v38 =	vadd.f32 v38, v32  }
0x883: {  	s0 =	sadd.s32 $0x1C0, s0;
	v36 =	vadd.f32 v55, v35  }
0x884: {  	[tilespmem:s0+$0xFFFFFFF0] =	vst v38  }
0x885: {  	[tilespmem:s0+$0x0] =	vst v36  }
0x886: {  	v36 =	vld.idx.msk [tilespmem:v37+s28+$0x0], $0xffff;
	_ =	sdelay $0x2  }
0x887: {  	s1 =	simm.s32 $0x0  }
0x888: {  	v56 =	vmov s1  }
0x889: {  	v37 =	vor.u32 $0x2, v56;
	v57 =	vmul.f32 v36, v33  }
0x88a: {  	v59 =	vbroadcast v37, $0x0;
	v58 =	vmul.f32 v36, v34  }
0x88b: {  	v60 =	vadd.f32 v57, v32  }
0x88c: {  	s0 =	sadd.s32 $0x1C0, s0;
	v61 =	vadd.f32 v58, v35  }
0x88d: {  	[tilespmem:s0+$0xFFFFFFF0] =	vst v60  }
0x88e: {  	[tilespmem:s0+$0x0] =	vst v61  }
0x88f: {  	v33 =	vld [tilespmem:$0x16A40]  }
0x890: {  	v36 =	vld.idx.msk [tilespmem:v59+s28+$0x0], $0xffff  }
0x891: {  	v34 =	vld [tilespmem:$0x16A50]  }
0x892: {  	s24 =	simm.s32 $0x10;
	v32 =	vld [tilespmem:$0x16BE0]  }
0x893: {  	v62 =	vmov s24;
	v35 =	vld [tilespmem:$0x16BF0]  }
0x894: {  	v37 =	vor.u32 $0x2, v62  }
0x895: {  	v37 =	vbroadcast v37, $0x0;
	v63 =	vmul.f32 v36, v33  }
0x896: {  	v36 =	vmul.f32 v36, v34  }
0x897: {  	v38 =	vadd.f32 v63, v32  }
0x898: {  	s0 =	simm.s32 $0x8270;
	v36 =	vadd.f32 v36, v35  }
0x899: {  	[tilespmem:s0+$0xFFFFFFF0] =	vst v38  }
0x89a: {  	[tilespmem:s0+$0x0] =	vst v36  }
0x89b: {  	v36 =	vld.idx.msk [tilespmem:v37+s28+$0x0], $0xffff  }
0x89c: {  	s31 =	simm.s32 $0x20  }
0x89d: {  	s1 =	simm.s32 $0x3;
	v37 =	vmov s31  }
.LBB2_100:
0x89e: {  	p0 =	sne.s32 s1, $0x7F;
	v37 =	vor.u32 $0x2, v37  }
0x89f: {  	v37 =	vbroadcast v37, $0x0  }
0x8a0: {  	v38 =	vmul.f32 v36, v33;
	v36 =	vmul.f32 v36, v34;
	_ =	sdelay $0x1  }
0x8a1: {  	v38 =	vadd.f32 v38, v32;
	v36 =	vadd.f32 v36, v35  }
0x8a2: {  	s0 =	sadd.s32 $0x1C0, s0  }
0x8a3: {  	[tilespmem:s0+$0xFFFFFFF0] =	vst v38  }
.Ltmp49:
0x8a4: {  	[tilespmem:s0+$0x0] =	vst v36;
	(pc) =	sbr.rel @p0 .LBB2_100-.Ltmp49, $3  }
0x8a5: {  	v36 =	vld.idx.msk [tilespmem:v37+s28+$0x0], $0xffff;
	_ =	sdelay $0x1  }
0x8a6: {  	s3 =	sshll.u32 s1, $0x4  }
0x8a7: {  	s1 =	sadd.s32 $0x1, s1;
	v37 =	vmov s3  }
0x8a8: {  	v37 =	vor.u32 $0x2, v37  }
0x8a9: {  	v37 =	vbroadcast v37, $0x0;
	v38 =	vmul.f32 v36, v33  }
0x8aa: {  	v55 =	vmul.f32 v36, v34  }
0x8ab: {  	v38 =	vadd.f32 v38, v32  }
0x8ac: {  	s0 =	sadd.s32 $0x1C0, s0;
	v36 =	vadd.f32 v55, v35  }
0x8ad: {  	[tilespmem:s0+$0xFFFFFFF0] =	vst v38  }
0x8ae: {  	[tilespmem:s0+$0x0] =	vst v36  }
0x8af: {  	v36 =	vld.idx.msk [tilespmem:v37+s28+$0x0], $0xffff;
	_ =	sdelay $0x2  }
0x8b0: {  	s1 =	simm.s32 $0x0  }
0x8b1: {  	v56 =	vmov s1  }
0x8b2: {  	v37 =	vor.u32 $0x3, v56;
	v57 =	vmul.f32 v36, v33  }
0x8b3: {  	v59 =	vbroadcast v37, $0x0;
	v58 =	vmul.f32 v36, v34  }
0x8b4: {  	v60 =	vadd.f32 v57, v32  }
0x8b5: {  	s0 =	sadd.s32 $0x1C0, s0;
	v61 =	vadd.f32 v58, v35  }
0x8b6: {  	[tilespmem:s0+$0xFFFFFFF0] =	vst v60  }
0x8b7: {  	[tilespmem:s0+$0x0] =	vst v61  }
0x8b8: {  	v33 =	vld [tilespmem:$0x16A60]  }
0x8b9: {  	v36 =	vld.idx.msk [tilespmem:v59+s28+$0x0], $0xffff  }
0x8ba: {  	v34 =	vld [tilespmem:$0x16A70]  }
0x8bb: {  	s24 =	simm.s32 $0x10;
	v32 =	vld [tilespmem:$0x16C00]  }
0x8bc: {  	v62 =	vmov s24;
	v35 =	vld [tilespmem:$0x16C10]  }
0x8bd: {  	v37 =	vor.u32 $0x3, v62  }
0x8be: {  	v37 =	vbroadcast v37, $0x0;
	v63 =	vmul.f32 v36, v33  }
0x8bf: {  	v36 =	vmul.f32 v36, v34  }
0x8c0: {  	v38 =	vadd.f32 v63, v32  }
0x8c1: {  	s0 =	simm.s32 $0x8290;
	v36 =	vadd.f32 v36, v35  }
0x8c2: {  	[tilespmem:s0+$0xFFFFFFF0] =	vst v38  }
0x8c3: {  	[tilespmem:s0+$0x0] =	vst v36  }
0x8c4: {  	v36 =	vld.idx.msk [tilespmem:v37+s28+$0x0], $0xffff  }
0x8c5: {  	s31 =	simm.s32 $0x20  }
0x8c6: {  	s1 =	simm.s32 $0x3;
	v37 =	vmov s31  }
.LBB2_102:
0x8c7: {  	p0 =	sne.s32 s1, $0x7F;
	v37 =	vor.u32 $0x3, v37  }
0x8c8: {  	v37 =	vbroadcast v37, $0x0  }
0x8c9: {  	v38 =	vmul.f32 v36, v33;
	v36 =	vmul.f32 v36, v34;
	_ =	sdelay $0x1  }
0x8ca: {  	v38 =	vadd.f32 v38, v32;
	v36 =	vadd.f32 v36, v35  }
0x8cb: {  	s0 =	sadd.s32 $0x1C0, s0  }
0x8cc: {  	[tilespmem:s0+$0xFFFFFFF0] =	vst v38  }
.Ltmp50:
0x8cd: {  	[tilespmem:s0+$0x0] =	vst v36;
	(pc) =	sbr.rel @p0 .LBB2_102-.Ltmp50, $3  }
0x8ce: {  	v36 =	vld.idx.msk [tilespmem:v37+s28+$0x0], $0xffff;
	_ =	sdelay $0x1  }
0x8cf: {  	s3 =	sshll.u32 s1, $0x4  }
0x8d0: {  	s1 =	sadd.s32 $0x1, s1;
	v37 =	vmov s3  }
0x8d1: {  	v37 =	vor.u32 $0x3, v37  }
0x8d2: {  	v37 =	vbroadcast v37, $0x0;
	v38 =	vmul.f32 v36, v33  }
0x8d3: {  	v55 =	vmul.f32 v36, v34  }
0x8d4: {  	v38 =	vadd.f32 v38, v32  }
0x8d5: {  	s0 =	sadd.s32 $0x1C0, s0;
	v36 =	vadd.f32 v55, v35  }
0x8d6: {  	[tilespmem:s0+$0xFFFFFFF0] =	vst v38  }
0x8d7: {  	[tilespmem:s0+$0x0] =	vst v36  }
0x8d8: {  	v36 =	vld.idx.msk [tilespmem:v37+s28+$0x0], $0xffff;
	_ =	sdelay $0x2  }
0x8d9: {  	s1 =	simm.s32 $0x0  }
0x8da: {  	v56 =	vmov s1  }
0x8db: {  	v37 =	vor.u32 $0x4, v56;
	v57 =	vmul.f32 v36, v33  }
0x8dc: {  	v59 =	vbroadcast v37, $0x0;
	v58 =	vmul.f32 v36, v34  }
0x8dd: {  	v60 =	vadd.f32 v57, v32  }
0x8de: {  	s0 =	sadd.s32 $0x1C0, s0;
	v61 =	vadd.f32 v58, v35  }
0x8df: {  	[tilespmem:s0+$0xFFFFFFF0] =	vst v60  }
0x8e0: {  	[tilespmem:s0+$0x0] =	vst v61  }
0x8e1: {  	v33 =	vld [tilespmem:$0x16A80]  }
0x8e2: {  	v36 =	vld.idx.msk [tilespmem:v59+s28+$0x0], $0xffff  }
0x8e3: {  	v34 =	vld [tilespmem:$0x16A90]  }
0x8e4: {  	s24 =	simm.s32 $0x10;
	v32 =	vld [tilespmem:$0x16C20]  }
0x8e5: {  	v62 =	vmov s24;
	v35 =	vld [tilespmem:$0x16C30]  }
0x8e6: {  	v37 =	vor.u32 $0x4, v62  }
0x8e7: {  	v37 =	vbroadcast v37, $0x0;
	v63 =	vmul.f32 v36, v33  }
0x8e8: {  	v36 =	vmul.f32 v36, v34  }
0x8e9: {  	v38 =	vadd.f32 v63, v32  }
0x8ea: {  	s0 =	simm.s32 $0x82B0;
	v36 =	vadd.f32 v36, v35  }
0x8eb: {  	[tilespmem:s0+$0xFFFFFFF0] =	vst v38  }
0x8ec: {  	[tilespmem:s0+$0x0] =	vst v36  }
0x8ed: {  	v36 =	vld.idx.msk [tilespmem:v37+s28+$0x0], $0xffff  }
0x8ee: {  	s31 =	simm.s32 $0x20  }
0x8ef: {  	s1 =	simm.s32 $0x3;
	v37 =	vmov s31  }
.LBB2_104:
0x8f0: {  	p0 =	sne.s32 s1, $0x7F;
	v37 =	vor.u32 $0x4, v37  }
0x8f1: {  	v37 =	vbroadcast v37, $0x0  }
0x8f2: {  	v38 =	vmul.f32 v36, v33;
	v36 =	vmul.f32 v36, v34;
	_ =	sdelay $0x1  }
0x8f3: {  	v38 =	vadd.f32 v38, v32;
	v36 =	vadd.f32 v36, v35  }
0x8f4: {  	s0 =	sadd.s32 $0x1C0, s0  }
0x8f5: {  	[tilespmem:s0+$0xFFFFFFF0] =	vst v38  }
.Ltmp51:
0x8f6: {  	[tilespmem:s0+$0x0] =	vst v36;
	(pc) =	sbr.rel @p0 .LBB2_104-.Ltmp51, $3  }
0x8f7: {  	v36 =	vld.idx.msk [tilespmem:v37+s28+$0x0], $0xffff;
	_ =	sdelay $0x1  }
0x8f8: {  	s3 =	sshll.u32 s1, $0x4  }
0x8f9: {  	s1 =	sadd.s32 $0x1, s1;
	v37 =	vmov s3  }
0x8fa: {  	v37 =	vor.u32 $0x4, v37  }
0x8fb: {  	v37 =	vbroadcast v37, $0x0;
	v38 =	vmul.f32 v36, v33  }
0x8fc: {  	v55 =	vmul.f32 v36, v34  }
0x8fd: {  	v38 =	vadd.f32 v38, v32  }
0x8fe: {  	s0 =	sadd.s32 $0x1C0, s0;
	v36 =	vadd.f32 v55, v35  }
0x8ff: {  	[tilespmem:s0+$0xFFFFFFF0] =	vst v38  }
0x900: {  	[tilespmem:s0+$0x0] =	vst v36  }
0x901: {  	v36 =	vld.idx.msk [tilespmem:v37+s28+$0x0], $0xffff;
	_ =	sdelay $0x2  }
0x902: {  	s1 =	simm.s32 $0x0  }
0x903: {  	v56 =	vmov s1  }
0x904: {  	v37 =	vor.u32 $0x5, v56;
	v57 =	vmul.f32 v36, v33  }
0x905: {  	v59 =	vbroadcast v37, $0x0;
	v58 =	vmul.f32 v36, v34  }
0x906: {  	v60 =	vadd.f32 v57, v32  }
0x907: {  	s0 =	sadd.s32 $0x1C0, s0;
	v61 =	vadd.f32 v58, v35  }
0x908: {  	[tilespmem:s0+$0xFFFFFFF0] =	vst v60  }
0x909: {  	[tilespmem:s0+$0x0] =	vst v61  }
0x90a: {  	v33 =	vld [tilespmem:$0x16AA0]  }
0x90b: {  	v36 =	vld.idx.msk [tilespmem:v59+s28+$0x0], $0xffff  }
0x90c: {  	v34 =	vld [tilespmem:$0x16AB0]  }
0x90d: {  	s24 =	simm.s32 $0x10;
	v32 =	vld [tilespmem:$0x16C40]  }
0x90e: {  	v62 =	vmov s24;
	v35 =	vld [tilespmem:$0x16C50]  }
0x90f: {  	v37 =	vor.u32 $0x5, v62  }
0x910: {  	v37 =	vbroadcast v37, $0x0;
	v63 =	vmul.f32 v36, v33  }
0x911: {  	v36 =	vmul.f32 v36, v34  }
0x912: {  	v38 =	vadd.f32 v63, v32  }
0x913: {  	s0 =	simm.s32 $0x82D0;
	v36 =	vadd.f32 v36, v35  }
0x914: {  	[tilespmem:s0+$0xFFFFFFF0] =	vst v38  }
0x915: {  	[tilespmem:s0+$0x0] =	vst v36  }
0x916: {  	v36 =	vld.idx.msk [tilespmem:v37+s28+$0x0], $0xffff  }
0x917: {  	s31 =	simm.s32 $0x20  }
0x918: {  	s1 =	simm.s32 $0x3;
	v37 =	vmov s31  }
.LBB2_106:
0x919: {  	p0 =	sne.s32 s1, $0x7F;
	v37 =	vor.u32 $0x5, v37  }
0x91a: {  	v37 =	vbroadcast v37, $0x0  }
0x91b: {  	v38 =	vmul.f32 v36, v33;
	v36 =	vmul.f32 v36, v34;
	_ =	sdelay $0x1  }
0x91c: {  	v38 =	vadd.f32 v38, v32;
	v36 =	vadd.f32 v36, v35  }
0x91d: {  	s0 =	sadd.s32 $0x1C0, s0  }
0x91e: {  	[tilespmem:s0+$0xFFFFFFF0] =	vst v38  }
.Ltmp52:
0x91f: {  	[tilespmem:s0+$0x0] =	vst v36;
	(pc) =	sbr.rel @p0 .LBB2_106-.Ltmp52, $3  }
0x920: {  	v36 =	vld.idx.msk [tilespmem:v37+s28+$0x0], $0xffff;
	_ =	sdelay $0x1  }
0x921: {  	s3 =	sshll.u32 s1, $0x4  }
0x922: {  	s1 =	sadd.s32 $0x1, s1;
	v37 =	vmov s3  }
0x923: {  	v37 =	vor.u32 $0x5, v37  }
0x924: {  	v37 =	vbroadcast v37, $0x0;
	v38 =	vmul.f32 v36, v33  }
0x925: {  	v55 =	vmul.f32 v36, v34  }
0x926: {  	v38 =	vadd.f32 v38, v32  }
0x927: {  	s0 =	sadd.s32 $0x1C0, s0;
	v36 =	vadd.f32 v55, v35  }
0x928: {  	[tilespmem:s0+$0xFFFFFFF0] =	vst v38  }
0x929: {  	[tilespmem:s0+$0x0] =	vst v36  }
0x92a: {  	v36 =	vld.idx.msk [tilespmem:v37+s28+$0x0], $0xffff;
	_ =	sdelay $0x2  }
0x92b: {  	s1 =	simm.s32 $0x0  }
0x92c: {  	v56 =	vmov s1  }
0x92d: {  	v37 =	vor.u32 $0x6, v56;
	v57 =	vmul.f32 v36, v33  }
0x92e: {  	v59 =	vbroadcast v37, $0x0;
	v58 =	vmul.f32 v36, v34  }
0x92f: {  	v60 =	vadd.f32 v57, v32  }
0x930: {  	s0 =	sadd.s32 $0x1C0, s0;
	v61 =	vadd.f32 v58, v35  }
0x931: {  	[tilespmem:s0+$0xFFFFFFF0] =	vst v60  }
0x932: {  	[tilespmem:s0+$0x0] =	vst v61  }
0x933: {  	v33 =	vld [tilespmem:$0x16AC0]  }
0x934: {  	v36 =	vld.idx.msk [tilespmem:v59+s28+$0x0], $0xffff  }
0x935: {  	v34 =	vld [tilespmem:$0x16AD0]  }
0x936: {  	s24 =	simm.s32 $0x10;
	v32 =	vld [tilespmem:$0x16C60]  }
0x937: {  	v62 =	vmov s24;
	v35 =	vld [tilespmem:$0x16C70]  }
0x938: {  	v37 =	vor.u32 $0x6, v62  }
0x939: {  	v37 =	vbroadcast v37, $0x0;
	v63 =	vmul.f32 v36, v33  }
0x93a: {  	v36 =	vmul.f32 v36, v34  }
0x93b: {  	v38 =	vadd.f32 v63, v32  }
0x93c: {  	s0 =	simm.s32 $0x82F0;
	v36 =	vadd.f32 v36, v35  }
0x93d: {  	[tilespmem:s0+$0xFFFFFFF0] =	vst v38  }
0x93e: {  	[tilespmem:s0+$0x0] =	vst v36  }
0x93f: {  	v36 =	vld.idx.msk [tilespmem:v37+s28+$0x0], $0xffff  }
0x940: {  	s31 =	simm.s32 $0x20  }
0x941: {  	s1 =	simm.s32 $0x3;
	v37 =	vmov s31  }
.LBB2_108:
0x942: {  	p0 =	sne.s32 s1, $0x7F;
	v37 =	vor.u32 $0x6, v37  }
0x943: {  	v37 =	vbroadcast v37, $0x0  }
0x944: {  	v38 =	vmul.f32 v36, v33;
	v36 =	vmul.f32 v36, v34;
	_ =	sdelay $0x1  }
0x945: {  	v38 =	vadd.f32 v38, v32;
	v36 =	vadd.f32 v36, v35  }
0x946: {  	s0 =	sadd.s32 $0x1C0, s0  }
0x947: {  	[tilespmem:s0+$0xFFFFFFF0] =	vst v38  }
.Ltmp53:
0x948: {  	[tilespmem:s0+$0x0] =	vst v36;
	(pc) =	sbr.rel @p0 .LBB2_108-.Ltmp53, $3  }
0x949: {  	v36 =	vld.idx.msk [tilespmem:v37+s28+$0x0], $0xffff;
	_ =	sdelay $0x1  }
0x94a: {  	s3 =	sshll.u32 s1, $0x4  }
0x94b: {  	s1 =	sadd.s32 $0x1, s1;
	v37 =	vmov s3  }
0x94c: {  	v37 =	vor.u32 $0x6, v37  }
0x94d: {  	v37 =	vbroadcast v37, $0x0;
	v38 =	vmul.f32 v36, v33  }
0x94e: {  	v55 =	vmul.f32 v36, v34  }
0x94f: {  	v38 =	vadd.f32 v38, v32  }
0x950: {  	s0 =	sadd.s32 $0x1C0, s0;
	v36 =	vadd.f32 v55, v35  }
0x951: {  	[tilespmem:s0+$0xFFFFFFF0] =	vst v38  }
0x952: {  	[tilespmem:s0+$0x0] =	vst v36  }
0x953: {  	v36 =	vld.idx.msk [tilespmem:v37+s28+$0x0], $0xffff;
	_ =	sdelay $0x2  }
0x954: {  	s1 =	simm.s32 $0x0  }
0x955: {  	v56 =	vmov s1  }
0x956: {  	v37 =	vor.u32 $0x7, v56;
	v57 =	vmul.f32 v36, v33  }
0x957: {  	v59 =	vbroadcast v37, $0x0;
	v58 =	vmul.f32 v36, v34  }
0x958: {  	v60 =	vadd.f32 v57, v32  }
0x959: {  	s0 =	sadd.s32 $0x1C0, s0;
	v61 =	vadd.f32 v58, v35  }
0x95a: {  	[tilespmem:s0+$0xFFFFFFF0] =	vst v60  }
0x95b: {  	[tilespmem:s0+$0x0] =	vst v61  }
0x95c: {  	v33 =	vld [tilespmem:$0x16AE0]  }
0x95d: {  	v36 =	vld.idx.msk [tilespmem:v59+s28+$0x0], $0xffff  }
0x95e: {  	v34 =	vld [tilespmem:$0x16AF0]  }
0x95f: {  	s24 =	simm.s32 $0x10;
	v32 =	vld [tilespmem:$0x16C80]  }
0x960: {  	v62 =	vmov s24;
	v35 =	vld [tilespmem:$0x16C90]  }
0x961: {  	v37 =	vor.u32 $0x7, v62  }
0x962: {  	v37 =	vbroadcast v37, $0x0;
	v63 =	vmul.f32 v36, v33  }
0x963: {  	v36 =	vmul.f32 v36, v34  }
0x964: {  	v38 =	vadd.f32 v63, v32  }
0x965: {  	s0 =	simm.s32 $0x8310;
	v36 =	vadd.f32 v36, v35  }
0x966: {  	[tilespmem:s0+$0xFFFFFFF0] =	vst v38  }
0x967: {  	[tilespmem:s0+$0x0] =	vst v36  }
0x968: {  	v36 =	vld.idx.msk [tilespmem:v37+s28+$0x0], $0xffff  }
0x969: {  	s31 =	simm.s32 $0x20  }
0x96a: {  	s1 =	simm.s32 $0x3;
	v37 =	vmov s31  }
.LBB2_110:
0x96b: {  	p0 =	sne.s32 s1, $0x7F;
	v37 =	vor.u32 $0x7, v37  }
0x96c: {  	v37 =	vbroadcast v37, $0x0  }
0x96d: {  	v38 =	vmul.f32 v36, v33;
	v36 =	vmul.f32 v36, v34;
	_ =	sdelay $0x1  }
0x96e: {  	v38 =	vadd.f32 v38, v32;
	v36 =	vadd.f32 v36, v35  }
0x96f: {  	s0 =	sadd.s32 $0x1C0, s0  }
0x970: {  	[tilespmem:s0+$0xFFFFFFF0] =	vst v38  }
.Ltmp54:
0x971: {  	[tilespmem:s0+$0x0] =	vst v36;
	(pc) =	sbr.rel @p0 .LBB2_110-.Ltmp54, $3  }
0x972: {  	v36 =	vld.idx.msk [tilespmem:v37+s28+$0x0], $0xffff;
	_ =	sdelay $0x1  }
0x973: {  	s3 =	sshll.u32 s1, $0x4  }
0x974: {  	s1 =	sadd.s32 $0x1, s1;
	v37 =	vmov s3  }
0x975: {  	v37 =	vor.u32 $0x7, v37  }
0x976: {  	v37 =	vbroadcast v37, $0x0;
	v38 =	vmul.f32 v36, v33  }
0x977: {  	v55 =	vmul.f32 v36, v34  }
0x978: {  	v38 =	vadd.f32 v38, v32  }
0x979: {  	s0 =	sadd.s32 $0x1C0, s0;
	v36 =	vadd.f32 v55, v35  }
0x97a: {  	[tilespmem:s0+$0xFFFFFFF0] =	vst v38  }
0x97b: {  	[tilespmem:s0+$0x0] =	vst v36  }
0x97c: {  	v36 =	vld.idx.msk [tilespmem:v37+s28+$0x0], $0xffff;
	_ =	sdelay $0x2  }
0x97d: {  	s1 =	simm.s32 $0x0  }
0x97e: {  	v56 =	vmov s1  }
0x97f: {  	v37 =	vor.u32 $0x8, v56;
	v57 =	vmul.f32 v36, v33  }
0x980: {  	v59 =	vbroadcast v37, $0x0;
	v58 =	vmul.f32 v36, v34  }
0x981: {  	v60 =	vadd.f32 v57, v32  }
0x982: {  	s0 =	sadd.s32 $0x1C0, s0;
	v61 =	vadd.f32 v58, v35  }
0x983: {  	[tilespmem:s0+$0xFFFFFFF0] =	vst v60  }
0x984: {  	[tilespmem:s0+$0x0] =	vst v61  }
0x985: {  	v33 =	vld [tilespmem:$0x16B00]  }
0x986: {  	v36 =	vld.idx.msk [tilespmem:v59+s28+$0x0], $0xffff  }
0x987: {  	v34 =	vld [tilespmem:$0x16B10]  }
0x988: {  	s24 =	simm.s32 $0x10;
	v32 =	vld [tilespmem:$0x16CA0]  }
0x989: {  	v62 =	vmov s24;
	v35 =	vld [tilespmem:$0x16CB0]  }
0x98a: {  	v37 =	vor.u32 $0x8, v62  }
0x98b: {  	v37 =	vbroadcast v37, $0x0;
	v63 =	vmul.f32 v36, v33  }
0x98c: {  	v36 =	vmul.f32 v36, v34  }
0x98d: {  	v38 =	vadd.f32 v63, v32  }
0x98e: {  	s0 =	simm.s32 $0x8330;
	v36 =	vadd.f32 v36, v35  }
0x98f: {  	[tilespmem:s0+$0xFFFFFFF0] =	vst v38  }
0x990: {  	[tilespmem:s0+$0x0] =	vst v36  }
0x991: {  	v36 =	vld.idx.msk [tilespmem:v37+s28+$0x0], $0xffff  }
0x992: {  	s31 =	simm.s32 $0x20  }
0x993: {  	s1 =	simm.s32 $0x3;
	v37 =	vmov s31  }
.LBB2_112:
0x994: {  	p0 =	sne.s32 s1, $0x7F;
	v37 =	vor.u32 $0x8, v37  }
0x995: {  	v37 =	vbroadcast v37, $0x0  }
0x996: {  	v38 =	vmul.f32 v36, v33;
	v36 =	vmul.f32 v36, v34;
	_ =	sdelay $0x1  }
0x997: {  	v38 =	vadd.f32 v38, v32;
	v36 =	vadd.f32 v36, v35  }
0x998: {  	s0 =	sadd.s32 $0x1C0, s0  }
0x999: {  	[tilespmem:s0+$0xFFFFFFF0] =	vst v38  }
.Ltmp55:
0x99a: {  	[tilespmem:s0+$0x0] =	vst v36;
	(pc) =	sbr.rel @p0 .LBB2_112-.Ltmp55, $3  }
0x99b: {  	v36 =	vld.idx.msk [tilespmem:v37+s28+$0x0], $0xffff;
	_ =	sdelay $0x1  }
0x99c: {  	s3 =	sshll.u32 s1, $0x4  }
0x99d: {  	s1 =	sadd.s32 $0x1, s1;
	v37 =	vmov s3  }
0x99e: {  	v37 =	vor.u32 $0x8, v37  }
0x99f: {  	v37 =	vbroadcast v37, $0x0;
	v38 =	vmul.f32 v36, v33  }
0x9a0: {  	v55 =	vmul.f32 v36, v34  }
0x9a1: {  	v38 =	vadd.f32 v38, v32  }
0x9a2: {  	s0 =	sadd.s32 $0x1C0, s0;
	v36 =	vadd.f32 v55, v35  }
0x9a3: {  	[tilespmem:s0+$0xFFFFFFF0] =	vst v38  }
0x9a4: {  	[tilespmem:s0+$0x0] =	vst v36  }
0x9a5: {  	v36 =	vld.idx.msk [tilespmem:v37+s28+$0x0], $0xffff;
	_ =	sdelay $0x2  }
0x9a6: {  	s1 =	simm.s32 $0x0  }
0x9a7: {  	v56 =	vmov s1  }
0x9a8: {  	v37 =	vor.u32 $0x9, v56;
	v57 =	vmul.f32 v36, v33  }
0x9a9: {  	v59 =	vbroadcast v37, $0x0;
	v58 =	vmul.f32 v36, v34  }
0x9aa: {  	v60 =	vadd.f32 v57, v32  }
0x9ab: {  	s0 =	sadd.s32 $0x1C0, s0;
	v61 =	vadd.f32 v58, v35  }
0x9ac: {  	[tilespmem:s0+$0xFFFFFFF0] =	vst v60  }
0x9ad: {  	[tilespmem:s0+$0x0] =	vst v61  }
0x9ae: {  	v33 =	vld [tilespmem:$0x16B20]  }
0x9af: {  	v36 =	vld.idx.msk [tilespmem:v59+s28+$0x0], $0xffff  }
0x9b0: {  	v34 =	vld [tilespmem:$0x16B30]  }
0x9b1: {  	s24 =	simm.s32 $0x10;
	v32 =	vld [tilespmem:$0x16CC0]  }
0x9b2: {  	v62 =	vmov s24;
	v35 =	vld [tilespmem:$0x16CD0]  }
0x9b3: {  	v37 =	vor.u32 $0x9, v62  }
0x9b4: {  	v37 =	vbroadcast v37, $0x0;
	v63 =	vmul.f32 v36, v33  }
0x9b5: {  	v36 =	vmul.f32 v36, v34  }
0x9b6: {  	v38 =	vadd.f32 v63, v32  }
0x9b7: {  	s0 =	simm.s32 $0x8350;
	v36 =	vadd.f32 v36, v35  }
0x9b8: {  	[tilespmem:s0+$0xFFFFFFF0] =	vst v38  }
0x9b9: {  	[tilespmem:s0+$0x0] =	vst v36  }
0x9ba: {  	v36 =	vld.idx.msk [tilespmem:v37+s28+$0x0], $0xffff  }
0x9bb: {  	s31 =	simm.s32 $0x20  }
0x9bc: {  	s1 =	simm.s32 $0x3;
	v37 =	vmov s31  }
.LBB2_114:
0x9bd: {  	p0 =	sne.s32 s1, $0x7F;
	v37 =	vor.u32 $0x9, v37  }
0x9be: {  	v37 =	vbroadcast v37, $0x0  }
0x9bf: {  	v38 =	vmul.f32 v36, v33;
	v36 =	vmul.f32 v36, v34;
	_ =	sdelay $0x1  }
0x9c0: {  	v38 =	vadd.f32 v38, v32;
	v36 =	vadd.f32 v36, v35  }
0x9c1: {  	s0 =	sadd.s32 $0x1C0, s0  }
0x9c2: {  	[tilespmem:s0+$0xFFFFFFF0] =	vst v38  }
.Ltmp56:
0x9c3: {  	[tilespmem:s0+$0x0] =	vst v36;
	(pc) =	sbr.rel @p0 .LBB2_114-.Ltmp56, $3  }
0x9c4: {  	v36 =	vld.idx.msk [tilespmem:v37+s28+$0x0], $0xffff;
	_ =	sdelay $0x1  }
0x9c5: {  	s3 =	sshll.u32 s1, $0x4  }
0x9c6: {  	s1 =	sadd.s32 $0x1, s1;
	v37 =	vmov s3  }
0x9c7: {  	v37 =	vor.u32 $0x9, v37  }
0x9c8: {  	v37 =	vbroadcast v37, $0x0;
	v38 =	vmul.f32 v36, v33  }
0x9c9: {  	v55 =	vmul.f32 v36, v34  }
0x9ca: {  	v38 =	vadd.f32 v38, v32  }
0x9cb: {  	s0 =	sadd.s32 $0x1C0, s0;
	v36 =	vadd.f32 v55, v35  }
0x9cc: {  	[tilespmem:s0+$0xFFFFFFF0] =	vst v38  }
0x9cd: {  	[tilespmem:s0+$0x0] =	vst v36  }
0x9ce: {  	v36 =	vld.idx.msk [tilespmem:v37+s28+$0x0], $0xffff;
	_ =	sdelay $0x2  }
0x9cf: {  	s1 =	simm.s32 $0x0  }
0x9d0: {  	v56 =	vmov s1  }
0x9d1: {  	v37 =	vor.u32 $0xA, v56;
	v57 =	vmul.f32 v36, v33  }
0x9d2: {  	v59 =	vbroadcast v37, $0x0;
	v58 =	vmul.f32 v36, v34  }
0x9d3: {  	v60 =	vadd.f32 v57, v32  }
0x9d4: {  	s0 =	sadd.s32 $0x1C0, s0;
	v61 =	vadd.f32 v58, v35  }
0x9d5: {  	[tilespmem:s0+$0xFFFFFFF0] =	vst v60  }
0x9d6: {  	[tilespmem:s0+$0x0] =	vst v61  }
0x9d7: {  	v33 =	vld [tilespmem:$0x16B40]  }
0x9d8: {  	v36 =	vld.idx.msk [tilespmem:v59+s28+$0x0], $0xffff  }
0x9d9: {  	v34 =	vld [tilespmem:$0x16B50]  }
0x9da: {  	s24 =	simm.s32 $0x10;
	v32 =	vld [tilespmem:$0x16CE0]  }
0x9db: {  	v62 =	vmov s24;
	v35 =	vld [tilespmem:$0x16CF0]  }
0x9dc: {  	v37 =	vor.u32 $0xA, v62  }
0x9dd: {  	v37 =	vbroadcast v37, $0x0;
	v63 =	vmul.f32 v36, v33  }
0x9de: {  	v36 =	vmul.f32 v36, v34  }
0x9df: {  	v38 =	vadd.f32 v63, v32  }
0x9e0: {  	s0 =	simm.s32 $0x8370;
	v36 =	vadd.f32 v36, v35  }
0x9e1: {  	[tilespmem:s0+$0xFFFFFFF0] =	vst v38  }
0x9e2: {  	[tilespmem:s0+$0x0] =	vst v36  }
0x9e3: {  	v36 =	vld.idx.msk [tilespmem:v37+s28+$0x0], $0xffff  }
0x9e4: {  	s31 =	simm.s32 $0x20  }
0x9e5: {  	s1 =	simm.s32 $0x3;
	v37 =	vmov s31  }
.LBB2_116:
0x9e6: {  	p0 =	sne.s32 s1, $0x7F;
	v37 =	vor.u32 $0xA, v37  }
0x9e7: {  	v37 =	vbroadcast v37, $0x0  }
0x9e8: {  	v38 =	vmul.f32 v36, v33;
	v36 =	vmul.f32 v36, v34;
	_ =	sdelay $0x1  }
0x9e9: {  	v38 =	vadd.f32 v38, v32;
	v36 =	vadd.f32 v36, v35  }
0x9ea: {  	s0 =	sadd.s32 $0x1C0, s0  }
0x9eb: {  	[tilespmem:s0+$0xFFFFFFF0] =	vst v38  }
.Ltmp57:
0x9ec: {  	[tilespmem:s0+$0x0] =	vst v36;
	(pc) =	sbr.rel @p0 .LBB2_116-.Ltmp57, $3  }
0x9ed: {  	v36 =	vld.idx.msk [tilespmem:v37+s28+$0x0], $0xffff;
	_ =	sdelay $0x1  }
0x9ee: {  	s3 =	sshll.u32 s1, $0x4  }
0x9ef: {  	s1 =	sadd.s32 $0x1, s1;
	v37 =	vmov s3  }
0x9f0: {  	v37 =	vor.u32 $0xA, v37  }
0x9f1: {  	v37 =	vbroadcast v37, $0x0;
	v38 =	vmul.f32 v36, v33  }
0x9f2: {  	v55 =	vmul.f32 v36, v34  }
0x9f3: {  	v38 =	vadd.f32 v38, v32  }
0x9f4: {  	s0 =	sadd.s32 $0x1C0, s0;
	v36 =	vadd.f32 v55, v35  }
0x9f5: {  	[tilespmem:s0+$0xFFFFFFF0] =	vst v38  }
0x9f6: {  	[tilespmem:s0+$0x0] =	vst v36  }
0x9f7: {  	v36 =	vld.idx.msk [tilespmem:v37+s28+$0x0], $0xffff;
	_ =	sdelay $0x2  }
0x9f8: {  	s1 =	simm.s32 $0x0  }
0x9f9: {  	v56 =	vmov s1  }
0x9fa: {  	v37 =	vor.u32 $0xB, v56;
	v57 =	vmul.f32 v36, v33  }
0x9fb: {  	v59 =	vbroadcast v37, $0x0;
	v58 =	vmul.f32 v36, v34  }
0x9fc: {  	v60 =	vadd.f32 v57, v32  }
0x9fd: {  	s0 =	sadd.s32 $0x1C0, s0;
	v61 =	vadd.f32 v58, v35  }
0x9fe: {  	[tilespmem:s0+$0xFFFFFFF0] =	vst v60  }
0x9ff: {  	[tilespmem:s0+$0x0] =	vst v61  }
0xa00: {  	v33 =	vld [tilespmem:$0x16B60]  }
0xa01: {  	v36 =	vld.idx.msk [tilespmem:v59+s28+$0x0], $0xffff  }
0xa02: {  	v34 =	vld [tilespmem:$0x16B70]  }
0xa03: {  	s24 =	simm.s32 $0x10;
	v32 =	vld [tilespmem:$0x16D00]  }
0xa04: {  	v62 =	vmov s24;
	v35 =	vld [tilespmem:$0x16D10]  }
0xa05: {  	v37 =	vor.u32 $0xB, v62  }
0xa06: {  	v37 =	vbroadcast v37, $0x0;
	v63 =	vmul.f32 v36, v33  }
0xa07: {  	v36 =	vmul.f32 v36, v34  }
0xa08: {  	v38 =	vadd.f32 v63, v32  }
0xa09: {  	s0 =	simm.s32 $0x8390;
	v36 =	vadd.f32 v36, v35  }
0xa0a: {  	[tilespmem:s0+$0xFFFFFFF0] =	vst v38  }
0xa0b: {  	[tilespmem:s0+$0x0] =	vst v36  }
0xa0c: {  	v36 =	vld.idx.msk [tilespmem:v37+s28+$0x0], $0xffff  }
0xa0d: {  	s31 =	simm.s32 $0x20  }
0xa0e: {  	s1 =	simm.s32 $0x3;
	v37 =	vmov s31  }
.LBB2_118:
0xa0f: {  	p0 =	sne.s32 s1, $0x7F;
	v37 =	vor.u32 $0xB, v37  }
0xa10: {  	v37 =	vbroadcast v37, $0x0  }
0xa11: {  	v38 =	vmul.f32 v36, v33;
	v36 =	vmul.f32 v36, v34;
	_ =	sdelay $0x1  }
0xa12: {  	v38 =	vadd.f32 v38, v32;
	v36 =	vadd.f32 v36, v35  }
0xa13: {  	s0 =	sadd.s32 $0x1C0, s0  }
0xa14: {  	[tilespmem:s0+$0xFFFFFFF0] =	vst v38  }
.Ltmp58:
0xa15: {  	[tilespmem:s0+$0x0] =	vst v36;
	(pc) =	sbr.rel @p0 .LBB2_118-.Ltmp58, $3  }
0xa16: {  	v36 =	vld.idx.msk [tilespmem:v37+s28+$0x0], $0xffff;
	_ =	sdelay $0x1  }
0xa17: {  	s3 =	sshll.u32 s1, $0x4  }
0xa18: {  	s1 =	sadd.s32 $0x1, s1;
	v37 =	vmov s3  }
0xa19: {  	v37 =	vor.u32 $0xB, v37  }
0xa1a: {  	v37 =	vbroadcast v37, $0x0;
	v38 =	vmul.f32 v36, v33  }
0xa1b: {  	v55 =	vmul.f32 v36, v34  }
0xa1c: {  	v38 =	vadd.f32 v38, v32  }
0xa1d: {  	s0 =	sadd.s32 $0x1C0, s0;
	v36 =	vadd.f32 v55, v35  }
0xa1e: {  	[tilespmem:s0+$0xFFFFFFF0] =	vst v38  }
0xa1f: {  	[tilespmem:s0+$0x0] =	vst v36  }
0xa20: {  	v36 =	vld.idx.msk [tilespmem:v37+s28+$0x0], $0xffff;
	_ =	sdelay $0x2  }
0xa21: {  	s1 =	simm.s32 $0x0  }
0xa22: {  	v56 =	vmov s1  }
0xa23: {  	v37 =	vor.u32 $0xC, v56;
	v57 =	vmul.f32 v36, v33  }
0xa24: {  	v59 =	vbroadcast v37, $0x0;
	v58 =	vmul.f32 v36, v34  }
0xa25: {  	v60 =	vadd.f32 v57, v32  }
0xa26: {  	s0 =	sadd.s32 $0x1C0, s0;
	v61 =	vadd.f32 v58, v35  }
0xa27: {  	[tilespmem:s0+$0xFFFFFFF0] =	vst v60  }
0xa28: {  	[tilespmem:s0+$0x0] =	vst v61  }
0xa29: {  	v32 =	vld [tilespmem:$0x16B80]  }
0xa2a: {  	v36 =	vld.idx.msk [tilespmem:v59+s28+$0x0], $0xffff  }
0xa2b: {  	v33 =	vld [tilespmem:$0x16B90]  }
0xa2c: {  	s24 =	simm.s32 $0x10;
	v34 =	vld [tilespmem:$0x16D20]  }
0xa2d: {  	v62 =	vmov s24;
	v35 =	vld [tilespmem:$0x16D30]  }
0xa2e: {  	v37 =	vor.u32 $0xC, v62  }
0xa2f: {  	v37 =	vbroadcast v37, $0x0;
	v63 =	vmul.f32 v36, v32  }
0xa30: {  	v36 =	vmul.f32 v36, v33  }
0xa31: {  	v38 =	vadd.f32 v63, v34  }
0xa32: {  	s0 =	simm.s32 $0x83B0;
	v36 =	vadd.f32 v36, v35  }
0xa33: {  	[tilespmem:s0+$0xFFFFFFF0] =	vst v38  }
0xa34: {  	[tilespmem:s0+$0x0] =	vst v36  }
0xa35: {  	v36 =	vld.idx.msk [tilespmem:v37+s28+$0x0], $0xffff  }
0xa36: {  	s31 =	simm.s32 $0x20  }
0xa37: {  	s1 =	simm.s32 $0x3;
	v37 =	vmov s31  }
.LBB2_120:
0xa38: {  	p0 =	sne.s32 s1, $0x7F;
	v37 =	vor.u32 $0xC, v37  }
0xa39: {  	v37 =	vbroadcast v37, $0x0  }
0xa3a: {  	v38 =	vmul.f32 v36, v32;
	v36 =	vmul.f32 v36, v33;
	_ =	sdelay $0x1  }
0xa3b: {  	v38 =	vadd.f32 v38, v34;
	v36 =	vadd.f32 v36, v35  }
0xa3c: {  	s0 =	sadd.s32 $0x1C0, s0  }
0xa3d: {  	[tilespmem:s0+$0xFFFFFFF0] =	vst v38  }
.Ltmp59:
0xa3e: {  	[tilespmem:s0+$0x0] =	vst v36;
	(pc) =	sbr.rel @p0 .LBB2_120-.Ltmp59, $3  }
0xa3f: {  	v36 =	vld.idx.msk [tilespmem:v37+s28+$0x0], $0xffff;
	_ =	sdelay $0x1  }
0xa40: {  	s3 =	sshll.u32 s1, $0x4  }
0xa41: {  	s1 =	sadd.s32 $0x1, s1;
	v37 =	vmov s3  }
0xa42: {  	v37 =	vor.u32 $0xC, v37  }
0xa43: {  	v37 =	vbroadcast v37, $0x0;
	v38 =	vmul.f32 v36, v32  }
0xa44: {  	v61 =	vmul.f32 v36, v33  }
0xa45: {  	v38 =	vadd.f32 v38, v34  }
0xa46: {  	s0 =	sadd.s32 $0x1C0, s0;
	v36 =	vadd.f32 v61, v35  }
0xa47: {  	[tilespmem:s0+$0xFFFFFFF0] =	vst v38  }
0xa48: {  	[tilespmem:s0+$0x0] =	vst v36  }
0xa49: {  	v36 =	vld.idx.msk [tilespmem:v37+s28+$0x0], $0xffff;
	_ =	sdelay $0x4  }
0xa4a: {  	v62 =	vmul.f32 v36, v32  }
0xa4b: {  	v63 =	vmul.f32 v36, v33  }
0xa4c: {  	v32 =	vadd.f32 v62, v34  }
0xa4d: {  	s1 =	sadd.s32 $0x1C0, s0;
	v33 =	vadd.f32 v63, v35  }
0xa4e: {  	s24 =	sadd.s32 $0x0, s15;
	[tilespmem:s1+$0xFFFFFFF0] =	vst v32  }
0xa4f: {  	s3 =	simm.s32 $0x83C0;
	s0 =	simm.s32 $0x8200;
	[tilespmem:s1+$0x0] =	vst v33;
	s1 =	simm.s32 $0x280  }
.LBB2_122:
0xa50: {  	[hbm4b:s24+s22] =	stream.strided.scatter [tilespmem:s0], [sflag:$0x2], $0x1C0, s29, s22, $0x38;
	[tilespmem:$0x16D60] =	vst v63  }
0xa51: {  	s24 =	smov.u32 s1;
	s0 =	smov.u32 s3;
	p0 =	sne.s32 s1, $0x13D80  }
.Ltmp60:
0xa52: {  	s1 =	sadd.s32 $0x280, s1;
	(pc) =	sbr.rel @p0 .LBB2_122-.Ltmp60, $2  }
0xa53: {  	_ =	sdelay $0x2  }
0xa54: {  	s3 =	sadd.s32 $0x1C0, s3;
	s24 =	sadd.s32 s24, s15  }
0xa55: {  	s30 =	sadd.s32 $0x1, s30  }
0xa56: {  	p0 =	sne.s32 s30, s16  }
.Ltmp61:
0xa57: {  	_ = 	snop;
	(pc) =	sbr.rel @p0 .LBB2_1-.Ltmp61, $4  }
0xa58: {  	[hbm4b:s24+s22] =	stream.strided.scatter [tilespmem:s0], [sflag:$0x2], $0x1C0, s29, s22, $0x38;
	[tilespmem:$0x16D60] =	vst v63  }
0xa59: {  	_ =	swait.ge [sflag:s19], $0xE000  }
0xa5a: {  	[sflag:s19] =	ssyncset.done $0x0  }
0xa5b: {  	[sflag:s19] =	ssyncadd.s32 $0xFFFF2000  }
0xa5c: {  	_ =	sfence.sel $0x180000  }
0xa5d: {  	[bflag:$0x0] =	sbarrier.arrive $0xFFFF  }
0xa5e: {  	_ =	strace $0x9000004A  }
0xa5f: {  	s0 =	stileid.u32;
	[bflag:$0x2] =	sbarrier.arrive $0xFFFF  }
0xa60: {  	p0 =	sne.s32 s0, $0x0;
	s0 =	rddreg [dreg:$0x3]  }
0xa61: {  	s0 =	sadd.s32 @!p0 $0x100000, s0  }
0xa62: {  	[sflag:s0] =	ssyncadd.tile.s32 @!p0 $0x1;
	_ =	shalt  }
.Lfunc_end2:
_tile_overlayer_lowered:
.L_overlay_start_2:
0xa63: {  	(tag) =	ssettag $0x2  }
0xa64: {  	s0 =	rddreg [dreg:$0x0];
	s2 =	stileid.u32  }
0xa65: {  	s1 =	rddreg [dreg:$0x1];
	p0 =	sne.s32 s2, $0x0  }
0xa66: {  	s3 =	rddreg [dreg:$0x2];
	[bflag:$0x3] =	sbarrier.arrive $0xFFFF;
	s2 =	simm.s32 @!p0 $0x1C02  }
0xa67: {  	[timem:s3], [sflag:s2] =	dma.local @!p0 [hbm:s0], s1  }
0xa68: {  	s0 =	simm.s32 @!p0 $0x2  }
0xa69: {  	_ =	swait.ge @!p0 [sflag:s0], s1  }
0xa6a: {  	s1 =	ssub.s32 @!p0 $0x0, s1;
	[sflag:s0] =	ssyncset.done @!p0 $0x0  }
0xa6b: {  	[sflag:s0] =	ssyncadd.s32 @!p0 s1  }
0xa6c: {  	[bflag:$0x3] =	sbarrier.arrive $0xFFFF  }
0xa6d: {  	_ =	shalt  }

// kernel: sparse-core-data-format-call.1.cloned.1.call-start
scs
called_computation.1_lowered:
.L_overlay_start_0:
0x0: {  	s2 =	sld [smem:$0x3FD9]  }
0x1: {  	s3 =	sld [smem:$0x3FFE];
	_ =	sdelay $0x1  }
0x2: {  	s1 =	srdreg.scid  }
0x3: {  	s0 =	sand.u32 $0x1, s1  }
0x4: {  	s18 =	sshll.u32 s0, $0xA;
	s2 =	sadd.s32 s3, s2  }
0x5: {  	s2 =	sadd.s32 s2, s18  }
0x6: {  	[smem:$0x3FC2] =	sst s2  }
0x7: {  	_ = 	snop  }
0x8: {  	s2 =	sld [smem:$0x3FC5];
	(tm) =	ssettm $0x1  }
0x9: {  	s19 =	sld [smem:$0x3FFB];
	_ =	sdelay $0x3  }
0xa: {  	_ =	strace s19  }
0xb: {  	s3 =	sld [smem:$0x3FFC];
	_ =	sdelay $0x3  }
0xc: {  	_ =	strace s3  }
0xd: {  	s3 =	sld [smem:$0x3FFD];
	_ =	sdelay $0x3  }
0xe: {  	_ =	strace s3  }
0xf: {  	_ =	strace $0x8FFFFFFF  }
0x10: {  	s20 =	sld [smem:$0x3FDB];
	_ =	sdelay $0x1  }
0x11: {  	s4 =	simm.s32 $_scs_section_size  }
0x12: {  	s5 =	simm.s32 $_size__tile_overlayer_lowered;
	s6 =	simm.s32 $_tile_overlayer_lowered  }
0x13: {  	s23 =	simm.s32 $0x1BFF;
	s22 =	sshll.u32 s6, $0x1;
	s3 =	sadd.s32 s4, s20  }
0x14: {  	s7 =	simm.s32 $0x0;
	s21 =	sshll.u32 s5, $0x1;
	s5 =	sadd.s32 s22, s3  }
0x15: {  	[timem:s7], [sflag:s23] =	dma.local [hbm:s5], s21  }
0x16: {  	_ =	swait.ge [sflag:s23], s21  }
0x17: {  	s4 =	ssub.s32 $0x0, s21;
	[sflag:s23] =	ssyncset.done $0x0  }
0x18: {  	[sflag:s23] =	ssyncadd.s32 s4;
	_ =	sdelay $0x1  }
0x19: {  	s24 =	simm.s32 $0x1B8B  }
0x1a: {  	_ =	swait.ge [sflag:s24], $0x1  }
0x1b: {  	[sflag:s24] =	ssyncset.done $0x0  }
0x1c: {  	s26 =	simm.s32 $0x1B8E;
	s25 =	sld [smem:$0x3FFE];
	[sflag:s24] =	ssyncadd.s32 $0xFFFFFFFF  }
0x1d: {  	s27 =	simm.s32 $execute0_lowered;
	[smem:$0x3FD2] =	sst s26  }
0x1e: {  	s5 =	sshll.u32 s27, $0x1;
	_ =	strace $0x80000046;
	[dreg:$0x1] =	wrdreg $0xFFFFFFFF  }
0x1f: {  	s28 =	simm.s32 $_size_execute0_lowered;
	s3 =	sadd.s32 s3, s5;
	[dreg:$0x0] =	wrdreg $0x0  }
0x20: {  	s5 =	sshll.u32 s28, $0x1;
	[dreg:$0x2] =	wrdreg s3  }
0x21: {  	[dreg:$0x3] =	wrdreg s5  }
0x22: {  	[dreg:$0x4] =	wrdreg $0xC0  }
0x23: {  	_ =	task [dreg:s7], $0x5FFFF  }
0x24: {  	[dreg:$0x1] =	wrdreg $0xFFFFFFFF  }
0x25: {  	[dreg:$0x0] =	wrdreg $0x60  }
0x26: {  	[dreg:$0x2] =	wrdreg s2  }
0x27: {  	[dreg:$0x3] =	wrdreg s25  }
0x28: {  	[dreg:$0x4] =	wrdreg $0x9  }
0x29: {  	_ =	task.clear_ibuf [dreg:s7], $0x5FFFF;
	_ =	strace $0x90000046  }
0x2a: {  	s29 =	simm.s32 $0x9;
	_ =	strace $0x80000048  }
0x2b: {  	_ =	swait.ge [sflag:s29], $0x1  }
0x2c: {  	[sflag:s29] =	ssyncadd.s32 $0xFFFFFFFF  }
0x2d: {  	_ =	strace $0x90000048  }
0x2e: {  	_ =	sfence  }
0x2f: {  	s30 =	sld [smem:$0x0];
	_ =	sdelay $0x2  }
0x30: {  	s31 =	sshll.u32 s1, $0xD;
	s1 =	sshrl.u32 s1, $0x2  }
0x31: {  	s3 =	sand.u32 $0x4000, s31;
	s1 =	sadd.s32 s1, s30  }
0x32: {  	s0 =	sor.u32 s3, s0;
	s1 =	sshll.u32 s1, $0x11  }
0x33: {  	s0 =	sor.u32 s1, s0  }
0x34: {  	s0 =	sadd.s32 $0x8F2B, s0  }
0x35: {  	[sflag:s0] =	ssyncadd.remote.s32 $0x1  }
0x36: {  	_ =	sfence.sel $0xFFFF  }
0x37: {  	[dreg:$0x0] =	wrdreg $0xFFFFFFFF;
	(pc) =	sbr.abs _section_cstart, $3  }
0x38: {  	[dreg:$0x1] =	wrdreg $0xFFFFFFFF  }
0x39: {  	_ =	task.clear_ibuf [dreg:s7], $0x2FFFF;
	_ =	strace $0x9FFFFFFF  }
0x3a: {  	(tm) =	ssettm $0x7FFFFFFF  }
0x3b: {  	_ =	shalt  }
tec
execute0_lowered:
.L_overlay_start_1:
0x0: {  	(tag) =	ssettag $0x1  }
0x1: {  	s2 =	rddreg [dreg:$0x0]  }
0x2: {  	s0 =	srdreg.scid;
	s5 =	rddreg [dreg:$0x1]  }
0x3: {  	s31 =	simm.s32 $0x2;
	s16 =	simm.s32 $0x0;
	p0 =	por $0x0, $0x0  }
0x4: {  	s8 =	simm.s32 $0x80;
	s17 =	simm.s32 $0x0;
	s1 =	sshll.u32 s0, $0x4  }
0x5: {  	s18 =	simm.s32 $0x0;
	s0 =	stileid.u32;
	s1 =	sand.u32 $0x10, s1  }
0x6: {  	s9 =	simm.s32 $0x0;
	s10 =	simm.s32 $0x0;
	s1 =	sor.u32 s0, s1  }
0x7: {  	s11 =	simm.s32 $0x0;
	s13 =	simm.s32 $0x0;
	s3 =	sshll.u32 s1, $0x8  }
.Ltmp0:
0x8: {  	s14 =	simm.s32 $0x0;
	s4 =	ssub.s32 $0x18600, s3;
	(pc) =	sbr.rel .LBB1_1-.Ltmp0, $4  }
0x9: {  	s15 =	simm.s32 $0x0;
	s1 =	rddreg [dreg:$0x2];
	s6 =	sshrl.u32 s4, $0xD  }
0xa: {  	_ =	strace $0x80000047;
	s4 =	simm.s32 $0x1;
	s7 =	smul.u32 $0x1A, s6  }
0xb: {  	s5 =	sadd.s32 $0x1400, s5;
	s12 =	smov.u32 s3;
	[sflag:s4] =	ssyncpa.u1 $0x0  }
0xc: {  	[sflag:s31] =	ssyncpa.u1 $0x0;
	s6 =	sadd.s32 $0x1A, s7;
	s7 =	sadd.s32 $0x1B, s7  }
.LBB1_5:
0xd: {  	p1 =	slt.u32 s15, $0x2  }
0xe: {  	s19 =	smov.u32 s18;
	p2 =	sgt.s32 @!p1 s18, $0x19  }
0xf: {  	s20 =	sshra.s32 @!p1 s18, $0x1F;
	p3 =	sgt.s32 @!p1 s16, $0x185A0;
	p4 =	sgt.s32 @!p1 s17, $0x60  }
0x10: {  	s21 =	sshra.s32 @!p1 s17, $0x1F;
	p2 =	por !p2, p1;
	s18 =	sand.u32 @!p1 s20, s18  }
0x11: {  	p4 =	por !p4, p1;
	s20 =	smov.u32 s17;
	s19 =	simm.s32 @p2 $0x19  }
0x12: {  	s17 =	sand.u32 @!p1 s21, s17;
	s20 =	simm.s32 @p4 $0x60;
	s18 =	ssub.s32 @!p1 s19, s18  }
0x13: {  	p3 =	por !p3, p1;
	s17 =	ssub.s32 @!p1 s20, s17;
	s19 =	sadd.s32 @!p1 $0xFFFFFFE7, s18  }
0x14: {  	s20 =	sshra.s32 @!p1 s16, $0x1F;
	s18 =	ssub.s32 @!p1 $0x1A, s18;
	p2 =	sgt.s32 @!p1 s19, $0x0  }
0x15: {  	s19 =	smov.u32 s16;
	s16 =	sand.u32 @!p1 s20, s16;
	s20 =	sadd.s32 @!p1 $0xFFFFFFA0, s17  }
0x16: {  	s17 =	ssub.s32 @!p1 $0x80, s17;
	s19 =	simm.s32 @p3 $0x185A0;
	p2 =	por !p2, p1  }
0x17: {  	s18 =	simm.s32 @!p2 $0x0;
	s16 =	ssub.s32 @!p1 s19, s16;
	p2 =	sgt.s32 @!p1 s20, $0x1F  }
0x18: {  	s20 =	smov.u32 s13;
	s19 =	sadd.s32 @!p1 $0xFFFE7A60, s16;
	p2 =	por !p2, p1  }
0x19: {  	s16 =	ssub.s32 @!p1 $0x186A0, s16;
	s17 =	simm.s32 @!p2 $0x0;
	p2 =	sgt.s32 @!p1 s19, $0xFF  }
0x1a: {  	s19 =	sadd.s32 $0x2000, s12;
	p2 =	por !p2, p1;
	s17 =	smul.u32 @!p1 s18, s17  }
0x1b: {  	s18 =	sadd.s32 $0x20, s13;
	s16 =	simm.s32 @!p2 $0x0;
	p2 =	sgt.s32 s19, $0x1869F  }
0x1c: {  	s16 =	smul.u32 @!p1 s16, s17;
	s20 =	smov.u32 @p2 s18  }
0x1d: {  	s19 =	smov.u32 @p2 s3;
	s17 =	simm.s32 $0x1;
	p2 =	sgt.s32 s20, $0x1F  }
0x1e: {  	s17 =	simm.s32 @!p2 $0x0  }
0x1f: {  	p0 =	por !p0, !p0;
	s23 =	sadd.s32 s17, s14  }
0x20: {  	s21 =	simm.s32 @!p1 $0x2;
	s20 =	simm.s32 @p2 $0x0;
	p2 =	sgt.s32 s23, $0x19  }
0x21: {  	s18 =	smov.u32 s11;
	s23 =	simm.s32 @p2 $0x0;
	p2 =	sne.s32 s15, s7  }
.Ltmp1:
0x22: {  	s11 =	smov.u32 s14;
	s16 =	sand.u32 @!p1 $0x3FFFFFFF, s16;
	(pc) =	sbr.rel @!p2 .LBB1_6-.Ltmp1, $4  }
0x23: {  	_ =	swait.ge @!p1 [sflag:s21], s16;
	s22 =	ssub.s32 @!p1 $0x0, s16;
	s16 =	smov.u32 s9  }
0x24: {  	s17 =	smov.u32 s10;
	s9 =	smov.u32 s12;
	s10 =	smov.u32 s13  }
0x25: {  	s12 =	smov.u32 s19;
	s13 =	smov.u32 s20;
	[sflag:s21] =	ssyncset.done @!p1 $0x0  }
0x26: {  	s15 =	sadd.s32 $0x1, s15;
	[sflag:s21] =	ssyncadd.s32 @!p1 s22;
	s14 =	smov.u32 s23  }
.LBB1_1:
0x27: {  	p1 =	sge.u32 s15, s6  }
0x28: {  	s19 =	sshrl.u32 @!p1 s13, $0x3  }
0x29: {  	s20 =	sshll.u32 @!p1 s12, $0x3;
	s19 =	smul.u32 @!p1 $0xC3800, s19  }
0x2a: {  	s21 =	sshll.u32 @!p1 s13, $0x7;
	s20 =	sand.u32 @!p1 $0xFFFFFC00, s20  }
0x2b: {  	s19 =	sadd.s32 @!p1 s19, s20;
	s20 =	sand.u32 @!p1 $0x380, s21  }
0x2c: {  	s21 =	sand.u32 @!p1 $0x7F, s12;
	s19 =	sor.u32 @!p1 s20, s19  }
0x2d: {  	s20 =	sor.u32 @!p1 s21, s19  }
0x2e: {  	s21 =	smulhi.u32 @!p1 $0xA79C7B17, s20  }
0x2f: {  	s19 =	smulhi.u32 @!p1 $0xA79C7B17, s19  }
0x30: {  	s21 =	sshrl.u32 @!p1 s21, $0x10  }
0x31: {  	s19 =	sshrl.u32 @!p1 s19, $0x10;
	s21 =	smul.u32 @!p1 $0x18700, s21  }
0x32: {  	s22 =	sxor.u32 @!p1 $0xFFFFFFFF, s15;
	s23 =	smul.u32 @!p1 $0x61C00, s14;
	s19 =	sand.u32 @!p1 $0x1F, s19  }
0x33: {  	s22 =	sshll.u32 @!p1 s22, $0xD;
	s19 =	smul.u32 @!p1 $0x30E0, s19;
	s20 =	ssub.s32 @!p1 s20, s21  }
0x34: {  	s21 =	sand.u32 @!p1 $0x2000, s22;
	s22 =	sadd.s32 @!p1 s2, s23;
	s23 =	sand.u32 @!p1 $0x7, s20  }
0x35: {  	s20 =	sshrl.u32 @!p1 s20, $0x3;
	s19 =	sadd.s32 @!p1 s19, s22;
	s22 =	sshll.u32 @!p1 s23, $0x12  }
0x36: {  	s19 =	sadd.s32 @!p1 s20, s19;
	s20 =	sor.u32 @!p1 $0x800, s22;
	s22 =	simm.s32 @!p1 $0xC3800  }
0x37: {  	[tilespmem:s21], [sflag:$0x1] =	stream.strided.gather @!p1 [hbm4b:s19+s20], $0x2000, s22, s20, $0x38;
	[tilespmem:$0x8200] =	vst v63  }
0x38: {  	p1 =	seq.s32 s15, $0x0  }
0x39: {  	p2 =	sge.u32 @!p1 s15, s7  }
0x3a: {  	p1 =	por p1, p2  }
.Ltmp2:
0x3b: {  	_ = 	snop;
	(pc) =	sbr.rel @p1 .LBB1_5-.Ltmp2, $1  }
0x3c: {  	_ =	sdelay $0x3  }
0x3d: {  	s21 =	simm.s32 $0x0  }
0x3e: {  	s22 =	sand.u32 $0x1800, s21;
	s23 =	sand.u32 $0x380, s21  }
0x3f: {  	s19 =	sand.u32 $0x1, s15;
	s23 =	sor.u32 s23, s22  }
0x40: {  	_ =	swait.ge [sflag:s4], $0x2000;
	s20 =	sshll.u32 s19, $0xD;
	s22 =	sand.u32 $0x1B00, s23  }
0x41: {  	[sflag:s4] =	ssyncset.done $0x0;
	s21 =	sand.u32 $0x80, s21;
	s22 =	sadd.s32 s22, s20  }
0x42: {  	[sflag:s4] =	ssyncadd.s32 $0xFFFFE000;
	s25 =	sadd.s32 s21, s22  }
0x43: {  	v4 =	vld [tilespmem:s25+$0x400]  }
0x44: {  	s24 =	simm.s32 $0x1;
	v5 =	vld [tilespmem:s25+$0x0]  }
0x45: {  	s24 =	simm.s32 @!p0 $0x0;
	v6 =	vld [tilespmem:s25+$0x10]  }
0x46: {  	v0 =	vmov s20;
	s31 =	smul.u32 $0x8400, s24;
	v7 =	vld [tilespmem:s25+$0x20]  }
0x47: {  	v9 =	vld [tilespmem:s25+$0x30]  }
0x48: {  	s21 =	sshrl.u32 s31, $0x2;
	v10 =	vld [tilespmem:s25+$0x40]  }
0x49: {  	s21 =	sor.u32 $0x4000, s21;
	v11 =	vld [tilespmem:s25+$0x50]  }
0x4a: {  	v8 =	vld [tilespmem:s25+$0x60];
	s22 =	sadd.s32 $0x0, s21  }
0x4b: {  	v1 =	vld.idx.msk [tilespmem:v0+s23+$0x410 ss:$0x1], $0xffff;
	[tilespmem:s22+$0x1080 ss:$0x21] =	vst.msk $0xffff, v4  }
0x4c: {  	v2 =	vld.idx.msk [tilespmem:v0+s23+$0x420 ss:$0x1], $0xffff;
	[tilespmem:s22+$0x0 ss:$0x21] =	vst.msk $0xffff, v5  }
0x4d: {  	v3 =	vld.idx.msk [tilespmem:v0+s23+$0x430 ss:$0x1], $0xffff;
	[tilespmem:s22+$0x210 ss:$0x21] =	vst.msk $0xffff, v6  }
0x4e: {  	s19 =	smul.u32 $0x8400, s19;
	[tilespmem:s22+$0x420 ss:$0x21] =	vst.msk $0xffff, v7;
	v7 =	vld [tilespmem:s25+$0x70]  }
0x4f: {  	s26 =	simm.s32 $0x80;
	s27 =	simm.s32 $0x8;
	[tilespmem:s22+$0x630 ss:$0x21] =	vst.msk $0xffff, v9;
	v4 =	vld.idx.msk [tilespmem:v0+s23+$0x440 ss:$0x1], $0xffff  }
0x50: {  	s29 =	sand.u32 $0x380, s26;
	s19 =	sshrl.u32 s19, $0x2;
	[tilespmem:s22+$0x840 ss:$0x21] =	vst.msk $0xffff, v10;
	v5 =	vld.idx.msk [tilespmem:v0+s23+$0x450 ss:$0x1], $0xffff;
	s25 =	simm.s32 $0x100  }
0x51: {  	s24 =	simm.s32 $0x4;
	s19 =	sor.u32 $0x4000, s19;
	[tilespmem:s22+$0xA50 ss:$0x21] =	vst.msk $0xffff, v11;
	v6 =	vld.idx.msk [tilespmem:v0+s23+$0x460 ss:$0x1], $0xffff;
	s28 =	sand.u32 $0x1800, s25  }
.LBB1_3:
0x52: {  	p1 =	sne.s32 s27, $0x7C;
	[tilespmem:s22+$0xC60 ss:$0x21] =	vst.msk $0xffff, v8;
	v8 =	vld.idx.msk [tilespmem:v0+s23+$0x470 ss:$0x1], $0xffff;
	s23 =	sor.u32 s29, s28  }
0x53: {  	s28 =	sand.u32 $0x1B00, s23;
	v9 =	vld.idx.msk [tilespmem:v0+s23+$0x410 ss:$0x1], $0xffff;
	[tilespmem:s22+$0xE70 ss:$0x21] =	vst.msk $0xffff, v7  }
0x54: {  	s29 =	sand.u32 $0x80, s26;
	s28 =	sadd.s32 s28, s20;
	v7 =	vld.idx.msk [tilespmem:v0+s23+$0x420 ss:$0x1], $0xffff;
	[tilespmem:s22+$0x1290 ss:$0x21] =	vst.msk $0xffff, v1  }
0x55: {  	s28 =	sadd.s32 s29, s28;
	v10 =	vld.idx.msk [tilespmem:v0+s23+$0x430 ss:$0x1], $0xffff;
	[tilespmem:s22+$0x14A0 ss:$0x21] =	vst.msk $0xffff, v2  }
0x56: {  	v11 =	vld [tilespmem:s28+$0x400];
	[tilespmem:s22+$0x16B0 ss:$0x21] =	vst.msk $0xffff, v3  }
0x57: {  	v12 =	vld [tilespmem:s28+$0x0];
	[tilespmem:s22+$0x18C0 ss:$0x21] =	vst.msk $0xffff, v4  }
0x58: {  	v4 =	vld [tilespmem:s28+$0x10];
	[tilespmem:s22+$0x1AD0 ss:$0x21] =	vst.msk $0xffff, v5  }
0x59: {  	s29 =	sshra.s32 s24, $0x2;
	s24 =	smov.u32 s27;
	v1 =	vmov v9;
	v5 =	vld [tilespmem:s28+$0x20];
	[tilespmem:s22+$0x1CE0 ss:$0x21] =	vst.msk $0xffff, v6  }
0x5a: {  	v2 =	vmov v7;
	v6 =	vld [tilespmem:s28+$0x30];
	[tilespmem:s22+$0x1EF0 ss:$0x21] =	vst.msk $0xffff, v8;
	s22 =	sadd.s32 s29, s21  }
0x5b: {  	v3 =	vmov v10;
	v9 =	vld [tilespmem:s28+$0x40];
	[tilespmem:s22+$0x1080 ss:$0x21] =	vst.msk $0xffff, v11  }
0x5c: {  	[tilespmem:s22+$0x0 ss:$0x21] =	vst.msk $0xffff, v12;
	v10 =	vld [tilespmem:s28+$0x50]  }
.Ltmp3:
0x5d: {  	[tilespmem:s22+$0x210 ss:$0x21] =	vst.msk $0xffff, v4;
	v8 =	vld [tilespmem:s28+$0x60];
	(pc) =	sbr.rel @p1 .LBB1_3-.Ltmp3, $4  }
0x5e: {  	[tilespmem:s22+$0x420 ss:$0x21] =	vst.msk $0xffff, v5;
	v7 =	vld [tilespmem:s28+$0x70]  }
0x5f: {  	[tilespmem:s22+$0x630 ss:$0x21] =	vst.msk $0xffff, v6;
	v4 =	vld.idx.msk [tilespmem:v0+s23+$0x440 ss:$0x1], $0xffff  }
0x60: {  	s26 =	sadd.s32 $0x80, s26;
	s25 =	sadd.s32 $0x100, s25;
	[tilespmem:s22+$0x840 ss:$0x21] =	vst.msk $0xffff, v9;
	v5 =	vld.idx.msk [tilespmem:v0+s23+$0x450 ss:$0x1], $0xffff  }
0x61: {  	s27 =	sadd.s32 $0x4, s27;
	s29 =	sand.u32 $0x380, s26;
	s28 =	sand.u32 $0x1800, s25;
	[tilespmem:s22+$0xA50 ss:$0x21] =	vst.msk $0xffff, v10;
	v6 =	vld.idx.msk [tilespmem:v0+s23+$0x460 ss:$0x1], $0xffff  }
0x62: {  	_ =	sdelay $0x3  }
0x63: {  	s25 =	sor.u32 s29, s28;
	v47 =	vld.idx.msk [tilespmem:v0+s23+$0x470 ss:$0x1], $0xffff  }
0x64: {  	[tilespmem:s22+$0xC60 ss:$0x21] =	vst.msk $0xffff, v8;
	v57 =	vld.idx.msk [tilespmem:v0+s25+$0x410 ss:$0x1], $0xffff  }
0x65: {  	[tilespmem:s22+$0x1290 ss:$0x21] =	vst.msk $0xffff, v1;
	v58 =	vld.idx.msk [tilespmem:v0+s25+$0x420 ss:$0x1], $0xffff  }
0x66: {  	[tilespmem:s22+$0x14A0 ss:$0x21] =	vst.msk $0xffff, v2;
	v59 =	vld.idx.msk [tilespmem:v0+s25+$0x430 ss:$0x1], $0xffff  }
0x67: {  	[tilespmem:s22+$0x16B0 ss:$0x21] =	vst.msk $0xffff, v3;
	v60 =	vld.idx.msk [tilespmem:v0+s25+$0x440 ss:$0x1], $0xffff  }
0x68: {  	s26 =	sand.u32 $0x80, s26;
	s27 =	sand.u32 $0x1B00, s25;
	[tilespmem:s22+$0xE70 ss:$0x21] =	vst.msk $0xffff, v7;
	v61 =	vld.idx.msk [tilespmem:v0+s25+$0x450 ss:$0x1], $0xffff  }
0x69: {  	s29 =	sshll.u32 s10, $0x3;
	s24 =	sshra.s32 s24, $0x2;
	v62 =	vld.idx.msk [tilespmem:v0+s25+$0x460 ss:$0x1], $0xffff;
	s20 =	sadd.s32 s27, s20;
	[tilespmem:s22+$0x18C0 ss:$0x21] =	vst.msk $0xffff, v4  }
0x6a: {  	p1 =	sgt.s32 s11, $0x19;
	s31 =	sand.u32 $0xFFFFFC00, s29;
	v63 =	vld.idx.msk [tilespmem:v0+s25+$0x470 ss:$0x1], $0xffff;
	s23 =	sadd.s32 s26, s20;
	[tilespmem:s22+$0x1AD0 ss:$0x21] =	vst.msk $0xffff, v5  }
0x6b: {  	p2 =	sgt.s32 s10, $0x60;
	s29 =	sshra.s32 s11, $0x1F;
	s25 =	smul.u32 $0x186A00, s11;
	v48 =	vld [tilespmem:s23+$0x400];
	[tilespmem:s22+$0x1CE0 ss:$0x21] =	vst.msk $0xffff, v6  }
0x6c: {  	s26 =	sshll.u32 s9, $0x7;
	s20 =	sadd.s32 s24, s21;
	s24 =	sand.u32 s29, s11;
	v49 =	vld [tilespmem:s23+$0x0];
	[tilespmem:s22+$0x1EF0 ss:$0x21] =	vst.msk $0xffff, v47  }
0x6d: {  	s29 =	sshra.s32 s9, $0x1F;
	v50 =	vld [tilespmem:s23+$0x10];
	s30 =	sand.u32 $0xFFFFFC00, s26;
	s28 =	sand.u32 $0x380, s26;
	[tilespmem:s20+$0x1290 ss:$0x21] =	vst.msk $0xffff, v57  }
0x6e: {  	v51 =	vld [tilespmem:s23+$0x20];
	s27 =	sadd.s32 s31, s30;
	s22 =	smov.u32 s11;
	s31 =	sshra.s32 s10, $0x1F;
	[tilespmem:s20+$0x14A0 ss:$0x21] =	vst.msk $0xffff, v58  }
0x6f: {  	v52 =	vld [tilespmem:s23+$0x30];
	s21 =	sor.u32 s28, s27;
	s22 =	simm.s32 @!p1 $0x19;
	s28 =	sand.u32 s31, s10;
	[tilespmem:s20+$0x16B0 ss:$0x21] =	vst.msk $0xffff, v59  }
0x70: {  	v53 =	vld [tilespmem:s23+$0x40];
	s27 =	smov.u32 s9;
	[tilespmem:s20+$0x18C0 ss:$0x21] =	vst.msk $0xffff, v60;
	s21 =	sshrl.u32 s21, $0x7;
	s22 =	ssub.s32 s22, s24  }
0x71: {  	v54 =	vld [tilespmem:s23+$0x50];
	[tilespmem:s20+$0x1AD0 ss:$0x21] =	vst.msk $0xffff, v61;
	s24 =	smov.u32 s10;
	s26 =	smulhi.u32 $0x14F8B59, s21;
	s30 =	sadd.s32 $0xFFFFFFE7, s22  }
0x72: {  	v55 =	vld [tilespmem:s23+$0x60];
	[tilespmem:s20+$0x1CE0 ss:$0x21] =	vst.msk $0xffff, v62;
	s24 =	simm.s32 @!p2 $0x60;
	p2 =	sgt.s32 s9, $0x185A0;
	s22 =	ssub.s32 $0x1A, s22  }
0x73: {  	v56 =	vld [tilespmem:s23+$0x70];
	[tilespmem:s20+$0x1EF0 ss:$0x21] =	vst.msk $0xffff, v63;
	p1 =	sgt.s32 s30, $0x0;
	s23 =	ssub.s32 s24, s28;
	s27 =	simm.s32 @!p2 $0x185A0  }
0x74: {  	[tilespmem:s20+$0x1080 ss:$0x21] =	vst.msk $0xffff, v48;
	s24 =	sand.u32 s29, s9;
	s28 =	sand.u32 $0x7, s10;
	s26 =	sshrl.u32 s26, $0x9  }
0x75: {  	[tilespmem:s20+$0x0 ss:$0x21] =	vst.msk $0xffff, v49;
	s24 =	ssub.s32 s27, s24;
	s30 =	sadd.s32 $0xFFFFFFA0, s23;
	s22 =	simm.s32 @p1 $0x0  }
0x76: {  	[tilespmem:s20+$0x210 ss:$0x21] =	vst.msk $0xffff, v50;
	s23 =	ssub.s32 $0x80, s23;
	s27 =	sshrl.u32 s10, $0x3;
	p1 =	sgt.s32 s30, $0x1F  }
0x77: {  	[tilespmem:s20+$0x420 ss:$0x21] =	vst.msk $0xffff, v51;
	s26 =	smul.u32 $0x186A0, s26;
	s31 =	sadd.s32 $0xFFFE7A60, s24;
	s23 =	simm.s32 @p1 $0x0  }
0x78: {  	[tilespmem:s20+$0x630 ss:$0x21] =	vst.msk $0xffff, v52;
	s24 =	ssub.s32 $0x186A0, s24;
	p1 =	sgt.s32 s31, $0xFF;
	s22 =	smul.u32 s22, s23  }
.Ltmp4:
0x79: {  	[tilespmem:s20+$0x840 ss:$0x21] =	vst.msk $0xffff, v53;
	s24 =	simm.s32 @p1 $0x0;
	s21 =	ssub.s32 s21, s26;
	(pc) =	sbr.rel .LBB1_5-.Ltmp4, $4  }
0x7a: {  	[tilespmem:s20+$0xA50 ss:$0x21] =	vst.msk $0xffff, v54;
	s23 =	sadd.s32 s5, s25;
	s22 =	smul.u32 s24, s22;
	s24 =	sand.u32 $0xF, s27  }
0x7b: {  	[tilespmem:s20+$0xC60 ss:$0x21] =	vst.msk $0xffff, v55;
	s29 =	sshll.u32 s28, $0x12;
	s21 =	sshll.u32 s21, $0x4;
	s23 =	sadd.s32 s24, s23  }
0x7c: {  	[tilespmem:s20+$0xE70 ss:$0x21] =	vst.msk $0xffff, v56;
	s31 =	sor.u32 $0x20, s29;
	s30 =	sand.u32 $0x3FFFFFFF, s22;
	s21 =	sadd.s32 s21, s23  }
0x7d: {  	[hbm4b:s21+s31] =	stream.strided.scatter [tilespmem:s19], [sflag:$0x2], s30, s8, s31, $0x10;
	[tilespmem:$0x8200] =	vst v63  }
.LBB1_6:
0x7e: {  	_ =	sfence.sel $0x180000  }
0x7f: {  	s2 =	simm.s32 $0x1;
	[bflag:$0x0] =	sbarrier.arrive $0xFFFF  }
0x80: {  	s31 =	simm.s32 $0x2;
	[sflag:s2] =	ssyncpa.u1 $0x1  }
0x81: {  	[sflag:s31] =	ssyncpa.u1 $0x1  }
0x82: {  	p0 =	sne.s32 s0, $0x0;
	_ =	strace $0x90000047  }
0x83: {  	s0 =	sadd.s32 @!p0 $0x100000, s1;
	[bflag:$0x2] =	sbarrier.arrive $0xFFFF  }
0x84: {  	[sflag:s0] =	ssyncadd.tile.s32 @!p0 $0x1;
	_ =	shalt  }
.Lfunc_end1:
_tile_overlayer_lowered:
.L_overlay_start_2:
0x85: {  	(tag) =	ssettag $0x2  }
0x86: {  	s0 =	rddreg [dreg:$0x0];
	s2 =	stileid.u32  }
0x87: {  	s1 =	rddreg [dreg:$0x1];
	p0 =	sne.s32 s2, $0x0  }
0x88: {  	s3 =	rddreg [dreg:$0x2];
	[bflag:$0x3] =	sbarrier.arrive $0xFFFF;
	s2 =	simm.s32 @!p0 $0x1C01  }
0x89: {  	[timem:s3], [sflag:s2] =	dma.local @!p0 [hbm:s0], s1  }
0x8a: {  	s0 =	simm.s32 @!p0 $0x1  }
0x8b: {  	_ =	swait.ge @!p0 [sflag:s0], s1  }
0x8c: {  	s1 =	ssub.s32 @!p0 $0x0, s1;
	[sflag:s0] =	ssyncset.done @!p0 $0x0  }
0x8d: {  	[sflag:s0] =	ssyncadd.s32 @!p0 s1  }
0x8e: {  	[bflag:$0x3] =	sbarrier.arrive $0xFFFF  }
0x8f: {  	_ =	shalt  }

// kernel: sparse-core-data-format-call.cloned.1.call-start
scs
called_computation_lowered:
.L_overlay_start_0:
0x0: {  	s2 =	sld [smem:$0x3FD9]  }
0x1: {  	s3 =	sld [smem:$0x3FFE];
	_ =	sdelay $0x1  }
0x2: {  	s1 =	srdreg.scid  }
0x3: {  	s0 =	sand.u32 $0x1, s1  }
0x4: {  	s18 =	sshll.u32 s0, $0xA;
	s2 =	sadd.s32 s3, s2  }
0x5: {  	s2 =	sadd.s32 s2, s18  }
0x6: {  	[smem:$0x3FC2] =	sst s2  }
0x7: {  	_ = 	snop  }
0x8: {  	s2 =	sld [smem:$0x3FD0];
	(tm) =	ssettm $0x1  }
0x9: {  	s19 =	sld [smem:$0x3FFB];
	_ =	sdelay $0x3  }
0xa: {  	_ =	strace s19  }
0xb: {  	s3 =	sld [smem:$0x3FFC];
	_ =	sdelay $0x3  }
0xc: {  	_ =	strace s3  }
0xd: {  	s3 =	sld [smem:$0x3FFD];
	_ =	sdelay $0x3  }
0xe: {  	_ =	strace s3  }
0xf: {  	_ =	strace $0x8FFFFFFF  }
0x10: {  	s20 =	sld [smem:$0x3FDB];
	_ =	sdelay $0x1  }
0x11: {  	s4 =	simm.s32 $_scs_section_size  }
0x12: {  	s5 =	simm.s32 $_size__tile_overlayer_lowered;
	s6 =	simm.s32 $_tile_overlayer_lowered  }
0x13: {  	s23 =	simm.s32 $0x1BFF;
	s22 =	sshll.u32 s6, $0x1;
	s3 =	sadd.s32 s4, s20  }
0x14: {  	s7 =	simm.s32 $0x0;
	s21 =	sshll.u32 s5, $0x1;
	s5 =	sadd.s32 s22, s3  }
0x15: {  	[timem:s7], [sflag:s23] =	dma.local [hbm:s5], s21  }
0x16: {  	_ =	swait.ge [sflag:s23], s21  }
0x17: {  	s4 =	ssub.s32 $0x0, s21;
	[sflag:s23] =	ssyncset.done $0x0  }
0x18: {  	[sflag:s23] =	ssyncadd.s32 s4;
	_ =	sdelay $0x1  }
0x19: {  	s24 =	simm.s32 $0x1B8B  }
0x1a: {  	_ =	swait.ge [sflag:s24], $0x1  }
0x1b: {  	[sflag:s24] =	ssyncset.done $0x0  }
0x1c: {  	s26 =	simm.s32 $0x1B8E;
	s25 =	sld [smem:$0x3FFE];
	[sflag:s24] =	ssyncadd.s32 $0xFFFFFFFF  }
0x1d: {  	s27 =	simm.s32 $execute0_lowered;
	[smem:$0x3FD2] =	sst s26  }
0x1e: {  	s5 =	sshll.u32 s27, $0x1;
	_ =	strace $0x8000004C;
	[dreg:$0x1] =	wrdreg $0xFFFFFFFF  }
0x1f: {  	s28 =	simm.s32 $_size_execute0_lowered;
	s3 =	sadd.s32 s3, s5;
	[dreg:$0x0] =	wrdreg $0x0  }
0x20: {  	s5 =	sshll.u32 s28, $0x1;
	[dreg:$0x2] =	wrdreg s3  }
0x21: {  	[dreg:$0x3] =	wrdreg s5  }
0x22: {  	[dreg:$0x4] =	wrdreg $0xC0  }
0x23: {  	_ =	task [dreg:s7], $0x5FFFF  }
0x24: {  	[dreg:$0x1] =	wrdreg $0xFFFFFFFF  }
0x25: {  	[dreg:$0x0] =	wrdreg $0x60  }
0x26: {  	[dreg:$0x2] =	wrdreg s25  }
0x27: {  	[dreg:$0x3] =	wrdreg s2  }
0x28: {  	[dreg:$0x4] =	wrdreg $0x9  }
0x29: {  	_ =	task.clear_ibuf [dreg:s7], $0x5FFFF;
	_ =	strace $0x9000004C  }
0x2a: {  	s29 =	simm.s32 $0x9;
	_ =	strace $0x8000004E  }
0x2b: {  	_ =	swait.ge [sflag:s29], $0x1  }
0x2c: {  	[sflag:s29] =	ssyncadd.s32 $0xFFFFFFFF  }
0x2d: {  	_ =	strace $0x9000004E  }
0x2e: {  	_ =	sfence  }
0x2f: {  	s30 =	sld [smem:$0x0];
	_ =	sdelay $0x2  }
0x30: {  	s31 =	sshll.u32 s1, $0xD;
	s1 =	sshrl.u32 s1, $0x2  }
0x31: {  	s3 =	sand.u32 $0x4000, s31;
	s1 =	sadd.s32 s1, s30  }
0x32: {  	s0 =	sor.u32 s3, s0;
	s1 =	sshll.u32 s1, $0x11  }
0x33: {  	s0 =	sor.u32 s1, s0  }
0x34: {  	s0 =	sadd.s32 $0x8F2B, s0  }
0x35: {  	[sflag:s0] =	ssyncadd.remote.s32 $0x1  }
0x36: {  	_ =	sfence.sel $0xFFFF  }
0x37: {  	[dreg:$0x0] =	wrdreg $0xFFFFFFFF;
	(pc) =	sbr.abs _section_cstart, $3  }
0x38: {  	[dreg:$0x1] =	wrdreg $0xFFFFFFFF  }
0x39: {  	_ =	task.clear_ibuf [dreg:s7], $0x2FFFF;
	_ =	strace $0x9FFFFFFF  }
0x3a: {  	(tm) =	ssettm $0x7FFFFFFF  }
0x3b: {  	_ =	shalt  }
tec
execute0_lowered:
.L_overlay_start_1:
0x0: {  	(tag) =	ssettag $0x1  }
0x1: {  	s0 =	srdreg.scid  }
0x2: {  	s1 =	sshll.u32 s0, $0x4  }
0x3: {  	s0 =	stileid.u32;
	s1 =	sand.u32 $0x10, s1  }
0x4: {  	s1 =	sor.u32 s0, s1  }
0x5: {  	s6 =	rddreg [dreg:$0x0];
	s4 =	simm.s32 $0x1;
	s2 =	sshll.u32 s1, $0x7  }
0x6: {  	s7 =	simm.s32 $0x2;
	s12 =	simm.s32 $0x0;
	s1 =	ssub.s32 $0x4000, s2  }
0x7: {  	s8 =	simm.s32 $0x20000;
	s13 =	simm.s32 $0x0;
	s3 =	sand.u32 $0xF80, s1  }
0x8: {  	s9 =	simm.s32 $0x0;
	s5 =	sshrl.u32 s1, $0xC;
	p0 =	sne.s32 s3, $0x0  }
.Ltmp0:
0x9: {  	s1 =	rddreg [dreg:$0x2];
	s4 =	simm.s32 @!p0 $0x0;
	(pc) =	sbr.rel .LBB1_1-.Ltmp0, $4  }
0xa: {  	s11 =	simm.s32 $0x0;
	s3 =	rddreg [dreg:$0x1];
	s5 =	sadd.s32 s4, s5  }
0xb: {  	_ =	strace $0x8000004D;
	s4 =	simm.s32 $0x1;
	s5 =	smul.u32 $0x28, s5  }
0xc: {  	s6 =	sadd.s32 $0x1400, s6;
	s10 =	smov.u32 s2;
	[sflag:s4] =	ssyncpa.u1 $0x0  }
0xd: {  	p0 =	por $0x0, $0x0;
	[sflag:s7] =	ssyncpa.u1 $0x0;
	s7 =	sor.u32 $0x1, s5  }
.LBB1_4:
0xe: {  	s16 =	sshll.u32 s13, $0x3;
	s17 =	sand.u32 $0x78, s13  }
0xf: {  	s30 =	sand.u32 $0xF800, s13;
	s12 =	sshll.u32 s12, $0x10;
	s16 =	sand.u32 $0x3C00, s16  }
0x10: {  	s31 =	sand.u32 $0x7, s13;
	s16 =	sor.u32 s17, s16;
	s17 =	sadd.s32 s3, s30  }
0x11: {  	s13 =	sshll.u32 s31, $0x12;
	s16 =	sshrl.u32 s16, $0x3;
	s12 =	sadd.s32 s12, s17  }
0x12: {  	[tilespmem:s15+$0x0 ss:$0x81] =	vst.msk $0xffff, v0;
	s13 =	sor.u32 $0x400, s13;
	s12 =	sadd.s32 s16, s12  }
0x13: {  	[hbm4b:s12+s13] =	stream.strided.scatter [tilespmem:s14], [sflag:$0x2], $0x1000, s8, s13, $0x20;
	[tilespmem:$0x4040] =	vst v63  }
.LBB1_5:
0x14: {  	s14 =	sadd.s32 $0x1, s9  }
0x15: {  	s12 =	sadd.s32 $0x1000, s10;
	s16 =	smov.u32 s10;
	p2 =	sgt.s32 s14, $0x27  }
0x16: {  	s16 =	smov.u32 @p2 s12  }
0x17: {  	s14 =	simm.s32 @p2 $0x0;
	p2 =	sgt.s32 s16, $0x3FFF  }
0x18: {  	s16 =	smov.u32 @p2 s2;
	p2 =	sne.s32 s11, s7  }
.Ltmp1:
0x19: {  	p1 =	slt.u32 s11, $0x2;
	(pc) =	sbr.rel @!p2 .LBB1_6-.Ltmp1, $4  }
0x1a: {  	s15 =	simm.s32 @!p1 $0x2  }
0x1b: {  	s13 =	smov.u32 s10;
	p0 =	por !p0, !p0;
	_ =	swait.ge @!p1 [sflag:s15], $0x1000  }
0x1c: {  	s12 =	smov.u32 s9;
	[sflag:s15] =	ssyncset.done @!p1 $0x0;
	s9 =	smov.u32 s14  }
0x1d: {  	s11 =	sadd.s32 $0x1, s11;
	[sflag:s15] =	ssyncadd.s32 @!p1 $0xFFFFF000;
	s10 =	smov.u32 s16  }
.LBB1_1:
0x1e: {  	p1 =	sge.u32 s11, s5  }
0x1f: {  	s14 =	sand.u32 @!p1 $0x1FFFFFF, s9  }
0x20: {  	s15 =	smulhi.u32 @!p1 $0x6666667, s14;
	_ =	sdelay $0x1  }
0x21: {  	s15 =	smul.u32 @!p1 $0x28, s15  }
0x22: {  	s16 =	sxor.u32 @!p1 $0xFFFFFFFF, s11;
	s17 =	smul.u32 @!p1 $0x280, s10  }
0x23: {  	s31 =	sadd.s32 $0xFFFFFFFF, s11;
	s16 =	sshll.u32 @!p1 s16, $0xC;
	s14 =	ssub.s32 @!p1 s14, s15  }
0x24: {  	s15 =	sand.u32 @!p1 $0x1000, s16;
	s16 =	sadd.s32 @!p1 s6, s17;
	s14 =	sshll.u32 @!p1 s14, $0x4  }
0x25: {  	s17 =	simm.s32 @!p1 $0x1400;
	s14 =	sadd.s32 @!p1 s14, s16;
	s16 =	simm.s32 @!p1 $0x20  }
0x26: {  	[tilespmem:s15], [sflag:$0x1] =	stream.strided.gather @!p1 [hbm4b:s14+s16], $0x1000, s17, s16, $0x38;
	[tilespmem:$0x4040] =	vst v63  }
0x27: {  	p1 =	sge.u32 s31, s5  }
.Ltmp2:
0x28: {  	_ = 	snop;
	(pc) =	sbr.rel @p1 .LBB1_5-.Ltmp2, $1  }
0x29: {  	_ =	sdelay $0x3  }
0x2a: {  	s14 =	simm.s32 $0x1  }
0x2b: {  	_ =	swait.ge [sflag:s4], $0x1000;
	s14 =	simm.s32 @!p0 $0x0  }
0x2c: {  	[sflag:s4] =	ssyncset.done $0x0;
	s15 =	sshll.u32 s14, $0xC  }
0x2d: {  	[sflag:s4] =	ssyncadd.s32 $0xFFFFF000;
	s18 =	sor.u32 $0x10, s15  }
0x2e: {  	s14 =	smul.u32 $0x4080, s14;
	v1 =	vld [tilespmem:s18+$0x0]  }
0x2f: {  	s30 =	sand.u32 $0x1, s11;
	v0 =	vld [tilespmem:s18+$0xFFFFFFF0]  }
0x30: {  	s15 =	smul.u32 $0x4080, s30;
	s14 =	sshrl.u32 s14, $0x2  }
0x31: {  	s16 =	sor.u32 $0x2000, s14  }
0x32: {  	s31 =	sshrl.u32 s15, $0x2;
	s15 =	sadd.s32 $0x0, s16  }
0x33: {  	s17 =	simm.s32 $0x4;
	s18 =	sadd.s32 $0x20, s18;
	s14 =	sor.u32 $0x2000, s31;
	[tilespmem:s15+$0x810 ss:$0x81] =	vst.msk $0xffff, v1  }
.LBB1_3:
0x34: {  	v1 =	vld [tilespmem:s18+$0x0];
	p1 =	sne.s32 s17, $0x1FC;
	[tilespmem:s15+$0x0 ss:$0x81] =	vst.msk $0xffff, v0;
	s15 =	smov.u32 s17;
	s17 =	sadd.s32 $0x4, s17  }
.Ltmp3:
0x35: {  	v0 =	vld [tilespmem:s18+$0xFFFFFFF0];
	(pc) =	sbr.rel @p1 .LBB1_3-.Ltmp3, $4  }
0x36: {  	_ = 	snop  }
0x37: {  	s15 =	sshra.s32 s15, $0x2  }
0x38: {  	s15 =	sadd.s32 s15, s16  }
0x39: {  	s18 =	sadd.s32 $0x20, s18;
	[tilespmem:s15+$0x810 ss:$0x81] =	vst.msk $0xffff, v1  }
.Ltmp4:
0x3a: {  	_ = 	snop;
	(pc) =	sbr.rel .LBB1_4-.Ltmp4, $1  }
0x3b: {  	_ =	sdelay $0x3  }
.LBB1_6:
0x3c: {  	_ =	sfence.sel $0x180000  }
0x3d: {  	s2 =	simm.s32 $0x1;
	[bflag:$0x0] =	sbarrier.arrive $0xFFFF  }
0x3e: {  	s31 =	simm.s32 $0x2;
	[sflag:s2] =	ssyncpa.u1 $0x1  }
0x3f: {  	[sflag:s31] =	ssyncpa.u1 $0x1  }
0x40: {  	p0 =	sne.s32 s0, $0x0;
	_ =	strace $0x9000004D  }
0x41: {  	s0 =	sadd.s32 @!p0 $0x100000, s1;
	[bflag:$0x2] =	sbarrier.arrive $0xFFFF  }
0x42: {  	[sflag:s0] =	ssyncadd.tile.s32 @!p0 $0x1;
	_ =	shalt  }
.Lfunc_end1:
_tile_overlayer_lowered:
.L_overlay_start_2:
0x43: {  	(tag) =	ssettag $0x2  }
0x44: {  	s0 =	rddreg [dreg:$0x0];
	s2 =	stileid.u32  }
0x45: {  	s1 =	rddreg [dreg:$0x1];
	p0 =	sne.s32 s2, $0x0  }
0x46: {  	s3 =	rddreg [dreg:$0x2];
	[bflag:$0x3] =	sbarrier.arrive $0xFFFF;
	s2 =	simm.s32 @!p0 $0x1C01  }
0x47: {  	[timem:s3], [sflag:s2] =	dma.local @!p0 [hbm:s0], s1  }
0x48: {  	s0 =	simm.s32 @!p0 $0x1  }
0x49: {  	_ =	swait.ge @!p0 [sflag:s0], s1  }
0x4a: {  	s1 =	ssub.s32 @!p0 $0x0, s1;
	[sflag:s0] =	ssyncset.done @!p0 $0x0  }
0x4b: {  	[sflag:s0] =	ssyncadd.s32 @!p0 s1  }
0x4c: {  	[bflag:$0x3] =	sbarrier.arrive $0xFFFF  }
0x4d: {  	_ =	shalt  }

</sc_bundles>
